<compile_context>
chip_gen: v7x
topology: tpu7x:2x2x1
jax: 0.10.2.dev20260603
libtpu: 0.0.44.dev20260713+nightly
codegen_flags: <defaults>
</compile_context>

<pallas_src>
import functools

import jax
import jax.numpy as jnp
from jax import lax
from jax.experimental import pallas as pl
from jax.experimental.pallas import tpu as pltpu
from jax.experimental.pallas import tpu_sc as plsc

N = 4096
B = 16384

NC = 2
NS = 16
NW = NC * NS
BPW = B // NW
LANES = 16
GROUPS = 4
GSIZE = BPW // GROUPS
CPG = GSIZE // LANES
WPR = N // 128


def _lse_body(w1_ref, out_ref):
    x = w1_ref[...]
    out_ref[...] = jnp.log(jnp.sum(jnp.exp(x), axis=1))


def _row_logsumexp(w1, blk=512):
    return pl.pallas_call(
        _lse_body,
        grid=(N // blk,),
        in_specs=[pl.BlockSpec((blk, N), lambda i: (i, 0))],
        out_specs=pl.BlockSpec((blk,), lambda i: (i,)),
        out_shape=jax.ShapeDtypeStruct((N,), jnp.float32),
    )(w1)


def _sc_body(wp_hbm, lse_hbm, conds_hbm, in1_hbm, in2_hbm, out_hbm,
             lse_v, conds_v, in1_v, in2_v, idx1_v, idx2_v,
             g1_v, g2_v, out_v, sem_g, sem_l):
    wid = lax.axis_index("s") * NC + lax.axis_index("c")

    lse_cp = pltpu.async_copy(lse_hbm, lse_v, sem_l)
    pltpu.sync_copy(conds_hbm.at[wid], conds_v)
    pltpu.sync_copy(in1_hbm.at[wid], in1_v)
    pltpu.sync_copy(in2_hbm.at[wid], in2_v)

    for i in range(GROUPS * CPG):
        r = i // CPG
        sl = pl.ds((i % CPG) * LANES, LANES)
        cv = conds_v[r, sl]
        rbase = (cv >> 3) * (WPR * 8) + (cv & 7)
        idx1_v[r, sl] = rbase + ((in1_v[r, sl] >> 7) * 8)
        idx2_v[r, sl] = rbase + ((in2_v[r, sl] >> 7) * 8)

    def fire(j):
        s = j % 2
        return (pltpu.async_copy(wp_hbm.at[idx1_v.at[j]], g1_v.at[s], sem_g),
                pltpu.async_copy(wp_hbm.at[idx2_v.at[j]], g2_v.at[s], sem_g))

    inflight = {0: fire(0), 1: fire(1)}
    lse_cp.wait()
    lanes = lax.iota(jnp.int32, LANES)
    for j in range(GROUPS):
        for cp in inflight.pop(j):
            cp.wait()
        s = j % 2
        for i in range(CPG):
            sl = pl.ds(i * LANES, LANES)
            rows = i * LANES + lanes
            i1 = in1_v[j, sl]
            i2 = in2_v[j, sl]
            g1 = plsc.load_gather(g1_v.at[s], [rows, i1 & 127])
            g2 = plsc.load_gather(g2_v.at[s], [rows, i2 & 127])
            c1 = plsc.load_gather(lse_v, [i1])
            c2 = plsc.load_gather(lse_v, [i2])
            out_v[j, sl] = (g1 - c1) * (g2 - c2)
        if j + 2 < GROUPS:
            inflight[j + 2] = fire(j + 2)

    pltpu.sync_copy(out_v, out_hbm.at[wid])


_VAL = jax.ShapeDtypeStruct((NW, GROUPS, GSIZE), jnp.float32)
_MESH = dict(core_axis_name="c", subcore_axis_name="s",
             num_cores=NC, num_subcores=NS)
_CP = pltpu.CompilerParams(needs_layout_passes=False)


@functools.cache
def _sc_fused():
  return pl.kernel(
    _sc_body,
    out_type=_VAL,
    mesh=plsc.VectorSubcoreMesh(**_MESH),
    scratch_types=[
        pltpu.VMEM((N,), jnp.float32),
        pltpu.VMEM((GROUPS, GSIZE), jnp.int32),
        pltpu.VMEM((GROUPS, GSIZE), jnp.int32),
        pltpu.VMEM((GROUPS, GSIZE), jnp.int32),
        pltpu.VMEM((GROUPS, GSIZE), jnp.int32),
        pltpu.VMEM((GROUPS, GSIZE), jnp.int32),
        pltpu.VMEM((2, GSIZE, 128), jnp.float32),
        pltpu.VMEM((2, GSIZE, 128), jnp.float32),
        pltpu.VMEM((GROUPS, GSIZE), jnp.float32),
        pltpu.SemaphoreType.DMA,
        pltpu.SemaphoreType.DMA,
    ],
    compiler_params=_CP,
  )


@jax.jit
def kernel(conds, inputs1, inputs2, w, w1):
    conds = conds.astype(jnp.int32).reshape(NW, GROUPS, GSIZE)
    inputs1 = inputs1.astype(jnp.int32).reshape(NW, GROUPS, GSIZE)
    inputs2 = inputs2.astype(jnp.int32).reshape(NW, GROUPS, GSIZE)
    wp = (w.reshape(N // 8, 8, N // 128, 128)
          .transpose(0, 2, 1, 3)
          .reshape(N * N // 128, 128))
    lse = _row_logsumexp(w1)
    out = _sc_fused()(wp, lse, conds, inputs1, inputs2)
    return out.reshape(B)

# --- scband reference (transcript-rebuilt; emitter-appended) ---
"""Pipeline reference for scband-conditional-2-variables-14027363188968 (READ-ONLY COPY).

The authoritative reference and input builder live on the scoring server;
editing this copy changes nothing except your own understanding.
"""

import jax, jax.numpy as jnp
import numpy as np

N = 4096
B = 16384

def setup_inputs(seed: int = 0) -> dict:
    key = jax.random.key(seed)
    k1, k2, k3, k4, k5 = jax.random.split(key, 5)
    conds = jax.random.randint(k1, (B,), 0, N, dtype=jnp.int64) if jax.config.jax_enable_x64 else jax.random.randint(k1, (B,), 0, N).astype(jnp.int32)
    inputs1 = jax.random.randint(k2, (B,), 0, N).astype(conds.dtype)
    inputs2 = jax.random.randint(k3, (B,), 0, N).astype(conds.dtype)
    # learned parameters (torch init is zeros; use small random so logsumexp is nontrivial)
    w = jax.random.normal(k4, (N, N), dtype=jnp.float32) * 0.02
    w1 = jax.random.normal(k5, (N, N), dtype=jnp.float32) * 0.02
    return {"conds": conds, "inputs1": inputs1, "inputs2": inputs2, "w": w, "w1": w1}

def reference(conds, inputs1, inputs2, w, w1):
    # row gather from w1 then logsumexp over last dim
    cste = jax.scipy.special.logsumexp(jnp.take(w1, inputs1, axis=0), axis=1)
    cste1 = jax.scipy.special.logsumexp(jnp.take(w1, inputs2, axis=0), axis=1)
    # 2-D advanced indexing gather from w: w[conds, inputs1] -> [B]
    g1 = w[conds, inputs1]
    g2 = w[conds, inputs2]
    return (g1 - cste) * (g2 - cste1)

if __name__ == "__main__":
    import jax
    _d = setup_inputs()
    print(jax.jit(kernel)(*tuple(_d.values())))

</pallas_src>

<mosaic_0001>
#map = affine_map<(d0, d1) -> (0, 0)>
#map1 = affine_map<(d0, d1) -> (0)>
#map2 = affine_map<(d0, d1) -> (0, 0, 0)>
module attributes {stable_mosaic.version = 14 : i64} {
  func.func @_sc_body(%arg0: i32, %arg1: i32, %arg2: memref<131072x128xf32, #tpu.memory_space<hbm>>, %arg3: memref<4096xf32, #tpu.memory_space<hbm>>, %arg4: memref<32x4x128xi32, #tpu.memory_space<hbm>>, %arg5: memref<32x4x128xi32, #tpu.memory_space<hbm>>, %arg6: memref<32x4x128xi32, #tpu.memory_space<hbm>>, %arg7: memref<32x4x128xf32, #tpu.memory_space<hbm>>, %arg8: memref<4096xf32, #tpu.memory_space<vmem>>, %arg9: memref<4x128xi32, #tpu.memory_space<vmem>>, %arg10: memref<4x128xi32, #tpu.memory_space<vmem>>, %arg11: memref<4x128xi32, #tpu.memory_space<vmem>>, %arg12: memref<4x128xi32, #tpu.memory_space<vmem>>, %arg13: memref<4x128xi32, #tpu.memory_space<vmem>>, %arg14: memref<2x128x128xf32, #tpu.memory_space<vmem>>, %arg15: memref<2x128x128xf32, #tpu.memory_space<vmem>>, %arg16: memref<4x128xf32, #tpu.memory_space<vmem>>, %arg17: memref<!tpu.dma_semaphore, #tpu.memory_space<semaphore_mem>>, %arg18: memref<!tpu.dma_semaphore, #tpu.memory_space<semaphore_mem>>) attributes {dimension_semantics = [#tpu.dimension_semantics<core_parallel>, #tpu.dimension_semantics<subcore_parallel>], iteration_bounds = array<i64: 2, 16>, scalar_prefetch = 0 : i64, scratch_operands = 11 : i64, tpu.core_type = #tpu.core_type<sc_vector_subcore>, window_params = [{transform_indices = #map}, {transform_indices = #map1}, {transform_indices = #map2}, {transform_indices = #map2}, {transform_indices = #map2}, {transform_indices = #map2}]} {
    %mul3A = arith.constant 2 : i32
    %mul3A_0 = arith.muli %arg1, %mul3A : i32
    %add3A = arith.addi %mul3A_0, %arg0 : i32
    tpu.enqueue_dma source(%arg3 : memref<4096xf32, #tpu.memory_space<hbm>>) target(%arg8 : memref<4096xf32, #tpu.memory_space<vmem>>) target_semaphore(%arg18 : memref<!tpu.dma_semaphore, #tpu.memory_space<semaphore_mem>>)
    "tpu.region"() ({
      %run_scoped3A = tpu.sem_alloc : memref<!tpu.dma_semaphore, #tpu.memory_space<semaphore_mem>>
      %dma_start3A_2809 = arith.constant 0 : i32
      %dma_start3A_2810 = arith.constant 0 : i32
      %dma_start3A_2811 = tpu.memref_slice %arg4[%add3A, %dma_start3A_2809, %dma_start3A_2810] : memref<32x4x128xi32, #tpu.memory_space<hbm>> -> memref<1x4x128xi32, #tpu.memory_space<hbm>>
      %dma_start3A_2812 = tpu.memref_squeeze %dma_start3A_2811 : memref<1x4x128xi32, #tpu.memory_space<hbm>> -> memref<4x128xi32, #tpu.memory_space<hbm>>
      %dma_start3A_2813 = arith.constant 0 : i32
      %dma_start3A_2814 = arith.constant 0 : i32
      %dma_start3A_2815 = tpu.memref_slice %arg4[%add3A, %dma_start3A_2813, %dma_start3A_2814] : memref<32x4x128xi32, #tpu.memory_space<hbm>> -> memref<1x4x128xi32, #tpu.memory_space<hbm>>
      %dma_start3A_2816 = tpu.memref_squeeze %dma_start3A_2815 : memref<1x4x128xi32, #tpu.memory_space<hbm>> -> memref<4x128xi32, #tpu.memory_space<hbm>>
      tpu.enqueue_dma source(%dma_start3A_2816 : memref<4x128xi32, #tpu.memory_space<hbm>>) target(%arg9 : memref<4x128xi32, #tpu.memory_space<vmem>>) target_semaphore(%run_scoped3A : memref<!tpu.dma_semaphore, #tpu.memory_space<semaphore_mem>>)
      %dma_wait3A_2817 = arith.constant 0 : i32
      %dma_wait3A_2818 = arith.constant 0 : i32
      %dma_wait3A_2819 = tpu.memref_slice %arg4[%add3A, %dma_wait3A_2817, %dma_wait3A_2818] : memref<32x4x128xi32, #tpu.memory_space<hbm>> -> memref<1x4x128xi32, #tpu.memory_space<hbm>>
      %dma_wait3A_2820 = tpu.memref_squeeze %dma_wait3A_2819 : memref<1x4x128xi32, #tpu.memory_space<hbm>> -> memref<4x128xi32, #tpu.memory_space<hbm>>
      %dma_wait3A_2821 = arith.constant 0 : i32
      %dma_wait3A_2822 = arith.constant 0 : i32
      %dma_wait3A_2823 = tpu.memref_slice %arg4[%add3A, %dma_wait3A_2821, %dma_wait3A_2822] : memref<32x4x128xi32, #tpu.memory_space<hbm>> -> memref<1x4x128xi32, #tpu.memory_space<hbm>>
      %dma_wait3A_2824 = tpu.memref_squeeze %dma_wait3A_2823 : memref<1x4x128xi32, #tpu.memory_space<hbm>> -> memref<4x128xi32, #tpu.memory_space<hbm>>
      tpu.wait_dma2 semaphore(%run_scoped3A : memref<!tpu.dma_semaphore, #tpu.memory_space<semaphore_mem>>) src(%dma_wait3A_2824 : memref<4x128xi32, #tpu.memory_space<hbm>>) dst(%arg9 : memref<4x128xi32, #tpu.memory_space<vmem>>)
      tpu.yield
    }) : () -> ()
    "tpu.region"() ({
      %run_scoped3A = tpu.sem_alloc : memref<!tpu.dma_semaphore, #tpu.memory_space<semaphore_mem>>
      %dma_start3A_2809 = arith.constant 0 : i32
      %dma_start3A_2810 = arith.constant 0 : i32
      %dma_start3A_2811 = tpu.memref_slice %arg5[%add3A, %dma_start3A_2809, %dma_start3A_2810] : memref<32x4x128xi32, #tpu.memory_space<hbm>> -> memref<1x4x128xi32, #tpu.memory_space<hbm>>
      %dma_start3A_2812 = tpu.memref_squeeze %dma_start3A_2811 : memref<1x4x128xi32, #tpu.memory_space<hbm>> -> memref<4x128xi32, #tpu.memory_space<hbm>>
      %dma_start3A_2813 = arith.constant 0 : i32
      %dma_start3A_2814 = arith.constant 0 : i32
      %dma_start3A_2815 = tpu.memref_slice %arg5[%add3A, %dma_start3A_2813, %dma_start3A_2814] : memref<32x4x128xi32, #tpu.memory_space<hbm>> -> memref<1x4x128xi32, #tpu.memory_space<hbm>>
      %dma_start3A_2816 = tpu.memref_squeeze %dma_start3A_2815 : memref<1x4x128xi32, #tpu.memory_space<hbm>> -> memref<4x128xi32, #tpu.memory_space<hbm>>
      tpu.enqueue_dma source(%dma_start3A_2816 : memref<4x128xi32, #tpu.memory_space<hbm>>) target(%arg10 : memref<4x128xi32, #tpu.memory_space<vmem>>) target_semaphore(%run_scoped3A : memref<!tpu.dma_semaphore, #tpu.memory_space<semaphore_mem>>)
      %dma_wait3A_2817 = arith.constant 0 : i32
      %dma_wait3A_2818 = arith.constant 0 : i32
      %dma_wait3A_2819 = tpu.memref_slice %arg5[%add3A, %dma_wait3A_2817, %dma_wait3A_2818] : memref<32x4x128xi32, #tpu.memory_space<hbm>> -> memref<1x4x128xi32, #tpu.memory_space<hbm>>
      %dma_wait3A_2820 = tpu.memref_squeeze %dma_wait3A_2819 : memref<1x4x128xi32, #tpu.memory_space<hbm>> -> memref<4x128xi32, #tpu.memory_space<hbm>>
      %dma_wait3A_2821 = arith.constant 0 : i32
      %dma_wait3A_2822 = arith.constant 0 : i32
      %dma_wait3A_2823 = tpu.memref_slice %arg5[%add3A, %dma_wait3A_2821, %dma_wait3A_2822] : memref<32x4x128xi32, #tpu.memory_space<hbm>> -> memref<1x4x128xi32, #tpu.memory_space<hbm>>
      %dma_wait3A_2824 = tpu.memref_squeeze %dma_wait3A_2823 : memref<1x4x128xi32, #tpu.memory_space<hbm>> -> memref<4x128xi32, #tpu.memory_space<hbm>>
      tpu.wait_dma2 semaphore(%run_scoped3A : memref<!tpu.dma_semaphore, #tpu.memory_space<semaphore_mem>>) src(%dma_wait3A_2824 : memref<4x128xi32, #tpu.memory_space<hbm>>) dst(%arg10 : memref<4x128xi32, #tpu.memory_space<vmem>>)
      tpu.yield
    }) : () -> ()
    "tpu.region"() ({
      %run_scoped3A = tpu.sem_alloc : memref<!tpu.dma_semaphore, #tpu.memory_space<semaphore_mem>>
      %dma_start3A_2809 = arith.constant 0 : i32
      %dma_start3A_2810 = arith.constant 0 : i32
      %dma_start3A_2811 = tpu.memref_slice %arg6[%add3A, %dma_start3A_2809, %dma_start3A_2810] : memref<32x4x128xi32, #tpu.memory_space<hbm>> -> memref<1x4x128xi32, #tpu.memory_space<hbm>>
      %dma_start3A_2812 = tpu.memref_squeeze %dma_start3A_2811 : memref<1x4x128xi32, #tpu.memory_space<hbm>> -> memref<4x128xi32, #tpu.memory_space<hbm>>
      %dma_start3A_2813 = arith.constant 0 : i32
      %dma_start3A_2814 = arith.constant 0 : i32
      %dma_start3A_2815 = tpu.memref_slice %arg6[%add3A, %dma_start3A_2813, %dma_start3A_2814] : memref<32x4x128xi32, #tpu.memory_space<hbm>> -> memref<1x4x128xi32, #tpu.memory_space<hbm>>
      %dma_start3A_2816 = tpu.memref_squeeze %dma_start3A_2815 : memref<1x4x128xi32, #tpu.memory_space<hbm>> -> memref<4x128xi32, #tpu.memory_space<hbm>>
      tpu.enqueue_dma source(%dma_start3A_2816 : memref<4x128xi32, #tpu.memory_space<hbm>>) target(%arg11 : memref<4x128xi32, #tpu.memory_space<vmem>>) target_semaphore(%run_scoped3A : memref<!tpu.dma_semaphore, #tpu.memory_space<semaphore_mem>>)
      %dma_wait3A_2817 = arith.constant 0 : i32
      %dma_wait3A_2818 = arith.constant 0 : i32
      %dma_wait3A_2819 = tpu.memref_slice %arg6[%add3A, %dma_wait3A_2817, %dma_wait3A_2818] : memref<32x4x128xi32, #tpu.memory_space<hbm>> -> memref<1x4x128xi32, #tpu.memory_space<hbm>>
      %dma_wait3A_2820 = tpu.memref_squeeze %dma_wait3A_2819 : memref<1x4x128xi32, #tpu.memory_space<hbm>> -> memref<4x128xi32, #tpu.memory_space<hbm>>
      %dma_wait3A_2821 = arith.constant 0 : i32
      %dma_wait3A_2822 = arith.constant 0 : i32
      %dma_wait3A_2823 = tpu.memref_slice %arg6[%add3A, %dma_wait3A_2821, %dma_wait3A_2822] : memref<32x4x128xi32, #tpu.memory_space<hbm>> -> memref<1x4x128xi32, #tpu.memory_space<hbm>>
      %dma_wait3A_2824 = tpu.memref_squeeze %dma_wait3A_2823 : memref<1x4x128xi32, #tpu.memory_space<hbm>> -> memref<4x128xi32, #tpu.memory_space<hbm>>
      tpu.wait_dma2 semaphore(%run_scoped3A : memref<!tpu.dma_semaphore, #tpu.memory_space<semaphore_mem>>) src(%dma_wait3A_2824 : memref<4x128xi32, #tpu.memory_space<hbm>>) dst(%arg11 : memref<4x128xi32, #tpu.memory_space<vmem>>)
      tpu.yield
    }) : () -> ()
    %get3A = arith.constant 0 : i32
    %get3A_1 = arith.index_cast %get3A : i32 to index
    %get3A_2 = arith.constant 0 : index
    %get3A_3 = tpu.vector_load %arg9[%get3A_1, %get3A_2] {strides = array<i32>} : memref<4x128xi32, #tpu.memory_space<vmem>>, vector<16xi32>,
    %shift_right_arithmetic3A = arith.constant 3 : i32
    %shift_right_arithmetic3A_4 = vector.broadcast %shift_right_arithmetic3A : i32 to vector<16xi32>
    %shift_right_arithmetic3A_5 = arith.shrsi %get3A_3, %shift_right_arithmetic3A_4 : vector<16xi32>
    %mul3A_6 = arith.constant 256 : i32
    %mul3A_7 = vector.broadcast %mul3A_6 : i32 to vector<16xi32>
    %mul3A_8 = arith.muli %shift_right_arithmetic3A_5, %mul3A_7 : vector<16xi32>
    %and3A = arith.constant 7 : i32
    %and3A_9 = vector.broadcast %and3A : i32 to vector<16xi32>
    %and3A_10 = arith.andi %get3A_3, %and3A_9 : vector<16xi32>
    %add3A_11 = arith.addi %mul3A_8, %and3A_10 : vector<16xi32>
    %get3A_12 = arith.constant 0 : i32
    %get3A_13 = arith.index_cast %get3A_12 : i32 to index
    %get3A_14 = arith.constant 0 : index
    %get3A_15 = tpu.vector_load %arg10[%get3A_13, %get3A_14] {strides = array<i32>} : memref<4x128xi32, #tpu.memory_space<vmem>>, vector<16xi32>,
    %shift_right_arithmetic3A_16 = arith.constant 7 : i32
    %shift_right_arithmetic3A_17 = vector.broadcast %shift_right_arithmetic3A_16 : i32 to vector<16xi32>
    %shift_right_arithmetic3A_18 = arith.shrsi %get3A_15, %shift_right_arithmetic3A_17 : vector<16xi32>
    %mul3A_19 = arith.constant 8 : i32
    %mul3A_20 = vector.broadcast %mul3A_19 : i32 to vector<16xi32>
    %mul3A_21 = arith.muli %shift_right_arithmetic3A_18, %mul3A_20 : vector<16xi32>
    %add3A_22 = arith.addi %add3A_11, %mul3A_21 : vector<16xi32>
    %swap3A = arith.constant 0 : i32
    %swap3A_23 = arith.index_cast %swap3A : i32 to index
    %swap3A_24 = arith.constant 0 : index
    %swap3A_25 = tpu.vector_load %arg12[%swap3A_23, %swap3A_24] {strides = array<i32>} : memref<4x128xi32, #tpu.memory_space<vmem>>, vector<16xi32>,
    tpu.vector_store %arg12[%swap3A_23, %swap3A_24], %add3A_22 {strides = array<i32>} : memref<4x128xi32, #tpu.memory_space<vmem>>, vector<16xi32>,
    %get3A_26 = arith.constant 0 : i32
    %get3A_27 = arith.index_cast %get3A_26 : i32 to index
    %get3A_28 = arith.constant 0 : index
    %get3A_29 = tpu.vector_load %arg11[%get3A_27, %get3A_28] {strides = array<i32>} : memref<4x128xi32, #tpu.memory_space<vmem>>, vector<16xi32>,
    %shift_right_arithmetic3A_30 = arith.constant 7 : i32
    %shift_right_arithmetic3A_31 = vector.broadcast %shift_right_arithmetic3A_30 : i32 to vector<16xi32>
    %shift_right_arithmetic3A_32 = arith.shrsi %get3A_29, %shift_right_arithmetic3A_31 : vector<16xi32>
    %mul3A_33 = arith.constant 8 : i32
    %mul3A_34 = vector.broadcast %mul3A_33 : i32 to vector<16xi32>
    %mul3A_35 = arith.muli %shift_right_arithmetic3A_32, %mul3A_34 : vector<16xi32>
    %add3A_36 = arith.addi %add3A_11, %mul3A_35 : vector<16xi32>
    %swap3A_37 = arith.constant 0 : i32
    %swap3A_38 = arith.index_cast %swap3A_37 : i32 to index
    %swap3A_39 = arith.constant 0 : index
    %swap3A_40 = tpu.vector_load %arg13[%swap3A_38, %swap3A_39] {strides = array<i32>} : memref<4x128xi32, #tpu.memory_space<vmem>>, vector<16xi32>,
    tpu.vector_store %arg13[%swap3A_38, %swap3A_39], %add3A_36 {strides = array<i32>} : memref<4x128xi32, #tpu.memory_space<vmem>>, vector<16xi32>,
    %get3A_41 = arith.constant 0 : i32
    %get3A_42 = arith.index_cast %get3A_41 : i32 to index
    %get3A_43 = arith.constant 16 : index
    %get3A_44 = tpu.vector_load %arg9[%get3A_42, %get3A_43] {strides = array<i32>} : memref<4x128xi32, #tpu.memory_space<vmem>>, vector<16xi32>,
    %shift_right_arithmetic3A_45 = arith.constant 3 : i32
    %shift_right_arithmetic3A_46 = vector.broadcast %shift_right_arithmetic3A_45 : i32 to vector<16xi32>
    %shift_right_arithmetic3A_47 = arith.shrsi %get3A_44, %shift_right_arithmetic3A_46 : vector<16xi32>
    %mul3A_48 = arith.constant 256 : i32
    %mul3A_49 = vector.broadcast %mul3A_48 : i32 to vector<16xi32>
    %mul3A_50 = arith.muli %shift_right_arithmetic3A_47, %mul3A_49 : vector<16xi32>
    %and3A_51 = arith.constant 7 : i32
    %and3A_52 = vector.broadcast %and3A_51 : i32 to vector<16xi32>
    %and3A_53 = arith.andi %get3A_44, %and3A_52 : vector<16xi32>
    %add3A_54 = arith.addi %mul3A_50, %and3A_53 : vector<16xi32>
    %get3A_55 = arith.constant 0 : i32
    %get3A_56 = arith.index_cast %get3A_55 : i32 to index
    %get3A_57 = arith.constant 16 : index
    %get3A_58 = tpu.vector_load %arg10[%get3A_56, %get3A_57] {strides = array<i32>} : memref<4x128xi32, #tpu.memory_space<vmem>>, vector<16xi32>,
    %shift_right_arithmetic3A_59 = arith.constant 7 : i32
    %shift_right_arithmetic3A_60 = vector.broadcast %shift_right_arithmetic3A_59 : i32 to vector<16xi32>
    %shift_right_arithmetic3A_61 = arith.shrsi %get3A_58, %shift_right_arithmetic3A_60 : vector<16xi32>
    %mul3A_62 = arith.constant 8 : i32
    %mul3A_63 = vector.broadcast %mul3A_62 : i32 to vector<16xi32>
    %mul3A_64 = arith.muli %shift_right_arithmetic3A_61, %mul3A_63 : vector<16xi32>
    %add3A_65 = arith.addi %add3A_54, %mul3A_64 : vector<16xi32>
    %swap3A_66 = arith.constant 0 : i32
    %swap3A_67 = arith.index_cast %swap3A_66 : i32 to index
    %swap3A_68 = arith.constant 16 : index
    %swap3A_69 = tpu.vector_load %arg12[%swap3A_67, %swap3A_68] {strides = array<i32>} : memref<4x128xi32, #tpu.memory_space<vmem>>, vector<16xi32>,
    tpu.vector_store %arg12[%swap3A_67, %swap3A_68], %add3A_65 {strides = array<i32>} : memref<4x128xi32, #tpu.memory_space<vmem>>, vector<16xi32>,
    %get3A_70 = arith.constant 0 : i32
    %get3A_71 = arith.index_cast %get3A_70 : i32 to index
    %get3A_72 = arith.constant 16 : index
    %get3A_73 = tpu.vector_load %arg11[%get3A_71, %get3A_72] {strides = array<i32>} : memref<4x128xi32, #tpu.memory_space<vmem>>, vector<16xi32>,
    %shift_right_arithmetic3A_74 = arith.constant 7 : i32
    %shift_right_arithmetic3A_75 = vector.broadcast %shift_right_arithmetic3A_74 : i32 to vector<16xi32>
    %shift_right_arithmetic3A_76 = arith.shrsi %get3A_73, %shift_right_arithmetic3A_75 : vector<16xi32>
    %mul3A_77 = arith.constant 8 : i32
    %mul3A_78 = vector.broadcast %mul3A_77 : i32 to vector<16xi32>
    %mul3A_79 = arith.muli %shift_right_arithmetic3A_76, %mul3A_78 : vector<16xi32>
    %add3A_80 = arith.addi %add3A_54, %mul3A_79 : vector<16xi32>
    %swap3A_81 = arith.constant 0 : i32
    %swap3A_82 = arith.index_cast %swap3A_81 : i32 to index
    %swap3A_83 = arith.constant 16 : index
    %swap3A_84 = tpu.vector_load %arg13[%swap3A_82, %swap3A_83] {strides = array<i32>} : memref<4x128xi32, #tpu.memory_space<vmem>>, vector<16xi32>,
    tpu.vector_store %arg13[%swap3A_82, %swap3A_83], %add3A_80 {strides = array<i32>} : memref<4x128xi32, #tpu.memory_space<vmem>>, vector<16xi32>,
    %get3A_85 = arith.constant 0 : i32
    %get3A_86 = arith.index_cast %get3A_85 : i32 to index
    %get3A_87 = arith.constant 32 : index
    %get3A_88 = tpu.vector_load %arg9[%get3A_86, %get3A_87] {strides = array<i32>} : memref<4x128xi32, #tpu.memory_space<vmem>>, vector<16xi32>,
    %shift_right_arithmetic3A_89 = arith.constant 3 : i32
    %shift_right_arithmetic3A_90 = vector.broadcast %shift_right_arithmetic3A_89 : i32 to vector<16xi32>
    %shift_right_arithmetic3A_91 = arith.shrsi %get3A_88, %shift_right_arithmetic3A_90 : vector<16xi32>
    %mul3A_92 = arith.constant 256 : i32
    %mul3A_93 = vector.broadcast %mul3A_92 : i32 to vector<16xi32>
    %mul3A_94 = arith.muli %shift_right_arithmetic3A_91, %mul3A_93 : vector<16xi32>
    %and3A_95 = arith.constant 7 : i32
    %and3A_96 = vector.broadcast %and3A_95 : i32 to vector<16xi32>
    %and3A_97 = arith.andi %get3A_88, %and3A_96 : vector<16xi32>
    %add3A_98 = arith.addi %mul3A_94, %and3A_97 : vector<16xi32>
    %get3A_99 = arith.constant 0 : i32
    %get3A_100 = arith.index_cast %get3A_99 : i32 to index
    %get3A_101 = arith.constant 32 : index
    %get3A_102 = tpu.vector_load %arg10[%get3A_100, %get3A_101] {strides = array<i32>} : memref<4x128xi32, #tpu.memory_space<vmem>>, vector<16xi32>,
    %shift_right_arithmetic3A_103 = arith.constant 7 : i32
    %shift_right_arithmetic3A_104 = vector.broadcast %shift_right_arithmetic3A_103 : i32 to vector<16xi32>
    %shift_right_arithmetic3A_105 = arith.shrsi %get3A_102, %shift_right_arithmetic3A_104 : vector<16xi32>
    %mul3A_106 = arith.constant 8 : i32
    %mul3A_107 = vector.broadcast %mul3A_106 : i32 to vector<16xi32>
    %mul3A_108 = arith.muli %shift_right_arithmetic3A_105, %mul3A_107 : vector<16xi32>
    %add3A_109 = arith.addi %add3A_98, %mul3A_108 : vector<16xi32>
    %swap3A_110 = arith.constant 0 : i32
    %swap3A_111 = arith.index_cast %swap3A_110 : i32 to index
    %swap3A_112 = arith.constant 32 : index
    %swap3A_113 = tpu.vector_load %arg12[%swap3A_111, %swap3A_112] {strides = array<i32>} : memref<4x128xi32, #tpu.memory_space<vmem>>, vector<16xi32>,
    tpu.vector_store %arg12[%swap3A_111, %swap3A_112], %add3A_109 {strides = array<i32>} : memref<4x128xi32, #tpu.memory_space<vmem>>, vector<16xi32>,
    %get3A_114 = arith.constant 0 : i32
    %get3A_115 = arith.index_cast %get3A_114 : i32 to index
    %get3A_116 = arith.constant 32 : index
    %get3A_117 = tpu.vector_load %arg11[%get3A_115, %get3A_116] {strides = array<i32>} : memref<4x128xi32, #tpu.memory_space<vmem>>, vector<16xi32>,
    %shift_right_arithmetic3A_118 = arith.constant 7 : i32
    %shift_right_arithmetic3A_119 = vector.broadcast %shift_right_arithmetic3A_118 : i32 to vector<16xi32>
    %shift_right_arithmetic3A_120 = arith.shrsi %get3A_117, %shift_right_arithmetic3A_119 : vector<16xi32>
    %mul3A_121 = arith.constant 8 : i32
    %mul3A_122 = vector.broadcast %mul3A_121 : i32 to vector<16xi32>
    %mul3A_123 = arith.muli %shift_right_arithmetic3A_120, %mul3A_122 : vector<16xi32>
    %add3A_124 = arith.addi %add3A_98, %mul3A_123 : vector<16xi32>
    %swap3A_125 = arith.constant 0 : i32
    %swap3A_126 = arith.index_cast %swap3A_125 : i32 to index
    %swap3A_127 = arith.constant 32 : index
    %swap3A_128 = tpu.vector_load %arg13[%swap3A_126, %swap3A_127] {strides = array<i32>} : memref<4x128xi32, #tpu.memory_space<vmem>>, vector<16xi32>,
    tpu.vector_store %arg13[%swap3A_126, %swap3A_127], %add3A_124 {strides = array<i32>} : memref<4x128xi32, #tpu.memory_space<vmem>>, vector<16xi32>,
    %get3A_129 = arith.constant 0 : i32
    %get3A_130 = arith.index_cast %get3A_129 : i32 to index
    %get3A_131 = arith.constant 48 : index
    %get3A_132 = tpu.vector_load %arg9[%get3A_130, %get3A_131] {strides = array<i32>} : memref<4x128xi32, #tpu.memory_space<vmem>>, vector<16xi32>,
    %shift_right_arithmetic3A_133 = arith.constant 3 : i32
    %shift_right_arithmetic3A_134 = vector.broadcast %shift_right_arithmetic3A_133 : i32 to vector<16xi32>
    %shift_right_arithmetic3A_135 = arith.shrsi %get3A_132, %shift_right_arithmetic3A_134 : vector<16xi32>
    %mul3A_136 = arith.constant 256 : i32
    %mul3A_137 = vector.broadcast %mul3A_136 : i32 to vector<16xi32>
    %mul3A_138 = arith.muli %shift_right_arithmetic3A_135, %mul3A_137 : vector<16xi32>
    %and3A_139 = arith.constant 7 : i32
    %and3A_140 = vector.broadcast %and3A_139 : i32 to vector<16xi32>
    %and3A_141 = arith.andi %get3A_132, %and3A_140 : vector<16xi32>
    %add3A_142 = arith.addi %mul3A_138, %and3A_141 : vector<16xi32>
    %get3A_143 = arith.constant 0 : i32
    %get3A_144 = arith.index_cast %get3A_143 : i32 to index
    %get3A_145 = arith.constant 48 : index
    %get3A_146 = tpu.vector_load %arg10[%get3A_144, %get3A_145] {strides = array<i32>} : memref<4x128xi32, #tpu.memory_space<vmem>>, vector<16xi32>,
    %shift_right_arithmetic3A_147 = arith.constant 7 : i32
    %shift_right_arithmetic3A_148 = vector.broadcast %shift_right_arithmetic3A_147 : i32 to vector<16xi32>
    %shift_right_arithmetic3A_149 = arith.shrsi %get3A_146, %shift_right_arithmetic3A_148 : vector<16xi32>
    %mul3A_150 = arith.constant 8 : i32
    %mul3A_151 = vector.broadcast %mul3A_150 : i32 to vector<16xi32>
    %mul3A_152 = arith.muli %shift_right_arithmetic3A_149, %mul3A_151 : vector<16xi32>
    %add3A_153 = arith.addi %add3A_142, %mul3A_152 : vector<16xi32>
    %swap3A_154 = arith.constant 0 : i32
    %swap3A_155 = arith.index_cast %swap3A_154 : i32 to index
    %swap3A_156 = arith.constant 48 : index
    %swap3A_157 = tpu.vector_load %arg12[%swap3A_155, %swap3A_156] {strides = array<i32>} : memref<4x128xi32, #tpu.memory_space<vmem>>, vector<16xi32>,
    tpu.vector_store %arg12[%swap3A_155, %swap3A_156], %add3A_153 {strides = array<i32>} : memref<4x128xi32, #tpu.memory_space<vmem>>, vector<16xi32>,
    %get3A_158 = arith.constant 0 : i32
    %get3A_159 = arith.index_cast %get3A_158 : i32 to index
    %get3A_160 = arith.constant 48 : index
    %get3A_161 = tpu.vector_load %arg11[%get3A_159, %get3A_160] {strides = array<i32>} : memref<4x128xi32, #tpu.memory_space<vmem>>, vector<16xi32>,
    %shift_right_arithmetic3A_162 = arith.constant 7 : i32
    %shift_right_arithmetic3A_163 = vector.broadcast %shift_right_arithmetic3A_162 : i32 to vector<16xi32>
    %shift_right_arithmetic3A_164 = arith.shrsi %get3A_161, %shift_right_arithmetic3A_163 : vector<16xi32>
    %mul3A_165 = arith.constant 8 : i32
    %mul3A_166 = vector.broadcast %mul3A_165 : i32 to vector<16xi32>
    %mul3A_167 = arith.muli %shift_right_arithmetic3A_164, %mul3A_166 : vector<16xi32>
    %add3A_168 = arith.addi %add3A_142, %mul3A_167 : vector<16xi32>
    %swap3A_169 = arith.constant 0 : i32
    %swap3A_170 = arith.index_cast %swap3A_169 : i32 to index
    %swap3A_171 = arith.constant 48 : index
    %swap3A_172 = tpu.vector_load %arg13[%swap3A_170, %swap3A_171] {strides = array<i32>} : memref<4x128xi32, #tpu.memory_space<vmem>>, vector<16xi32>,
    tpu.vector_store %arg13[%swap3A_170, %swap3A_171], %add3A_168 {strides = array<i32>} : memref<4x128xi32, #tpu.memory_space<vmem>>, vector<16xi32>,
    %get3A_173 = arith.constant 0 : i32
    %get3A_174 = arith.index_cast %get3A_173 : i32 to index
    %get3A_175 = arith.constant 64 : index
    %get3A_176 = tpu.vector_load %arg9[%get3A_174, %get3A_175] {strides = array<i32>} : memref<4x128xi32, #tpu.memory_space<vmem>>, vector<16xi32>,
    %shift_right_arithmetic3A_177 = arith.constant 3 : i32
    %shift_right_arithmetic3A_178 = vector.broadcast %shift_right_arithmetic3A_177 : i32 to vector<16xi32>
    %shift_right_arithmetic3A_179 = arith.shrsi %get3A_176, %shift_right_arithmetic3A_178 : vector<16xi32>
    %mul3A_180 = arith.constant 256 : i32
    %mul3A_181 = vector.broadcast %mul3A_180 : i32 to vector<16xi32>
    %mul3A_182 = arith.muli %shift_right_arithmetic3A_179, %mul3A_181 : vector<16xi32>
    %and3A_183 = arith.constant 7 : i32
    %and3A_184 = vector.broadcast %and3A_183 : i32 to vector<16xi32>
    %and3A_185 = arith.andi %get3A_176, %and3A_184 : vector<16xi32>
    %add3A_186 = arith.addi %mul3A_182, %and3A_185 : vector<16xi32>
    %get3A_187 = arith.constant 0 : i32
    %get3A_188 = arith.index_cast %get3A_187 : i32 to index
    %get3A_189 = arith.constant 64 : index
    %get3A_190 = tpu.vector_load %arg10[%get3A_188, %get3A_189] {strides = array<i32>} : memref<4x128xi32, #tpu.memory_space<vmem>>, vector<16xi32>,
    %shift_right_arithmetic3A_191 = arith.constant 7 : i32
    %shift_right_arithmetic3A_192 = vector.broadcast %shift_right_arithmetic3A_191 : i32 to vector<16xi32>
    %shift_right_arithmetic3A_193 = arith.shrsi %get3A_190, %shift_right_arithmetic3A_192 : vector<16xi32>
    %mul3A_194 = arith.constant 8 : i32
    %mul3A_195 = vector.broadcast %mul3A_194 : i32 to vector<16xi32>
    %mul3A_196 = arith.muli %shift_right_arithmetic3A_193, %mul3A_195 : vector<16xi32>
    %add3A_197 = arith.addi %add3A_186, %mul3A_196 : vector<16xi32>
    %swap3A_198 = arith.constant 0 : i32
    %swap3A_199 = arith.index_cast %swap3A_198 : i32 to index
    %swap3A_200 = arith.constant 64 : index
    %swap3A_201 = tpu.vector_load %arg12[%swap3A_199, %swap3A_200] {strides = array<i32>} : memref<4x128xi32, #tpu.memory_space<vmem>>, vector<16xi32>,
    tpu.vector_store %arg12[%swap3A_199, %swap3A_200], %add3A_197 {strides = array<i32>} : memref<4x128xi32, #tpu.memory_space<vmem>>, vector<16xi32>,
    %get3A_202 = arith.constant 0 : i32
    %get3A_203 = arith.index_cast %get3A_202 : i32 to index
    %get3A_204 = arith.constant 64 : index
    %get3A_205 = tpu.vector_load %arg11[%get3A_203, %get3A_204] {strides = array<i32>} : memref<4x128xi32, #tpu.memory_space<vmem>>, vector<16xi32>,
    %shift_right_arithmetic3A_206 = arith.constant 7 : i32
    %shift_right_arithmetic3A_207 = vector.broadcast %shift_right_arithmetic3A_206 : i32 to vector<16xi32>
    %shift_right_arithmetic3A_208 = arith.shrsi %get3A_205, %shift_right_arithmetic3A_207 : vector<16xi32>
    %mul3A_209 = arith.constant 8 : i32
    %mul3A_210 = vector.broadcast %mul3A_209 : i32 to vector<16xi32>
    %mul3A_211 = arith.muli %shift_right_arithmetic3A_208, %mul3A_210 : vector<16xi32>
    %add3A_212 = arith.addi %add3A_186, %mul3A_211 : vector<16xi32>
    %swap3A_213 = arith.constant 0 : i32
    %swap3A_214 = arith.index_cast %swap3A_213 : i32 to index
    %swap3A_215 = arith.constant 64 : index
    %swap3A_216 = tpu.vector_load %arg13[%swap3A_214, %swap3A_215] {strides = array<i32>} : memref<4x128xi32, #tpu.memory_space<vmem>>, vector<16xi32>,
    tpu.vector_store %arg13[%swap3A_214, %swap3A_215], %add3A_212 {strides = array<i32>} : memref<4x128xi32, #tpu.memory_space<vmem>>, vector<16xi32>,
    %get3A_217 = arith.constant 0 : i32
    %get3A_218 = arith.index_cast %get3A_217 : i32 to index
    %get3A_219 = arith.constant 80 : index
    %get3A_220 = tpu.vector_load %arg9[%get3A_218, %get3A_219] {strides = array<i32>} : memref<4x128xi32, #tpu.memory_space<vmem>>, vector<16xi32>,
    %shift_right_arithmetic3A_221 = arith.constant 3 : i32
    %shift_right_arithmetic3A_222 = vector.broadcast %shift_right_arithmetic3A_221 : i32 to vector<16xi32>
    %shift_right_arithmetic3A_223 = arith.shrsi %get3A_220, %shift_right_arithmetic3A_222 : vector<16xi32>
    %mul3A_224 = arith.constant 256 : i32
    %mul3A_225 = vector.broadcast %mul3A_224 : i32 to vector<16xi32>
    %mul3A_226 = arith.muli %shift_right_arithmetic3A_223, %mul3A_225 : vector<16xi32>
    %and3A_227 = arith.constant 7 : i32
    %and3A_228 = vector.broadcast %and3A_227 : i32 to vector<16xi32>
    %and3A_229 = arith.andi %get3A_220, %and3A_228 : vector<16xi32>
    %add3A_230 = arith.addi %mul3A_226, %and3A_229 : vector<16xi32>
    %get3A_231 = arith.constant 0 : i32
    %get3A_232 = arith.index_cast %get3A_231 : i32 to index
    %get3A_233 = arith.constant 80 : index
    %get3A_234 = tpu.vector_load %arg10[%get3A_232, %get3A_233] {strides = array<i32>} : memref<4x128xi32, #tpu.memory_space<vmem>>, vector<16xi32>,
    %shift_right_arithmetic3A_235 = arith.constant 7 : i32
    %shift_right_arithmetic3A_236 = vector.broadcast %shift_right_arithmetic3A_235 : i32 to vector<16xi32>
    %shift_right_arithmetic3A_237 = arith.shrsi %get3A_234, %shift_right_arithmetic3A_236 : vector<16xi32>
    %mul3A_238 = arith.constant 8 : i32
    %mul3A_239 = vector.broadcast %mul3A_238 : i32 to vector<16xi32>
    %mul3A_240 = arith.muli %shift_right_arithmetic3A_237, %mul3A_239 : vector<16xi32>
    %add3A_241 = arith.addi %add3A_230, %mul3A_240 : vector<16xi32>
    %swap3A_242 = arith.constant 0 : i32
    %swap3A_243 = arith.index_cast %swap3A_242 : i32 to index
    %swap3A_244 = arith.constant 80 : index
    %swap3A_245 = tpu.vector_load %arg12[%swap3A_243, %swap3A_244] {strides = array<i32>} : memref<4x128xi32, #tpu.memory_space<vmem>>, vector<16xi32>,
    tpu.vector_store %arg12[%swap3A_243, %swap3A_244], %add3A_241 {strides = array<i32>} : memref<4x128xi32, #tpu.memory_space<vmem>>, vector<16xi32>,
    %get3A_246 = arith.constant 0 : i32
    %get3A_247 = arith.index_cast %get3A_246 : i32 to index
    %get3A_248 = arith.constant 80 : index
    %get3A_249 = tpu.vector_load %arg11[%get3A_247, %get3A_248] {strides = array<i32>} : memref<4x128xi32, #tpu.memory_space<vmem>>, vector<16xi32>,
    %shift_right_arithmetic3A_250 = arith.constant 7 : i32
    %shift_right_arithmetic3A_251 = vector.broadcast %shift_right_arithmetic3A_250 : i32 to vector<16xi32>
    %shift_right_arithmetic3A_252 = arith.shrsi %get3A_249, %shift_right_arithmetic3A_251 : vector<16xi32>
    %mul3A_253 = arith.constant 8 : i32
    %mul3A_254 = vector.broadcast %mul3A_253 : i32 to vector<16xi32>
    %mul3A_255 = arith.muli %shift_right_arithmetic3A_252, %mul3A_254 : vector<16xi32>
    %add3A_256 = arith.addi %add3A_230, %mul3A_255 : vector<16xi32>
    %swap3A_257 = arith.constant 0 : i32
    %swap3A_258 = arith.index_cast %swap3A_257 : i32 to index
    %swap3A_259 = arith.constant 80 : index
    %swap3A_260 = tpu.vector_load %arg13[%swap3A_258, %swap3A_259] {strides = array<i32>} : memref<4x128xi32, #tpu.memory_space<vmem>>, vector<16xi32>,
    tpu.vector_store %arg13[%swap3A_258, %swap3A_259], %add3A_256 {strides = array<i32>} : memref<4x128xi32, #tpu.memory_space<vmem>>, vector<16xi32>,
    %get3A_261 = arith.constant 0 : i32
    %get3A_262 = arith.index_cast %get3A_261 : i32 to index
    %get3A_263 = arith.constant 96 : index
    %get3A_264 = tpu.vector_load %arg9[%get3A_262, %get3A_263] {strides = array<i32>} : memref<4x128xi32, #tpu.memory_space<vmem>>, vector<16xi32>,
    %shift_right_arithmetic3A_265 = arith.constant 3 : i32
    %shift_right_arithmetic3A_266 = vector.broadcast %shift_right_arithmetic3A_265 : i32 to vector<16xi32>
    %shift_right_arithmetic3A_267 = arith.shrsi %get3A_264, %shift_right_arithmetic3A_266 : vector<16xi32>
    %mul3A_268 = arith.constant 256 : i32
    %mul3A_269 = vector.broadcast %mul3A_268 : i32 to vector<16xi32>
    %mul3A_270 = arith.muli %shift_right_arithmetic3A_267, %mul3A_269 : vector<16xi32>
    %and3A_271 = arith.constant 7 : i32
    %and3A_272 = vector.broadcast %and3A_271 : i32 to vector<16xi32>
    %and3A_273 = arith.andi %get3A_264, %and3A_272 : vector<16xi32>
    %add3A_274 = arith.addi %mul3A_270, %and3A_273 : vector<16xi32>
    %get3A_275 = arith.constant 0 : i32
    %get3A_276 = arith.index_cast %get3A_275 : i32 to index
    %get3A_277 = arith.constant 96 : index
    %get3A_278 = tpu.vector_load %arg10[%get3A_276, %get3A_277] {strides = array<i32>} : memref<4x128xi32, #tpu.memory_space<vmem>>, vector<16xi32>,
    %shift_right_arithmetic3A_279 = arith.constant 7 : i32
    %shift_right_arithmetic3A_280 = vector.broadcast %shift_right_arithmetic3A_279 : i32 to vector<16xi32>
    %shift_right_arithmetic3A_281 = arith.shrsi %get3A_278, %shift_right_arithmetic3A_280 : vector<16xi32>
    %mul3A_282 = arith.constant 8 : i32
    %mul3A_283 = vector.broadcast %mul3A_282 : i32 to vector<16xi32>
    %mul3A_284 = arith.muli %shift_right_arithmetic3A_281, %mul3A_283 : vector<16xi32>
    %add3A_285 = arith.addi %add3A_274, %mul3A_284 : vector<16xi32>
    %swap3A_286 = arith.constant 0 : i32
    %swap3A_287 = arith.index_cast %swap3A_286 : i32 to index
    %swap3A_288 = arith.constant 96 : index
    %swap3A_289 = tpu.vector_load %arg12[%swap3A_287, %swap3A_288] {strides = array<i32>} : memref<4x128xi32, #tpu.memory_space<vmem>>, vector<16xi32>,
    tpu.vector_store %arg12[%swap3A_287, %swap3A_288], %add3A_285 {strides = array<i32>} : memref<4x128xi32, #tpu.memory_space<vmem>>, vector<16xi32>,
    %get3A_290 = arith.constant 0 : i32
    %get3A_291 = arith.index_cast %get3A_290 : i32 to index
    %get3A_292 = arith.constant 96 : index
    %get3A_293 = tpu.vector_load %arg11[%get3A_291, %get3A_292] {strides = array<i32>} : memref<4x128xi32, #tpu.memory_space<vmem>>, vector<16xi32>,
    %shift_right_arithmetic3A_294 = arith.constant 7 : i32
    %shift_right_arithmetic3A_295 = vector.broadcast %shift_right_arithmetic3A_294 : i32 to vector<16xi32>
    %shift_right_arithmetic3A_296 = arith.shrsi %get3A_293, %shift_right_arithmetic3A_295 : vector<16xi32>
    %mul3A_297 = arith.constant 8 : i32
    %mul3A_298 = vector.broadcast %mul3A_297 : i32 to vector<16xi32>
    %mul3A_299 = arith.muli %shift_right_arithmetic3A_296, %mul3A_298 : vector<16xi32>
    %add3A_300 = arith.addi %add3A_274, %mul3A_299 : vector<16xi32>
    %swap3A_301 = arith.constant 0 : i32
    %swap3A_302 = arith.index_cast %swap3A_301 : i32 to index
    %swap3A_303 = arith.constant 96 : index
    %swap3A_304 = tpu.vector_load %arg13[%swap3A_302, %swap3A_303] {strides = array<i32>} : memref<4x128xi32, #tpu.memory_space<vmem>>, vector<16xi32>,
    tpu.vector_store %arg13[%swap3A_302, %swap3A_303], %add3A_300 {strides = array<i32>} : memref<4x128xi32, #tpu.memory_space<vmem>>, vector<16xi32>,
    %get3A_305 = arith.constant 0 : i32
    %get3A_306 = arith.index_cast %get3A_305 : i32 to index
    %get3A_307 = arith.constant 112 : index
    %get3A_308 = tpu.vector_load %arg9[%get3A_306, %get3A_307] {strides = array<i32>} : memref<4x128xi32, #tpu.memory_space<vmem>>, vector<16xi32>,
    %shift_right_arithmetic3A_309 = arith.constant 3 : i32
    %shift_right_arithmetic3A_310 = vector.broadcast %shift_right_arithmetic3A_309 : i32 to vector<16xi32>
    %shift_right_arithmetic3A_311 = arith.shrsi %get3A_308, %shift_right_arithmetic3A_310 : vector<16xi32>
    %mul3A_312 = arith.constant 256 : i32
    %mul3A_313 = vector.broadcast %mul3A_312 : i32 to vector<16xi32>
    %mul3A_314 = arith.muli %shift_right_arithmetic3A_311, %mul3A_313 : vector<16xi32>
    %and3A_315 = arith.constant 7 : i32
    %and3A_316 = vector.broadcast %and3A_315 : i32 to vector<16xi32>
    %and3A_317 = arith.andi %get3A_308, %and3A_316 : vector<16xi32>
    %add3A_318 = arith.addi %mul3A_314, %and3A_317 : vector<16xi32>
    %get3A_319 = arith.constant 0 : i32
    %get3A_320 = arith.index_cast %get3A_319 : i32 to index
    %get3A_321 = arith.constant 112 : index
    %get3A_322 = tpu.vector_load %arg10[%get3A_320, %get3A_321] {strides = array<i32>} : memref<4x128xi32, #tpu.memory_space<vmem>>, vector<16xi32>,
    %shift_right_arithmetic3A_323 = arith.constant 7 : i32
    %shift_right_arithmetic3A_324 = vector.broadcast %shift_right_arithmetic3A_323 : i32 to vector<16xi32>
    %shift_right_arithmetic3A_325 = arith.shrsi %get3A_322, %shift_right_arithmetic3A_324 : vector<16xi32>
    %mul3A_326 = arith.constant 8 : i32
    %mul3A_327 = vector.broadcast %mul3A_326 : i32 to vector<16xi32>
    %mul3A_328 = arith.muli %shift_right_arithmetic3A_325, %mul3A_327 : vector<16xi32>
    %add3A_329 = arith.addi %add3A_318, %mul3A_328 : vector<16xi32>
    %swap3A_330 = arith.constant 0 : i32
    %swap3A_331 = arith.index_cast %swap3A_330 : i32 to index
    %swap3A_332 = arith.constant 112 : index
    %swap3A_333 = tpu.vector_load %arg12[%swap3A_331, %swap3A_332] {strides = array<i32>} : memref<4x128xi32, #tpu.memory_space<vmem>>, vector<16xi32>,
    tpu.vector_store %arg12[%swap3A_331, %swap3A_332], %add3A_329 {strides = array<i32>} : memref<4x128xi32, #tpu.memory_space<vmem>>, vector<16xi32>,
    %get3A_334 = arith.constant 0 : i32
    %get3A_335 = arith.index_cast %get3A_334 : i32 to index
    %get3A_336 = arith.constant 112 : index
    %get3A_337 = tpu.vector_load %arg11[%get3A_335, %get3A_336] {strides = array<i32>} : memref<4x128xi32, #tpu.memory_space<vmem>>, vector<16xi32>,
    %shift_right_arithmetic3A_338 = arith.constant 7 : i32
    %shift_right_arithmetic3A_339 = vector.broadcast %shift_right_arithmetic3A_338 : i32 to vector<16xi32>
    %shift_right_arithmetic3A_340 = arith.shrsi %get3A_337, %shift_right_arithmetic3A_339 : vector<16xi32>
    %mul3A_341 = arith.constant 8 : i32
    %mul3A_342 = vector.broadcast %mul3A_341 : i32 to vector<16xi32>
    %mul3A_343 = arith.muli %shift_right_arithmetic3A_340, %mul3A_342 : vector<16xi32>
    %add3A_344 = arith.addi %add3A_318, %mul3A_343 : vector<16xi32>
    %swap3A_345 = arith.constant 0 : i32
    %swap3A_346 = arith.index_cast %swap3A_345 : i32 to index
    %swap3A_347 = arith.constant 112 : index
    %swap3A_348 = tpu.vector_load %arg13[%swap3A_346, %swap3A_347] {strides = array<i32>} : memref<4x128xi32, #tpu.memory_space<vmem>>, vector<16xi32>,
    tpu.vector_store %arg13[%swap3A_346, %swap3A_347], %add3A_344 {strides = array<i32>} : memref<4x128xi32, #tpu.memory_space<vmem>>, vector<16xi32>,
    %get3A_349 = arith.constant 1 : i32
    %get3A_350 = arith.index_cast %get3A_349 : i32 to index
    %get3A_351 = arith.constant 0 : index
    %get3A_352 = tpu.vector_load %arg9[%get3A_350, %get3A_351] {strides = array<i32>} : memref<4x128xi32, #tpu.memory_space<vmem>>, vector<16xi32>,
    %shift_right_arithmetic3A_353 = arith.constant 3 : i32
    %shift_right_arithmetic3A_354 = vector.broadcast %shift_right_arithmetic3A_353 : i32 to vector<16xi32>
    %shift_right_arithmetic3A_355 = arith.shrsi %get3A_352, %shift_right_arithmetic3A_354 : vector<16xi32>
    %mul3A_356 = arith.constant 256 : i32
    %mul3A_357 = vector.broadcast %mul3A_356 : i32 to vector<16xi32>
    %mul3A_358 = arith.muli %shift_right_arithmetic3A_355, %mul3A_357 : vector<16xi32>
    %and3A_359 = arith.constant 7 : i32
    %and3A_360 = vector.broadcast %and3A_359 : i32 to vector<16xi32>
    %and3A_361 = arith.andi %get3A_352, %and3A_360 : vector<16xi32>
    %add3A_362 = arith.addi %mul3A_358, %and3A_361 : vector<16xi32>
    %get3A_363 = arith.constant 1 : i32
    %get3A_364 = arith.index_cast %get3A_363 : i32 to index
    %get3A_365 = arith.constant 0 : index
    %get3A_366 = tpu.vector_load %arg10[%get3A_364, %get3A_365] {strides = array<i32>} : memref<4x128xi32, #tpu.memory_space<vmem>>, vector<16xi32>,
    %shift_right_arithmetic3A_367 = arith.constant 7 : i32
    %shift_right_arithmetic3A_368 = vector.broadcast %shift_right_arithmetic3A_367 : i32 to vector<16xi32>
    %shift_right_arithmetic3A_369 = arith.shrsi %get3A_366, %shift_right_arithmetic3A_368 : vector<16xi32>
    %mul3A_370 = arith.constant 8 : i32
    %mul3A_371 = vector.broadcast %mul3A_370 : i32 to vector<16xi32>
    %mul3A_372 = arith.muli %shift_right_arithmetic3A_369, %mul3A_371 : vector<16xi32>
    %add3A_373 = arith.addi %add3A_362, %mul3A_372 : vector<16xi32>
    %swap3A_374 = arith.constant 1 : i32
    %swap3A_375 = arith.index_cast %swap3A_374 : i32 to index
    %swap3A_376 = arith.constant 0 : index
    %swap3A_377 = tpu.vector_load %arg12[%swap3A_375, %swap3A_376] {strides = array<i32>} : memref<4x128xi32, #tpu.memory_space<vmem>>, vector<16xi32>,
    tpu.vector_store %arg12[%swap3A_375, %swap3A_376], %add3A_373 {strides = array<i32>} : memref<4x128xi32, #tpu.memory_space<vmem>>, vector<16xi32>,
    %get3A_378 = arith.constant 1 : i32
    %get3A_379 = arith.index_cast %get3A_378 : i32 to index
    %get3A_380 = arith.constant 0 : index
    %get3A_381 = tpu.vector_load %arg11[%get3A_379, %get3A_380] {strides = array<i32>} : memref<4x128xi32, #tpu.memory_space<vmem>>, vector<16xi32>,
    %shift_right_arithmetic3A_382 = arith.constant 7 : i32
    %shift_right_arithmetic3A_383 = vector.broadcast %shift_right_arithmetic3A_382 : i32 to vector<16xi32>
    %shift_right_arithmetic3A_384 = arith.shrsi %get3A_381, %shift_right_arithmetic3A_383 : vector<16xi32>
    %mul3A_385 = arith.constant 8 : i32
    %mul3A_386 = vector.broadcast %mul3A_385 : i32 to vector<16xi32>
    %mul3A_387 = arith.muli %shift_right_arithmetic3A_384, %mul3A_386 : vector<16xi32>
    %add3A_388 = arith.addi %add3A_362, %mul3A_387 : vector<16xi32>
    %swap3A_389 = arith.constant 1 : i32
    %swap3A_390 = arith.index_cast %swap3A_389 : i32 to index
    %swap3A_391 = arith.constant 0 : index
    %swap3A_392 = tpu.vector_load %arg13[%swap3A_390, %swap3A_391] {strides = array<i32>} : memref<4x128xi32, #tpu.memory_space<vmem>>, vector<16xi32>,
    tpu.vector_store %arg13[%swap3A_390, %swap3A_391], %add3A_388 {strides = array<i32>} : memref<4x128xi32, #tpu.memory_space<vmem>>, vector<16xi32>,
    %get3A_393 = arith.constant 1 : i32
    %get3A_394 = arith.index_cast %get3A_393 : i32 to index
    %get3A_395 = arith.constant 16 : index
    %get3A_396 = tpu.vector_load %arg9[%get3A_394, %get3A_395] {strides = array<i32>} : memref<4x128xi32, #tpu.memory_space<vmem>>, vector<16xi32>,
    %shift_right_arithmetic3A_397 = arith.constant 3 : i32
    %shift_right_arithmetic3A_398 = vector.broadcast %shift_right_arithmetic3A_397 : i32 to vector<16xi32>
    %shift_right_arithmetic3A_399 = arith.shrsi %get3A_396, %shift_right_arithmetic3A_398 : vector<16xi32>
    %mul3A_400 = arith.constant 256 : i32
    %mul3A_401 = vector.broadcast %mul3A_400 : i32 to vector<16xi32>
    %mul3A_402 = arith.muli %shift_right_arithmetic3A_399, %mul3A_401 : vector<16xi32>
    %and3A_403 = arith.constant 7 : i32
    %and3A_404 = vector.broadcast %and3A_403 : i32 to vector<16xi32>
    %and3A_405 = arith.andi %get3A_396, %and3A_404 : vector<16xi32>
    %add3A_406 = arith.addi %mul3A_402, %and3A_405 : vector<16xi32>
    %get3A_407 = arith.constant 1 : i32
    %get3A_408 = arith.index_cast %get3A_407 : i32 to index
    %get3A_409 = arith.constant 16 : index
    %get3A_410 = tpu.vector_load %arg10[%get3A_408, %get3A_409] {strides = array<i32>} : memref<4x128xi32, #tpu.memory_space<vmem>>, vector<16xi32>,
    %shift_right_arithmetic3A_411 = arith.constant 7 : i32
    %shift_right_arithmetic3A_412 = vector.broadcast %shift_right_arithmetic3A_411 : i32 to vector<16xi32>
    %shift_right_arithmetic3A_413 = arith.shrsi %get3A_410, %shift_right_arithmetic3A_412 : vector<16xi32>
    %mul3A_414 = arith.constant 8 : i32
    %mul3A_415 = vector.broadcast %mul3A_414 : i32 to vector<16xi32>
    %mul3A_416 = arith.muli %shift_right_arithmetic3A_413, %mul3A_415 : vector<16xi32>
    %add3A_417 = arith.addi %add3A_406, %mul3A_416 : vector<16xi32>
    %swap3A_418 = arith.constant 1 : i32
    %swap3A_419 = arith.index_cast %swap3A_418 : i32 to index
    %swap3A_420 = arith.constant 16 : index
    %swap3A_421 = tpu.vector_load %arg12[%swap3A_419, %swap3A_420] {strides = array<i32>} : memref<4x128xi32, #tpu.memory_space<vmem>>, vector<16xi32>,
    tpu.vector_store %arg12[%swap3A_419, %swap3A_420], %add3A_417 {strides = array<i32>} : memref<4x128xi32, #tpu.memory_space<vmem>>, vector<16xi32>,
    %get3A_422 = arith.constant 1 : i32
    %get3A_423 = arith.index_cast %get3A_422 : i32 to index
    %get3A_424 = arith.constant 16 : index
    %get3A_425 = tpu.vector_load %arg11[%get3A_423, %get3A_424] {strides = array<i32>} : memref<4x128xi32, #tpu.memory_space<vmem>>, vector<16xi32>,
    %shift_right_arithmetic3A_426 = arith.constant 7 : i32
    %shift_right_arithmetic3A_427 = vector.broadcast %shift_right_arithmetic3A_426 : i32 to vector<16xi32>
    %shift_right_arithmetic3A_428 = arith.shrsi %get3A_425, %shift_right_arithmetic3A_427 : vector<16xi32>
    %mul3A_429 = arith.constant 8 : i32
    %mul3A_430 = vector.broadcast %mul3A_429 : i32 to vector<16xi32>
    %mul3A_431 = arith.muli %shift_right_arithmetic3A_428, %mul3A_430 : vector<16xi32>
    %add3A_432 = arith.addi %add3A_406, %mul3A_431 : vector<16xi32>
    %swap3A_433 = arith.constant 1 : i32
    %swap3A_434 = arith.index_cast %swap3A_433 : i32 to index
    %swap3A_435 = arith.constant 16 : index
    %swap3A_436 = tpu.vector_load %arg13[%swap3A_434, %swap3A_435] {strides = array<i32>} : memref<4x128xi32, #tpu.memory_space<vmem>>, vector<16xi32>,
    tpu.vector_store %arg13[%swap3A_434, %swap3A_435], %add3A_432 {strides = array<i32>} : memref<4x128xi32, #tpu.memory_space<vmem>>, vector<16xi32>,
    %get3A_437 = arith.constant 1 : i32
    %get3A_438 = arith.index_cast %get3A_437 : i32 to index
    %get3A_439 = arith.constant 32 : index
    %get3A_440 = tpu.vector_load %arg9[%get3A_438, %get3A_439] {strides = array<i32>} : memref<4x128xi32, #tpu.memory_space<vmem>>, vector<16xi32>,
    %shift_right_arithmetic3A_441 = arith.constant 3 : i32
    %shift_right_arithmetic3A_442 = vector.broadcast %shift_right_arithmetic3A_441 : i32 to vector<16xi32>
    %shift_right_arithmetic3A_443 = arith.shrsi %get3A_440, %shift_right_arithmetic3A_442 : vector<16xi32>
    %mul3A_444 = arith.constant 256 : i32
    %mul3A_445 = vector.broadcast %mul3A_444 : i32 to vector<16xi32>
    %mul3A_446 = arith.muli %shift_right_arithmetic3A_443, %mul3A_445 : vector<16xi32>
    %and3A_447 = arith.constant 7 : i32
    %and3A_448 = vector.broadcast %and3A_447 : i32 to vector<16xi32>
    %and3A_449 = arith.andi %get3A_440, %and3A_448 : vector<16xi32>
    %add3A_450 = arith.addi %mul3A_446, %and3A_449 : vector<16xi32>
    %get3A_451 = arith.constant 1 : i32
    %get3A_452 = arith.index_cast %get3A_451 : i32 to index
    %get3A_453 = arith.constant 32 : index
    %get3A_454 = tpu.vector_load %arg10[%get3A_452, %get3A_453] {strides = array<i32>} : memref<4x128xi32, #tpu.memory_space<vmem>>, vector<16xi32>,
    %shift_right_arithmetic3A_455 = arith.constant 7 : i32
    %shift_right_arithmetic3A_456 = vector.broadcast %shift_right_arithmetic3A_455 : i32 to vector<16xi32>
    %shift_right_arithmetic3A_457 = arith.shrsi %get3A_454, %shift_right_arithmetic3A_456 : vector<16xi32>
    %mul3A_458 = arith.constant 8 : i32
    %mul3A_459 = vector.broadcast %mul3A_458 : i32 to vector<16xi32>
    %mul3A_460 = arith.muli %shift_right_arithmetic3A_457, %mul3A_459 : vector<16xi32>
    %add3A_461 = arith.addi %add3A_450, %mul3A_460 : vector<16xi32>
    %swap3A_462 = arith.constant 1 : i32
    %swap3A_463 = arith.index_cast %swap3A_462 : i32 to index
    %swap3A_464 = arith.constant 32 : index
    %swap3A_465 = tpu.vector_load %arg12[%swap3A_463, %swap3A_464] {strides = array<i32>} : memref<4x128xi32, #tpu.memory_space<vmem>>, vector<16xi32>,
    tpu.vector_store %arg12[%swap3A_463, %swap3A_464], %add3A_461 {strides = array<i32>} : memref<4x128xi32, #tpu.memory_space<vmem>>, vector<16xi32>,
    %get3A_466 = arith.constant 1 : i32
    %get3A_467 = arith.index_cast %get3A_466 : i32 to index
    %get3A_468 = arith.constant 32 : index
    %get3A_469 = tpu.vector_load %arg11[%get3A_467, %get3A_468] {strides = array<i32>} : memref<4x128xi32, #tpu.memory_space<vmem>>, vector<16xi32>,
    %shift_right_arithmetic3A_470 = arith.constant 7 : i32
    %shift_right_arithmetic3A_471 = vector.broadcast %shift_right_arithmetic3A_470 : i32 to vector<16xi32>
    %shift_right_arithmetic3A_472 = arith.shrsi %get3A_469, %shift_right_arithmetic3A_471 : vector<16xi32>
    %mul3A_473 = arith.constant 8 : i32
    %mul3A_474 = vector.broadcast %mul3A_473 : i32 to vector<16xi32>
    %mul3A_475 = arith.muli %shift_right_arithmetic3A_472, %mul3A_474 : vector<16xi32>
    %add3A_476 = arith.addi %add3A_450, %mul3A_475 : vector<16xi32>
    %swap3A_477 = arith.constant 1 : i32
    %swap3A_478 = arith.index_cast %swap3A_477 : i32 to index
    %swap3A_479 = arith.constant 32 : index
    %swap3A_480 = tpu.vector_load %arg13[%swap3A_478, %swap3A_479] {strides = array<i32>} : memref<4x128xi32, #tpu.memory_space<vmem>>, vector<16xi32>,
    tpu.vector_store %arg13[%swap3A_478, %swap3A_479], %add3A_476 {strides = array<i32>} : memref<4x128xi32, #tpu.memory_space<vmem>>, vector<16xi32>,
    %get3A_481 = arith.constant 1 : i32
    %get3A_482 = arith.index_cast %get3A_481 : i32 to index
    %get3A_483 = arith.constant 48 : index
    %get3A_484 = tpu.vector_load %arg9[%get3A_482, %get3A_483] {strides = array<i32>} : memref<4x128xi32, #tpu.memory_space<vmem>>, vector<16xi32>,
    %shift_right_arithmetic3A_485 = arith.constant 3 : i32
    %shift_right_arithmetic3A_486 = vector.broadcast %shift_right_arithmetic3A_485 : i32 to vector<16xi32>
    %shift_right_arithmetic3A_487 = arith.shrsi %get3A_484, %shift_right_arithmetic3A_486 : vector<16xi32>
    %mul3A_488 = arith.constant 256 : i32
    %mul3A_489 = vector.broadcast %mul3A_488 : i32 to vector<16xi32>
    %mul3A_490 = arith.muli %shift_right_arithmetic3A_487, %mul3A_489 : vector<16xi32>
    %and3A_491 = arith.constant 7 : i32
    %and3A_492 = vector.broadcast %and3A_491 : i32 to vector<16xi32>
    %and3A_493 = arith.andi %get3A_484, %and3A_492 : vector<16xi32>
    %add3A_494 = arith.addi %mul3A_490, %and3A_493 : vector<16xi32>
    %get3A_495 = arith.constant 1 : i32
    %get3A_496 = arith.index_cast %get3A_495 : i32 to index
    %get3A_497 = arith.constant 48 : index
    %get3A_498 = tpu.vector_load %arg10[%get3A_496, %get3A_497] {strides = array<i32>} : memref<4x128xi32, #tpu.memory_space<vmem>>, vector<16xi32>,
    %shift_right_arithmetic3A_499 = arith.constant 7 : i32
    %shift_right_arithmetic3A_500 = vector.broadcast %shift_right_arithmetic3A_499 : i32 to vector<16xi32>
    %shift_right_arithmetic3A_501 = arith.shrsi %get3A_498, %shift_right_arithmetic3A_500 : vector<16xi32>
    %mul3A_502 = arith.constant 8 : i32
    %mul3A_503 = vector.broadcast %mul3A_502 : i32 to vector<16xi32>
    %mul3A_504 = arith.muli %shift_right_arithmetic3A_501, %mul3A_503 : vector<16xi32>
    %add3A_505 = arith.addi %add3A_494, %mul3A_504 : vector<16xi32>
    %swap3A_506 = arith.constant 1 : i32
    %swap3A_507 = arith.index_cast %swap3A_506 : i32 to index
    %swap3A_508 = arith.constant 48 : index
    %swap3A_509 = tpu.vector_load %arg12[%swap3A_507, %swap3A_508] {strides = array<i32>} : memref<4x128xi32, #tpu.memory_space<vmem>>, vector<16xi32>,
    tpu.vector_store %arg12[%swap3A_507, %swap3A_508], %add3A_505 {strides = array<i32>} : memref<4x128xi32, #tpu.memory_space<vmem>>, vector<16xi32>,
    %get3A_510 = arith.constant 1 : i32
    %get3A_511 = arith.index_cast %get3A_510 : i32 to index
    %get3A_512 = arith.constant 48 : index
    %get3A_513 = tpu.vector_load %arg11[%get3A_511, %get3A_512] {strides = array<i32>} : memref<4x128xi32, #tpu.memory_space<vmem>>, vector<16xi32>,
    %shift_right_arithmetic3A_514 = arith.constant 7 : i32
    %shift_right_arithmetic3A_515 = vector.broadcast %shift_right_arithmetic3A_514 : i32 to vector<16xi32>
    %shift_right_arithmetic3A_516 = arith.shrsi %get3A_513, %shift_right_arithmetic3A_515 : vector<16xi32>
    %mul3A_517 = arith.constant 8 : i32
    %mul3A_518 = vector.broadcast %mul3A_517 : i32 to vector<16xi32>
    %mul3A_519 = arith.muli %shift_right_arithmetic3A_516, %mul3A_518 : vector<16xi32>
    %add3A_520 = arith.addi %add3A_494, %mul3A_519 : vector<16xi32>
    %swap3A_521 = arith.constant 1 : i32
    %swap3A_522 = arith.index_cast %swap3A_521 : i32 to index
    %swap3A_523 = arith.constant 48 : index
    %swap3A_524 = tpu.vector_load %arg13[%swap3A_522, %swap3A_523] {strides = array<i32>} : memref<4x128xi32, #tpu.memory_space<vmem>>, vector<16xi32>,
    tpu.vector_store %arg13[%swap3A_522, %swap3A_523], %add3A_520 {strides = array<i32>} : memref<4x128xi32, #tpu.memory_space<vmem>>, vector<16xi32>,
    %get3A_525 = arith.constant 1 : i32
    %get3A_526 = arith.index_cast %get3A_525 : i32 to index
    %get3A_527 = arith.constant 64 : index
    %get3A_528 = tpu.vector_load %arg9[%get3A_526, %get3A_527] {strides = array<i32>} : memref<4x128xi32, #tpu.memory_space<vmem>>, vector<16xi32>,
    %shift_right_arithmetic3A_529 = arith.constant 3 : i32
    %shift_right_arithmetic3A_530 = vector.broadcast %shift_right_arithmetic3A_529 : i32 to vector<16xi32>
    %shift_right_arithmetic3A_531 = arith.shrsi %get3A_528, %shift_right_arithmetic3A_530 : vector<16xi32>
    %mul3A_532 = arith.constant 256 : i32
    %mul3A_533 = vector.broadcast %mul3A_532 : i32 to vector<16xi32>
    %mul3A_534 = arith.muli %shift_right_arithmetic3A_531, %mul3A_533 : vector<16xi32>
    %and3A_535 = arith.constant 7 : i32
    %and3A_536 = vector.broadcast %and3A_535 : i32 to vector<16xi32>
    %and3A_537 = arith.andi %get3A_528, %and3A_536 : vector<16xi32>
    %add3A_538 = arith.addi %mul3A_534, %and3A_537 : vector<16xi32>
    %get3A_539 = arith.constant 1 : i32
    %get3A_540 = arith.index_cast %get3A_539 : i32 to index
    %get3A_541 = arith.constant 64 : index
    %get3A_542 = tpu.vector_load %arg10[%get3A_540, %get3A_541] {strides = array<i32>} : memref<4x128xi32, #tpu.memory_space<vmem>>, vector<16xi32>,
    %shift_right_arithmetic3A_543 = arith.constant 7 : i32
    %shift_right_arithmetic3A_544 = vector.broadcast %shift_right_arithmetic3A_543 : i32 to vector<16xi32>
    %shift_right_arithmetic3A_545 = arith.shrsi %get3A_542, %shift_right_arithmetic3A_544 : vector<16xi32>
    %mul3A_546 = arith.constant 8 : i32
    %mul3A_547 = vector.broadcast %mul3A_546 : i32 to vector<16xi32>
    %mul3A_548 = arith.muli %shift_right_arithmetic3A_545, %mul3A_547 : vector<16xi32>
    %add3A_549 = arith.addi %add3A_538, %mul3A_548 : vector<16xi32>
    %swap3A_550 = arith.constant 1 : i32
    %swap3A_551 = arith.index_cast %swap3A_550 : i32 to index
    %swap3A_552 = arith.constant 64 : index
    %swap3A_553 = tpu.vector_load %arg12[%swap3A_551, %swap3A_552] {strides = array<i32>} : memref<4x128xi32, #tpu.memory_space<vmem>>, vector<16xi32>,
    tpu.vector_store %arg12[%swap3A_551, %swap3A_552], %add3A_549 {strides = array<i32>} : memref<4x128xi32, #tpu.memory_space<vmem>>, vector<16xi32>,
    %get3A_554 = arith.constant 1 : i32
    %get3A_555 = arith.index_cast %get3A_554 : i32 to index
    %get3A_556 = arith.constant 64 : index
    %get3A_557 = tpu.vector_load %arg11[%get3A_555, %get3A_556] {strides = array<i32>} : memref<4x128xi32, #tpu.memory_space<vmem>>, vector<16xi32>,
    %shift_right_arithmetic3A_558 = arith.constant 7 : i32
    %shift_right_arithmetic3A_559 = vector.broadcast %shift_right_arithmetic3A_558 : i32 to vector<16xi32>
    %shift_right_arithmetic3A_560 = arith.shrsi %get3A_557, %shift_right_arithmetic3A_559 : vector<16xi32>
    %mul3A_561 = arith.constant 8 : i32
    %mul3A_562 = vector.broadcast %mul3A_561 : i32 to vector<16xi32>
    %mul3A_563 = arith.muli %shift_right_arithmetic3A_560, %mul3A_562 : vector<16xi32>
    %add3A_564 = arith.addi %add3A_538, %mul3A_563 : vector<16xi32>
    %swap3A_565 = arith.constant 1 : i32
    %swap3A_566 = arith.index_cast %swap3A_565 : i32 to index
    %swap3A_567 = arith.constant 64 : index
    %swap3A_568 = tpu.vector_load %arg13[%swap3A_566, %swap3A_567] {strides = array<i32>} : memref<4x128xi32, #tpu.memory_space<vmem>>, vector<16xi32>,
    tpu.vector_store %arg13[%swap3A_566, %swap3A_567], %add3A_564 {strides = array<i32>} : memref<4x128xi32, #tpu.memory_space<vmem>>, vector<16xi32>,
    %get3A_569 = arith.constant 1 : i32
    %get3A_570 = arith.index_cast %get3A_569 : i32 to index
    %get3A_571 = arith.constant 80 : index
    %get3A_572 = tpu.vector_load %arg9[%get3A_570, %get3A_571] {strides = array<i32>} : memref<4x128xi32, #tpu.memory_space<vmem>>, vector<16xi32>,
    %shift_right_arithmetic3A_573 = arith.constant 3 : i32
    %shift_right_arithmetic3A_574 = vector.broadcast %shift_right_arithmetic3A_573 : i32 to vector<16xi32>
    %shift_right_arithmetic3A_575 = arith.shrsi %get3A_572, %shift_right_arithmetic3A_574 : vector<16xi32>
    %mul3A_576 = arith.constant 256 : i32
    %mul3A_577 = vector.broadcast %mul3A_576 : i32 to vector<16xi32>
    %mul3A_578 = arith.muli %shift_right_arithmetic3A_575, %mul3A_577 : vector<16xi32>
    %and3A_579 = arith.constant 7 : i32
    %and3A_580 = vector.broadcast %and3A_579 : i32 to vector<16xi32>
    %and3A_581 = arith.andi %get3A_572, %and3A_580 : vector<16xi32>
    %add3A_582 = arith.addi %mul3A_578, %and3A_581 : vector<16xi32>
    %get3A_583 = arith.constant 1 : i32
    %get3A_584 = arith.index_cast %get3A_583 : i32 to index
    %get3A_585 = arith.constant 80 : index
    %get3A_586 = tpu.vector_load %arg10[%get3A_584, %get3A_585] {strides = array<i32>} : memref<4x128xi32, #tpu.memory_space<vmem>>, vector<16xi32>,
    %shift_right_arithmetic3A_587 = arith.constant 7 : i32
    %shift_right_arithmetic3A_588 = vector.broadcast %shift_right_arithmetic3A_587 : i32 to vector<16xi32>
    %shift_right_arithmetic3A_589 = arith.shrsi %get3A_586, %shift_right_arithmetic3A_588 : vector<16xi32>
    %mul3A_590 = arith.constant 8 : i32
    %mul3A_591 = vector.broadcast %mul3A_590 : i32 to vector<16xi32>
    %mul3A_592 = arith.muli %shift_right_arithmetic3A_589, %mul3A_591 : vector<16xi32>
    %add3A_593 = arith.addi %add3A_582, %mul3A_592 : vector<16xi32>
    %swap3A_594 = arith.constant 1 : i32
    %swap3A_595 = arith.index_cast %swap3A_594 : i32 to index
    %swap3A_596 = arith.constant 80 : index
    %swap3A_597 = tpu.vector_load %arg12[%swap3A_595, %swap3A_596] {strides = array<i32>} : memref<4x128xi32, #tpu.memory_space<vmem>>, vector<16xi32>,
    tpu.vector_store %arg12[%swap3A_595, %swap3A_596], %add3A_593 {strides = array<i32>} : memref<4x128xi32, #tpu.memory_space<vmem>>, vector<16xi32>,
    %get3A_598 = arith.constant 1 : i32
    %get3A_599 = arith.index_cast %get3A_598 : i32 to index
    %get3A_600 = arith.constant 80 : index
    %get3A_601 = tpu.vector_load %arg11[%get3A_599, %get3A_600] {strides = array<i32>} : memref<4x128xi32, #tpu.memory_space<vmem>>, vector<16xi32>,
    %shift_right_arithmetic3A_602 = arith.constant 7 : i32
    %shift_right_arithmetic3A_603 = vector.broadcast %shift_right_arithmetic3A_602 : i32 to vector<16xi32>
    %shift_right_arithmetic3A_604 = arith.shrsi %get3A_601, %shift_right_arithmetic3A_603 : vector<16xi32>
    %mul3A_605 = arith.constant 8 : i32
    %mul3A_606 = vector.broadcast %mul3A_605 : i32 to vector<16xi32>
    %mul3A_607 = arith.muli %shift_right_arithmetic3A_604, %mul3A_606 : vector<16xi32>
    %add3A_608 = arith.addi %add3A_582, %mul3A_607 : vector<16xi32>
    %swap3A_609 = arith.constant 1 : i32
    %swap3A_610 = arith.index_cast %swap3A_609 : i32 to index
    %swap3A_611 = arith.constant 80 : index
    %swap3A_612 = tpu.vector_load %arg13[%swap3A_610, %swap3A_611] {strides = array<i32>} : memref<4x128xi32, #tpu.memory_space<vmem>>, vector<16xi32>,
    tpu.vector_store %arg13[%swap3A_610, %swap3A_611], %add3A_608 {strides = array<i32>} : memref<4x128xi32, #tpu.memory_space<vmem>>, vector<16xi32>,
    %get3A_613 = arith.constant 1 : i32
    %get3A_614 = arith.index_cast %get3A_613 : i32 to index
    %get3A_615 = arith.constant 96 : index
    %get3A_616 = tpu.vector_load %arg9[%get3A_614, %get3A_615] {strides = array<i32>} : memref<4x128xi32, #tpu.memory_space<vmem>>, vector<16xi32>,
    %shift_right_arithmetic3A_617 = arith.constant 3 : i32
    %shift_right_arithmetic3A_618 = vector.broadcast %shift_right_arithmetic3A_617 : i32 to vector<16xi32>
    %shift_right_arithmetic3A_619 = arith.shrsi %get3A_616, %shift_right_arithmetic3A_618 : vector<16xi32>
    %mul3A_620 = arith.constant 256 : i32
    %mul3A_621 = vector.broadcast %mul3A_620 : i32 to vector<16xi32>
    %mul3A_622 = arith.muli %shift_right_arithmetic3A_619, %mul3A_621 : vector<16xi32>
    %and3A_623 = arith.constant 7 : i32
    %and3A_624 = vector.broadcast %and3A_623 : i32 to vector<16xi32>
    %and3A_625 = arith.andi %get3A_616, %and3A_624 : vector<16xi32>
    %add3A_626 = arith.addi %mul3A_622, %and3A_625 : vector<16xi32>
    %get3A_627 = arith.constant 1 : i32
    %get3A_628 = arith.index_cast %get3A_627 : i32 to index
    %get3A_629 = arith.constant 96 : index
    %get3A_630 = tpu.vector_load %arg10[%get3A_628, %get3A_629] {strides = array<i32>} : memref<4x128xi32, #tpu.memory_space<vmem>>, vector<16xi32>,
    %shift_right_arithmetic3A_631 = arith.constant 7 : i32
    %shift_right_arithmetic3A_632 = vector.broadcast %shift_right_arithmetic3A_631 : i32 to vector<16xi32>
    %shift_right_arithmetic3A_633 = arith.shrsi %get3A_630, %shift_right_arithmetic3A_632 : vector<16xi32>
    %mul3A_634 = arith.constant 8 : i32
    %mul3A_635 = vector.broadcast %mul3A_634 : i32 to vector<16xi32>
    %mul3A_636 = arith.muli %shift_right_arithmetic3A_633, %mul3A_635 : vector<16xi32>
    %add3A_637 = arith.addi %add3A_626, %mul3A_636 : vector<16xi32>
    %swap3A_638 = arith.constant 1 : i32
    %swap3A_639 = arith.index_cast %swap3A_638 : i32 to index
    %swap3A_640 = arith.constant 96 : index
    %swap3A_641 = tpu.vector_load %arg12[%swap3A_639, %swap3A_640] {strides = array<i32>} : memref<4x128xi32, #tpu.memory_space<vmem>>, vector<16xi32>,
    tpu.vector_store %arg12[%swap3A_639, %swap3A_640], %add3A_637 {strides = array<i32>} : memref<4x128xi32, #tpu.memory_space<vmem>>, vector<16xi32>,
    %get3A_642 = arith.constant 1 : i32
    %get3A_643 = arith.index_cast %get3A_642 : i32 to index
    %get3A_644 = arith.constant 96 : index
    %get3A_645 = tpu.vector_load %arg11[%get3A_643, %get3A_644] {strides = array<i32>} : memref<4x128xi32, #tpu.memory_space<vmem>>, vector<16xi32>,
    %shift_right_arithmetic3A_646 = arith.constant 7 : i32
    %shift_right_arithmetic3A_647 = vector.broadcast %shift_right_arithmetic3A_646 : i32 to vector<16xi32>
    %shift_right_arithmetic3A_648 = arith.shrsi %get3A_645, %shift_right_arithmetic3A_647 : vector<16xi32>
    %mul3A_649 = arith.constant 8 : i32
    %mul3A_650 = vector.broadcast %mul3A_649 : i32 to vector<16xi32>
    %mul3A_651 = arith.muli %shift_right_arithmetic3A_648, %mul3A_650 : vector<16xi32>
    %add3A_652 = arith.addi %add3A_626, %mul3A_651 : vector<16xi32>
    %swap3A_653 = arith.constant 1 : i32
    %swap3A_654 = arith.index_cast %swap3A_653 : i32 to index
    %swap3A_655 = arith.constant 96 : index
    %swap3A_656 = tpu.vector_load %arg13[%swap3A_654, %swap3A_655] {strides = array<i32>} : memref<4x128xi32, #tpu.memory_space<vmem>>, vector<16xi32>,
    tpu.vector_store %arg13[%swap3A_654, %swap3A_655], %add3A_652 {strides = array<i32>} : memref<4x128xi32, #tpu.memory_space<vmem>>, vector<16xi32>,
    %get3A_657 = arith.constant 1 : i32
    %get3A_658 = arith.index_cast %get3A_657 : i32 to index
    %get3A_659 = arith.constant 112 : index
    %get3A_660 = tpu.vector_load %arg9[%get3A_658, %get3A_659] {strides = array<i32>} : memref<4x128xi32, #tpu.memory_space<vmem>>, vector<16xi32>,
    %shift_right_arithmetic3A_661 = arith.constant 3 : i32
    %shift_right_arithmetic3A_662 = vector.broadcast %shift_right_arithmetic3A_661 : i32 to vector<16xi32>
    %shift_right_arithmetic3A_663 = arith.shrsi %get3A_660, %shift_right_arithmetic3A_662 : vector<16xi32>
    %mul3A_664 = arith.constant 256 : i32
    %mul3A_665 = vector.broadcast %mul3A_664 : i32 to vector<16xi32>
    %mul3A_666 = arith.muli %shift_right_arithmetic3A_663, %mul3A_665 : vector<16xi32>
    %and3A_667 = arith.constant 7 : i32
    %and3A_668 = vector.broadcast %and3A_667 : i32 to vector<16xi32>
    %and3A_669 = arith.andi %get3A_660, %and3A_668 : vector<16xi32>
    %add3A_670 = arith.addi %mul3A_666, %and3A_669 : vector<16xi32>
    %get3A_671 = arith.constant 1 : i32
    %get3A_672 = arith.index_cast %get3A_671 : i32 to index
    %get3A_673 = arith.constant 112 : index
    %get3A_674 = tpu.vector_load %arg10[%get3A_672, %get3A_673] {strides = array<i32>} : memref<4x128xi32, #tpu.memory_space<vmem>>, vector<16xi32>,
    %shift_right_arithmetic3A_675 = arith.constant 7 : i32
    %shift_right_arithmetic3A_676 = vector.broadcast %shift_right_arithmetic3A_675 : i32 to vector<16xi32>
    %shift_right_arithmetic3A_677 = arith.shrsi %get3A_674, %shift_right_arithmetic3A_676 : vector<16xi32>
    %mul3A_678 = arith.constant 8 : i32
    %mul3A_679 = vector.broadcast %mul3A_678 : i32 to vector<16xi32>
    %mul3A_680 = arith.muli %shift_right_arithmetic3A_677, %mul3A_679 : vector<16xi32>
    %add3A_681 = arith.addi %add3A_670, %mul3A_680 : vector<16xi32>
    %swap3A_682 = arith.constant 1 : i32
    %swap3A_683 = arith.index_cast %swap3A_682 : i32 to index
    %swap3A_684 = arith.constant 112 : index
    %swap3A_685 = tpu.vector_load %arg12[%swap3A_683, %swap3A_684] {strides = array<i32>} : memref<4x128xi32, #tpu.memory_space<vmem>>, vector<16xi32>,
    tpu.vector_store %arg12[%swap3A_683, %swap3A_684], %add3A_681 {strides = array<i32>} : memref<4x128xi32, #tpu.memory_space<vmem>>, vector<16xi32>,
    %get3A_686 = arith.constant 1 : i32
    %get3A_687 = arith.index_cast %get3A_686 : i32 to index
    %get3A_688 = arith.constant 112 : index
    %get3A_689 = tpu.vector_load %arg11[%get3A_687, %get3A_688] {strides = array<i32>} : memref<4x128xi32, #tpu.memory_space<vmem>>, vector<16xi32>,
    %shift_right_arithmetic3A_690 = arith.constant 7 : i32
    %shift_right_arithmetic3A_691 = vector.broadcast %shift_right_arithmetic3A_690 : i32 to vector<16xi32>
    %shift_right_arithmetic3A_692 = arith.shrsi %get3A_689, %shift_right_arithmetic3A_691 : vector<16xi32>
    %mul3A_693 = arith.constant 8 : i32
    %mul3A_694 = vector.broadcast %mul3A_693 : i32 to vector<16xi32>
    %mul3A_695 = arith.muli %shift_right_arithmetic3A_692, %mul3A_694 : vector<16xi32>
    %add3A_696 = arith.addi %add3A_670, %mul3A_695 : vector<16xi32>
    %swap3A_697 = arith.constant 1 : i32
    %swap3A_698 = arith.index_cast %swap3A_697 : i32 to index
    %swap3A_699 = arith.constant 112 : index
    %swap3A_700 = tpu.vector_load %arg13[%swap3A_698, %swap3A_699] {strides = array<i32>} : memref<4x128xi32, #tpu.memory_space<vmem>>, vector<16xi32>,
    tpu.vector_store %arg13[%swap3A_698, %swap3A_699], %add3A_696 {strides = array<i32>} : memref<4x128xi32, #tpu.memory_space<vmem>>, vector<16xi32>,
    %get3A_701 = arith.constant 2 : i32
    %get3A_702 = arith.index_cast %get3A_701 : i32 to index
    %get3A_703 = arith.constant 0 : index
    %get3A_704 = tpu.vector_load %arg9[%get3A_702, %get3A_703] {strides = array<i32>} : memref<4x128xi32, #tpu.memory_space<vmem>>, vector<16xi32>,
    %shift_right_arithmetic3A_705 = arith.constant 3 : i32
    %shift_right_arithmetic3A_706 = vector.broadcast %shift_right_arithmetic3A_705 : i32 to vector<16xi32>
    %shift_right_arithmetic3A_707 = arith.shrsi %get3A_704, %shift_right_arithmetic3A_706 : vector<16xi32>
    %mul3A_708 = arith.constant 256 : i32
    %mul3A_709 = vector.broadcast %mul3A_708 : i32 to vector<16xi32>
    %mul3A_710 = arith.muli %shift_right_arithmetic3A_707, %mul3A_709 : vector<16xi32>
    %and3A_711 = arith.constant 7 : i32
    %and3A_712 = vector.broadcast %and3A_711 : i32 to vector<16xi32>
    %and3A_713 = arith.andi %get3A_704, %and3A_712 : vector<16xi32>
    %add3A_714 = arith.addi %mul3A_710, %and3A_713 : vector<16xi32>
    %get3A_715 = arith.constant 2 : i32
    %get3A_716 = arith.index_cast %get3A_715 : i32 to index
    %get3A_717 = arith.constant 0 : index
    %get3A_718 = tpu.vector_load %arg10[%get3A_716, %get3A_717] {strides = array<i32>} : memref<4x128xi32, #tpu.memory_space<vmem>>, vector<16xi32>,
    %shift_right_arithmetic3A_719 = arith.constant 7 : i32
    %shift_right_arithmetic3A_720 = vector.broadcast %shift_right_arithmetic3A_719 : i32 to vector<16xi32>
    %shift_right_arithmetic3A_721 = arith.shrsi %get3A_718, %shift_right_arithmetic3A_720 : vector<16xi32>
    %mul3A_722 = arith.constant 8 : i32
    %mul3A_723 = vector.broadcast %mul3A_722 : i32 to vector<16xi32>
    %mul3A_724 = arith.muli %shift_right_arithmetic3A_721, %mul3A_723 : vector<16xi32>
    %add3A_725 = arith.addi %add3A_714, %mul3A_724 : vector<16xi32>
    %swap3A_726 = arith.constant 2 : i32
    %swap3A_727 = arith.index_cast %swap3A_726 : i32 to index
    %swap3A_728 = arith.constant 0 : index
    %swap3A_729 = tpu.vector_load %arg12[%swap3A_727, %swap3A_728] {strides = array<i32>} : memref<4x128xi32, #tpu.memory_space<vmem>>, vector<16xi32>,
    tpu.vector_store %arg12[%swap3A_727, %swap3A_728], %add3A_725 {strides = array<i32>} : memref<4x128xi32, #tpu.memory_space<vmem>>, vector<16xi32>,
    %get3A_730 = arith.constant 2 : i32
    %get3A_731 = arith.index_cast %get3A_730 : i32 to index
    %get3A_732 = arith.constant 0 : index
    %get3A_733 = tpu.vector_load %arg11[%get3A_731, %get3A_732] {strides = array<i32>} : memref<4x128xi32, #tpu.memory_space<vmem>>, vector<16xi32>,
    %shift_right_arithmetic3A_734 = arith.constant 7 : i32
    %shift_right_arithmetic3A_735 = vector.broadcast %shift_right_arithmetic3A_734 : i32 to vector<16xi32>
    %shift_right_arithmetic3A_736 = arith.shrsi %get3A_733, %shift_right_arithmetic3A_735 : vector<16xi32>
    %mul3A_737 = arith.constant 8 : i32
    %mul3A_738 = vector.broadcast %mul3A_737 : i32 to vector<16xi32>
    %mul3A_739 = arith.muli %shift_right_arithmetic3A_736, %mul3A_738 : vector<16xi32>
    %add3A_740 = arith.addi %add3A_714, %mul3A_739 : vector<16xi32>
    %swap3A_741 = arith.constant 2 : i32
    %swap3A_742 = arith.index_cast %swap3A_741 : i32 to index
    %swap3A_743 = arith.constant 0 : index
    %swap3A_744 = tpu.vector_load %arg13[%swap3A_742, %swap3A_743] {strides = array<i32>} : memref<4x128xi32, #tpu.memory_space<vmem>>, vector<16xi32>,
    tpu.vector_store %arg13[%swap3A_742, %swap3A_743], %add3A_740 {strides = array<i32>} : memref<4x128xi32, #tpu.memory_space<vmem>>, vector<16xi32>,
    %get3A_745 = arith.constant 2 : i32
    %get3A_746 = arith.index_cast %get3A_745 : i32 to index
    %get3A_747 = arith.constant 16 : index
    %get3A_748 = tpu.vector_load %arg9[%get3A_746, %get3A_747] {strides = array<i32>} : memref<4x128xi32, #tpu.memory_space<vmem>>, vector<16xi32>,
    %shift_right_arithmetic3A_749 = arith.constant 3 : i32
    %shift_right_arithmetic3A_750 = vector.broadcast %shift_right_arithmetic3A_749 : i32 to vector<16xi32>
    %shift_right_arithmetic3A_751 = arith.shrsi %get3A_748, %shift_right_arithmetic3A_750 : vector<16xi32>
    %mul3A_752 = arith.constant 256 : i32
    %mul3A_753 = vector.broadcast %mul3A_752 : i32 to vector<16xi32>
    %mul3A_754 = arith.muli %shift_right_arithmetic3A_751, %mul3A_753 : vector<16xi32>
    %and3A_755 = arith.constant 7 : i32
    %and3A_756 = vector.broadcast %and3A_755 : i32 to vector<16xi32>
    %and3A_757 = arith.andi %get3A_748, %and3A_756 : vector<16xi32>
    %add3A_758 = arith.addi %mul3A_754, %and3A_757 : vector<16xi32>
    %get3A_759 = arith.constant 2 : i32
    %get3A_760 = arith.index_cast %get3A_759 : i32 to index
    %get3A_761 = arith.constant 16 : index
    %get3A_762 = tpu.vector_load %arg10[%get3A_760, %get3A_761] {strides = array<i32>} : memref<4x128xi32, #tpu.memory_space<vmem>>, vector<16xi32>,
    %shift_right_arithmetic3A_763 = arith.constant 7 : i32
    %shift_right_arithmetic3A_764 = vector.broadcast %shift_right_arithmetic3A_763 : i32 to vector<16xi32>
    %shift_right_arithmetic3A_765 = arith.shrsi %get3A_762, %shift_right_arithmetic3A_764 : vector<16xi32>
    %mul3A_766 = arith.constant 8 : i32
    %mul3A_767 = vector.broadcast %mul3A_766 : i32 to vector<16xi32>
    %mul3A_768 = arith.muli %shift_right_arithmetic3A_765, %mul3A_767 : vector<16xi32>
    %add3A_769 = arith.addi %add3A_758, %mul3A_768 : vector<16xi32>
    %swap3A_770 = arith.constant 2 : i32
    %swap3A_771 = arith.index_cast %swap3A_770 : i32 to index
    %swap3A_772 = arith.constant 16 : index
    %swap3A_773 = tpu.vector_load %arg12[%swap3A_771, %swap3A_772] {strides = array<i32>} : memref<4x128xi32, #tpu.memory_space<vmem>>, vector<16xi32>,
    tpu.vector_store %arg12[%swap3A_771, %swap3A_772], %add3A_769 {strides = array<i32>} : memref<4x128xi32, #tpu.memory_space<vmem>>, vector<16xi32>,
    %get3A_774 = arith.constant 2 : i32
    %get3A_775 = arith.index_cast %get3A_774 : i32 to index
    %get3A_776 = arith.constant 16 : index
    %get3A_777 = tpu.vector_load %arg11[%get3A_775, %get3A_776] {strides = array<i32>} : memref<4x128xi32, #tpu.memory_space<vmem>>, vector<16xi32>,
    %shift_right_arithmetic3A_778 = arith.constant 7 : i32
    %shift_right_arithmetic3A_779 = vector.broadcast %shift_right_arithmetic3A_778 : i32 to vector<16xi32>
    %shift_right_arithmetic3A_780 = arith.shrsi %get3A_777, %shift_right_arithmetic3A_779 : vector<16xi32>
    %mul3A_781 = arith.constant 8 : i32
    %mul3A_782 = vector.broadcast %mul3A_781 : i32 to vector<16xi32>
    %mul3A_783 = arith.muli %shift_right_arithmetic3A_780, %mul3A_782 : vector<16xi32>
    %add3A_784 = arith.addi %add3A_758, %mul3A_783 : vector<16xi32>
    %swap3A_785 = arith.constant 2 : i32
    %swap3A_786 = arith.index_cast %swap3A_785 : i32 to index
    %swap3A_787 = arith.constant 16 : index
    %swap3A_788 = tpu.vector_load %arg13[%swap3A_786, %swap3A_787] {strides = array<i32>} : memref<4x128xi32, #tpu.memory_space<vmem>>, vector<16xi32>,
    tpu.vector_store %arg13[%swap3A_786, %swap3A_787], %add3A_784 {strides = array<i32>} : memref<4x128xi32, #tpu.memory_space<vmem>>, vector<16xi32>,
    %get3A_789 = arith.constant 2 : i32
    %get3A_790 = arith.index_cast %get3A_789 : i32 to index
    %get3A_791 = arith.constant 32 : index
    %get3A_792 = tpu.vector_load %arg9[%get3A_790, %get3A_791] {strides = array<i32>} : memref<4x128xi32, #tpu.memory_space<vmem>>, vector<16xi32>,
    %shift_right_arithmetic3A_793 = arith.constant 3 : i32
    %shift_right_arithmetic3A_794 = vector.broadcast %shift_right_arithmetic3A_793 : i32 to vector<16xi32>
    %shift_right_arithmetic3A_795 = arith.shrsi %get3A_792, %shift_right_arithmetic3A_794 : vector<16xi32>
    %mul3A_796 = arith.constant 256 : i32
    %mul3A_797 = vector.broadcast %mul3A_796 : i32 to vector<16xi32>
    %mul3A_798 = arith.muli %shift_right_arithmetic3A_795, %mul3A_797 : vector<16xi32>
    %and3A_799 = arith.constant 7 : i32
    %and3A_800 = vector.broadcast %and3A_799 : i32 to vector<16xi32>
    %and3A_801 = arith.andi %get3A_792, %and3A_800 : vector<16xi32>
    %add3A_802 = arith.addi %mul3A_798, %and3A_801 : vector<16xi32>
    %get3A_803 = arith.constant 2 : i32
    %get3A_804 = arith.index_cast %get3A_803 : i32 to index
    %get3A_805 = arith.constant 32 : index
    %get3A_806 = tpu.vector_load %arg10[%get3A_804, %get3A_805] {strides = array<i32>} : memref<4x128xi32, #tpu.memory_space<vmem>>, vector<16xi32>,
    %shift_right_arithmetic3A_807 = arith.constant 7 : i32
    %shift_right_arithmetic3A_808 = vector.broadcast %shift_right_arithmetic3A_807 : i32 to vector<16xi32>
    %shift_right_arithmetic3A_809 = arith.shrsi %get3A_806, %shift_right_arithmetic3A_808 : vector<16xi32>
    %mul3A_810 = arith.constant 8 : i32
    %mul3A_811 = vector.broadcast %mul3A_810 : i32 to vector<16xi32>
    %mul3A_812 = arith.muli %shift_right_arithmetic3A_809, %mul3A_811 : vector<16xi32>
    %add3A_813 = arith.addi %add3A_802, %mul3A_812 : vector<16xi32>
    %swap3A_814 = arith.constant 2 : i32
    %swap3A_815 = arith.index_cast %swap3A_814 : i32 to index
    %swap3A_816 = arith.constant 32 : index
    %swap3A_817 = tpu.vector_load %arg12[%swap3A_815, %swap3A_816] {strides = array<i32>} : memref<4x128xi32, #tpu.memory_space<vmem>>, vector<16xi32>,
    tpu.vector_store %arg12[%swap3A_815, %swap3A_816], %add3A_813 {strides = array<i32>} : memref<4x128xi32, #tpu.memory_space<vmem>>, vector<16xi32>,
    %get3A_818 = arith.constant 2 : i32
    %get3A_819 = arith.index_cast %get3A_818 : i32 to index
    %get3A_820 = arith.constant 32 : index
    %get3A_821 = tpu.vector_load %arg11[%get3A_819, %get3A_820] {strides = array<i32>} : memref<4x128xi32, #tpu.memory_space<vmem>>, vector<16xi32>,
    %shift_right_arithmetic3A_822 = arith.constant 7 : i32
    %shift_right_arithmetic3A_823 = vector.broadcast %shift_right_arithmetic3A_822 : i32 to vector<16xi32>
    %shift_right_arithmetic3A_824 = arith.shrsi %get3A_821, %shift_right_arithmetic3A_823 : vector<16xi32>
    %mul3A_825 = arith.constant 8 : i32
    %mul3A_826 = vector.broadcast %mul3A_825 : i32 to vector<16xi32>
    %mul3A_827 = arith.muli %shift_right_arithmetic3A_824, %mul3A_826 : vector<16xi32>
    %add3A_828 = arith.addi %add3A_802, %mul3A_827 : vector<16xi32>
    %swap3A_829 = arith.constant 2 : i32
    %swap3A_830 = arith.index_cast %swap3A_829 : i32 to index
    %swap3A_831 = arith.constant 32 : index
    %swap3A_832 = tpu.vector_load %arg13[%swap3A_830, %swap3A_831] {strides = array<i32>} : memref<4x128xi32, #tpu.memory_space<vmem>>, vector<16xi32>,
    tpu.vector_store %arg13[%swap3A_830, %swap3A_831], %add3A_828 {strides = array<i32>} : memref<4x128xi32, #tpu.memory_space<vmem>>, vector<16xi32>,
    %get3A_833 = arith.constant 2 : i32
    %get3A_834 = arith.index_cast %get3A_833 : i32 to index
    %get3A_835 = arith.constant 48 : index
    %get3A_836 = tpu.vector_load %arg9[%get3A_834, %get3A_835] {strides = array<i32>} : memref<4x128xi32, #tpu.memory_space<vmem>>, vector<16xi32>,
    %shift_right_arithmetic3A_837 = arith.constant 3 : i32
    %shift_right_arithmetic3A_838 = vector.broadcast %shift_right_arithmetic3A_837 : i32 to vector<16xi32>
    %shift_right_arithmetic3A_839 = arith.shrsi %get3A_836, %shift_right_arithmetic3A_838 : vector<16xi32>
    %mul3A_840 = arith.constant 256 : i32
    %mul3A_841 = vector.broadcast %mul3A_840 : i32 to vector<16xi32>
    %mul3A_842 = arith.muli %shift_right_arithmetic3A_839, %mul3A_841 : vector<16xi32>
    %and3A_843 = arith.constant 7 : i32
    %and3A_844 = vector.broadcast %and3A_843 : i32 to vector<16xi32>
    %and3A_845 = arith.andi %get3A_836, %and3A_844 : vector<16xi32>
    %add3A_846 = arith.addi %mul3A_842, %and3A_845 : vector<16xi32>
    %get3A_847 = arith.constant 2 : i32
    %get3A_848 = arith.index_cast %get3A_847 : i32 to index
    %get3A_849 = arith.constant 48 : index
    %get3A_850 = tpu.vector_load %arg10[%get3A_848, %get3A_849] {strides = array<i32>} : memref<4x128xi32, #tpu.memory_space<vmem>>, vector<16xi32>,
    %shift_right_arithmetic3A_851 = arith.constant 7 : i32
    %shift_right_arithmetic3A_852 = vector.broadcast %shift_right_arithmetic3A_851 : i32 to vector<16xi32>
    %shift_right_arithmetic3A_853 = arith.shrsi %get3A_850, %shift_right_arithmetic3A_852 : vector<16xi32>
    %mul3A_854 = arith.constant 8 : i32
    %mul3A_855 = vector.broadcast %mul3A_854 : i32 to vector<16xi32>
    %mul3A_856 = arith.muli %shift_right_arithmetic3A_853, %mul3A_855 : vector<16xi32>
    %add3A_857 = arith.addi %add3A_846, %mul3A_856 : vector<16xi32>
    %swap3A_858 = arith.constant 2 : i32
    %swap3A_859 = arith.index_cast %swap3A_858 : i32 to index
    %swap3A_860 = arith.constant 48 : index
    %swap3A_861 = tpu.vector_load %arg12[%swap3A_859, %swap3A_860] {strides = array<i32>} : memref<4x128xi32, #tpu.memory_space<vmem>>, vector<16xi32>,
    tpu.vector_store %arg12[%swap3A_859, %swap3A_860], %add3A_857 {strides = array<i32>} : memref<4x128xi32, #tpu.memory_space<vmem>>, vector<16xi32>,
    %get3A_862 = arith.constant 2 : i32
    %get3A_863 = arith.index_cast %get3A_862 : i32 to index
    %get3A_864 = arith.constant 48 : index
    %get3A_865 = tpu.vector_load %arg11[%get3A_863, %get3A_864] {strides = array<i32>} : memref<4x128xi32, #tpu.memory_space<vmem>>, vector<16xi32>,
    %shift_right_arithmetic3A_866 = arith.constant 7 : i32
    %shift_right_arithmetic3A_867 = vector.broadcast %shift_right_arithmetic3A_866 : i32 to vector<16xi32>
    %shift_right_arithmetic3A_868 = arith.shrsi %get3A_865, %shift_right_arithmetic3A_867 : vector<16xi32>
    %mul3A_869 = arith.constant 8 : i32
    %mul3A_870 = vector.broadcast %mul3A_869 : i32 to vector<16xi32>
    %mul3A_871 = arith.muli %shift_right_arithmetic3A_868, %mul3A_870 : vector<16xi32>
    %add3A_872 = arith.addi %add3A_846, %mul3A_871 : vector<16xi32>
    %swap3A_873 = arith.constant 2 : i32
    %swap3A_874 = arith.index_cast %swap3A_873 : i32 to index
    %swap3A_875 = arith.constant 48 : index
    %swap3A_876 = tpu.vector_load %arg13[%swap3A_874, %swap3A_875] {strides = array<i32>} : memref<4x128xi32, #tpu.memory_space<vmem>>, vector<16xi32>,
    tpu.vector_store %arg13[%swap3A_874, %swap3A_875], %add3A_872 {strides = array<i32>} : memref<4x128xi32, #tpu.memory_space<vmem>>, vector<16xi32>,
    %get3A_877 = arith.constant 2 : i32
    %get3A_878 = arith.index_cast %get3A_877 : i32 to index
    %get3A_879 = arith.constant 64 : index
    %get3A_880 = tpu.vector_load %arg9[%get3A_878, %get3A_879] {strides = array<i32>} : memref<4x128xi32, #tpu.memory_space<vmem>>, vector<16xi32>,
    %shift_right_arithmetic3A_881 = arith.constant 3 : i32
    %shift_right_arithmetic3A_882 = vector.broadcast %shift_right_arithmetic3A_881 : i32 to vector<16xi32>
    %shift_right_arithmetic3A_883 = arith.shrsi %get3A_880, %shift_right_arithmetic3A_882 : vector<16xi32>
    %mul3A_884 = arith.constant 256 : i32
    %mul3A_885 = vector.broadcast %mul3A_884 : i32 to vector<16xi32>
    %mul3A_886 = arith.muli %shift_right_arithmetic3A_883, %mul3A_885 : vector<16xi32>
    %and3A_887 = arith.constant 7 : i32
    %and3A_888 = vector.broadcast %and3A_887 : i32 to vector<16xi32>
    %and3A_889 = arith.andi %get3A_880, %and3A_888 : vector<16xi32>
    %add3A_890 = arith.addi %mul3A_886, %and3A_889 : vector<16xi32>
    %get3A_891 = arith.constant 2 : i32
    %get3A_892 = arith.index_cast %get3A_891 : i32 to index
    %get3A_893 = arith.constant 64 : index
    %get3A_894 = tpu.vector_load %arg10[%get3A_892, %get3A_893] {strides = array<i32>} : memref<4x128xi32, #tpu.memory_space<vmem>>, vector<16xi32>,
    %shift_right_arithmetic3A_895 = arith.constant 7 : i32
    %shift_right_arithmetic3A_896 = vector.broadcast %shift_right_arithmetic3A_895 : i32 to vector<16xi32>
    %shift_right_arithmetic3A_897 = arith.shrsi %get3A_894, %shift_right_arithmetic3A_896 : vector<16xi32>
    %mul3A_898 = arith.constant 8 : i32
    %mul3A_899 = vector.broadcast %mul3A_898 : i32 to vector<16xi32>
    %mul3A_900 = arith.muli %shift_right_arithmetic3A_897, %mul3A_899 : vector<16xi32>
    %add3A_901 = arith.addi %add3A_890, %mul3A_900 : vector<16xi32>
    %swap3A_902 = arith.constant 2 : i32
    %swap3A_903 = arith.index_cast %swap3A_902 : i32 to index
    %swap3A_904 = arith.constant 64 : index
    %swap3A_905 = tpu.vector_load %arg12[%swap3A_903, %swap3A_904] {strides = array<i32>} : memref<4x128xi32, #tpu.memory_space<vmem>>, vector<16xi32>,
    tpu.vector_store %arg12[%swap3A_903, %swap3A_904], %add3A_901 {strides = array<i32>} : memref<4x128xi32, #tpu.memory_space<vmem>>, vector<16xi32>,
    %get3A_906 = arith.constant 2 : i32
    %get3A_907 = arith.index_cast %get3A_906 : i32 to index
    %get3A_908 = arith.constant 64 : index
    %get3A_909 = tpu.vector_load %arg11[%get3A_907, %get3A_908] {strides = array<i32>} : memref<4x128xi32, #tpu.memory_space<vmem>>, vector<16xi32>,
    %shift_right_arithmetic3A_910 = arith.constant 7 : i32
    %shift_right_arithmetic3A_911 = vector.broadcast %shift_right_arithmetic3A_910 : i32 to vector<16xi32>
    %shift_right_arithmetic3A_912 = arith.shrsi %get3A_909, %shift_right_arithmetic3A_911 : vector<16xi32>
    %mul3A_913 = arith.constant 8 : i32
    %mul3A_914 = vector.broadcast %mul3A_913 : i32 to vector<16xi32>
    %mul3A_915 = arith.muli %shift_right_arithmetic3A_912, %mul3A_914 : vector<16xi32>
    %add3A_916 = arith.addi %add3A_890, %mul3A_915 : vector<16xi32>
    %swap3A_917 = arith.constant 2 : i32
    %swap3A_918 = arith.index_cast %swap3A_917 : i32 to index
    %swap3A_919 = arith.constant 64 : index
    %swap3A_920 = tpu.vector_load %arg13[%swap3A_918, %swap3A_919] {strides = array<i32>} : memref<4x128xi32, #tpu.memory_space<vmem>>, vector<16xi32>,
    tpu.vector_store %arg13[%swap3A_918, %swap3A_919], %add3A_916 {strides = array<i32>} : memref<4x128xi32, #tpu.memory_space<vmem>>, vector<16xi32>,
    %get3A_921 = arith.constant 2 : i32
    %get3A_922 = arith.index_cast %get3A_921 : i32 to index
    %get3A_923 = arith.constant 80 : index
    %get3A_924 = tpu.vector_load %arg9[%get3A_922, %get3A_923] {strides = array<i32>} : memref<4x128xi32, #tpu.memory_space<vmem>>, vector<16xi32>,
    %shift_right_arithmetic3A_925 = arith.constant 3 : i32
    %shift_right_arithmetic3A_926 = vector.broadcast %shift_right_arithmetic3A_925 : i32 to vector<16xi32>
    %shift_right_arithmetic3A_927 = arith.shrsi %get3A_924, %shift_right_arithmetic3A_926 : vector<16xi32>
    %mul3A_928 = arith.constant 256 : i32
    %mul3A_929 = vector.broadcast %mul3A_928 : i32 to vector<16xi32>
    %mul3A_930 = arith.muli %shift_right_arithmetic3A_927, %mul3A_929 : vector<16xi32>
    %and3A_931 = arith.constant 7 : i32
    %and3A_932 = vector.broadcast %and3A_931 : i32 to vector<16xi32>
    %and3A_933 = arith.andi %get3A_924, %and3A_932 : vector<16xi32>
    %add3A_934 = arith.addi %mul3A_930, %and3A_933 : vector<16xi32>
    %get3A_935 = arith.constant 2 : i32
    %get3A_936 = arith.index_cast %get3A_935 : i32 to index
    %get3A_937 = arith.constant 80 : index
    %get3A_938 = tpu.vector_load %arg10[%get3A_936, %get3A_937] {strides = array<i32>} : memref<4x128xi32, #tpu.memory_space<vmem>>, vector<16xi32>,
    %shift_right_arithmetic3A_939 = arith.constant 7 : i32
    %shift_right_arithmetic3A_940 = vector.broadcast %shift_right_arithmetic3A_939 : i32 to vector<16xi32>
    %shift_right_arithmetic3A_941 = arith.shrsi %get3A_938, %shift_right_arithmetic3A_940 : vector<16xi32>
    %mul3A_942 = arith.constant 8 : i32
    %mul3A_943 = vector.broadcast %mul3A_942 : i32 to vector<16xi32>
    %mul3A_944 = arith.muli %shift_right_arithmetic3A_941, %mul3A_943 : vector<16xi32>
    %add3A_945 = arith.addi %add3A_934, %mul3A_944 : vector<16xi32>
    %swap3A_946 = arith.constant 2 : i32
    %swap3A_947 = arith.index_cast %swap3A_946 : i32 to index
    %swap3A_948 = arith.constant 80 : index
    %swap3A_949 = tpu.vector_load %arg12[%swap3A_947, %swap3A_948] {strides = array<i32>} : memref<4x128xi32, #tpu.memory_space<vmem>>, vector<16xi32>,
    tpu.vector_store %arg12[%swap3A_947, %swap3A_948], %add3A_945 {strides = array<i32>} : memref<4x128xi32, #tpu.memory_space<vmem>>, vector<16xi32>,
    %get3A_950 = arith.constant 2 : i32
    %get3A_951 = arith.index_cast %get3A_950 : i32 to index
    %get3A_952 = arith.constant 80 : index
    %get3A_953 = tpu.vector_load %arg11[%get3A_951, %get3A_952] {strides = array<i32>} : memref<4x128xi32, #tpu.memory_space<vmem>>, vector<16xi32>,
    %shift_right_arithmetic3A_954 = arith.constant 7 : i32
    %shift_right_arithmetic3A_955 = vector.broadcast %shift_right_arithmetic3A_954 : i32 to vector<16xi32>
    %shift_right_arithmetic3A_956 = arith.shrsi %get3A_953, %shift_right_arithmetic3A_955 : vector<16xi32>
    %mul3A_957 = arith.constant 8 : i32
    %mul3A_958 = vector.broadcast %mul3A_957 : i32 to vector<16xi32>
    %mul3A_959 = arith.muli %shift_right_arithmetic3A_956, %mul3A_958 : vector<16xi32>
    %add3A_960 = arith.addi %add3A_934, %mul3A_959 : vector<16xi32>
    %swap3A_961 = arith.constant 2 : i32
    %swap3A_962 = arith.index_cast %swap3A_961 : i32 to index
    %swap3A_963 = arith.constant 80 : index
    %swap3A_964 = tpu.vector_load %arg13[%swap3A_962, %swap3A_963] {strides = array<i32>} : memref<4x128xi32, #tpu.memory_space<vmem>>, vector<16xi32>,
    tpu.vector_store %arg13[%swap3A_962, %swap3A_963], %add3A_960 {strides = array<i32>} : memref<4x128xi32, #tpu.memory_space<vmem>>, vector<16xi32>,
    %get3A_965 = arith.constant 2 : i32
    %get3A_966 = arith.index_cast %get3A_965 : i32 to index
    %get3A_967 = arith.constant 96 : index
    %get3A_968 = tpu.vector_load %arg9[%get3A_966, %get3A_967] {strides = array<i32>} : memref<4x128xi32, #tpu.memory_space<vmem>>, vector<16xi32>,
    %shift_right_arithmetic3A_969 = arith.constant 3 : i32
    %shift_right_arithmetic3A_970 = vector.broadcast %shift_right_arithmetic3A_969 : i32 to vector<16xi32>
    %shift_right_arithmetic3A_971 = arith.shrsi %get3A_968, %shift_right_arithmetic3A_970 : vector<16xi32>
    %mul3A_972 = arith.constant 256 : i32
    %mul3A_973 = vector.broadcast %mul3A_972 : i32 to vector<16xi32>
    %mul3A_974 = arith.muli %shift_right_arithmetic3A_971, %mul3A_973 : vector<16xi32>
    %and3A_975 = arith.constant 7 : i32
    %and3A_976 = vector.broadcast %and3A_975 : i32 to vector<16xi32>
    %and3A_977 = arith.andi %get3A_968, %and3A_976 : vector<16xi32>
    %add3A_978 = arith.addi %mul3A_974, %and3A_977 : vector<16xi32>
    %get3A_979 = arith.constant 2 : i32
    %get3A_980 = arith.index_cast %get3A_979 : i32 to index
    %get3A_981 = arith.constant 96 : index
    %get3A_982 = tpu.vector_load %arg10[%get3A_980, %get3A_981] {strides = array<i32>} : memref<4x128xi32, #tpu.memory_space<vmem>>, vector<16xi32>,
    %shift_right_arithmetic3A_983 = arith.constant 7 : i32
    %shift_right_arithmetic3A_984 = vector.broadcast %shift_right_arithmetic3A_983 : i32 to vector<16xi32>
    %shift_right_arithmetic3A_985 = arith.shrsi %get3A_982, %shift_right_arithmetic3A_984 : vector<16xi32>
    %mul3A_986 = arith.constant 8 : i32
    %mul3A_987 = vector.broadcast %mul3A_986 : i32 to vector<16xi32>
    %mul3A_988 = arith.muli %shift_right_arithmetic3A_985, %mul3A_987 : vector<16xi32>
    %add3A_989 = arith.addi %add3A_978, %mul3A_988 : vector<16xi32>
    %swap3A_990 = arith.constant 2 : i32
    %swap3A_991 = arith.index_cast %swap3A_990 : i32 to index
    %swap3A_992 = arith.constant 96 : index
    %swap3A_993 = tpu.vector_load %arg12[%swap3A_991, %swap3A_992] {strides = array<i32>} : memref<4x128xi32, #tpu.memory_space<vmem>>, vector<16xi32>,
    tpu.vector_store %arg12[%swap3A_991, %swap3A_992], %add3A_989 {strides = array<i32>} : memref<4x128xi32, #tpu.memory_space<vmem>>, vector<16xi32>,
    %get3A_994 = arith.constant 2 : i32
    %get3A_995 = arith.index_cast %get3A_994 : i32 to index
    %get3A_996 = arith.constant 96 : index
    %get3A_997 = tpu.vector_load %arg11[%get3A_995, %get3A_996] {strides = array<i32>} : memref<4x128xi32, #tpu.memory_space<vmem>>, vector<16xi32>,
    %shift_right_arithmetic3A_998 = arith.constant 7 : i32
    %shift_right_arithmetic3A_999 = vector.broadcast %shift_right_arithmetic3A_998 : i32 to vector<16xi32>
    %shift_right_arithmetic3A_1000 = arith.shrsi %get3A_997, %shift_right_arithmetic3A_999 : vector<16xi32>
    %mul3A_1001 = arith.constant 8 : i32
    %mul3A_1002 = vector.broadcast %mul3A_1001 : i32 to vector<16xi32>
    %mul3A_1003 = arith.muli %shift_right_arithmetic3A_1000, %mul3A_1002 : vector<16xi32>
    %add3A_1004 = arith.addi %add3A_978, %mul3A_1003 : vector<16xi32>
    %swap3A_1005 = arith.constant 2 : i32
    %swap3A_1006 = arith.index_cast %swap3A_1005 : i32 to index
    %swap3A_1007 = arith.constant 96 : index
    %swap3A_1008 = tpu.vector_load %arg13[%swap3A_1006, %swap3A_1007] {strides = array<i32>} : memref<4x128xi32, #tpu.memory_space<vmem>>, vector<16xi32>,
    tpu.vector_store %arg13[%swap3A_1006, %swap3A_1007], %add3A_1004 {strides = array<i32>} : memref<4x128xi32, #tpu.memory_space<vmem>>, vector<16xi32>,
    %get3A_1009 = arith.constant 2 : i32
    %get3A_1010 = arith.index_cast %get3A_1009 : i32 to index
    %get3A_1011 = arith.constant 112 : index
    %get3A_1012 = tpu.vector_load %arg9[%get3A_1010, %get3A_1011] {strides = array<i32>} : memref<4x128xi32, #tpu.memory_space<vmem>>, vector<16xi32>,
    %shift_right_arithmetic3A_1013 = arith.constant 3 : i32
    %shift_right_arithmetic3A_1014 = vector.broadcast %shift_right_arithmetic3A_1013 : i32 to vector<16xi32>
    %shift_right_arithmetic3A_1015 = arith.shrsi %get3A_1012, %shift_right_arithmetic3A_1014 : vector<16xi32>
    %mul3A_1016 = arith.constant 256 : i32
    %mul3A_1017 = vector.broadcast %mul3A_1016 : i32 to vector<16xi32>
    %mul3A_1018 = arith.muli %shift_right_arithmetic3A_1015, %mul3A_1017 : vector<16xi32>
    %and3A_1019 = arith.constant 7 : i32
    %and3A_1020 = vector.broadcast %and3A_1019 : i32 to vector<16xi32>
    %and3A_1021 = arith.andi %get3A_1012, %and3A_1020 : vector<16xi32>
    %add3A_1022 = arith.addi %mul3A_1018, %and3A_1021 : vector<16xi32>
    %get3A_1023 = arith.constant 2 : i32
    %get3A_1024 = arith.index_cast %get3A_1023 : i32 to index
    %get3A_1025 = arith.constant 112 : index
    %get3A_1026 = tpu.vector_load %arg10[%get3A_1024, %get3A_1025] {strides = array<i32>} : memref<4x128xi32, #tpu.memory_space<vmem>>, vector<16xi32>,
    %shift_right_arithmetic3A_1027 = arith.constant 7 : i32
    %shift_right_arithmetic3A_1028 = vector.broadcast %shift_right_arithmetic3A_1027 : i32 to vector<16xi32>
    %shift_right_arithmetic3A_1029 = arith.shrsi %get3A_1026, %shift_right_arithmetic3A_1028 : vector<16xi32>
    %mul3A_1030 = arith.constant 8 : i32
    %mul3A_1031 = vector.broadcast %mul3A_1030 : i32 to vector<16xi32>
    %mul3A_1032 = arith.muli %shift_right_arithmetic3A_1029, %mul3A_1031 : vector<16xi32>
    %add3A_1033 = arith.addi %add3A_1022, %mul3A_1032 : vector<16xi32>
    %swap3A_1034 = arith.constant 2 : i32
    %swap3A_1035 = arith.index_cast %swap3A_1034 : i32 to index
    %swap3A_1036 = arith.constant 112 : index
    %swap3A_1037 = tpu.vector_load %arg12[%swap3A_1035, %swap3A_1036] {strides = array<i32>} : memref<4x128xi32, #tpu.memory_space<vmem>>, vector<16xi32>,
    tpu.vector_store %arg12[%swap3A_1035, %swap3A_1036], %add3A_1033 {strides = array<i32>} : memref<4x128xi32, #tpu.memory_space<vmem>>, vector<16xi32>,
    %get3A_1038 = arith.constant 2 : i32
    %get3A_1039 = arith.index_cast %get3A_1038 : i32 to index
    %get3A_1040 = arith.constant 112 : index
    %get3A_1041 = tpu.vector_load %arg11[%get3A_1039, %get3A_1040] {strides = array<i32>} : memref<4x128xi32, #tpu.memory_space<vmem>>, vector<16xi32>,
    %shift_right_arithmetic3A_1042 = arith.constant 7 : i32
    %shift_right_arithmetic3A_1043 = vector.broadcast %shift_right_arithmetic3A_1042 : i32 to vector<16xi32>
    %shift_right_arithmetic3A_1044 = arith.shrsi %get3A_1041, %shift_right_arithmetic3A_1043 : vector<16xi32>
    %mul3A_1045 = arith.constant 8 : i32
    %mul3A_1046 = vector.broadcast %mul3A_1045 : i32 to vector<16xi32>
    %mul3A_1047 = arith.muli %shift_right_arithmetic3A_1044, %mul3A_1046 : vector<16xi32>
    %add3A_1048 = arith.addi %add3A_1022, %mul3A_1047 : vector<16xi32>
    %swap3A_1049 = arith.constant 2 : i32
    %swap3A_1050 = arith.index_cast %swap3A_1049 : i32 to index
    %swap3A_1051 = arith.constant 112 : index
    %swap3A_1052 = tpu.vector_load %arg13[%swap3A_1050, %swap3A_1051] {strides = array<i32>} : memref<4x128xi32, #tpu.memory_space<vmem>>, vector<16xi32>,
    tpu.vector_store %arg13[%swap3A_1050, %swap3A_1051], %add3A_1048 {strides = array<i32>} : memref<4x128xi32, #tpu.memory_space<vmem>>, vector<16xi32>,
    %get3A_1053 = arith.constant 3 : i32
    %get3A_1054 = arith.index_cast %get3A_1053 : i32 to index
    %get3A_1055 = arith.constant 0 : index
    %get3A_1056 = tpu.vector_load %arg9[%get3A_1054, %get3A_1055] {strides = array<i32>} : memref<4x128xi32, #tpu.memory_space<vmem>>, vector<16xi32>,
    %shift_right_arithmetic3A_1057 = arith.constant 3 : i32
    %shift_right_arithmetic3A_1058 = vector.broadcast %shift_right_arithmetic3A_1057 : i32 to vector<16xi32>
    %shift_right_arithmetic3A_1059 = arith.shrsi %get3A_1056, %shift_right_arithmetic3A_1058 : vector<16xi32>
    %mul3A_1060 = arith.constant 256 : i32
    %mul3A_1061 = vector.broadcast %mul3A_1060 : i32 to vector<16xi32>
    %mul3A_1062 = arith.muli %shift_right_arithmetic3A_1059, %mul3A_1061 : vector<16xi32>
    %and3A_1063 = arith.constant 7 : i32
    %and3A_1064 = vector.broadcast %and3A_1063 : i32 to vector<16xi32>
    %and3A_1065 = arith.andi %get3A_1056, %and3A_1064 : vector<16xi32>
    %add3A_1066 = arith.addi %mul3A_1062, %and3A_1065 : vector<16xi32>
    %get3A_1067 = arith.constant 3 : i32
    %get3A_1068 = arith.index_cast %get3A_1067 : i32 to index
    %get3A_1069 = arith.constant 0 : index
    %get3A_1070 = tpu.vector_load %arg10[%get3A_1068, %get3A_1069] {strides = array<i32>} : memref<4x128xi32, #tpu.memory_space<vmem>>, vector<16xi32>,
    %shift_right_arithmetic3A_1071 = arith.constant 7 : i32
    %shift_right_arithmetic3A_1072 = vector.broadcast %shift_right_arithmetic3A_1071 : i32 to vector<16xi32>
    %shift_right_arithmetic3A_1073 = arith.shrsi %get3A_1070, %shift_right_arithmetic3A_1072 : vector<16xi32>
    %mul3A_1074 = arith.constant 8 : i32
    %mul3A_1075 = vector.broadcast %mul3A_1074 : i32 to vector<16xi32>
    %mul3A_1076 = arith.muli %shift_right_arithmetic3A_1073, %mul3A_1075 : vector<16xi32>
    %add3A_1077 = arith.addi %add3A_1066, %mul3A_1076 : vector<16xi32>
    %swap3A_1078 = arith.constant 3 : i32
    %swap3A_1079 = arith.index_cast %swap3A_1078 : i32 to index
    %swap3A_1080 = arith.constant 0 : index
    %swap3A_1081 = tpu.vector_load %arg12[%swap3A_1079, %swap3A_1080] {strides = array<i32>} : memref<4x128xi32, #tpu.memory_space<vmem>>, vector<16xi32>,
    tpu.vector_store %arg12[%swap3A_1079, %swap3A_1080], %add3A_1077 {strides = array<i32>} : memref<4x128xi32, #tpu.memory_space<vmem>>, vector<16xi32>,
    %get3A_1082 = arith.constant 3 : i32
    %get3A_1083 = arith.index_cast %get3A_1082 : i32 to index
    %get3A_1084 = arith.constant 0 : index
    %get3A_1085 = tpu.vector_load %arg11[%get3A_1083, %get3A_1084] {strides = array<i32>} : memref<4x128xi32, #tpu.memory_space<vmem>>, vector<16xi32>,
    %shift_right_arithmetic3A_1086 = arith.constant 7 : i32
    %shift_right_arithmetic3A_1087 = vector.broadcast %shift_right_arithmetic3A_1086 : i32 to vector<16xi32>
    %shift_right_arithmetic3A_1088 = arith.shrsi %get3A_1085, %shift_right_arithmetic3A_1087 : vector<16xi32>
    %mul3A_1089 = arith.constant 8 : i32
    %mul3A_1090 = vector.broadcast %mul3A_1089 : i32 to vector<16xi32>
    %mul3A_1091 = arith.muli %shift_right_arithmetic3A_1088, %mul3A_1090 : vector<16xi32>
    %add3A_1092 = arith.addi %add3A_1066, %mul3A_1091 : vector<16xi32>
    %swap3A_1093 = arith.constant 3 : i32
    %swap3A_1094 = arith.index_cast %swap3A_1093 : i32 to index
    %swap3A_1095 = arith.constant 0 : index
    %swap3A_1096 = tpu.vector_load %arg13[%swap3A_1094, %swap3A_1095] {strides = array<i32>} : memref<4x128xi32, #tpu.memory_space<vmem>>, vector<16xi32>,
    tpu.vector_store %arg13[%swap3A_1094, %swap3A_1095], %add3A_1092 {strides = array<i32>} : memref<4x128xi32, #tpu.memory_space<vmem>>, vector<16xi32>,
    %get3A_1097 = arith.constant 3 : i32
    %get3A_1098 = arith.index_cast %get3A_1097 : i32 to index
    %get3A_1099 = arith.constant 16 : index
    %get3A_1100 = tpu.vector_load %arg9[%get3A_1098, %get3A_1099] {strides = array<i32>} : memref<4x128xi32, #tpu.memory_space<vmem>>, vector<16xi32>,
    %shift_right_arithmetic3A_1101 = arith.constant 3 : i32
    %shift_right_arithmetic3A_1102 = vector.broadcast %shift_right_arithmetic3A_1101 : i32 to vector<16xi32>
    %shift_right_arithmetic3A_1103 = arith.shrsi %get3A_1100, %shift_right_arithmetic3A_1102 : vector<16xi32>
    %mul3A_1104 = arith.constant 256 : i32
    %mul3A_1105 = vector.broadcast %mul3A_1104 : i32 to vector<16xi32>
    %mul3A_1106 = arith.muli %shift_right_arithmetic3A_1103, %mul3A_1105 : vector<16xi32>
    %and3A_1107 = arith.constant 7 : i32
    %and3A_1108 = vector.broadcast %and3A_1107 : i32 to vector<16xi32>
    %and3A_1109 = arith.andi %get3A_1100, %and3A_1108 : vector<16xi32>
    %add3A_1110 = arith.addi %mul3A_1106, %and3A_1109 : vector<16xi32>
    %get3A_1111 = arith.constant 3 : i32
    %get3A_1112 = arith.index_cast %get3A_1111 : i32 to index
    %get3A_1113 = arith.constant 16 : index
    %get3A_1114 = tpu.vector_load %arg10[%get3A_1112, %get3A_1113] {strides = array<i32>} : memref<4x128xi32, #tpu.memory_space<vmem>>, vector<16xi32>,
    %shift_right_arithmetic3A_1115 = arith.constant 7 : i32
    %shift_right_arithmetic3A_1116 = vector.broadcast %shift_right_arithmetic3A_1115 : i32 to vector<16xi32>
    %shift_right_arithmetic3A_1117 = arith.shrsi %get3A_1114, %shift_right_arithmetic3A_1116 : vector<16xi32>
    %mul3A_1118 = arith.constant 8 : i32
    %mul3A_1119 = vector.broadcast %mul3A_1118 : i32 to vector<16xi32>
    %mul3A_1120 = arith.muli %shift_right_arithmetic3A_1117, %mul3A_1119 : vector<16xi32>
    %add3A_1121 = arith.addi %add3A_1110, %mul3A_1120 : vector<16xi32>
    %swap3A_1122 = arith.constant 3 : i32
    %swap3A_1123 = arith.index_cast %swap3A_1122 : i32 to index
    %swap3A_1124 = arith.constant 16 : index
    %swap3A_1125 = tpu.vector_load %arg12[%swap3A_1123, %swap3A_1124] {strides = array<i32>} : memref<4x128xi32, #tpu.memory_space<vmem>>, vector<16xi32>,
    tpu.vector_store %arg12[%swap3A_1123, %swap3A_1124], %add3A_1121 {strides = array<i32>} : memref<4x128xi32, #tpu.memory_space<vmem>>, vector<16xi32>,
    %get3A_1126 = arith.constant 3 : i32
    %get3A_1127 = arith.index_cast %get3A_1126 : i32 to index
    %get3A_1128 = arith.constant 16 : index
    %get3A_1129 = tpu.vector_load %arg11[%get3A_1127, %get3A_1128] {strides = array<i32>} : memref<4x128xi32, #tpu.memory_space<vmem>>, vector<16xi32>,
    %shift_right_arithmetic3A_1130 = arith.constant 7 : i32
    %shift_right_arithmetic3A_1131 = vector.broadcast %shift_right_arithmetic3A_1130 : i32 to vector<16xi32>
    %shift_right_arithmetic3A_1132 = arith.shrsi %get3A_1129, %shift_right_arithmetic3A_1131 : vector<16xi32>
    %mul3A_1133 = arith.constant 8 : i32
    %mul3A_1134 = vector.broadcast %mul3A_1133 : i32 to vector<16xi32>
    %mul3A_1135 = arith.muli %shift_right_arithmetic3A_1132, %mul3A_1134 : vector<16xi32>
    %add3A_1136 = arith.addi %add3A_1110, %mul3A_1135 : vector<16xi32>
    %swap3A_1137 = arith.constant 3 : i32
    %swap3A_1138 = arith.index_cast %swap3A_1137 : i32 to index
    %swap3A_1139 = arith.constant 16 : index
    %swap3A_1140 = tpu.vector_load %arg13[%swap3A_1138, %swap3A_1139] {strides = array<i32>} : memref<4x128xi32, #tpu.memory_space<vmem>>, vector<16xi32>,
    tpu.vector_store %arg13[%swap3A_1138, %swap3A_1139], %add3A_1136 {strides = array<i32>} : memref<4x128xi32, #tpu.memory_space<vmem>>, vector<16xi32>,
    %get3A_1141 = arith.constant 3 : i32
    %get3A_1142 = arith.index_cast %get3A_1141 : i32 to index
    %get3A_1143 = arith.constant 32 : index
    %get3A_1144 = tpu.vector_load %arg9[%get3A_1142, %get3A_1143] {strides = array<i32>} : memref<4x128xi32, #tpu.memory_space<vmem>>, vector<16xi32>,
    %shift_right_arithmetic3A_1145 = arith.constant 3 : i32
    %shift_right_arithmetic3A_1146 = vector.broadcast %shift_right_arithmetic3A_1145 : i32 to vector<16xi32>
    %shift_right_arithmetic3A_1147 = arith.shrsi %get3A_1144, %shift_right_arithmetic3A_1146 : vector<16xi32>
    %mul3A_1148 = arith.constant 256 : i32
    %mul3A_1149 = vector.broadcast %mul3A_1148 : i32 to vector<16xi32>
    %mul3A_1150 = arith.muli %shift_right_arithmetic3A_1147, %mul3A_1149 : vector<16xi32>
    %and3A_1151 = arith.constant 7 : i32
    %and3A_1152 = vector.broadcast %and3A_1151 : i32 to vector<16xi32>
    %and3A_1153 = arith.andi %get3A_1144, %and3A_1152 : vector<16xi32>
    %add3A_1154 = arith.addi %mul3A_1150, %and3A_1153 : vector<16xi32>
    %get3A_1155 = arith.constant 3 : i32
    %get3A_1156 = arith.index_cast %get3A_1155 : i32 to index
    %get3A_1157 = arith.constant 32 : index
    %get3A_1158 = tpu.vector_load %arg10[%get3A_1156, %get3A_1157] {strides = array<i32>} : memref<4x128xi32, #tpu.memory_space<vmem>>, vector<16xi32>,
    %shift_right_arithmetic3A_1159 = arith.constant 7 : i32
    %shift_right_arithmetic3A_1160 = vector.broadcast %shift_right_arithmetic3A_1159 : i32 to vector<16xi32>
    %shift_right_arithmetic3A_1161 = arith.shrsi %get3A_1158, %shift_right_arithmetic3A_1160 : vector<16xi32>
    %mul3A_1162 = arith.constant 8 : i32
    %mul3A_1163 = vector.broadcast %mul3A_1162 : i32 to vector<16xi32>
    %mul3A_1164 = arith.muli %shift_right_arithmetic3A_1161, %mul3A_1163 : vector<16xi32>
    %add3A_1165 = arith.addi %add3A_1154, %mul3A_1164 : vector<16xi32>
    %swap3A_1166 = arith.constant 3 : i32
    %swap3A_1167 = arith.index_cast %swap3A_1166 : i32 to index
    %swap3A_1168 = arith.constant 32 : index
    %swap3A_1169 = tpu.vector_load %arg12[%swap3A_1167, %swap3A_1168] {strides = array<i32>} : memref<4x128xi32, #tpu.memory_space<vmem>>, vector<16xi32>,
    tpu.vector_store %arg12[%swap3A_1167, %swap3A_1168], %add3A_1165 {strides = array<i32>} : memref<4x128xi32, #tpu.memory_space<vmem>>, vector<16xi32>,
    %get3A_1170 = arith.constant 3 : i32
    %get3A_1171 = arith.index_cast %get3A_1170 : i32 to index
    %get3A_1172 = arith.constant 32 : index
    %get3A_1173 = tpu.vector_load %arg11[%get3A_1171, %get3A_1172] {strides = array<i32>} : memref<4x128xi32, #tpu.memory_space<vmem>>, vector<16xi32>,
    %shift_right_arithmetic3A_1174 = arith.constant 7 : i32
    %shift_right_arithmetic3A_1175 = vector.broadcast %shift_right_arithmetic3A_1174 : i32 to vector<16xi32>
    %shift_right_arithmetic3A_1176 = arith.shrsi %get3A_1173, %shift_right_arithmetic3A_1175 : vector<16xi32>
    %mul3A_1177 = arith.constant 8 : i32
    %mul3A_1178 = vector.broadcast %mul3A_1177 : i32 to vector<16xi32>
    %mul3A_1179 = arith.muli %shift_right_arithmetic3A_1176, %mul3A_1178 : vector<16xi32>
    %add3A_1180 = arith.addi %add3A_1154, %mul3A_1179 : vector<16xi32>
    %swap3A_1181 = arith.constant 3 : i32
    %swap3A_1182 = arith.index_cast %swap3A_1181 : i32 to index
    %swap3A_1183 = arith.constant 32 : index
    %swap3A_1184 = tpu.vector_load %arg13[%swap3A_1182, %swap3A_1183] {strides = array<i32>} : memref<4x128xi32, #tpu.memory_space<vmem>>, vector<16xi32>,
    tpu.vector_store %arg13[%swap3A_1182, %swap3A_1183], %add3A_1180 {strides = array<i32>} : memref<4x128xi32, #tpu.memory_space<vmem>>, vector<16xi32>,
    %get3A_1185 = arith.constant 3 : i32
    %get3A_1186 = arith.index_cast %get3A_1185 : i32 to index
    %get3A_1187 = arith.constant 48 : index
    %get3A_1188 = tpu.vector_load %arg9[%get3A_1186, %get3A_1187] {strides = array<i32>} : memref<4x128xi32, #tpu.memory_space<vmem>>, vector<16xi32>,
    %shift_right_arithmetic3A_1189 = arith.constant 3 : i32
    %shift_right_arithmetic3A_1190 = vector.broadcast %shift_right_arithmetic3A_1189 : i32 to vector<16xi32>
    %shift_right_arithmetic3A_1191 = arith.shrsi %get3A_1188, %shift_right_arithmetic3A_1190 : vector<16xi32>
    %mul3A_1192 = arith.constant 256 : i32
    %mul3A_1193 = vector.broadcast %mul3A_1192 : i32 to vector<16xi32>
    %mul3A_1194 = arith.muli %shift_right_arithmetic3A_1191, %mul3A_1193 : vector<16xi32>
    %and3A_1195 = arith.constant 7 : i32
    %and3A_1196 = vector.broadcast %and3A_1195 : i32 to vector<16xi32>
    %and3A_1197 = arith.andi %get3A_1188, %and3A_1196 : vector<16xi32>
    %add3A_1198 = arith.addi %mul3A_1194, %and3A_1197 : vector<16xi32>
    %get3A_1199 = arith.constant 3 : i32
    %get3A_1200 = arith.index_cast %get3A_1199 : i32 to index
    %get3A_1201 = arith.constant 48 : index
    %get3A_1202 = tpu.vector_load %arg10[%get3A_1200, %get3A_1201] {strides = array<i32>} : memref<4x128xi32, #tpu.memory_space<vmem>>, vector<16xi32>,
    %shift_right_arithmetic3A_1203 = arith.constant 7 : i32
    %shift_right_arithmetic3A_1204 = vector.broadcast %shift_right_arithmetic3A_1203 : i32 to vector<16xi32>
    %shift_right_arithmetic3A_1205 = arith.shrsi %get3A_1202, %shift_right_arithmetic3A_1204 : vector<16xi32>
    %mul3A_1206 = arith.constant 8 : i32
    %mul3A_1207 = vector.broadcast %mul3A_1206 : i32 to vector<16xi32>
    %mul3A_1208 = arith.muli %shift_right_arithmetic3A_1205, %mul3A_1207 : vector<16xi32>
    %add3A_1209 = arith.addi %add3A_1198, %mul3A_1208 : vector<16xi32>
    %swap3A_1210 = arith.constant 3 : i32
    %swap3A_1211 = arith.index_cast %swap3A_1210 : i32 to index
    %swap3A_1212 = arith.constant 48 : index
    %swap3A_1213 = tpu.vector_load %arg12[%swap3A_1211, %swap3A_1212] {strides = array<i32>} : memref<4x128xi32, #tpu.memory_space<vmem>>, vector<16xi32>,
    tpu.vector_store %arg12[%swap3A_1211, %swap3A_1212], %add3A_1209 {strides = array<i32>} : memref<4x128xi32, #tpu.memory_space<vmem>>, vector<16xi32>,
    %get3A_1214 = arith.constant 3 : i32
    %get3A_1215 = arith.index_cast %get3A_1214 : i32 to index
    %get3A_1216 = arith.constant 48 : index
    %get3A_1217 = tpu.vector_load %arg11[%get3A_1215, %get3A_1216] {strides = array<i32>} : memref<4x128xi32, #tpu.memory_space<vmem>>, vector<16xi32>,
    %shift_right_arithmetic3A_1218 = arith.constant 7 : i32
    %shift_right_arithmetic3A_1219 = vector.broadcast %shift_right_arithmetic3A_1218 : i32 to vector<16xi32>
    %shift_right_arithmetic3A_1220 = arith.shrsi %get3A_1217, %shift_right_arithmetic3A_1219 : vector<16xi32>
    %mul3A_1221 = arith.constant 8 : i32
    %mul3A_1222 = vector.broadcast %mul3A_1221 : i32 to vector<16xi32>
    %mul3A_1223 = arith.muli %shift_right_arithmetic3A_1220, %mul3A_1222 : vector<16xi32>
    %add3A_1224 = arith.addi %add3A_1198, %mul3A_1223 : vector<16xi32>
    %swap3A_1225 = arith.constant 3 : i32
    %swap3A_1226 = arith.index_cast %swap3A_1225 : i32 to index
    %swap3A_1227 = arith.constant 48 : index
    %swap3A_1228 = tpu.vector_load %arg13[%swap3A_1226, %swap3A_1227] {strides = array<i32>} : memref<4x128xi32, #tpu.memory_space<vmem>>, vector<16xi32>,
    tpu.vector_store %arg13[%swap3A_1226, %swap3A_1227], %add3A_1224 {strides = array<i32>} : memref<4x128xi32, #tpu.memory_space<vmem>>, vector<16xi32>,
    %get3A_1229 = arith.constant 3 : i32
    %get3A_1230 = arith.index_cast %get3A_1229 : i32 to index
    %get3A_1231 = arith.constant 64 : index
    %get3A_1232 = tpu.vector_load %arg9[%get3A_1230, %get3A_1231] {strides = array<i32>} : memref<4x128xi32, #tpu.memory_space<vmem>>, vector<16xi32>,
    %shift_right_arithmetic3A_1233 = arith.constant 3 : i32
    %shift_right_arithmetic3A_1234 = vector.broadcast %shift_right_arithmetic3A_1233 : i32 to vector<16xi32>
    %shift_right_arithmetic3A_1235 = arith.shrsi %get3A_1232, %shift_right_arithmetic3A_1234 : vector<16xi32>
    %mul3A_1236 = arith.constant 256 : i32
    %mul3A_1237 = vector.broadcast %mul3A_1236 : i32 to vector<16xi32>
    %mul3A_1238 = arith.muli %shift_right_arithmetic3A_1235, %mul3A_1237 : vector<16xi32>
    %and3A_1239 = arith.constant 7 : i32
    %and3A_1240 = vector.broadcast %and3A_1239 : i32 to vector<16xi32>
    %and3A_1241 = arith.andi %get3A_1232, %and3A_1240 : vector<16xi32>
    %add3A_1242 = arith.addi %mul3A_1238, %and3A_1241 : vector<16xi32>
    %get3A_1243 = arith.constant 3 : i32
    %get3A_1244 = arith.index_cast %get3A_1243 : i32 to index
    %get3A_1245 = arith.constant 64 : index
    %get3A_1246 = tpu.vector_load %arg10[%get3A_1244, %get3A_1245] {strides = array<i32>} : memref<4x128xi32, #tpu.memory_space<vmem>>, vector<16xi32>,
    %shift_right_arithmetic3A_1247 = arith.constant 7 : i32
    %shift_right_arithmetic3A_1248 = vector.broadcast %shift_right_arithmetic3A_1247 : i32 to vector<16xi32>
    %shift_right_arithmetic3A_1249 = arith.shrsi %get3A_1246, %shift_right_arithmetic3A_1248 : vector<16xi32>
    %mul3A_1250 = arith.constant 8 : i32
    %mul3A_1251 = vector.broadcast %mul3A_1250 : i32 to vector<16xi32>
    %mul3A_1252 = arith.muli %shift_right_arithmetic3A_1249, %mul3A_1251 : vector<16xi32>
    %add3A_1253 = arith.addi %add3A_1242, %mul3A_1252 : vector<16xi32>
    %swap3A_1254 = arith.constant 3 : i32
    %swap3A_1255 = arith.index_cast %swap3A_1254 : i32 to index
    %swap3A_1256 = arith.constant 64 : index
    %swap3A_1257 = tpu.vector_load %arg12[%swap3A_1255, %swap3A_1256] {strides = array<i32>} : memref<4x128xi32, #tpu.memory_space<vmem>>, vector<16xi32>,
    tpu.vector_store %arg12[%swap3A_1255, %swap3A_1256], %add3A_1253 {strides = array<i32>} : memref<4x128xi32, #tpu.memory_space<vmem>>, vector<16xi32>,
    %get3A_1258 = arith.constant 3 : i32
    %get3A_1259 = arith.index_cast %get3A_1258 : i32 to index
    %get3A_1260 = arith.constant 64 : index
    %get3A_1261 = tpu.vector_load %arg11[%get3A_1259, %get3A_1260] {strides = array<i32>} : memref<4x128xi32, #tpu.memory_space<vmem>>, vector<16xi32>,
    %shift_right_arithmetic3A_1262 = arith.constant 7 : i32
    %shift_right_arithmetic3A_1263 = vector.broadcast %shift_right_arithmetic3A_1262 : i32 to vector<16xi32>
    %shift_right_arithmetic3A_1264 = arith.shrsi %get3A_1261, %shift_right_arithmetic3A_1263 : vector<16xi32>
    %mul3A_1265 = arith.constant 8 : i32
    %mul3A_1266 = vector.broadcast %mul3A_1265 : i32 to vector<16xi32>
    %mul3A_1267 = arith.muli %shift_right_arithmetic3A_1264, %mul3A_1266 : vector<16xi32>
    %add3A_1268 = arith.addi %add3A_1242, %mul3A_1267 : vector<16xi32>
    %swap3A_1269 = arith.constant 3 : i32
    %swap3A_1270 = arith.index_cast %swap3A_1269 : i32 to index
    %swap3A_1271 = arith.constant 64 : index
    %swap3A_1272 = tpu.vector_load %arg13[%swap3A_1270, %swap3A_1271] {strides = array<i32>} : memref<4x128xi32, #tpu.memory_space<vmem>>, vector<16xi32>,
    tpu.vector_store %arg13[%swap3A_1270, %swap3A_1271], %add3A_1268 {strides = array<i32>} : memref<4x128xi32, #tpu.memory_space<vmem>>, vector<16xi32>,
    %get3A_1273 = arith.constant 3 : i32
    %get3A_1274 = arith.index_cast %get3A_1273 : i32 to index
    %get3A_1275 = arith.constant 80 : index
    %get3A_1276 = tpu.vector_load %arg9[%get3A_1274, %get3A_1275] {strides = array<i32>} : memref<4x128xi32, #tpu.memory_space<vmem>>, vector<16xi32>,
    %shift_right_arithmetic3A_1277 = arith.constant 3 : i32
    %shift_right_arithmetic3A_1278 = vector.broadcast %shift_right_arithmetic3A_1277 : i32 to vector<16xi32>
    %shift_right_arithmetic3A_1279 = arith.shrsi %get3A_1276, %shift_right_arithmetic3A_1278 : vector<16xi32>
    %mul3A_1280 = arith.constant 256 : i32
    %mul3A_1281 = vector.broadcast %mul3A_1280 : i32 to vector<16xi32>
    %mul3A_1282 = arith.muli %shift_right_arithmetic3A_1279, %mul3A_1281 : vector<16xi32>
    %and3A_1283 = arith.constant 7 : i32
    %and3A_1284 = vector.broadcast %and3A_1283 : i32 to vector<16xi32>
    %and3A_1285 = arith.andi %get3A_1276, %and3A_1284 : vector<16xi32>
    %add3A_1286 = arith.addi %mul3A_1282, %and3A_1285 : vector<16xi32>
    %get3A_1287 = arith.constant 3 : i32
    %get3A_1288 = arith.index_cast %get3A_1287 : i32 to index
    %get3A_1289 = arith.constant 80 : index
    %get3A_1290 = tpu.vector_load %arg10[%get3A_1288, %get3A_1289] {strides = array<i32>} : memref<4x128xi32, #tpu.memory_space<vmem>>, vector<16xi32>,
    %shift_right_arithmetic3A_1291 = arith.constant 7 : i32
    %shift_right_arithmetic3A_1292 = vector.broadcast %shift_right_arithmetic3A_1291 : i32 to vector<16xi32>
    %shift_right_arithmetic3A_1293 = arith.shrsi %get3A_1290, %shift_right_arithmetic3A_1292 : vector<16xi32>
    %mul3A_1294 = arith.constant 8 : i32
    %mul3A_1295 = vector.broadcast %mul3A_1294 : i32 to vector<16xi32>
    %mul3A_1296 = arith.muli %shift_right_arithmetic3A_1293, %mul3A_1295 : vector<16xi32>
    %add3A_1297 = arith.addi %add3A_1286, %mul3A_1296 : vector<16xi32>
    %swap3A_1298 = arith.constant 3 : i32
    %swap3A_1299 = arith.index_cast %swap3A_1298 : i32 to index
    %swap3A_1300 = arith.constant 80 : index
    %swap3A_1301 = tpu.vector_load %arg12[%swap3A_1299, %swap3A_1300] {strides = array<i32>} : memref<4x128xi32, #tpu.memory_space<vmem>>, vector<16xi32>,
    tpu.vector_store %arg12[%swap3A_1299, %swap3A_1300], %add3A_1297 {strides = array<i32>} : memref<4x128xi32, #tpu.memory_space<vmem>>, vector<16xi32>,
    %get3A_1302 = arith.constant 3 : i32
    %get3A_1303 = arith.index_cast %get3A_1302 : i32 to index
    %get3A_1304 = arith.constant 80 : index
    %get3A_1305 = tpu.vector_load %arg11[%get3A_1303, %get3A_1304] {strides = array<i32>} : memref<4x128xi32, #tpu.memory_space<vmem>>, vector<16xi32>,
    %shift_right_arithmetic3A_1306 = arith.constant 7 : i32
    %shift_right_arithmetic3A_1307 = vector.broadcast %shift_right_arithmetic3A_1306 : i32 to vector<16xi32>
    %shift_right_arithmetic3A_1308 = arith.shrsi %get3A_1305, %shift_right_arithmetic3A_1307 : vector<16xi32>
    %mul3A_1309 = arith.constant 8 : i32
    %mul3A_1310 = vector.broadcast %mul3A_1309 : i32 to vector<16xi32>
    %mul3A_1311 = arith.muli %shift_right_arithmetic3A_1308, %mul3A_1310 : vector<16xi32>
    %add3A_1312 = arith.addi %add3A_1286, %mul3A_1311 : vector<16xi32>
    %swap3A_1313 = arith.constant 3 : i32
    %swap3A_1314 = arith.index_cast %swap3A_1313 : i32 to index
    %swap3A_1315 = arith.constant 80 : index
    %swap3A_1316 = tpu.vector_load %arg13[%swap3A_1314, %swap3A_1315] {strides = array<i32>} : memref<4x128xi32, #tpu.memory_space<vmem>>, vector<16xi32>,
    tpu.vector_store %arg13[%swap3A_1314, %swap3A_1315], %add3A_1312 {strides = array<i32>} : memref<4x128xi32, #tpu.memory_space<vmem>>, vector<16xi32>,
    %get3A_1317 = arith.constant 3 : i32
    %get3A_1318 = arith.index_cast %get3A_1317 : i32 to index
    %get3A_1319 = arith.constant 96 : index
    %get3A_1320 = tpu.vector_load %arg9[%get3A_1318, %get3A_1319] {strides = array<i32>} : memref<4x128xi32, #tpu.memory_space<vmem>>, vector<16xi32>,
    %shift_right_arithmetic3A_1321 = arith.constant 3 : i32
    %shift_right_arithmetic3A_1322 = vector.broadcast %shift_right_arithmetic3A_1321 : i32 to vector<16xi32>
    %shift_right_arithmetic3A_1323 = arith.shrsi %get3A_1320, %shift_right_arithmetic3A_1322 : vector<16xi32>
    %mul3A_1324 = arith.constant 256 : i32
    %mul3A_1325 = vector.broadcast %mul3A_1324 : i32 to vector<16xi32>
    %mul3A_1326 = arith.muli %shift_right_arithmetic3A_1323, %mul3A_1325 : vector<16xi32>
    %and3A_1327 = arith.constant 7 : i32
    %and3A_1328 = vector.broadcast %and3A_1327 : i32 to vector<16xi32>
    %and3A_1329 = arith.andi %get3A_1320, %and3A_1328 : vector<16xi32>
    %add3A_1330 = arith.addi %mul3A_1326, %and3A_1329 : vector<16xi32>
    %get3A_1331 = arith.constant 3 : i32
    %get3A_1332 = arith.index_cast %get3A_1331 : i32 to index
    %get3A_1333 = arith.constant 96 : index
    %get3A_1334 = tpu.vector_load %arg10[%get3A_1332, %get3A_1333] {strides = array<i32>} : memref<4x128xi32, #tpu.memory_space<vmem>>, vector<16xi32>,
    %shift_right_arithmetic3A_1335 = arith.constant 7 : i32
    %shift_right_arithmetic3A_1336 = vector.broadcast %shift_right_arithmetic3A_1335 : i32 to vector<16xi32>
    %shift_right_arithmetic3A_1337 = arith.shrsi %get3A_1334, %shift_right_arithmetic3A_1336 : vector<16xi32>
    %mul3A_1338 = arith.constant 8 : i32
    %mul3A_1339 = vector.broadcast %mul3A_1338 : i32 to vector<16xi32>
    %mul3A_1340 = arith.muli %shift_right_arithmetic3A_1337, %mul3A_1339 : vector<16xi32>
    %add3A_1341 = arith.addi %add3A_1330, %mul3A_1340 : vector<16xi32>
    %swap3A_1342 = arith.constant 3 : i32
    %swap3A_1343 = arith.index_cast %swap3A_1342 : i32 to index
    %swap3A_1344 = arith.constant 96 : index
    %swap3A_1345 = tpu.vector_load %arg12[%swap3A_1343, %swap3A_1344] {strides = array<i32>} : memref<4x128xi32, #tpu.memory_space<vmem>>, vector<16xi32>,
    tpu.vector_store %arg12[%swap3A_1343, %swap3A_1344], %add3A_1341 {strides = array<i32>} : memref<4x128xi32, #tpu.memory_space<vmem>>, vector<16xi32>,
    %get3A_1346 = arith.constant 3 : i32
    %get3A_1347 = arith.index_cast %get3A_1346 : i32 to index
    %get3A_1348 = arith.constant 96 : index
    %get3A_1349 = tpu.vector_load %arg11[%get3A_1347, %get3A_1348] {strides = array<i32>} : memref<4x128xi32, #tpu.memory_space<vmem>>, vector<16xi32>,
    %shift_right_arithmetic3A_1350 = arith.constant 7 : i32
    %shift_right_arithmetic3A_1351 = vector.broadcast %shift_right_arithmetic3A_1350 : i32 to vector<16xi32>
    %shift_right_arithmetic3A_1352 = arith.shrsi %get3A_1349, %shift_right_arithmetic3A_1351 : vector<16xi32>
    %mul3A_1353 = arith.constant 8 : i32
    %mul3A_1354 = vector.broadcast %mul3A_1353 : i32 to vector<16xi32>
    %mul3A_1355 = arith.muli %shift_right_arithmetic3A_1352, %mul3A_1354 : vector<16xi32>
    %add3A_1356 = arith.addi %add3A_1330, %mul3A_1355 : vector<16xi32>
    %swap3A_1357 = arith.constant 3 : i32
    %swap3A_1358 = arith.index_cast %swap3A_1357 : i32 to index
    %swap3A_1359 = arith.constant 96 : index
    %swap3A_1360 = tpu.vector_load %arg13[%swap3A_1358, %swap3A_1359] {strides = array<i32>} : memref<4x128xi32, #tpu.memory_space<vmem>>, vector<16xi32>,
    tpu.vector_store %arg13[%swap3A_1358, %swap3A_1359], %add3A_1356 {strides = array<i32>} : memref<4x128xi32, #tpu.memory_space<vmem>>, vector<16xi32>,
    %get3A_1361 = arith.constant 3 : i32
    %get3A_1362 = arith.index_cast %get3A_1361 : i32 to index
    %get3A_1363 = arith.constant 112 : index
    %get3A_1364 = tpu.vector_load %arg9[%get3A_1362, %get3A_1363] {strides = array<i32>} : memref<4x128xi32, #tpu.memory_space<vmem>>, vector<16xi32>,
    %shift_right_arithmetic3A_1365 = arith.constant 3 : i32
    %shift_right_arithmetic3A_1366 = vector.broadcast %shift_right_arithmetic3A_1365 : i32 to vector<16xi32>
    %shift_right_arithmetic3A_1367 = arith.shrsi %get3A_1364, %shift_right_arithmetic3A_1366 : vector<16xi32>
    %mul3A_1368 = arith.constant 256 : i32
    %mul3A_1369 = vector.broadcast %mul3A_1368 : i32 to vector<16xi32>
    %mul3A_1370 = arith.muli %shift_right_arithmetic3A_1367, %mul3A_1369 : vector<16xi32>
    %and3A_1371 = arith.constant 7 : i32
    %and3A_1372 = vector.broadcast %and3A_1371 : i32 to vector<16xi32>
    %and3A_1373 = arith.andi %get3A_1364, %and3A_1372 : vector<16xi32>
    %add3A_1374 = arith.addi %mul3A_1370, %and3A_1373 : vector<16xi32>
    %get3A_1375 = arith.constant 3 : i32
    %get3A_1376 = arith.index_cast %get3A_1375 : i32 to index
    %get3A_1377 = arith.constant 112 : index
    %get3A_1378 = tpu.vector_load %arg10[%get3A_1376, %get3A_1377] {strides = array<i32>} : memref<4x128xi32, #tpu.memory_space<vmem>>, vector<16xi32>,
    %shift_right_arithmetic3A_1379 = arith.constant 7 : i32
    %shift_right_arithmetic3A_1380 = vector.broadcast %shift_right_arithmetic3A_1379 : i32 to vector<16xi32>
    %shift_right_arithmetic3A_1381 = arith.shrsi %get3A_1378, %shift_right_arithmetic3A_1380 : vector<16xi32>
    %mul3A_1382 = arith.constant 8 : i32
    %mul3A_1383 = vector.broadcast %mul3A_1382 : i32 to vector<16xi32>
    %mul3A_1384 = arith.muli %shift_right_arithmetic3A_1381, %mul3A_1383 : vector<16xi32>
    %add3A_1385 = arith.addi %add3A_1374, %mul3A_1384 : vector<16xi32>
    %swap3A_1386 = arith.constant 3 : i32
    %swap3A_1387 = arith.index_cast %swap3A_1386 : i32 to index
    %swap3A_1388 = arith.constant 112 : index
    %swap3A_1389 = tpu.vector_load %arg12[%swap3A_1387, %swap3A_1388] {strides = array<i32>} : memref<4x128xi32, #tpu.memory_space<vmem>>, vector<16xi32>,
    tpu.vector_store %arg12[%swap3A_1387, %swap3A_1388], %add3A_1385 {strides = array<i32>} : memref<4x128xi32, #tpu.memory_space<vmem>>, vector<16xi32>,
    %get3A_1390 = arith.constant 3 : i32
    %get3A_1391 = arith.index_cast %get3A_1390 : i32 to index
    %get3A_1392 = arith.constant 112 : index
    %get3A_1393 = tpu.vector_load %arg11[%get3A_1391, %get3A_1392] {strides = array<i32>} : memref<4x128xi32, #tpu.memory_space<vmem>>, vector<16xi32>,
    %shift_right_arithmetic3A_1394 = arith.constant 7 : i32
    %shift_right_arithmetic3A_1395 = vector.broadcast %shift_right_arithmetic3A_1394 : i32 to vector<16xi32>
    %shift_right_arithmetic3A_1396 = arith.shrsi %get3A_1393, %shift_right_arithmetic3A_1395 : vector<16xi32>
    %mul3A_1397 = arith.constant 8 : i32
    %mul3A_1398 = vector.broadcast %mul3A_1397 : i32 to vector<16xi32>
    %mul3A_1399 = arith.muli %shift_right_arithmetic3A_1396, %mul3A_1398 : vector<16xi32>
    %add3A_1400 = arith.addi %add3A_1374, %mul3A_1399 : vector<16xi32>
    %swap3A_1401 = arith.constant 3 : i32
    %swap3A_1402 = arith.index_cast %swap3A_1401 : i32 to index
    %swap3A_1403 = arith.constant 112 : index
    %swap3A_1404 = tpu.vector_load %arg13[%swap3A_1402, %swap3A_1403] {strides = array<i32>} : memref<4x128xi32, #tpu.memory_space<vmem>>, vector<16xi32>,
    tpu.vector_store %arg13[%swap3A_1402, %swap3A_1403], %add3A_1400 {strides = array<i32>} : memref<4x128xi32, #tpu.memory_space<vmem>>, vector<16xi32>,
    %dma_start3A = arith.constant 0 : i32
    %dma_start3A_1405 = arith.constant 0 : i32
    %dma_start3A_1406 = arith.constant 0 : i32
    %dma_start3A_1407 = arith.constant 0 : i32
    %dma_start3A_1408 = tpu.memref_slice %arg14[%dma_start3A_1405, %dma_start3A_1406, %dma_start3A_1407] : memref<2x128x128xf32, #tpu.memory_space<vmem>> -> memref<1x128x128xf32, #tpu.memory_space<vmem>>
    %dma_start3A_1409 = tpu.memref_squeeze %dma_start3A_1408 : memref<1x128x128xf32, #tpu.memory_space<vmem>> -> memref<128x128xf32, #tpu.memory_space<vmem>>
    %dma_start3A_1410 = arith.constant 0 : i32
    %dma_start3A_1411 = tpu.memref_slice %arg12[%dma_start3A, %dma_start3A_1410] : memref<4x128xi32, #tpu.memory_space<vmem>> -> memref<1x128xi32, #tpu.memory_space<vmem>>
    %dma_start3A_1412 = tpu.memref_squeeze %dma_start3A_1411 : memref<1x128xi32, #tpu.memory_space<vmem>> -> memref<128xi32, #tpu.memory_space<vmem>>
    %dma_start3A_1413 = arith.constant 0 : i32
    %dma_start3A_1414 = arith.constant 0 : i32
    %dma_start3A_1415 = tpu.memref_slice %arg2[%dma_start3A_1413, %dma_start3A_1414] : memref<131072x128xf32, #tpu.memory_space<hbm>> -> memref<131072x128xf32, #tpu.memory_space<hbm>>
    tpu.enqueue_indirect_dma source(%dma_start3A_1415 : memref<131072x128xf32, #tpu.memory_space<hbm>>) target(%dma_start3A_1409 : memref<128x128xf32, #tpu.memory_space<vmem>>) offsets(%dma_start3A_1412 : memref<128xi32, #tpu.memory_space<vmem>>) semaphore(%arg17 : memref<!tpu.dma_semaphore, #tpu.memory_space<semaphore_mem>>)
    %dma_start3A_1416 = arith.constant 0 : i32
    %dma_start3A_1417 = arith.constant 0 : i32
    %dma_start3A_1418 = arith.constant 0 : i32
    %dma_start3A_1419 = arith.constant 0 : i32
    %dma_start3A_1420 = tpu.memref_slice %arg15[%dma_start3A_1417, %dma_start3A_1418, %dma_start3A_1419] : memref<2x128x128xf32, #tpu.memory_space<vmem>> -> memref<1x128x128xf32, #tpu.memory_space<vmem>>
    %dma_start3A_1421 = tpu.memref_squeeze %dma_start3A_1420 : memref<1x128x128xf32, #tpu.memory_space<vmem>> -> memref<128x128xf32, #tpu.memory_space<vmem>>
    %dma_start3A_1422 = arith.constant 0 : i32
    %dma_start3A_1423 = tpu.memref_slice %arg13[%dma_start3A_1416, %dma_start3A_1422] : memref<4x128xi32, #tpu.memory_space<vmem>> -> memref<1x128xi32, #tpu.memory_space<vmem>>
    %dma_start3A_1424 = tpu.memref_squeeze %dma_start3A_1423 : memref<1x128xi32, #tpu.memory_space<vmem>> -> memref<128xi32, #tpu.memory_space<vmem>>
    %dma_start3A_1425 = arith.constant 0 : i32
    %dma_start3A_1426 = arith.constant 0 : i32
    %dma_start3A_1427 = tpu.memref_slice %arg2[%dma_start3A_1425, %dma_start3A_1426] : memref<131072x128xf32, #tpu.memory_space<hbm>> -> memref<131072x128xf32, #tpu.memory_space<hbm>>
    tpu.enqueue_indirect_dma source(%dma_start3A_1427 : memref<131072x128xf32, #tpu.memory_space<hbm>>) target(%dma_start3A_1421 : memref<128x128xf32, #tpu.memory_space<vmem>>) offsets(%dma_start3A_1424 : memref<128xi32, #tpu.memory_space<vmem>>) semaphore(%arg17 : memref<!tpu.dma_semaphore, #tpu.memory_space<semaphore_mem>>)
    %dma_start3A_1428 = arith.constant 1 : i32
    %dma_start3A_1429 = arith.constant 1 : i32
    %dma_start3A_1430 = arith.constant 0 : i32
    %dma_start3A_1431 = arith.constant 0 : i32
    %dma_start3A_1432 = tpu.memref_slice %arg14[%dma_start3A_1429, %dma_start3A_1430, %dma_start3A_1431] : memref<2x128x128xf32, #tpu.memory_space<vmem>> -> memref<1x128x128xf32, #tpu.memory_space<vmem>>
    %dma_start3A_1433 = tpu.memref_squeeze %dma_start3A_1432 : memref<1x128x128xf32, #tpu.memory_space<vmem>> -> memref<128x128xf32, #tpu.memory_space<vmem>>
    %dma_start3A_1434 = arith.constant 0 : i32
    %dma_start3A_1435 = tpu.memref_slice %arg12[%dma_start3A_1428, %dma_start3A_1434] : memref<4x128xi32, #tpu.memory_space<vmem>> -> memref<1x128xi32, #tpu.memory_space<vmem>>
    %dma_start3A_1436 = tpu.memref_squeeze %dma_start3A_1435 : memref<1x128xi32, #tpu.memory_space<vmem>> -> memref<128xi32, #tpu.memory_space<vmem>>
    %dma_start3A_1437 = arith.constant 0 : i32
    %dma_start3A_1438 = arith.constant 0 : i32
    %dma_start3A_1439 = tpu.memref_slice %arg2[%dma_start3A_1437, %dma_start3A_1438] : memref<131072x128xf32, #tpu.memory_space<hbm>> -> memref<131072x128xf32, #tpu.memory_space<hbm>>
    tpu.enqueue_indirect_dma source(%dma_start3A_1439 : memref<131072x128xf32, #tpu.memory_space<hbm>>) target(%dma_start3A_1433 : memref<128x128xf32, #tpu.memory_space<vmem>>) offsets(%dma_start3A_1436 : memref<128xi32, #tpu.memory_space<vmem>>) semaphore(%arg17 : memref<!tpu.dma_semaphore, #tpu.memory_space<semaphore_mem>>)
    %dma_start3A_1440 = arith.constant 1 : i32
    %dma_start3A_1441 = arith.constant 1 : i32
    %dma_start3A_1442 = arith.constant 0 : i32
    %dma_start3A_1443 = arith.constant 0 : i32
    %dma_start3A_1444 = tpu.memref_slice %arg15[%dma_start3A_1441, %dma_start3A_1442, %dma_start3A_1443] : memref<2x128x128xf32, #tpu.memory_space<vmem>> -> memref<1x128x128xf32, #tpu.memory_space<vmem>>
    %dma_start3A_1445 = tpu.memref_squeeze %dma_start3A_1444 : memref<1x128x128xf32, #tpu.memory_space<vmem>> -> memref<128x128xf32, #tpu.memory_space<vmem>>
    %dma_start3A_1446 = arith.constant 0 : i32
    %dma_start3A_1447 = tpu.memref_slice %arg13[%dma_start3A_1440, %dma_start3A_1446] : memref<4x128xi32, #tpu.memory_space<vmem>> -> memref<1x128xi32, #tpu.memory_space<vmem>>
    %dma_start3A_1448 = tpu.memref_squeeze %dma_start3A_1447 : memref<1x128xi32, #tpu.memory_space<vmem>> -> memref<128xi32, #tpu.memory_space<vmem>>
    %dma_start3A_1449 = arith.constant 0 : i32
    %dma_start3A_1450 = arith.constant 0 : i32
    %dma_start3A_1451 = tpu.memref_slice %arg2[%dma_start3A_1449, %dma_start3A_1450] : memref<131072x128xf32, #tpu.memory_space<hbm>> -> memref<131072x128xf32, #tpu.memory_space<hbm>>
    tpu.enqueue_indirect_dma source(%dma_start3A_1451 : memref<131072x128xf32, #tpu.memory_space<hbm>>) target(%dma_start3A_1445 : memref<128x128xf32, #tpu.memory_space<vmem>>) offsets(%dma_start3A_1448 : memref<128xi32, #tpu.memory_space<vmem>>) semaphore(%arg17 : memref<!tpu.dma_semaphore, #tpu.memory_space<semaphore_mem>>)
    tpu.wait_dma2 semaphore(%arg18 : memref<!tpu.dma_semaphore, #tpu.memory_space<semaphore_mem>>) src(%arg3 : memref<4096xf32, #tpu.memory_space<hbm>>) dst(%arg8 : memref<4096xf32, #tpu.memory_space<vmem>>)
    %iota3A = tpu.iota {dimensions = array<i32: 0>} : vector<16xi32>
    %dma_wait3A = arith.constant 0 : i32
    %dma_wait3A_1452 = arith.constant 0 : i32
    %dma_wait3A_1453 = arith.constant 0 : i32
    %dma_wait3A_1454 = arith.constant 0 : i32
    %dma_wait3A_1455 = tpu.memref_slice %arg14[%dma_wait3A_1452, %dma_wait3A_1453, %dma_wait3A_1454] : memref<2x128x128xf32, #tpu.memory_space<vmem>> -> memref<1x128x128xf32, #tpu.memory_space<vmem>>
    %dma_wait3A_1456 = tpu.memref_squeeze %dma_wait3A_1455 : memref<1x128x128xf32, #tpu.memory_space<vmem>> -> memref<128x128xf32, #tpu.memory_space<vmem>>
    %dma_wait3A_1457 = arith.constant 0 : i32
    %dma_wait3A_1458 = tpu.memref_slice %arg12[%dma_wait3A, %dma_wait3A_1457] : memref<4x128xi32, #tpu.memory_space<vmem>> -> memref<1x128xi32, #tpu.memory_space<vmem>>
    %dma_wait3A_1459 = tpu.memref_squeeze %dma_wait3A_1458 : memref<1x128xi32, #tpu.memory_space<vmem>> -> memref<128xi32, #tpu.memory_space<vmem>>
    %dma_wait3A_1460 = arith.constant 0 : i32
    %dma_wait3A_1461 = arith.constant 0 : i32
    %dma_wait3A_1462 = tpu.memref_slice %arg2[%dma_wait3A_1460, %dma_wait3A_1461] : memref<131072x128xf32, #tpu.memory_space<hbm>> -> memref<131072x128xf32, #tpu.memory_space<hbm>>
    tpu.wait_indirect_dma semaphore(%arg17 : memref<!tpu.dma_semaphore, #tpu.memory_space<semaphore_mem>>) src(%dma_wait3A_1462 : memref<131072x128xf32, #tpu.memory_space<hbm>>) dst(%dma_wait3A_1456 : memref<128x128xf32, #tpu.memory_space<vmem>>)
    %dma_wait3A_1463 = arith.constant 0 : i32
    %dma_wait3A_1464 = arith.constant 0 : i32
    %dma_wait3A_1465 = arith.constant 0 : i32
    %dma_wait3A_1466 = arith.constant 0 : i32
    %dma_wait3A_1467 = tpu.memref_slice %arg15[%dma_wait3A_1464, %dma_wait3A_1465, %dma_wait3A_1466] : memref<2x128x128xf32, #tpu.memory_space<vmem>> -> memref<1x128x128xf32, #tpu.memory_space<vmem>>
    %dma_wait3A_1468 = tpu.memref_squeeze %dma_wait3A_1467 : memref<1x128x128xf32, #tpu.memory_space<vmem>> -> memref<128x128xf32, #tpu.memory_space<vmem>>
    %dma_wait3A_1469 = arith.constant 0 : i32
    %dma_wait3A_1470 = tpu.memref_slice %arg13[%dma_wait3A_1463, %dma_wait3A_1469] : memref<4x128xi32, #tpu.memory_space<vmem>> -> memref<1x128xi32, #tpu.memory_space<vmem>>
    %dma_wait3A_1471 = tpu.memref_squeeze %dma_wait3A_1470 : memref<1x128xi32, #tpu.memory_space<vmem>> -> memref<128xi32, #tpu.memory_space<vmem>>
    %dma_wait3A_1472 = arith.constant 0 : i32
    %dma_wait3A_1473 = arith.constant 0 : i32
    %dma_wait3A_1474 = tpu.memref_slice %arg2[%dma_wait3A_1472, %dma_wait3A_1473] : memref<131072x128xf32, #tpu.memory_space<hbm>> -> memref<131072x128xf32, #tpu.memory_space<hbm>>
    tpu.wait_indirect_dma semaphore(%arg17 : memref<!tpu.dma_semaphore, #tpu.memory_space<semaphore_mem>>) src(%dma_wait3A_1474 : memref<131072x128xf32, #tpu.memory_space<hbm>>) dst(%dma_wait3A_1468 : memref<128x128xf32, #tpu.memory_space<vmem>>)
    %add3A_1475 = arith.constant 0 : i32
    %add3A_1476 = vector.broadcast %add3A_1475 : i32 to vector<16xi32>
    %add3A_1477 = arith.addi %add3A_1476, %iota3A : vector<16xi32>
    %get3A_1478 = arith.constant 0 : i32
    %get3A_1479 = arith.index_cast %get3A_1478 : i32 to index
    %get3A_1480 = arith.constant 0 : index
    %get3A_1481 = tpu.vector_load %arg10[%get3A_1479, %get3A_1480] {strides = array<i32>} : memref<4x128xi32, #tpu.memory_space<vmem>>, vector<16xi32>,
    %get3A_1482 = arith.constant 0 : i32
    %get3A_1483 = arith.index_cast %get3A_1482 : i32 to index
    %get3A_1484 = arith.constant 0 : index
    %get3A_1485 = tpu.vector_load %arg11[%get3A_1483, %get3A_1484] {strides = array<i32>} : memref<4x128xi32, #tpu.memory_space<vmem>>, vector<16xi32>,
    %and3A_1486 = arith.constant 127 : i32
    %and3A_1487 = vector.broadcast %and3A_1486 : i32 to vector<16xi32>
    %and3A_1488 = arith.andi %get3A_1481, %and3A_1487 : vector<16xi32>
    %gather3A = arith.constant 0 : i32
    %gather3A_1489 = arith.constant 0 : i32
    %gather3A_1490 = arith.constant 0 : i32
    %gather3A_1491 = tpu.memref_slice %arg14[%gather3A, %gather3A_1489, %gather3A_1490] : memref<2x128x128xf32, #tpu.memory_space<vmem>> -> memref<1x128x128xf32, #tpu.memory_space<vmem>>
    %gather3A_1492 = tpu.memref_squeeze %gather3A_1491 : memref<1x128x128xf32, #tpu.memory_space<vmem>> -> memref<128x128xf32, #tpu.memory_space<vmem>>
    %gather3A_1493 = tpu.vector_load_idx %gather3A_1492[%add3A_1477, %and3A_1488] : memref<128x128xf32, #tpu.memory_space<vmem>>[vector<16xi32>, vector<16xi32>], vector<16xf32>,
    %and3A_1494 = arith.constant 127 : i32
    %and3A_1495 = vector.broadcast %and3A_1494 : i32 to vector<16xi32>
    %and3A_1496 = arith.andi %get3A_1485, %and3A_1495 : vector<16xi32>
    %gather3A_1497 = arith.constant 0 : i32
    %gather3A_1498 = arith.constant 0 : i32
    %gather3A_1499 = arith.constant 0 : i32
    %gather3A_1500 = tpu.memref_slice %arg15[%gather3A_1497, %gather3A_1498, %gather3A_1499] : memref<2x128x128xf32, #tpu.memory_space<vmem>> -> memref<1x128x128xf32, #tpu.memory_space<vmem>>
    %gather3A_1501 = tpu.memref_squeeze %gather3A_1500 : memref<1x128x128xf32, #tpu.memory_space<vmem>> -> memref<128x128xf32, #tpu.memory_space<vmem>>
    %gather3A_1502 = tpu.vector_load_idx %gather3A_1501[%add3A_1477, %and3A_1496] : memref<128x128xf32, #tpu.memory_space<vmem>>[vector<16xi32>, vector<16xi32>], vector<16xf32>,
    %gather3A_1503 = tpu.vector_load_idx %arg8[%get3A_1481] : memref<4096xf32, #tpu.memory_space<vmem>>[vector<16xi32>], vector<16xf32>,
    %gather3A_1504 = tpu.vector_load_idx %arg8[%get3A_1485] : memref<4096xf32, #tpu.memory_space<vmem>>[vector<16xi32>], vector<16xf32>,
    %sub3A = arith.subf %gather3A_1493, %gather3A_1503 : vector<16xf32>
    %sub3A_1505 = arith.subf %gather3A_1502, %gather3A_1504 : vector<16xf32>
    %mul3A_1506 = arith.mulf %sub3A, %sub3A_1505 : vector<16xf32>
    %swap3A_1507 = arith.constant 0 : i32
    %swap3A_1508 = arith.index_cast %swap3A_1507 : i32 to index
    %swap3A_1509 = arith.constant 0 : index
    %swap3A_1510 = tpu.vector_load %arg16[%swap3A_1508, %swap3A_1509] {strides = array<i32>} : memref<4x128xf32, #tpu.memory_space<vmem>>, vector<16xf32>,
    tpu.vector_store %arg16[%swap3A_1508, %swap3A_1509], %mul3A_1506 {strides = array<i32>} : memref<4x128xf32, #tpu.memory_space<vmem>>, vector<16xf32>,
    %add3A_1511 = arith.constant 16 : i32
    %add3A_1512 = vector.broadcast %add3A_1511 : i32 to vector<16xi32>
    %add3A_1513 = arith.addi %add3A_1512, %iota3A : vector<16xi32>
    %get3A_1514 = arith.constant 0 : i32
    %get3A_1515 = arith.index_cast %get3A_1514 : i32 to index
    %get3A_1516 = arith.constant 16 : index
    %get3A_1517 = tpu.vector_load %arg10[%get3A_1515, %get3A_1516] {strides = array<i32>} : memref<4x128xi32, #tpu.memory_space<vmem>>, vector<16xi32>,
    %get3A_1518 = arith.constant 0 : i32
    %get3A_1519 = arith.index_cast %get3A_1518 : i32 to index
    %get3A_1520 = arith.constant 16 : index
    %get3A_1521 = tpu.vector_load %arg11[%get3A_1519, %get3A_1520] {strides = array<i32>} : memref<4x128xi32, #tpu.memory_space<vmem>>, vector<16xi32>,
    %and3A_1522 = arith.constant 127 : i32
    %and3A_1523 = vector.broadcast %and3A_1522 : i32 to vector<16xi32>
    %and3A_1524 = arith.andi %get3A_1517, %and3A_1523 : vector<16xi32>
    %gather3A_1525 = arith.constant 0 : i32
    %gather3A_1526 = arith.constant 0 : i32
    %gather3A_1527 = arith.constant 0 : i32
    %gather3A_1528 = tpu.memref_slice %arg14[%gather3A_1525, %gather3A_1526, %gather3A_1527] : memref<2x128x128xf32, #tpu.memory_space<vmem>> -> memref<1x128x128xf32, #tpu.memory_space<vmem>>
    %gather3A_1529 = tpu.memref_squeeze %gather3A_1528 : memref<1x128x128xf32, #tpu.memory_space<vmem>> -> memref<128x128xf32, #tpu.memory_space<vmem>>
    %gather3A_1530 = tpu.vector_load_idx %gather3A_1529[%add3A_1513, %and3A_1524] : memref<128x128xf32, #tpu.memory_space<vmem>>[vector<16xi32>, vector<16xi32>], vector<16xf32>,
    %and3A_1531 = arith.constant 127 : i32
    %and3A_1532 = vector.broadcast %and3A_1531 : i32 to vector<16xi32>
    %and3A_1533 = arith.andi %get3A_1521, %and3A_1532 : vector<16xi32>
    %gather3A_1534 = arith.constant 0 : i32
    %gather3A_1535 = arith.constant 0 : i32
    %gather3A_1536 = arith.constant 0 : i32
    %gather3A_1537 = tpu.memref_slice %arg15[%gather3A_1534, %gather3A_1535, %gather3A_1536] : memref<2x128x128xf32, #tpu.memory_space<vmem>> -> memref<1x128x128xf32, #tpu.memory_space<vmem>>
    %gather3A_1538 = tpu.memref_squeeze %gather3A_1537 : memref<1x128x128xf32, #tpu.memory_space<vmem>> -> memref<128x128xf32, #tpu.memory_space<vmem>>
    %gather3A_1539 = tpu.vector_load_idx %gather3A_1538[%add3A_1513, %and3A_1533] : memref<128x128xf32, #tpu.memory_space<vmem>>[vector<16xi32>, vector<16xi32>], vector<16xf32>,
    %gather3A_1540 = tpu.vector_load_idx %arg8[%get3A_1517] : memref<4096xf32, #tpu.memory_space<vmem>>[vector<16xi32>], vector<16xf32>,
    %gather3A_1541 = tpu.vector_load_idx %arg8[%get3A_1521] : memref<4096xf32, #tpu.memory_space<vmem>>[vector<16xi32>], vector<16xf32>,
    %sub3A_1542 = arith.subf %gather3A_1530, %gather3A_1540 : vector<16xf32>
    %sub3A_1543 = arith.subf %gather3A_1539, %gather3A_1541 : vector<16xf32>
    %mul3A_1544 = arith.mulf %sub3A_1542, %sub3A_1543 : vector<16xf32>
    %swap3A_1545 = arith.constant 0 : i32
    %swap3A_1546 = arith.index_cast %swap3A_1545 : i32 to index
    %swap3A_1547 = arith.constant 16 : index
    %swap3A_1548 = tpu.vector_load %arg16[%swap3A_1546, %swap3A_1547] {strides = array<i32>} : memref<4x128xf32, #tpu.memory_space<vmem>>, vector<16xf32>,
    tpu.vector_store %arg16[%swap3A_1546, %swap3A_1547], %mul3A_1544 {strides = array<i32>} : memref<4x128xf32, #tpu.memory_space<vmem>>, vector<16xf32>,
    %add3A_1549 = arith.constant 32 : i32
    %add3A_1550 = vector.broadcast %add3A_1549 : i32 to vector<16xi32>
    %add3A_1551 = arith.addi %add3A_1550, %iota3A : vector<16xi32>
    %get3A_1552 = arith.constant 0 : i32
    %get3A_1553 = arith.index_cast %get3A_1552 : i32 to index
    %get3A_1554 = arith.constant 32 : index
    %get3A_1555 = tpu.vector_load %arg10[%get3A_1553, %get3A_1554] {strides = array<i32>} : memref<4x128xi32, #tpu.memory_space<vmem>>, vector<16xi32>,
    %get3A_1556 = arith.constant 0 : i32
    %get3A_1557 = arith.index_cast %get3A_1556 : i32 to index
    %get3A_1558 = arith.constant 32 : index
    %get3A_1559 = tpu.vector_load %arg11[%get3A_1557, %get3A_1558] {strides = array<i32>} : memref<4x128xi32, #tpu.memory_space<vmem>>, vector<16xi32>,
    %and3A_1560 = arith.constant 127 : i32
    %and3A_1561 = vector.broadcast %and3A_1560 : i32 to vector<16xi32>
    %and3A_1562 = arith.andi %get3A_1555, %and3A_1561 : vector<16xi32>
    %gather3A_1563 = arith.constant 0 : i32
    %gather3A_1564 = arith.constant 0 : i32
    %gather3A_1565 = arith.constant 0 : i32
    %gather3A_1566 = tpu.memref_slice %arg14[%gather3A_1563, %gather3A_1564, %gather3A_1565] : memref<2x128x128xf32, #tpu.memory_space<vmem>> -> memref<1x128x128xf32, #tpu.memory_space<vmem>>
    %gather3A_1567 = tpu.memref_squeeze %gather3A_1566 : memref<1x128x128xf32, #tpu.memory_space<vmem>> -> memref<128x128xf32, #tpu.memory_space<vmem>>
    %gather3A_1568 = tpu.vector_load_idx %gather3A_1567[%add3A_1551, %and3A_1562] : memref<128x128xf32, #tpu.memory_space<vmem>>[vector<16xi32>, vector<16xi32>], vector<16xf32>,
    %and3A_1569 = arith.constant 127 : i32
    %and3A_1570 = vector.broadcast %and3A_1569 : i32 to vector<16xi32>
    %and3A_1571 = arith.andi %get3A_1559, %and3A_1570 : vector<16xi32>
    %gather3A_1572 = arith.constant 0 : i32
    %gather3A_1573 = arith.constant 0 : i32
    %gather3A_1574 = arith.constant 0 : i32
    %gather3A_1575 = tpu.memref_slice %arg15[%gather3A_1572, %gather3A_1573, %gather3A_1574] : memref<2x128x128xf32, #tpu.memory_space<vmem>> -> memref<1x128x128xf32, #tpu.memory_space<vmem>>
    %gather3A_1576 = tpu.memref_squeeze %gather3A_1575 : memref<1x128x128xf32, #tpu.memory_space<vmem>> -> memref<128x128xf32, #tpu.memory_space<vmem>>
    %gather3A_1577 = tpu.vector_load_idx %gather3A_1576[%add3A_1551, %and3A_1571] : memref<128x128xf32, #tpu.memory_space<vmem>>[vector<16xi32>, vector<16xi32>], vector<16xf32>,
    %gather3A_1578 = tpu.vector_load_idx %arg8[%get3A_1555] : memref<4096xf32, #tpu.memory_space<vmem>>[vector<16xi32>], vector<16xf32>,
    %gather3A_1579 = tpu.vector_load_idx %arg8[%get3A_1559] : memref<4096xf32, #tpu.memory_space<vmem>>[vector<16xi32>], vector<16xf32>,
    %sub3A_1580 = arith.subf %gather3A_1568, %gather3A_1578 : vector<16xf32>
    %sub3A_1581 = arith.subf %gather3A_1577, %gather3A_1579 : vector<16xf32>
    %mul3A_1582 = arith.mulf %sub3A_1580, %sub3A_1581 : vector<16xf32>
    %swap3A_1583 = arith.constant 0 : i32
    %swap3A_1584 = arith.index_cast %swap3A_1583 : i32 to index
    %swap3A_1585 = arith.constant 32 : index
    %swap3A_1586 = tpu.vector_load %arg16[%swap3A_1584, %swap3A_1585] {strides = array<i32>} : memref<4x128xf32, #tpu.memory_space<vmem>>, vector<16xf32>,
    tpu.vector_store %arg16[%swap3A_1584, %swap3A_1585], %mul3A_1582 {strides = array<i32>} : memref<4x128xf32, #tpu.memory_space<vmem>>, vector<16xf32>,
    %add3A_1587 = arith.constant 48 : i32
    %add3A_1588 = vector.broadcast %add3A_1587 : i32 to vector<16xi32>
    %add3A_1589 = arith.addi %add3A_1588, %iota3A : vector<16xi32>
    %get3A_1590 = arith.constant 0 : i32
    %get3A_1591 = arith.index_cast %get3A_1590 : i32 to index
    %get3A_1592 = arith.constant 48 : index
    %get3A_1593 = tpu.vector_load %arg10[%get3A_1591, %get3A_1592] {strides = array<i32>} : memref<4x128xi32, #tpu.memory_space<vmem>>, vector<16xi32>,
    %get3A_1594 = arith.constant 0 : i32
    %get3A_1595 = arith.index_cast %get3A_1594 : i32 to index
    %get3A_1596 = arith.constant 48 : index
    %get3A_1597 = tpu.vector_load %arg11[%get3A_1595, %get3A_1596] {strides = array<i32>} : memref<4x128xi32, #tpu.memory_space<vmem>>, vector<16xi32>,
    %and3A_1598 = arith.constant 127 : i32
    %and3A_1599 = vector.broadcast %and3A_1598 : i32 to vector<16xi32>
    %and3A_1600 = arith.andi %get3A_1593, %and3A_1599 : vector<16xi32>
    %gather3A_1601 = arith.constant 0 : i32
    %gather3A_1602 = arith.constant 0 : i32
    %gather3A_1603 = arith.constant 0 : i32
    %gather3A_1604 = tpu.memref_slice %arg14[%gather3A_1601, %gather3A_1602, %gather3A_1603] : memref<2x128x128xf32, #tpu.memory_space<vmem>> -> memref<1x128x128xf32, #tpu.memory_space<vmem>>
    %gather3A_1605 = tpu.memref_squeeze %gather3A_1604 : memref<1x128x128xf32, #tpu.memory_space<vmem>> -> memref<128x128xf32, #tpu.memory_space<vmem>>
    %gather3A_1606 = tpu.vector_load_idx %gather3A_1605[%add3A_1589, %and3A_1600] : memref<128x128xf32, #tpu.memory_space<vmem>>[vector<16xi32>, vector<16xi32>], vector<16xf32>,
    %and3A_1607 = arith.constant 127 : i32
    %and3A_1608 = vector.broadcast %and3A_1607 : i32 to vector<16xi32>
    %and3A_1609 = arith.andi %get3A_1597, %and3A_1608 : vector<16xi32>
    %gather3A_1610 = arith.constant 0 : i32
    %gather3A_1611 = arith.constant 0 : i32
    %gather3A_1612 = arith.constant 0 : i32
    %gather3A_1613 = tpu.memref_slice %arg15[%gather3A_1610, %gather3A_1611, %gather3A_1612] : memref<2x128x128xf32, #tpu.memory_space<vmem>> -> memref<1x128x128xf32, #tpu.memory_space<vmem>>
    %gather3A_1614 = tpu.memref_squeeze %gather3A_1613 : memref<1x128x128xf32, #tpu.memory_space<vmem>> -> memref<128x128xf32, #tpu.memory_space<vmem>>
    %gather3A_1615 = tpu.vector_load_idx %gather3A_1614[%add3A_1589, %and3A_1609] : memref<128x128xf32, #tpu.memory_space<vmem>>[vector<16xi32>, vector<16xi32>], vector<16xf32>,
    %gather3A_1616 = tpu.vector_load_idx %arg8[%get3A_1593] : memref<4096xf32, #tpu.memory_space<vmem>>[vector<16xi32>], vector<16xf32>,
    %gather3A_1617 = tpu.vector_load_idx %arg8[%get3A_1597] : memref<4096xf32, #tpu.memory_space<vmem>>[vector<16xi32>], vector<16xf32>,
    %sub3A_1618 = arith.subf %gather3A_1606, %gather3A_1616 : vector<16xf32>
    %sub3A_1619 = arith.subf %gather3A_1615, %gather3A_1617 : vector<16xf32>
    %mul3A_1620 = arith.mulf %sub3A_1618, %sub3A_1619 : vector<16xf32>
    %swap3A_1621 = arith.constant 0 : i32
    %swap3A_1622 = arith.index_cast %swap3A_1621 : i32 to index
    %swap3A_1623 = arith.constant 48 : index
    %swap3A_1624 = tpu.vector_load %arg16[%swap3A_1622, %swap3A_1623] {strides = array<i32>} : memref<4x128xf32, #tpu.memory_space<vmem>>, vector<16xf32>,
    tpu.vector_store %arg16[%swap3A_1622, %swap3A_1623], %mul3A_1620 {strides = array<i32>} : memref<4x128xf32, #tpu.memory_space<vmem>>, vector<16xf32>,
    %add3A_1625 = arith.constant 64 : i32
    %add3A_1626 = vector.broadcast %add3A_1625 : i32 to vector<16xi32>
    %add3A_1627 = arith.addi %add3A_1626, %iota3A : vector<16xi32>
    %get3A_1628 = arith.constant 0 : i32
    %get3A_1629 = arith.index_cast %get3A_1628 : i32 to index
    %get3A_1630 = arith.constant 64 : index
    %get3A_1631 = tpu.vector_load %arg10[%get3A_1629, %get3A_1630] {strides = array<i32>} : memref<4x128xi32, #tpu.memory_space<vmem>>, vector<16xi32>,
    %get3A_1632 = arith.constant 0 : i32
    %get3A_1633 = arith.index_cast %get3A_1632 : i32 to index
    %get3A_1634 = arith.constant 64 : index
    %get3A_1635 = tpu.vector_load %arg11[%get3A_1633, %get3A_1634] {strides = array<i32>} : memref<4x128xi32, #tpu.memory_space<vmem>>, vector<16xi32>,
    %and3A_1636 = arith.constant 127 : i32
    %and3A_1637 = vector.broadcast %and3A_1636 : i32 to vector<16xi32>
    %and3A_1638 = arith.andi %get3A_1631, %and3A_1637 : vector<16xi32>
    %gather3A_1639 = arith.constant 0 : i32
    %gather3A_1640 = arith.constant 0 : i32
    %gather3A_1641 = arith.constant 0 : i32
    %gather3A_1642 = tpu.memref_slice %arg14[%gather3A_1639, %gather3A_1640, %gather3A_1641] : memref<2x128x128xf32, #tpu.memory_space<vmem>> -> memref<1x128x128xf32, #tpu.memory_space<vmem>>
    %gather3A_1643 = tpu.memref_squeeze %gather3A_1642 : memref<1x128x128xf32, #tpu.memory_space<vmem>> -> memref<128x128xf32, #tpu.memory_space<vmem>>
    %gather3A_1644 = tpu.vector_load_idx %gather3A_1643[%add3A_1627, %and3A_1638] : memref<128x128xf32, #tpu.memory_space<vmem>>[vector<16xi32>, vector<16xi32>], vector<16xf32>,
    %and3A_1645 = arith.constant 127 : i32
    %and3A_1646 = vector.broadcast %and3A_1645 : i32 to vector<16xi32>
    %and3A_1647 = arith.andi %get3A_1635, %and3A_1646 : vector<16xi32>
    %gather3A_1648 = arith.constant 0 : i32
    %gather3A_1649 = arith.constant 0 : i32
    %gather3A_1650 = arith.constant 0 : i32
    %gather3A_1651 = tpu.memref_slice %arg15[%gather3A_1648, %gather3A_1649, %gather3A_1650] : memref<2x128x128xf32, #tpu.memory_space<vmem>> -> memref<1x128x128xf32, #tpu.memory_space<vmem>>
    %gather3A_1652 = tpu.memref_squeeze %gather3A_1651 : memref<1x128x128xf32, #tpu.memory_space<vmem>> -> memref<128x128xf32, #tpu.memory_space<vmem>>
    %gather3A_1653 = tpu.vector_load_idx %gather3A_1652[%add3A_1627, %and3A_1647] : memref<128x128xf32, #tpu.memory_space<vmem>>[vector<16xi32>, vector<16xi32>], vector<16xf32>,
    %gather3A_1654 = tpu.vector_load_idx %arg8[%get3A_1631] : memref<4096xf32, #tpu.memory_space<vmem>>[vector<16xi32>], vector<16xf32>,
    %gather3A_1655 = tpu.vector_load_idx %arg8[%get3A_1635] : memref<4096xf32, #tpu.memory_space<vmem>>[vector<16xi32>], vector<16xf32>,
    %sub3A_1656 = arith.subf %gather3A_1644, %gather3A_1654 : vector<16xf32>
    %sub3A_1657 = arith.subf %gather3A_1653, %gather3A_1655 : vector<16xf32>
    %mul3A_1658 = arith.mulf %sub3A_1656, %sub3A_1657 : vector<16xf32>
    %swap3A_1659 = arith.constant 0 : i32
    %swap3A_1660 = arith.index_cast %swap3A_1659 : i32 to index
    %swap3A_1661 = arith.constant 64 : index
    %swap3A_1662 = tpu.vector_load %arg16[%swap3A_1660, %swap3A_1661] {strides = array<i32>} : memref<4x128xf32, #tpu.memory_space<vmem>>, vector<16xf32>,
    tpu.vector_store %arg16[%swap3A_1660, %swap3A_1661], %mul3A_1658 {strides = array<i32>} : memref<4x128xf32, #tpu.memory_space<vmem>>, vector<16xf32>,
    %add3A_1663 = arith.constant 80 : i32
    %add3A_1664 = vector.broadcast %add3A_1663 : i32 to vector<16xi32>
    %add3A_1665 = arith.addi %add3A_1664, %iota3A : vector<16xi32>
    %get3A_1666 = arith.constant 0 : i32
    %get3A_1667 = arith.index_cast %get3A_1666 : i32 to index
    %get3A_1668 = arith.constant 80 : index
    %get3A_1669 = tpu.vector_load %arg10[%get3A_1667, %get3A_1668] {strides = array<i32>} : memref<4x128xi32, #tpu.memory_space<vmem>>, vector<16xi32>,
    %get3A_1670 = arith.constant 0 : i32
    %get3A_1671 = arith.index_cast %get3A_1670 : i32 to index
    %get3A_1672 = arith.constant 80 : index
    %get3A_1673 = tpu.vector_load %arg11[%get3A_1671, %get3A_1672] {strides = array<i32>} : memref<4x128xi32, #tpu.memory_space<vmem>>, vector<16xi32>,
    %and3A_1674 = arith.constant 127 : i32
    %and3A_1675 = vector.broadcast %and3A_1674 : i32 to vector<16xi32>
    %and3A_1676 = arith.andi %get3A_1669, %and3A_1675 : vector<16xi32>
    %gather3A_1677 = arith.constant 0 : i32
    %gather3A_1678 = arith.constant 0 : i32
    %gather3A_1679 = arith.constant 0 : i32
    %gather3A_1680 = tpu.memref_slice %arg14[%gather3A_1677, %gather3A_1678, %gather3A_1679] : memref<2x128x128xf32, #tpu.memory_space<vmem>> -> memref<1x128x128xf32, #tpu.memory_space<vmem>>
    %gather3A_1681 = tpu.memref_squeeze %gather3A_1680 : memref<1x128x128xf32, #tpu.memory_space<vmem>> -> memref<128x128xf32, #tpu.memory_space<vmem>>
    %gather3A_1682 = tpu.vector_load_idx %gather3A_1681[%add3A_1665, %and3A_1676] : memref<128x128xf32, #tpu.memory_space<vmem>>[vector<16xi32>, vector<16xi32>], vector<16xf32>,
    %and3A_1683 = arith.constant 127 : i32
    %and3A_1684 = vector.broadcast %and3A_1683 : i32 to vector<16xi32>
    %and3A_1685 = arith.andi %get3A_1673, %and3A_1684 : vector<16xi32>
    %gather3A_1686 = arith.constant 0 : i32
    %gather3A_1687 = arith.constant 0 : i32
    %gather3A_1688 = arith.constant 0 : i32
    %gather3A_1689 = tpu.memref_slice %arg15[%gather3A_1686, %gather3A_1687, %gather3A_1688] : memref<2x128x128xf32, #tpu.memory_space<vmem>> -> memref<1x128x128xf32, #tpu.memory_space<vmem>>
    %gather3A_1690 = tpu.memref_squeeze %gather3A_1689 : memref<1x128x128xf32, #tpu.memory_space<vmem>> -> memref<128x128xf32, #tpu.memory_space<vmem>>
    %gather3A_1691 = tpu.vector_load_idx %gather3A_1690[%add3A_1665, %and3A_1685] : memref<128x128xf32, #tpu.memory_space<vmem>>[vector<16xi32>, vector<16xi32>], vector<16xf32>,
    %gather3A_1692 = tpu.vector_load_idx %arg8[%get3A_1669] : memref<4096xf32, #tpu.memory_space<vmem>>[vector<16xi32>], vector<16xf32>,
    %gather3A_1693 = tpu.vector_load_idx %arg8[%get3A_1673] : memref<4096xf32, #tpu.memory_space<vmem>>[vector<16xi32>], vector<16xf32>,
    %sub3A_1694 = arith.subf %gather3A_1682, %gather3A_1692 : vector<16xf32>
    %sub3A_1695 = arith.subf %gather3A_1691, %gather3A_1693 : vector<16xf32>
    %mul3A_1696 = arith.mulf %sub3A_1694, %sub3A_1695 : vector<16xf32>
    %swap3A_1697 = arith.constant 0 : i32
    %swap3A_1698 = arith.index_cast %swap3A_1697 : i32 to index
    %swap3A_1699 = arith.constant 80 : index
    %swap3A_1700 = tpu.vector_load %arg16[%swap3A_1698, %swap3A_1699] {strides = array<i32>} : memref<4x128xf32, #tpu.memory_space<vmem>>, vector<16xf32>,
    tpu.vector_store %arg16[%swap3A_1698, %swap3A_1699], %mul3A_1696 {strides = array<i32>} : memref<4x128xf32, #tpu.memory_space<vmem>>, vector<16xf32>,
    %add3A_1701 = arith.constant 96 : i32
    %add3A_1702 = vector.broadcast %add3A_1701 : i32 to vector<16xi32>
    %add3A_1703 = arith.addi %add3A_1702, %iota3A : vector<16xi32>
    %get3A_1704 = arith.constant 0 : i32
    %get3A_1705 = arith.index_cast %get3A_1704 : i32 to index
    %get3A_1706 = arith.constant 96 : index
    %get3A_1707 = tpu.vector_load %arg10[%get3A_1705, %get3A_1706] {strides = array<i32>} : memref<4x128xi32, #tpu.memory_space<vmem>>, vector<16xi32>,
    %get3A_1708 = arith.constant 0 : i32
    %get3A_1709 = arith.index_cast %get3A_1708 : i32 to index
    %get3A_1710 = arith.constant 96 : index
    %get3A_1711 = tpu.vector_load %arg11[%get3A_1709, %get3A_1710] {strides = array<i32>} : memref<4x128xi32, #tpu.memory_space<vmem>>, vector<16xi32>,
    %and3A_1712 = arith.constant 127 : i32
    %and3A_1713 = vector.broadcast %and3A_1712 : i32 to vector<16xi32>
    %and3A_1714 = arith.andi %get3A_1707, %and3A_1713 : vector<16xi32>
    %gather3A_1715 = arith.constant 0 : i32
    %gather3A_1716 = arith.constant 0 : i32
    %gather3A_1717 = arith.constant 0 : i32
    %gather3A_1718 = tpu.memref_slice %arg14[%gather3A_1715, %gather3A_1716, %gather3A_1717] : memref<2x128x128xf32, #tpu.memory_space<vmem>> -> memref<1x128x128xf32, #tpu.memory_space<vmem>>
    %gather3A_1719 = tpu.memref_squeeze %gather3A_1718 : memref<1x128x128xf32, #tpu.memory_space<vmem>> -> memref<128x128xf32, #tpu.memory_space<vmem>>
    %gather3A_1720 = tpu.vector_load_idx %gather3A_1719[%add3A_1703, %and3A_1714] : memref<128x128xf32, #tpu.memory_space<vmem>>[vector<16xi32>, vector<16xi32>], vector<16xf32>,
    %and3A_1721 = arith.constant 127 : i32
    %and3A_1722 = vector.broadcast %and3A_1721 : i32 to vector<16xi32>
    %and3A_1723 = arith.andi %get3A_1711, %and3A_1722 : vector<16xi32>
    %gather3A_1724 = arith.constant 0 : i32
    %gather3A_1725 = arith.constant 0 : i32
    %gather3A_1726 = arith.constant 0 : i32
    %gather3A_1727 = tpu.memref_slice %arg15[%gather3A_1724, %gather3A_1725, %gather3A_1726] : memref<2x128x128xf32, #tpu.memory_space<vmem>> -> memref<1x128x128xf32, #tpu.memory_space<vmem>>
    %gather3A_1728 = tpu.memref_squeeze %gather3A_1727 : memref<1x128x128xf32, #tpu.memory_space<vmem>> -> memref<128x128xf32, #tpu.memory_space<vmem>>
    %gather3A_1729 = tpu.vector_load_idx %gather3A_1728[%add3A_1703, %and3A_1723] : memref<128x128xf32, #tpu.memory_space<vmem>>[vector<16xi32>, vector<16xi32>], vector<16xf32>,
    %gather3A_1730 = tpu.vector_load_idx %arg8[%get3A_1707] : memref<4096xf32, #tpu.memory_space<vmem>>[vector<16xi32>], vector<16xf32>,
    %gather3A_1731 = tpu.vector_load_idx %arg8[%get3A_1711] : memref<4096xf32, #tpu.memory_space<vmem>>[vector<16xi32>], vector<16xf32>,
    %sub3A_1732 = arith.subf %gather3A_1720, %gather3A_1730 : vector<16xf32>
    %sub3A_1733 = arith.subf %gather3A_1729, %gather3A_1731 : vector<16xf32>
    %mul3A_1734 = arith.mulf %sub3A_1732, %sub3A_1733 : vector<16xf32>
    %swap3A_1735 = arith.constant 0 : i32
    %swap3A_1736 = arith.index_cast %swap3A_1735 : i32 to index
    %swap3A_1737 = arith.constant 96 : index
    %swap3A_1738 = tpu.vector_load %arg16[%swap3A_1736, %swap3A_1737] {strides = array<i32>} : memref<4x128xf32, #tpu.memory_space<vmem>>, vector<16xf32>,
    tpu.vector_store %arg16[%swap3A_1736, %swap3A_1737], %mul3A_1734 {strides = array<i32>} : memref<4x128xf32, #tpu.memory_space<vmem>>, vector<16xf32>,
    %add3A_1739 = arith.constant 112 : i32
    %add3A_1740 = vector.broadcast %add3A_1739 : i32 to vector<16xi32>
    %add3A_1741 = arith.addi %add3A_1740, %iota3A : vector<16xi32>
    %get3A_1742 = arith.constant 0 : i32
    %get3A_1743 = arith.index_cast %get3A_1742 : i32 to index
    %get3A_1744 = arith.constant 112 : index
    %get3A_1745 = tpu.vector_load %arg10[%get3A_1743, %get3A_1744] {strides = array<i32>} : memref<4x128xi32, #tpu.memory_space<vmem>>, vector<16xi32>,
    %get3A_1746 = arith.constant 0 : i32
    %get3A_1747 = arith.index_cast %get3A_1746 : i32 to index
    %get3A_1748 = arith.constant 112 : index
    %get3A_1749 = tpu.vector_load %arg11[%get3A_1747, %get3A_1748] {strides = array<i32>} : memref<4x128xi32, #tpu.memory_space<vmem>>, vector<16xi32>,
    %and3A_1750 = arith.constant 127 : i32
    %and3A_1751 = vector.broadcast %and3A_1750 : i32 to vector<16xi32>
    %and3A_1752 = arith.andi %get3A_1745, %and3A_1751 : vector<16xi32>
    %gather3A_1753 = arith.constant 0 : i32
    %gather3A_1754 = arith.constant 0 : i32
    %gather3A_1755 = arith.constant 0 : i32
    %gather3A_1756 = tpu.memref_slice %arg14[%gather3A_1753, %gather3A_1754, %gather3A_1755] : memref<2x128x128xf32, #tpu.memory_space<vmem>> -> memref<1x128x128xf32, #tpu.memory_space<vmem>>
    %gather3A_1757 = tpu.memref_squeeze %gather3A_1756 : memref<1x128x128xf32, #tpu.memory_space<vmem>> -> memref<128x128xf32, #tpu.memory_space<vmem>>
    %gather3A_1758 = tpu.vector_load_idx %gather3A_1757[%add3A_1741, %and3A_1752] : memref<128x128xf32, #tpu.memory_space<vmem>>[vector<16xi32>, vector<16xi32>], vector<16xf32>,
    %and3A_1759 = arith.constant 127 : i32
    %and3A_1760 = vector.broadcast %and3A_1759 : i32 to vector<16xi32>
    %and3A_1761 = arith.andi %get3A_1749, %and3A_1760 : vector<16xi32>
    %gather3A_1762 = arith.constant 0 : i32
    %gather3A_1763 = arith.constant 0 : i32
    %gather3A_1764 = arith.constant 0 : i32
    %gather3A_1765 = tpu.memref_slice %arg15[%gather3A_1762, %gather3A_1763, %gather3A_1764] : memref<2x128x128xf32, #tpu.memory_space<vmem>> -> memref<1x128x128xf32, #tpu.memory_space<vmem>>
    %gather3A_1766 = tpu.memref_squeeze %gather3A_1765 : memref<1x128x128xf32, #tpu.memory_space<vmem>> -> memref<128x128xf32, #tpu.memory_space<vmem>>
    %gather3A_1767 = tpu.vector_load_idx %gather3A_1766[%add3A_1741, %and3A_1761] : memref<128x128xf32, #tpu.memory_space<vmem>>[vector<16xi32>, vector<16xi32>], vector<16xf32>,
    %gather3A_1768 = tpu.vector_load_idx %arg8[%get3A_1745] : memref<4096xf32, #tpu.memory_space<vmem>>[vector<16xi32>], vector<16xf32>,
    %gather3A_1769 = tpu.vector_load_idx %arg8[%get3A_1749] : memref<4096xf32, #tpu.memory_space<vmem>>[vector<16xi32>], vector<16xf32>,
    %sub3A_1770 = arith.subf %gather3A_1758, %gather3A_1768 : vector<16xf32>
    %sub3A_1771 = arith.subf %gather3A_1767, %gather3A_1769 : vector<16xf32>
    %mul3A_1772 = arith.mulf %sub3A_1770, %sub3A_1771 : vector<16xf32>
    %swap3A_1773 = arith.constant 0 : i32
    %swap3A_1774 = arith.index_cast %swap3A_1773 : i32 to index
    %swap3A_1775 = arith.constant 112 : index
    %swap3A_1776 = tpu.vector_load %arg16[%swap3A_1774, %swap3A_1775] {strides = array<i32>} : memref<4x128xf32, #tpu.memory_space<vmem>>, vector<16xf32>,
    tpu.vector_store %arg16[%swap3A_1774, %swap3A_1775], %mul3A_1772 {strides = array<i32>} : memref<4x128xf32, #tpu.memory_space<vmem>>, vector<16xf32>,
    %dma_start3A_1777 = arith.constant 2 : i32
    %dma_start3A_1778 = arith.constant 0 : i32
    %dma_start3A_1779 = arith.constant 0 : i32
    %dma_start3A_1780 = arith.constant 0 : i32
    %dma_start3A_1781 = tpu.memref_slice %arg14[%dma_start3A_1778, %dma_start3A_1779, %dma_start3A_1780] : memref<2x128x128xf32, #tpu.memory_space<vmem>> -> memref<1x128x128xf32, #tpu.memory_space<vmem>>
    %dma_start3A_1782 = tpu.memref_squeeze %dma_start3A_1781 : memref<1x128x128xf32, #tpu.memory_space<vmem>> -> memref<128x128xf32, #tpu.memory_space<vmem>>
    %dma_start3A_1783 = arith.constant 0 : i32
    %dma_start3A_1784 = tpu.memref_slice %arg12[%dma_start3A_1777, %dma_start3A_1783] : memref<4x128xi32, #tpu.memory_space<vmem>> -> memref<1x128xi32, #tpu.memory_space<vmem>>
    %dma_start3A_1785 = tpu.memref_squeeze %dma_start3A_1784 : memref<1x128xi32, #tpu.memory_space<vmem>> -> memref<128xi32, #tpu.memory_space<vmem>>
    %dma_start3A_1786 = arith.constant 0 : i32
    %dma_start3A_1787 = arith.constant 0 : i32
    %dma_start3A_1788 = tpu.memref_slice %arg2[%dma_start3A_1786, %dma_start3A_1787] : memref<131072x128xf32, #tpu.memory_space<hbm>> -> memref<131072x128xf32, #tpu.memory_space<hbm>>
    tpu.enqueue_indirect_dma source(%dma_start3A_1788 : memref<131072x128xf32, #tpu.memory_space<hbm>>) target(%dma_start3A_1782 : memref<128x128xf32, #tpu.memory_space<vmem>>) offsets(%dma_start3A_1785 : memref<128xi32, #tpu.memory_space<vmem>>) semaphore(%arg17 : memref<!tpu.dma_semaphore, #tpu.memory_space<semaphore_mem>>)
    %dma_start3A_1789 = arith.constant 2 : i32
    %dma_start3A_1790 = arith.constant 0 : i32
    %dma_start3A_1791 = arith.constant 0 : i32
    %dma_start3A_1792 = arith.constant 0 : i32
    %dma_start3A_1793 = tpu.memref_slice %arg15[%dma_start3A_1790, %dma_start3A_1791, %dma_start3A_1792] : memref<2x128x128xf32, #tpu.memory_space<vmem>> -> memref<1x128x128xf32, #tpu.memory_space<vmem>>
    %dma_start3A_1794 = tpu.memref_squeeze %dma_start3A_1793 : memref<1x128x128xf32, #tpu.memory_space<vmem>> -> memref<128x128xf32, #tpu.memory_space<vmem>>
    %dma_start3A_1795 = arith.constant 0 : i32
    %dma_start3A_1796 = tpu.memref_slice %arg13[%dma_start3A_1789, %dma_start3A_1795] : memref<4x128xi32, #tpu.memory_space<vmem>> -> memref<1x128xi32, #tpu.memory_space<vmem>>
    %dma_start3A_1797 = tpu.memref_squeeze %dma_start3A_1796 : memref<1x128xi32, #tpu.memory_space<vmem>> -> memref<128xi32, #tpu.memory_space<vmem>>
    %dma_start3A_1798 = arith.constant 0 : i32
    %dma_start3A_1799 = arith.constant 0 : i32
    %dma_start3A_1800 = tpu.memref_slice %arg2[%dma_start3A_1798, %dma_start3A_1799] : memref<131072x128xf32, #tpu.memory_space<hbm>> -> memref<131072x128xf32, #tpu.memory_space<hbm>>
    tpu.enqueue_indirect_dma source(%dma_start3A_1800 : memref<131072x128xf32, #tpu.memory_space<hbm>>) target(%dma_start3A_1794 : memref<128x128xf32, #tpu.memory_space<vmem>>) offsets(%dma_start3A_1797 : memref<128xi32, #tpu.memory_space<vmem>>) semaphore(%arg17 : memref<!tpu.dma_semaphore, #tpu.memory_space<semaphore_mem>>)
    %dma_wait3A_1801 = arith.constant 1 : i32
    %dma_wait3A_1802 = arith.constant 1 : i32
    %dma_wait3A_1803 = arith.constant 0 : i32
    %dma_wait3A_1804 = arith.constant 0 : i32
    %dma_wait3A_1805 = tpu.memref_slice %arg14[%dma_wait3A_1802, %dma_wait3A_1803, %dma_wait3A_1804] : memref<2x128x128xf32, #tpu.memory_space<vmem>> -> memref<1x128x128xf32, #tpu.memory_space<vmem>>
    %dma_wait3A_1806 = tpu.memref_squeeze %dma_wait3A_1805 : memref<1x128x128xf32, #tpu.memory_space<vmem>> -> memref<128x128xf32, #tpu.memory_space<vmem>>
    %dma_wait3A_1807 = arith.constant 0 : i32
    %dma_wait3A_1808 = tpu.memref_slice %arg12[%dma_wait3A_1801, %dma_wait3A_1807] : memref<4x128xi32, #tpu.memory_space<vmem>> -> memref<1x128xi32, #tpu.memory_space<vmem>>
    %dma_wait3A_1809 = tpu.memref_squeeze %dma_wait3A_1808 : memref<1x128xi32, #tpu.memory_space<vmem>> -> memref<128xi32, #tpu.memory_space<vmem>>
    %dma_wait3A_1810 = arith.constant 0 : i32
    %dma_wait3A_1811 = arith.constant 0 : i32
    %dma_wait3A_1812 = tpu.memref_slice %arg2[%dma_wait3A_1810, %dma_wait3A_1811] : memref<131072x128xf32, #tpu.memory_space<hbm>> -> memref<131072x128xf32, #tpu.memory_space<hbm>>
    tpu.wait_indirect_dma semaphore(%arg17 : memref<!tpu.dma_semaphore, #tpu.memory_space<semaphore_mem>>) src(%dma_wait3A_1812 : memref<131072x128xf32, #tpu.memory_space<hbm>>) dst(%dma_wait3A_1806 : memref<128x128xf32, #tpu.memory_space<vmem>>)
    %dma_wait3A_1813 = arith.constant 1 : i32
    %dma_wait3A_1814 = arith.constant 1 : i32
    %dma_wait3A_1815 = arith.constant 0 : i32
    %dma_wait3A_1816 = arith.constant 0 : i32
    %dma_wait3A_1817 = tpu.memref_slice %arg15[%dma_wait3A_1814, %dma_wait3A_1815, %dma_wait3A_1816] : memref<2x128x128xf32, #tpu.memory_space<vmem>> -> memref<1x128x128xf32, #tpu.memory_space<vmem>>
    %dma_wait3A_1818 = tpu.memref_squeeze %dma_wait3A_1817 : memref<1x128x128xf32, #tpu.memory_space<vmem>> -> memref<128x128xf32, #tpu.memory_space<vmem>>
    %dma_wait3A_1819 = arith.constant 0 : i32
    %dma_wait3A_1820 = tpu.memref_slice %arg13[%dma_wait3A_1813, %dma_wait3A_1819] : memref<4x128xi32, #tpu.memory_space<vmem>> -> memref<1x128xi32, #tpu.memory_space<vmem>>
    %dma_wait3A_1821 = tpu.memref_squeeze %dma_wait3A_1820 : memref<1x128xi32, #tpu.memory_space<vmem>> -> memref<128xi32, #tpu.memory_space<vmem>>
    %dma_wait3A_1822 = arith.constant 0 : i32
    %dma_wait3A_1823 = arith.constant 0 : i32
    %dma_wait3A_1824 = tpu.memref_slice %arg2[%dma_wait3A_1822, %dma_wait3A_1823] : memref<131072x128xf32, #tpu.memory_space<hbm>> -> memref<131072x128xf32, #tpu.memory_space<hbm>>
    tpu.wait_indirect_dma semaphore(%arg17 : memref<!tpu.dma_semaphore, #tpu.memory_space<semaphore_mem>>) src(%dma_wait3A_1824 : memref<131072x128xf32, #tpu.memory_space<hbm>>) dst(%dma_wait3A_1818 : memref<128x128xf32, #tpu.memory_space<vmem>>)
    %add3A_1825 = arith.constant 0 : i32
    %add3A_1826 = vector.broadcast %add3A_1825 : i32 to vector<16xi32>
    %add3A_1827 = arith.addi %add3A_1826, %iota3A : vector<16xi32>
    %get3A_1828 = arith.constant 1 : i32
    %get3A_1829 = arith.index_cast %get3A_1828 : i32 to index
    %get3A_1830 = arith.constant 0 : index
    %get3A_1831 = tpu.vector_load %arg10[%get3A_1829, %get3A_1830] {strides = array<i32>} : memref<4x128xi32, #tpu.memory_space<vmem>>, vector<16xi32>,
    %get3A_1832 = arith.constant 1 : i32
    %get3A_1833 = arith.index_cast %get3A_1832 : i32 to index
    %get3A_1834 = arith.constant 0 : index
    %get3A_1835 = tpu.vector_load %arg11[%get3A_1833, %get3A_1834] {strides = array<i32>} : memref<4x128xi32, #tpu.memory_space<vmem>>, vector<16xi32>,
    %and3A_1836 = arith.constant 127 : i32
    %and3A_1837 = vector.broadcast %and3A_1836 : i32 to vector<16xi32>
    %and3A_1838 = arith.andi %get3A_1831, %and3A_1837 : vector<16xi32>
    %gather3A_1839 = arith.constant 1 : i32
    %gather3A_1840 = arith.constant 0 : i32
    %gather3A_1841 = arith.constant 0 : i32
    %gather3A_1842 = tpu.memref_slice %arg14[%gather3A_1839, %gather3A_1840, %gather3A_1841] : memref<2x128x128xf32, #tpu.memory_space<vmem>> -> memref<1x128x128xf32, #tpu.memory_space<vmem>>
    %gather3A_1843 = tpu.memref_squeeze %gather3A_1842 : memref<1x128x128xf32, #tpu.memory_space<vmem>> -> memref<128x128xf32, #tpu.memory_space<vmem>>
    %gather3A_1844 = tpu.vector_load_idx %gather3A_1843[%add3A_1827, %and3A_1838] : memref<128x128xf32, #tpu.memory_space<vmem>>[vector<16xi32>, vector<16xi32>], vector<16xf32>,
    %and3A_1845 = arith.constant 127 : i32
    %and3A_1846 = vector.broadcast %and3A_1845 : i32 to vector<16xi32>
    %and3A_1847 = arith.andi %get3A_1835, %and3A_1846 : vector<16xi32>
    %gather3A_1848 = arith.constant 1 : i32
    %gather3A_1849 = arith.constant 0 : i32
    %gather3A_1850 = arith.constant 0 : i32
    %gather3A_1851 = tpu.memref_slice %arg15[%gather3A_1848, %gather3A_1849, %gather3A_1850] : memref<2x128x128xf32, #tpu.memory_space<vmem>> -> memref<1x128x128xf32, #tpu.memory_space<vmem>>
    %gather3A_1852 = tpu.memref_squeeze %gather3A_1851 : memref<1x128x128xf32, #tpu.memory_space<vmem>> -> memref<128x128xf32, #tpu.memory_space<vmem>>
    %gather3A_1853 = tpu.vector_load_idx %gather3A_1852[%add3A_1827, %and3A_1847] : memref<128x128xf32, #tpu.memory_space<vmem>>[vector<16xi32>, vector<16xi32>], vector<16xf32>,
    %gather3A_1854 = tpu.vector_load_idx %arg8[%get3A_1831] : memref<4096xf32, #tpu.memory_space<vmem>>[vector<16xi32>], vector<16xf32>,
    %gather3A_1855 = tpu.vector_load_idx %arg8[%get3A_1835] : memref<4096xf32, #tpu.memory_space<vmem>>[vector<16xi32>], vector<16xf32>,
    %sub3A_1856 = arith.subf %gather3A_1844, %gather3A_1854 : vector<16xf32>
    %sub3A_1857 = arith.subf %gather3A_1853, %gather3A_1855 : vector<16xf32>
    %mul3A_1858 = arith.mulf %sub3A_1856, %sub3A_1857 : vector<16xf32>
    %swap3A_1859 = arith.constant 1 : i32
    %swap3A_1860 = arith.index_cast %swap3A_1859 : i32 to index
    %swap3A_1861 = arith.constant 0 : index
    %swap3A_1862 = tpu.vector_load %arg16[%swap3A_1860, %swap3A_1861] {strides = array<i32>} : memref<4x128xf32, #tpu.memory_space<vmem>>, vector<16xf32>,
    tpu.vector_store %arg16[%swap3A_1860, %swap3A_1861], %mul3A_1858 {strides = array<i32>} : memref<4x128xf32, #tpu.memory_space<vmem>>, vector<16xf32>,
    %add3A_1863 = arith.constant 16 : i32
    %add3A_1864 = vector.broadcast %add3A_1863 : i32 to vector<16xi32>
    %add3A_1865 = arith.addi %add3A_1864, %iota3A : vector<16xi32>
    %get3A_1866 = arith.constant 1 : i32
    %get3A_1867 = arith.index_cast %get3A_1866 : i32 to index
    %get3A_1868 = arith.constant 16 : index
    %get3A_1869 = tpu.vector_load %arg10[%get3A_1867, %get3A_1868] {strides = array<i32>} : memref<4x128xi32, #tpu.memory_space<vmem>>, vector<16xi32>,
    %get3A_1870 = arith.constant 1 : i32
    %get3A_1871 = arith.index_cast %get3A_1870 : i32 to index
    %get3A_1872 = arith.constant 16 : index
    %get3A_1873 = tpu.vector_load %arg11[%get3A_1871, %get3A_1872] {strides = array<i32>} : memref<4x128xi32, #tpu.memory_space<vmem>>, vector<16xi32>,
    %and3A_1874 = arith.constant 127 : i32
    %and3A_1875 = vector.broadcast %and3A_1874 : i32 to vector<16xi32>
    %and3A_1876 = arith.andi %get3A_1869, %and3A_1875 : vector<16xi32>
    %gather3A_1877 = arith.constant 1 : i32
    %gather3A_1878 = arith.constant 0 : i32
    %gather3A_1879 = arith.constant 0 : i32
    %gather3A_1880 = tpu.memref_slice %arg14[%gather3A_1877, %gather3A_1878, %gather3A_1879] : memref<2x128x128xf32, #tpu.memory_space<vmem>> -> memref<1x128x128xf32, #tpu.memory_space<vmem>>
    %gather3A_1881 = tpu.memref_squeeze %gather3A_1880 : memref<1x128x128xf32, #tpu.memory_space<vmem>> -> memref<128x128xf32, #tpu.memory_space<vmem>>
    %gather3A_1882 = tpu.vector_load_idx %gather3A_1881[%add3A_1865, %and3A_1876] : memref<128x128xf32, #tpu.memory_space<vmem>>[vector<16xi32>, vector<16xi32>], vector<16xf32>,
    %and3A_1883 = arith.constant 127 : i32
    %and3A_1884 = vector.broadcast %and3A_1883 : i32 to vector<16xi32>
    %and3A_1885 = arith.andi %get3A_1873, %and3A_1884 : vector<16xi32>
    %gather3A_1886 = arith.constant 1 : i32
    %gather3A_1887 = arith.constant 0 : i32
    %gather3A_1888 = arith.constant 0 : i32
    %gather3A_1889 = tpu.memref_slice %arg15[%gather3A_1886, %gather3A_1887, %gather3A_1888] : memref<2x128x128xf32, #tpu.memory_space<vmem>> -> memref<1x128x128xf32, #tpu.memory_space<vmem>>
    %gather3A_1890 = tpu.memref_squeeze %gather3A_1889 : memref<1x128x128xf32, #tpu.memory_space<vmem>> -> memref<128x128xf32, #tpu.memory_space<vmem>>
    %gather3A_1891 = tpu.vector_load_idx %gather3A_1890[%add3A_1865, %and3A_1885] : memref<128x128xf32, #tpu.memory_space<vmem>>[vector<16xi32>, vector<16xi32>], vector<16xf32>,
    %gather3A_1892 = tpu.vector_load_idx %arg8[%get3A_1869] : memref<4096xf32, #tpu.memory_space<vmem>>[vector<16xi32>], vector<16xf32>,
    %gather3A_1893 = tpu.vector_load_idx %arg8[%get3A_1873] : memref<4096xf32, #tpu.memory_space<vmem>>[vector<16xi32>], vector<16xf32>,
    %sub3A_1894 = arith.subf %gather3A_1882, %gather3A_1892 : vector<16xf32>
    %sub3A_1895 = arith.subf %gather3A_1891, %gather3A_1893 : vector<16xf32>
    %mul3A_1896 = arith.mulf %sub3A_1894, %sub3A_1895 : vector<16xf32>
    %swap3A_1897 = arith.constant 1 : i32
    %swap3A_1898 = arith.index_cast %swap3A_1897 : i32 to index
    %swap3A_1899 = arith.constant 16 : index
    %swap3A_1900 = tpu.vector_load %arg16[%swap3A_1898, %swap3A_1899] {strides = array<i32>} : memref<4x128xf32, #tpu.memory_space<vmem>>, vector<16xf32>,
    tpu.vector_store %arg16[%swap3A_1898, %swap3A_1899], %mul3A_1896 {strides = array<i32>} : memref<4x128xf32, #tpu.memory_space<vmem>>, vector<16xf32>,
    %add3A_1901 = arith.constant 32 : i32
    %add3A_1902 = vector.broadcast %add3A_1901 : i32 to vector<16xi32>
    %add3A_1903 = arith.addi %add3A_1902, %iota3A : vector<16xi32>
    %get3A_1904 = arith.constant 1 : i32
    %get3A_1905 = arith.index_cast %get3A_1904 : i32 to index
    %get3A_1906 = arith.constant 32 : index
    %get3A_1907 = tpu.vector_load %arg10[%get3A_1905, %get3A_1906] {strides = array<i32>} : memref<4x128xi32, #tpu.memory_space<vmem>>, vector<16xi32>,
    %get3A_1908 = arith.constant 1 : i32
    %get3A_1909 = arith.index_cast %get3A_1908 : i32 to index
    %get3A_1910 = arith.constant 32 : index
    %get3A_1911 = tpu.vector_load %arg11[%get3A_1909, %get3A_1910] {strides = array<i32>} : memref<4x128xi32, #tpu.memory_space<vmem>>, vector<16xi32>,
    %and3A_1912 = arith.constant 127 : i32
    %and3A_1913 = vector.broadcast %and3A_1912 : i32 to vector<16xi32>
    %and3A_1914 = arith.andi %get3A_1907, %and3A_1913 : vector<16xi32>
    %gather3A_1915 = arith.constant 1 : i32
    %gather3A_1916 = arith.constant 0 : i32
    %gather3A_1917 = arith.constant 0 : i32
    %gather3A_1918 = tpu.memref_slice %arg14[%gather3A_1915, %gather3A_1916, %gather3A_1917] : memref<2x128x128xf32, #tpu.memory_space<vmem>> -> memref<1x128x128xf32, #tpu.memory_space<vmem>>
    %gather3A_1919 = tpu.memref_squeeze %gather3A_1918 : memref<1x128x128xf32, #tpu.memory_space<vmem>> -> memref<128x128xf32, #tpu.memory_space<vmem>>
    %gather3A_1920 = tpu.vector_load_idx %gather3A_1919[%add3A_1903, %and3A_1914] : memref<128x128xf32, #tpu.memory_space<vmem>>[vector<16xi32>, vector<16xi32>], vector<16xf32>,
    %and3A_1921 = arith.constant 127 : i32
    %and3A_1922 = vector.broadcast %and3A_1921 : i32 to vector<16xi32>
    %and3A_1923 = arith.andi %get3A_1911, %and3A_1922 : vector<16xi32>
    %gather3A_1924 = arith.constant 1 : i32
    %gather3A_1925 = arith.constant 0 : i32
    %gather3A_1926 = arith.constant 0 : i32
    %gather3A_1927 = tpu.memref_slice %arg15[%gather3A_1924, %gather3A_1925, %gather3A_1926] : memref<2x128x128xf32, #tpu.memory_space<vmem>> -> memref<1x128x128xf32, #tpu.memory_space<vmem>>
    %gather3A_1928 = tpu.memref_squeeze %gather3A_1927 : memref<1x128x128xf32, #tpu.memory_space<vmem>> -> memref<128x128xf32, #tpu.memory_space<vmem>>
    %gather3A_1929 = tpu.vector_load_idx %gather3A_1928[%add3A_1903, %and3A_1923] : memref<128x128xf32, #tpu.memory_space<vmem>>[vector<16xi32>, vector<16xi32>], vector<16xf32>,
    %gather3A_1930 = tpu.vector_load_idx %arg8[%get3A_1907] : memref<4096xf32, #tpu.memory_space<vmem>>[vector<16xi32>], vector<16xf32>,
    %gather3A_1931 = tpu.vector_load_idx %arg8[%get3A_1911] : memref<4096xf32, #tpu.memory_space<vmem>>[vector<16xi32>], vector<16xf32>,
    %sub3A_1932 = arith.subf %gather3A_1920, %gather3A_1930 : vector<16xf32>
    %sub3A_1933 = arith.subf %gather3A_1929, %gather3A_1931 : vector<16xf32>
    %mul3A_1934 = arith.mulf %sub3A_1932, %sub3A_1933 : vector<16xf32>
    %swap3A_1935 = arith.constant 1 : i32
    %swap3A_1936 = arith.index_cast %swap3A_1935 : i32 to index
    %swap3A_1937 = arith.constant 32 : index
    %swap3A_1938 = tpu.vector_load %arg16[%swap3A_1936, %swap3A_1937] {strides = array<i32>} : memref<4x128xf32, #tpu.memory_space<vmem>>, vector<16xf32>,
    tpu.vector_store %arg16[%swap3A_1936, %swap3A_1937], %mul3A_1934 {strides = array<i32>} : memref<4x128xf32, #tpu.memory_space<vmem>>, vector<16xf32>,
    %add3A_1939 = arith.constant 48 : i32
    %add3A_1940 = vector.broadcast %add3A_1939 : i32 to vector<16xi32>
    %add3A_1941 = arith.addi %add3A_1940, %iota3A : vector<16xi32>
    %get3A_1942 = arith.constant 1 : i32
    %get3A_1943 = arith.index_cast %get3A_1942 : i32 to index
    %get3A_1944 = arith.constant 48 : index
    %get3A_1945 = tpu.vector_load %arg10[%get3A_1943, %get3A_1944] {strides = array<i32>} : memref<4x128xi32, #tpu.memory_space<vmem>>, vector<16xi32>,
    %get3A_1946 = arith.constant 1 : i32
    %get3A_1947 = arith.index_cast %get3A_1946 : i32 to index
    %get3A_1948 = arith.constant 48 : index
    %get3A_1949 = tpu.vector_load %arg11[%get3A_1947, %get3A_1948] {strides = array<i32>} : memref<4x128xi32, #tpu.memory_space<vmem>>, vector<16xi32>,
    %and3A_1950 = arith.constant 127 : i32
    %and3A_1951 = vector.broadcast %and3A_1950 : i32 to vector<16xi32>
    %and3A_1952 = arith.andi %get3A_1945, %and3A_1951 : vector<16xi32>
    %gather3A_1953 = arith.constant 1 : i32
    %gather3A_1954 = arith.constant 0 : i32
    %gather3A_1955 = arith.constant 0 : i32
    %gather3A_1956 = tpu.memref_slice %arg14[%gather3A_1953, %gather3A_1954, %gather3A_1955] : memref<2x128x128xf32, #tpu.memory_space<vmem>> -> memref<1x128x128xf32, #tpu.memory_space<vmem>>
    %gather3A_1957 = tpu.memref_squeeze %gather3A_1956 : memref<1x128x128xf32, #tpu.memory_space<vmem>> -> memref<128x128xf32, #tpu.memory_space<vmem>>
    %gather3A_1958 = tpu.vector_load_idx %gather3A_1957[%add3A_1941, %and3A_1952] : memref<128x128xf32, #tpu.memory_space<vmem>>[vector<16xi32>, vector<16xi32>], vector<16xf32>,
    %and3A_1959 = arith.constant 127 : i32
    %and3A_1960 = vector.broadcast %and3A_1959 : i32 to vector<16xi32>
    %and3A_1961 = arith.andi %get3A_1949, %and3A_1960 : vector<16xi32>
    %gather3A_1962 = arith.constant 1 : i32
    %gather3A_1963 = arith.constant 0 : i32
    %gather3A_1964 = arith.constant 0 : i32
    %gather3A_1965 = tpu.memref_slice %arg15[%gather3A_1962, %gather3A_1963, %gather3A_1964] : memref<2x128x128xf32, #tpu.memory_space<vmem>> -> memref<1x128x128xf32, #tpu.memory_space<vmem>>
    %gather3A_1966 = tpu.memref_squeeze %gather3A_1965 : memref<1x128x128xf32, #tpu.memory_space<vmem>> -> memref<128x128xf32, #tpu.memory_space<vmem>>
    %gather3A_1967 = tpu.vector_load_idx %gather3A_1966[%add3A_1941, %and3A_1961] : memref<128x128xf32, #tpu.memory_space<vmem>>[vector<16xi32>, vector<16xi32>], vector<16xf32>,
    %gather3A_1968 = tpu.vector_load_idx %arg8[%get3A_1945] : memref<4096xf32, #tpu.memory_space<vmem>>[vector<16xi32>], vector<16xf32>,
    %gather3A_1969 = tpu.vector_load_idx %arg8[%get3A_1949] : memref<4096xf32, #tpu.memory_space<vmem>>[vector<16xi32>], vector<16xf32>,
    %sub3A_1970 = arith.subf %gather3A_1958, %gather3A_1968 : vector<16xf32>
    %sub3A_1971 = arith.subf %gather3A_1967, %gather3A_1969 : vector<16xf32>
    %mul3A_1972 = arith.mulf %sub3A_1970, %sub3A_1971 : vector<16xf32>
    %swap3A_1973 = arith.constant 1 : i32
    %swap3A_1974 = arith.index_cast %swap3A_1973 : i32 to index
    %swap3A_1975 = arith.constant 48 : index
    %swap3A_1976 = tpu.vector_load %arg16[%swap3A_1974, %swap3A_1975] {strides = array<i32>} : memref<4x128xf32, #tpu.memory_space<vmem>>, vector<16xf32>,
    tpu.vector_store %arg16[%swap3A_1974, %swap3A_1975], %mul3A_1972 {strides = array<i32>} : memref<4x128xf32, #tpu.memory_space<vmem>>, vector<16xf32>,
    %add3A_1977 = arith.constant 64 : i32
    %add3A_1978 = vector.broadcast %add3A_1977 : i32 to vector<16xi32>
    %add3A_1979 = arith.addi %add3A_1978, %iota3A : vector<16xi32>
    %get3A_1980 = arith.constant 1 : i32
    %get3A_1981 = arith.index_cast %get3A_1980 : i32 to index
    %get3A_1982 = arith.constant 64 : index
    %get3A_1983 = tpu.vector_load %arg10[%get3A_1981, %get3A_1982] {strides = array<i32>} : memref<4x128xi32, #tpu.memory_space<vmem>>, vector<16xi32>,
    %get3A_1984 = arith.constant 1 : i32
    %get3A_1985 = arith.index_cast %get3A_1984 : i32 to index
    %get3A_1986 = arith.constant 64 : index
    %get3A_1987 = tpu.vector_load %arg11[%get3A_1985, %get3A_1986] {strides = array<i32>} : memref<4x128xi32, #tpu.memory_space<vmem>>, vector<16xi32>,
    %and3A_1988 = arith.constant 127 : i32
    %and3A_1989 = vector.broadcast %and3A_1988 : i32 to vector<16xi32>
    %and3A_1990 = arith.andi %get3A_1983, %and3A_1989 : vector<16xi32>
    %gather3A_1991 = arith.constant 1 : i32
    %gather3A_1992 = arith.constant 0 : i32
    %gather3A_1993 = arith.constant 0 : i32
    %gather3A_1994 = tpu.memref_slice %arg14[%gather3A_1991, %gather3A_1992, %gather3A_1993] : memref<2x128x128xf32, #tpu.memory_space<vmem>> -> memref<1x128x128xf32, #tpu.memory_space<vmem>>
    %gather3A_1995 = tpu.memref_squeeze %gather3A_1994 : memref<1x128x128xf32, #tpu.memory_space<vmem>> -> memref<128x128xf32, #tpu.memory_space<vmem>>
    %gather3A_1996 = tpu.vector_load_idx %gather3A_1995[%add3A_1979, %and3A_1990] : memref<128x128xf32, #tpu.memory_space<vmem>>[vector<16xi32>, vector<16xi32>], vector<16xf32>,
    %and3A_1997 = arith.constant 127 : i32
    %and3A_1998 = vector.broadcast %and3A_1997 : i32 to vector<16xi32>
    %and3A_1999 = arith.andi %get3A_1987, %and3A_1998 : vector<16xi32>
    %gather3A_2000 = arith.constant 1 : i32
    %gather3A_2001 = arith.constant 0 : i32
    %gather3A_2002 = arith.constant 0 : i32
    %gather3A_2003 = tpu.memref_slice %arg15[%gather3A_2000, %gather3A_2001, %gather3A_2002] : memref<2x128x128xf32, #tpu.memory_space<vmem>> -> memref<1x128x128xf32, #tpu.memory_space<vmem>>
    %gather3A_2004 = tpu.memref_squeeze %gather3A_2003 : memref<1x128x128xf32, #tpu.memory_space<vmem>> -> memref<128x128xf32, #tpu.memory_space<vmem>>
    %gather3A_2005 = tpu.vector_load_idx %gather3A_2004[%add3A_1979, %and3A_1999] : memref<128x128xf32, #tpu.memory_space<vmem>>[vector<16xi32>, vector<16xi32>], vector<16xf32>,
    %gather3A_2006 = tpu.vector_load_idx %arg8[%get3A_1983] : memref<4096xf32, #tpu.memory_space<vmem>>[vector<16xi32>], vector<16xf32>,
    %gather3A_2007 = tpu.vector_load_idx %arg8[%get3A_1987] : memref<4096xf32, #tpu.memory_space<vmem>>[vector<16xi32>], vector<16xf32>,
    %sub3A_2008 = arith.subf %gather3A_1996, %gather3A_2006 : vector<16xf32>
    %sub3A_2009 = arith.subf %gather3A_2005, %gather3A_2007 : vector<16xf32>
    %mul3A_2010 = arith.mulf %sub3A_2008, %sub3A_2009 : vector<16xf32>
    %swap3A_2011 = arith.constant 1 : i32
    %swap3A_2012 = arith.index_cast %swap3A_2011 : i32 to index
    %swap3A_2013 = arith.constant 64 : index
    %swap3A_2014 = tpu.vector_load %arg16[%swap3A_2012, %swap3A_2013] {strides = array<i32>} : memref<4x128xf32, #tpu.memory_space<vmem>>, vector<16xf32>,
    tpu.vector_store %arg16[%swap3A_2012, %swap3A_2013], %mul3A_2010 {strides = array<i32>} : memref<4x128xf32, #tpu.memory_space<vmem>>, vector<16xf32>,
    %add3A_2015 = arith.constant 80 : i32
    %add3A_2016 = vector.broadcast %add3A_2015 : i32 to vector<16xi32>
    %add3A_2017 = arith.addi %add3A_2016, %iota3A : vector<16xi32>
    %get3A_2018 = arith.constant 1 : i32
    %get3A_2019 = arith.index_cast %get3A_2018 : i32 to index
    %get3A_2020 = arith.constant 80 : index
    %get3A_2021 = tpu.vector_load %arg10[%get3A_2019, %get3A_2020] {strides = array<i32>} : memref<4x128xi32, #tpu.memory_space<vmem>>, vector<16xi32>,
    %get3A_2022 = arith.constant 1 : i32
    %get3A_2023 = arith.index_cast %get3A_2022 : i32 to index
    %get3A_2024 = arith.constant 80 : index
    %get3A_2025 = tpu.vector_load %arg11[%get3A_2023, %get3A_2024] {strides = array<i32>} : memref<4x128xi32, #tpu.memory_space<vmem>>, vector<16xi32>,
    %and3A_2026 = arith.constant 127 : i32
    %and3A_2027 = vector.broadcast %and3A_2026 : i32 to vector<16xi32>
    %and3A_2028 = arith.andi %get3A_2021, %and3A_2027 : vector<16xi32>
    %gather3A_2029 = arith.constant 1 : i32
    %gather3A_2030 = arith.constant 0 : i32
    %gather3A_2031 = arith.constant 0 : i32
    %gather3A_2032 = tpu.memref_slice %arg14[%gather3A_2029, %gather3A_2030, %gather3A_2031] : memref<2x128x128xf32, #tpu.memory_space<vmem>> -> memref<1x128x128xf32, #tpu.memory_space<vmem>>
    %gather3A_2033 = tpu.memref_squeeze %gather3A_2032 : memref<1x128x128xf32, #tpu.memory_space<vmem>> -> memref<128x128xf32, #tpu.memory_space<vmem>>
    %gather3A_2034 = tpu.vector_load_idx %gather3A_2033[%add3A_2017, %and3A_2028] : memref<128x128xf32, #tpu.memory_space<vmem>>[vector<16xi32>, vector<16xi32>], vector<16xf32>,
    %and3A_2035 = arith.constant 127 : i32
    %and3A_2036 = vector.broadcast %and3A_2035 : i32 to vector<16xi32>
    %and3A_2037 = arith.andi %get3A_2025, %and3A_2036 : vector<16xi32>
    %gather3A_2038 = arith.constant 1 : i32
    %gather3A_2039 = arith.constant 0 : i32
    %gather3A_2040 = arith.constant 0 : i32
    %gather3A_2041 = tpu.memref_slice %arg15[%gather3A_2038, %gather3A_2039, %gather3A_2040] : memref<2x128x128xf32, #tpu.memory_space<vmem>> -> memref<1x128x128xf32, #tpu.memory_space<vmem>>
    %gather3A_2042 = tpu.memref_squeeze %gather3A_2041 : memref<1x128x128xf32, #tpu.memory_space<vmem>> -> memref<128x128xf32, #tpu.memory_space<vmem>>
    %gather3A_2043 = tpu.vector_load_idx %gather3A_2042[%add3A_2017, %and3A_2037] : memref<128x128xf32, #tpu.memory_space<vmem>>[vector<16xi32>, vector<16xi32>], vector<16xf32>,
    %gather3A_2044 = tpu.vector_load_idx %arg8[%get3A_2021] : memref<4096xf32, #tpu.memory_space<vmem>>[vector<16xi32>], vector<16xf32>,
    %gather3A_2045 = tpu.vector_load_idx %arg8[%get3A_2025] : memref<4096xf32, #tpu.memory_space<vmem>>[vector<16xi32>], vector<16xf32>,
    %sub3A_2046 = arith.subf %gather3A_2034, %gather3A_2044 : vector<16xf32>
    %sub3A_2047 = arith.subf %gather3A_2043, %gather3A_2045 : vector<16xf32>
    %mul3A_2048 = arith.mulf %sub3A_2046, %sub3A_2047 : vector<16xf32>
    %swap3A_2049 = arith.constant 1 : i32
    %swap3A_2050 = arith.index_cast %swap3A_2049 : i32 to index
    %swap3A_2051 = arith.constant 80 : index
    %swap3A_2052 = tpu.vector_load %arg16[%swap3A_2050, %swap3A_2051] {strides = array<i32>} : memref<4x128xf32, #tpu.memory_space<vmem>>, vector<16xf32>,
    tpu.vector_store %arg16[%swap3A_2050, %swap3A_2051], %mul3A_2048 {strides = array<i32>} : memref<4x128xf32, #tpu.memory_space<vmem>>, vector<16xf32>,
    %add3A_2053 = arith.constant 96 : i32
    %add3A_2054 = vector.broadcast %add3A_2053 : i32 to vector<16xi32>
    %add3A_2055 = arith.addi %add3A_2054, %iota3A : vector<16xi32>
    %get3A_2056 = arith.constant 1 : i32
    %get3A_2057 = arith.index_cast %get3A_2056 : i32 to index
    %get3A_2058 = arith.constant 96 : index
    %get3A_2059 = tpu.vector_load %arg10[%get3A_2057, %get3A_2058] {strides = array<i32>} : memref<4x128xi32, #tpu.memory_space<vmem>>, vector<16xi32>,
    %get3A_2060 = arith.constant 1 : i32
    %get3A_2061 = arith.index_cast %get3A_2060 : i32 to index
    %get3A_2062 = arith.constant 96 : index
    %get3A_2063 = tpu.vector_load %arg11[%get3A_2061, %get3A_2062] {strides = array<i32>} : memref<4x128xi32, #tpu.memory_space<vmem>>, vector<16xi32>,
    %and3A_2064 = arith.constant 127 : i32
    %and3A_2065 = vector.broadcast %and3A_2064 : i32 to vector<16xi32>
    %and3A_2066 = arith.andi %get3A_2059, %and3A_2065 : vector<16xi32>
    %gather3A_2067 = arith.constant 1 : i32
    %gather3A_2068 = arith.constant 0 : i32
    %gather3A_2069 = arith.constant 0 : i32
    %gather3A_2070 = tpu.memref_slice %arg14[%gather3A_2067, %gather3A_2068, %gather3A_2069] : memref<2x128x128xf32, #tpu.memory_space<vmem>> -> memref<1x128x128xf32, #tpu.memory_space<vmem>>
    %gather3A_2071 = tpu.memref_squeeze %gather3A_2070 : memref<1x128x128xf32, #tpu.memory_space<vmem>> -> memref<128x128xf32, #tpu.memory_space<vmem>>
    %gather3A_2072 = tpu.vector_load_idx %gather3A_2071[%add3A_2055, %and3A_2066] : memref<128x128xf32, #tpu.memory_space<vmem>>[vector<16xi32>, vector<16xi32>], vector<16xf32>,
    %and3A_2073 = arith.constant 127 : i32
    %and3A_2074 = vector.broadcast %and3A_2073 : i32 to vector<16xi32>
    %and3A_2075 = arith.andi %get3A_2063, %and3A_2074 : vector<16xi32>
    %gather3A_2076 = arith.constant 1 : i32
    %gather3A_2077 = arith.constant 0 : i32
    %gather3A_2078 = arith.constant 0 : i32
    %gather3A_2079 = tpu.memref_slice %arg15[%gather3A_2076, %gather3A_2077, %gather3A_2078] : memref<2x128x128xf32, #tpu.memory_space<vmem>> -> memref<1x128x128xf32, #tpu.memory_space<vmem>>
    %gather3A_2080 = tpu.memref_squeeze %gather3A_2079 : memref<1x128x128xf32, #tpu.memory_space<vmem>> -> memref<128x128xf32, #tpu.memory_space<vmem>>
    %gather3A_2081 = tpu.vector_load_idx %gather3A_2080[%add3A_2055, %and3A_2075] : memref<128x128xf32, #tpu.memory_space<vmem>>[vector<16xi32>, vector<16xi32>], vector<16xf32>,
    %gather3A_2082 = tpu.vector_load_idx %arg8[%get3A_2059] : memref<4096xf32, #tpu.memory_space<vmem>>[vector<16xi32>], vector<16xf32>,
    %gather3A_2083 = tpu.vector_load_idx %arg8[%get3A_2063] : memref<4096xf32, #tpu.memory_space<vmem>>[vector<16xi32>], vector<16xf32>,
    %sub3A_2084 = arith.subf %gather3A_2072, %gather3A_2082 : vector<16xf32>
    %sub3A_2085 = arith.subf %gather3A_2081, %gather3A_2083 : vector<16xf32>
    %mul3A_2086 = arith.mulf %sub3A_2084, %sub3A_2085 : vector<16xf32>
    %swap3A_2087 = arith.constant 1 : i32
    %swap3A_2088 = arith.index_cast %swap3A_2087 : i32 to index
    %swap3A_2089 = arith.constant 96 : index
    %swap3A_2090 = tpu.vector_load %arg16[%swap3A_2088, %swap3A_2089] {strides = array<i32>} : memref<4x128xf32, #tpu.memory_space<vmem>>, vector<16xf32>,
    tpu.vector_store %arg16[%swap3A_2088, %swap3A_2089], %mul3A_2086 {strides = array<i32>} : memref<4x128xf32, #tpu.memory_space<vmem>>, vector<16xf32>,
    %add3A_2091 = arith.constant 112 : i32
    %add3A_2092 = vector.broadcast %add3A_2091 : i32 to vector<16xi32>
    %add3A_2093 = arith.addi %add3A_2092, %iota3A : vector<16xi32>
    %get3A_2094 = arith.constant 1 : i32
    %get3A_2095 = arith.index_cast %get3A_2094 : i32 to index
    %get3A_2096 = arith.constant 112 : index
    %get3A_2097 = tpu.vector_load %arg10[%get3A_2095, %get3A_2096] {strides = array<i32>} : memref<4x128xi32, #tpu.memory_space<vmem>>, vector<16xi32>,
    %get3A_2098 = arith.constant 1 : i32
    %get3A_2099 = arith.index_cast %get3A_2098 : i32 to index
    %get3A_2100 = arith.constant 112 : index
    %get3A_2101 = tpu.vector_load %arg11[%get3A_2099, %get3A_2100] {strides = array<i32>} : memref<4x128xi32, #tpu.memory_space<vmem>>, vector<16xi32>,
    %and3A_2102 = arith.constant 127 : i32
    %and3A_2103 = vector.broadcast %and3A_2102 : i32 to vector<16xi32>
    %and3A_2104 = arith.andi %get3A_2097, %and3A_2103 : vector<16xi32>
    %gather3A_2105 = arith.constant 1 : i32
    %gather3A_2106 = arith.constant 0 : i32
    %gather3A_2107 = arith.constant 0 : i32
    %gather3A_2108 = tpu.memref_slice %arg14[%gather3A_2105, %gather3A_2106, %gather3A_2107] : memref<2x128x128xf32, #tpu.memory_space<vmem>> -> memref<1x128x128xf32, #tpu.memory_space<vmem>>
    %gather3A_2109 = tpu.memref_squeeze %gather3A_2108 : memref<1x128x128xf32, #tpu.memory_space<vmem>> -> memref<128x128xf32, #tpu.memory_space<vmem>>
    %gather3A_2110 = tpu.vector_load_idx %gather3A_2109[%add3A_2093, %and3A_2104] : memref<128x128xf32, #tpu.memory_space<vmem>>[vector<16xi32>, vector<16xi32>], vector<16xf32>,
    %and3A_2111 = arith.constant 127 : i32
    %and3A_2112 = vector.broadcast %and3A_2111 : i32 to vector<16xi32>
    %and3A_2113 = arith.andi %get3A_2101, %and3A_2112 : vector<16xi32>
    %gather3A_2114 = arith.constant 1 : i32
    %gather3A_2115 = arith.constant 0 : i32
    %gather3A_2116 = arith.constant 0 : i32
    %gather3A_2117 = tpu.memref_slice %arg15[%gather3A_2114, %gather3A_2115, %gather3A_2116] : memref<2x128x128xf32, #tpu.memory_space<vmem>> -> memref<1x128x128xf32, #tpu.memory_space<vmem>>
    %gather3A_2118 = tpu.memref_squeeze %gather3A_2117 : memref<1x128x128xf32, #tpu.memory_space<vmem>> -> memref<128x128xf32, #tpu.memory_space<vmem>>
    %gather3A_2119 = tpu.vector_load_idx %gather3A_2118[%add3A_2093, %and3A_2113] : memref<128x128xf32, #tpu.memory_space<vmem>>[vector<16xi32>, vector<16xi32>], vector<16xf32>,
    %gather3A_2120 = tpu.vector_load_idx %arg8[%get3A_2097] : memref<4096xf32, #tpu.memory_space<vmem>>[vector<16xi32>], vector<16xf32>,
    %gather3A_2121 = tpu.vector_load_idx %arg8[%get3A_2101] : memref<4096xf32, #tpu.memory_space<vmem>>[vector<16xi32>], vector<16xf32>,
    %sub3A_2122 = arith.subf %gather3A_2110, %gather3A_2120 : vector<16xf32>
    %sub3A_2123 = arith.subf %gather3A_2119, %gather3A_2121 : vector<16xf32>
    %mul3A_2124 = arith.mulf %sub3A_2122, %sub3A_2123 : vector<16xf32>
    %swap3A_2125 = arith.constant 1 : i32
    %swap3A_2126 = arith.index_cast %swap3A_2125 : i32 to index
    %swap3A_2127 = arith.constant 112 : index
    %swap3A_2128 = tpu.vector_load %arg16[%swap3A_2126, %swap3A_2127] {strides = array<i32>} : memref<4x128xf32, #tpu.memory_space<vmem>>, vector<16xf32>,
    tpu.vector_store %arg16[%swap3A_2126, %swap3A_2127], %mul3A_2124 {strides = array<i32>} : memref<4x128xf32, #tpu.memory_space<vmem>>, vector<16xf32>,
    %dma_start3A_2129 = arith.constant 3 : i32
    %dma_start3A_2130 = arith.constant 1 : i32
    %dma_start3A_2131 = arith.constant 0 : i32
    %dma_start3A_2132 = arith.constant 0 : i32
    %dma_start3A_2133 = tpu.memref_slice %arg14[%dma_start3A_2130, %dma_start3A_2131, %dma_start3A_2132] : memref<2x128x128xf32, #tpu.memory_space<vmem>> -> memref<1x128x128xf32, #tpu.memory_space<vmem>>
    %dma_start3A_2134 = tpu.memref_squeeze %dma_start3A_2133 : memref<1x128x128xf32, #tpu.memory_space<vmem>> -> memref<128x128xf32, #tpu.memory_space<vmem>>
    %dma_start3A_2135 = arith.constant 0 : i32
    %dma_start3A_2136 = tpu.memref_slice %arg12[%dma_start3A_2129, %dma_start3A_2135] : memref<4x128xi32, #tpu.memory_space<vmem>> -> memref<1x128xi32, #tpu.memory_space<vmem>>
    %dma_start3A_2137 = tpu.memref_squeeze %dma_start3A_2136 : memref<1x128xi32, #tpu.memory_space<vmem>> -> memref<128xi32, #tpu.memory_space<vmem>>
    %dma_start3A_2138 = arith.constant 0 : i32
    %dma_start3A_2139 = arith.constant 0 : i32
    %dma_start3A_2140 = tpu.memref_slice %arg2[%dma_start3A_2138, %dma_start3A_2139] : memref<131072x128xf32, #tpu.memory_space<hbm>> -> memref<131072x128xf32, #tpu.memory_space<hbm>>
    tpu.enqueue_indirect_dma source(%dma_start3A_2140 : memref<131072x128xf32, #tpu.memory_space<hbm>>) target(%dma_start3A_2134 : memref<128x128xf32, #tpu.memory_space<vmem>>) offsets(%dma_start3A_2137 : memref<128xi32, #tpu.memory_space<vmem>>) semaphore(%arg17 : memref<!tpu.dma_semaphore, #tpu.memory_space<semaphore_mem>>)
    %dma_start3A_2141 = arith.constant 3 : i32
    %dma_start3A_2142 = arith.constant 1 : i32
    %dma_start3A_2143 = arith.constant 0 : i32
    %dma_start3A_2144 = arith.constant 0 : i32
    %dma_start3A_2145 = tpu.memref_slice %arg15[%dma_start3A_2142, %dma_start3A_2143, %dma_start3A_2144] : memref<2x128x128xf32, #tpu.memory_space<vmem>> -> memref<1x128x128xf32, #tpu.memory_space<vmem>>
    %dma_start3A_2146 = tpu.memref_squeeze %dma_start3A_2145 : memref<1x128x128xf32, #tpu.memory_space<vmem>> -> memref<128x128xf32, #tpu.memory_space<vmem>>
    %dma_start3A_2147 = arith.constant 0 : i32
    %dma_start3A_2148 = tpu.memref_slice %arg13[%dma_start3A_2141, %dma_start3A_2147] : memref<4x128xi32, #tpu.memory_space<vmem>> -> memref<1x128xi32, #tpu.memory_space<vmem>>
    %dma_start3A_2149 = tpu.memref_squeeze %dma_start3A_2148 : memref<1x128xi32, #tpu.memory_space<vmem>> -> memref<128xi32, #tpu.memory_space<vmem>>
    %dma_start3A_2150 = arith.constant 0 : i32
    %dma_start3A_2151 = arith.constant 0 : i32
    %dma_start3A_2152 = tpu.memref_slice %arg2[%dma_start3A_2150, %dma_start3A_2151] : memref<131072x128xf32, #tpu.memory_space<hbm>> -> memref<131072x128xf32, #tpu.memory_space<hbm>>
    tpu.enqueue_indirect_dma source(%dma_start3A_2152 : memref<131072x128xf32, #tpu.memory_space<hbm>>) target(%dma_start3A_2146 : memref<128x128xf32, #tpu.memory_space<vmem>>) offsets(%dma_start3A_2149 : memref<128xi32, #tpu.memory_space<vmem>>) semaphore(%arg17 : memref<!tpu.dma_semaphore, #tpu.memory_space<semaphore_mem>>)
    %dma_wait3A_2153 = arith.constant 2 : i32
    %dma_wait3A_2154 = arith.constant 0 : i32
    %dma_wait3A_2155 = arith.constant 0 : i32
    %dma_wait3A_2156 = arith.constant 0 : i32
    %dma_wait3A_2157 = tpu.memref_slice %arg14[%dma_wait3A_2154, %dma_wait3A_2155, %dma_wait3A_2156] : memref<2x128x128xf32, #tpu.memory_space<vmem>> -> memref<1x128x128xf32, #tpu.memory_space<vmem>>
    %dma_wait3A_2158 = tpu.memref_squeeze %dma_wait3A_2157 : memref<1x128x128xf32, #tpu.memory_space<vmem>> -> memref<128x128xf32, #tpu.memory_space<vmem>>
    %dma_wait3A_2159 = arith.constant 0 : i32
    %dma_wait3A_2160 = tpu.memref_slice %arg12[%dma_wait3A_2153, %dma_wait3A_2159] : memref<4x128xi32, #tpu.memory_space<vmem>> -> memref<1x128xi32, #tpu.memory_space<vmem>>
    %dma_wait3A_2161 = tpu.memref_squeeze %dma_wait3A_2160 : memref<1x128xi32, #tpu.memory_space<vmem>> -> memref<128xi32, #tpu.memory_space<vmem>>
    %dma_wait3A_2162 = arith.constant 0 : i32
    %dma_wait3A_2163 = arith.constant 0 : i32
    %dma_wait3A_2164 = tpu.memref_slice %arg2[%dma_wait3A_2162, %dma_wait3A_2163] : memref<131072x128xf32, #tpu.memory_space<hbm>> -> memref<131072x128xf32, #tpu.memory_space<hbm>>
    tpu.wait_indirect_dma semaphore(%arg17 : memref<!tpu.dma_semaphore, #tpu.memory_space<semaphore_mem>>) src(%dma_wait3A_2164 : memref<131072x128xf32, #tpu.memory_space<hbm>>) dst(%dma_wait3A_2158 : memref<128x128xf32, #tpu.memory_space<vmem>>)
    %dma_wait3A_2165 = arith.constant 2 : i32
    %dma_wait3A_2166 = arith.constant 0 : i32
    %dma_wait3A_2167 = arith.constant 0 : i32
    %dma_wait3A_2168 = arith.constant 0 : i32
    %dma_wait3A_2169 = tpu.memref_slice %arg15[%dma_wait3A_2166, %dma_wait3A_2167, %dma_wait3A_2168] : memref<2x128x128xf32, #tpu.memory_space<vmem>> -> memref<1x128x128xf32, #tpu.memory_space<vmem>>
    %dma_wait3A_2170 = tpu.memref_squeeze %dma_wait3A_2169 : memref<1x128x128xf32, #tpu.memory_space<vmem>> -> memref<128x128xf32, #tpu.memory_space<vmem>>
    %dma_wait3A_2171 = arith.constant 0 : i32
    %dma_wait3A_2172 = tpu.memref_slice %arg13[%dma_wait3A_2165, %dma_wait3A_2171] : memref<4x128xi32, #tpu.memory_space<vmem>> -> memref<1x128xi32, #tpu.memory_space<vmem>>
    %dma_wait3A_2173 = tpu.memref_squeeze %dma_wait3A_2172 : memref<1x128xi32, #tpu.memory_space<vmem>> -> memref<128xi32, #tpu.memory_space<vmem>>
    %dma_wait3A_2174 = arith.constant 0 : i32
    %dma_wait3A_2175 = arith.constant 0 : i32
    %dma_wait3A_2176 = tpu.memref_slice %arg2[%dma_wait3A_2174, %dma_wait3A_2175] : memref<131072x128xf32, #tpu.memory_space<hbm>> -> memref<131072x128xf32, #tpu.memory_space<hbm>>
    tpu.wait_indirect_dma semaphore(%arg17 : memref<!tpu.dma_semaphore, #tpu.memory_space<semaphore_mem>>) src(%dma_wait3A_2176 : memref<131072x128xf32, #tpu.memory_space<hbm>>) dst(%dma_wait3A_2170 : memref<128x128xf32, #tpu.memory_space<vmem>>)
    %add3A_2177 = arith.constant 0 : i32
    %add3A_2178 = vector.broadcast %add3A_2177 : i32 to vector<16xi32>
    %add3A_2179 = arith.addi %add3A_2178, %iota3A : vector<16xi32>
    %get3A_2180 = arith.constant 2 : i32
    %get3A_2181 = arith.index_cast %get3A_2180 : i32 to index
    %get3A_2182 = arith.constant 0 : index
    %get3A_2183 = tpu.vector_load %arg10[%get3A_2181, %get3A_2182] {strides = array<i32>} : memref<4x128xi32, #tpu.memory_space<vmem>>, vector<16xi32>,
    %get3A_2184 = arith.constant 2 : i32
    %get3A_2185 = arith.index_cast %get3A_2184 : i32 to index
    %get3A_2186 = arith.constant 0 : index
    %get3A_2187 = tpu.vector_load %arg11[%get3A_2185, %get3A_2186] {strides = array<i32>} : memref<4x128xi32, #tpu.memory_space<vmem>>, vector<16xi32>,
    %and3A_2188 = arith.constant 127 : i32
    %and3A_2189 = vector.broadcast %and3A_2188 : i32 to vector<16xi32>
    %and3A_2190 = arith.andi %get3A_2183, %and3A_2189 : vector<16xi32>
    %gather3A_2191 = arith.constant 0 : i32
    %gather3A_2192 = arith.constant 0 : i32
    %gather3A_2193 = arith.constant 0 : i32
    %gather3A_2194 = tpu.memref_slice %arg14[%gather3A_2191, %gather3A_2192, %gather3A_2193] : memref<2x128x128xf32, #tpu.memory_space<vmem>> -> memref<1x128x128xf32, #tpu.memory_space<vmem>>
    %gather3A_2195 = tpu.memref_squeeze %gather3A_2194 : memref<1x128x128xf32, #tpu.memory_space<vmem>> -> memref<128x128xf32, #tpu.memory_space<vmem>>
    %gather3A_2196 = tpu.vector_load_idx %gather3A_2195[%add3A_2179, %and3A_2190] : memref<128x128xf32, #tpu.memory_space<vmem>>[vector<16xi32>, vector<16xi32>], vector<16xf32>,
    %and3A_2197 = arith.constant 127 : i32
    %and3A_2198 = vector.broadcast %and3A_2197 : i32 to vector<16xi32>
    %and3A_2199 = arith.andi %get3A_2187, %and3A_2198 : vector<16xi32>
    %gather3A_2200 = arith.constant 0 : i32
    %gather3A_2201 = arith.constant 0 : i32
    %gather3A_2202 = arith.constant 0 : i32
    %gather3A_2203 = tpu.memref_slice %arg15[%gather3A_2200, %gather3A_2201, %gather3A_2202] : memref<2x128x128xf32, #tpu.memory_space<vmem>> -> memref<1x128x128xf32, #tpu.memory_space<vmem>>
    %gather3A_2204 = tpu.memref_squeeze %gather3A_2203 : memref<1x128x128xf32, #tpu.memory_space<vmem>> -> memref<128x128xf32, #tpu.memory_space<vmem>>
    %gather3A_2205 = tpu.vector_load_idx %gather3A_2204[%add3A_2179, %and3A_2199] : memref<128x128xf32, #tpu.memory_space<vmem>>[vector<16xi32>, vector<16xi32>], vector<16xf32>,
    %gather3A_2206 = tpu.vector_load_idx %arg8[%get3A_2183] : memref<4096xf32, #tpu.memory_space<vmem>>[vector<16xi32>], vector<16xf32>,
    %gather3A_2207 = tpu.vector_load_idx %arg8[%get3A_2187] : memref<4096xf32, #tpu.memory_space<vmem>>[vector<16xi32>], vector<16xf32>,
    %sub3A_2208 = arith.subf %gather3A_2196, %gather3A_2206 : vector<16xf32>
    %sub3A_2209 = arith.subf %gather3A_2205, %gather3A_2207 : vector<16xf32>
    %mul3A_2210 = arith.mulf %sub3A_2208, %sub3A_2209 : vector<16xf32>
    %swap3A_2211 = arith.constant 2 : i32
    %swap3A_2212 = arith.index_cast %swap3A_2211 : i32 to index
    %swap3A_2213 = arith.constant 0 : index
    %swap3A_2214 = tpu.vector_load %arg16[%swap3A_2212, %swap3A_2213] {strides = array<i32>} : memref<4x128xf32, #tpu.memory_space<vmem>>, vector<16xf32>,
    tpu.vector_store %arg16[%swap3A_2212, %swap3A_2213], %mul3A_2210 {strides = array<i32>} : memref<4x128xf32, #tpu.memory_space<vmem>>, vector<16xf32>,
    %add3A_2215 = arith.constant 16 : i32
    %add3A_2216 = vector.broadcast %add3A_2215 : i32 to vector<16xi32>
    %add3A_2217 = arith.addi %add3A_2216, %iota3A : vector<16xi32>
    %get3A_2218 = arith.constant 2 : i32
    %get3A_2219 = arith.index_cast %get3A_2218 : i32 to index
    %get3A_2220 = arith.constant 16 : index
    %get3A_2221 = tpu.vector_load %arg10[%get3A_2219, %get3A_2220] {strides = array<i32>} : memref<4x128xi32, #tpu.memory_space<vmem>>, vector<16xi32>,
    %get3A_2222 = arith.constant 2 : i32
    %get3A_2223 = arith.index_cast %get3A_2222 : i32 to index
    %get3A_2224 = arith.constant 16 : index
    %get3A_2225 = tpu.vector_load %arg11[%get3A_2223, %get3A_2224] {strides = array<i32>} : memref<4x128xi32, #tpu.memory_space<vmem>>, vector<16xi32>,
    %and3A_2226 = arith.constant 127 : i32
    %and3A_2227 = vector.broadcast %and3A_2226 : i32 to vector<16xi32>
    %and3A_2228 = arith.andi %get3A_2221, %and3A_2227 : vector<16xi32>
    %gather3A_2229 = arith.constant 0 : i32
    %gather3A_2230 = arith.constant 0 : i32
    %gather3A_2231 = arith.constant 0 : i32
    %gather3A_2232 = tpu.memref_slice %arg14[%gather3A_2229, %gather3A_2230, %gather3A_2231] : memref<2x128x128xf32, #tpu.memory_space<vmem>> -> memref<1x128x128xf32, #tpu.memory_space<vmem>>
    %gather3A_2233 = tpu.memref_squeeze %gather3A_2232 : memref<1x128x128xf32, #tpu.memory_space<vmem>> -> memref<128x128xf32, #tpu.memory_space<vmem>>
    %gather3A_2234 = tpu.vector_load_idx %gather3A_2233[%add3A_2217, %and3A_2228] : memref<128x128xf32, #tpu.memory_space<vmem>>[vector<16xi32>, vector<16xi32>], vector<16xf32>,
    %and3A_2235 = arith.constant 127 : i32
    %and3A_2236 = vector.broadcast %and3A_2235 : i32 to vector<16xi32>
    %and3A_2237 = arith.andi %get3A_2225, %and3A_2236 : vector<16xi32>
    %gather3A_2238 = arith.constant 0 : i32
    %gather3A_2239 = arith.constant 0 : i32
    %gather3A_2240 = arith.constant 0 : i32
    %gather3A_2241 = tpu.memref_slice %arg15[%gather3A_2238, %gather3A_2239, %gather3A_2240] : memref<2x128x128xf32, #tpu.memory_space<vmem>> -> memref<1x128x128xf32, #tpu.memory_space<vmem>>
    %gather3A_2242 = tpu.memref_squeeze %gather3A_2241 : memref<1x128x128xf32, #tpu.memory_space<vmem>> -> memref<128x128xf32, #tpu.memory_space<vmem>>
    %gather3A_2243 = tpu.vector_load_idx %gather3A_2242[%add3A_2217, %and3A_2237] : memref<128x128xf32, #tpu.memory_space<vmem>>[vector<16xi32>, vector<16xi32>], vector<16xf32>,
    %gather3A_2244 = tpu.vector_load_idx %arg8[%get3A_2221] : memref<4096xf32, #tpu.memory_space<vmem>>[vector<16xi32>], vector<16xf32>,
    %gather3A_2245 = tpu.vector_load_idx %arg8[%get3A_2225] : memref<4096xf32, #tpu.memory_space<vmem>>[vector<16xi32>], vector<16xf32>,
    %sub3A_2246 = arith.subf %gather3A_2234, %gather3A_2244 : vector<16xf32>
    %sub3A_2247 = arith.subf %gather3A_2243, %gather3A_2245 : vector<16xf32>
    %mul3A_2248 = arith.mulf %sub3A_2246, %sub3A_2247 : vector<16xf32>
    %swap3A_2249 = arith.constant 2 : i32
    %swap3A_2250 = arith.index_cast %swap3A_2249 : i32 to index
    %swap3A_2251 = arith.constant 16 : index
    %swap3A_2252 = tpu.vector_load %arg16[%swap3A_2250, %swap3A_2251] {strides = array<i32>} : memref<4x128xf32, #tpu.memory_space<vmem>>, vector<16xf32>,
    tpu.vector_store %arg16[%swap3A_2250, %swap3A_2251], %mul3A_2248 {strides = array<i32>} : memref<4x128xf32, #tpu.memory_space<vmem>>, vector<16xf32>,
    %add3A_2253 = arith.constant 32 : i32
    %add3A_2254 = vector.broadcast %add3A_2253 : i32 to vector<16xi32>
    %add3A_2255 = arith.addi %add3A_2254, %iota3A : vector<16xi32>
    %get3A_2256 = arith.constant 2 : i32
    %get3A_2257 = arith.index_cast %get3A_2256 : i32 to index
    %get3A_2258 = arith.constant 32 : index
    %get3A_2259 = tpu.vector_load %arg10[%get3A_2257, %get3A_2258] {strides = array<i32>} : memref<4x128xi32, #tpu.memory_space<vmem>>, vector<16xi32>,
    %get3A_2260 = arith.constant 2 : i32
    %get3A_2261 = arith.index_cast %get3A_2260 : i32 to index
    %get3A_2262 = arith.constant 32 : index
    %get3A_2263 = tpu.vector_load %arg11[%get3A_2261, %get3A_2262] {strides = array<i32>} : memref<4x128xi32, #tpu.memory_space<vmem>>, vector<16xi32>,
    %and3A_2264 = arith.constant 127 : i32
    %and3A_2265 = vector.broadcast %and3A_2264 : i32 to vector<16xi32>
    %and3A_2266 = arith.andi %get3A_2259, %and3A_2265 : vector<16xi32>
    %gather3A_2267 = arith.constant 0 : i32
    %gather3A_2268 = arith.constant 0 : i32
    %gather3A_2269 = arith.constant 0 : i32
    %gather3A_2270 = tpu.memref_slice %arg14[%gather3A_2267, %gather3A_2268, %gather3A_2269] : memref<2x128x128xf32, #tpu.memory_space<vmem>> -> memref<1x128x128xf32, #tpu.memory_space<vmem>>
    %gather3A_2271 = tpu.memref_squeeze %gather3A_2270 : memref<1x128x128xf32, #tpu.memory_space<vmem>> -> memref<128x128xf32, #tpu.memory_space<vmem>>
    %gather3A_2272 = tpu.vector_load_idx %gather3A_2271[%add3A_2255, %and3A_2266] : memref<128x128xf32, #tpu.memory_space<vmem>>[vector<16xi32>, vector<16xi32>], vector<16xf32>,
    %and3A_2273 = arith.constant 127 : i32
    %and3A_2274 = vector.broadcast %and3A_2273 : i32 to vector<16xi32>
    %and3A_2275 = arith.andi %get3A_2263, %and3A_2274 : vector<16xi32>
    %gather3A_2276 = arith.constant 0 : i32
    %gather3A_2277 = arith.constant 0 : i32
    %gather3A_2278 = arith.constant 0 : i32
    %gather3A_2279 = tpu.memref_slice %arg15[%gather3A_2276, %gather3A_2277, %gather3A_2278] : memref<2x128x128xf32, #tpu.memory_space<vmem>> -> memref<1x128x128xf32, #tpu.memory_space<vmem>>
    %gather3A_2280 = tpu.memref_squeeze %gather3A_2279 : memref<1x128x128xf32, #tpu.memory_space<vmem>> -> memref<128x128xf32, #tpu.memory_space<vmem>>
    %gather3A_2281 = tpu.vector_load_idx %gather3A_2280[%add3A_2255, %and3A_2275] : memref<128x128xf32, #tpu.memory_space<vmem>>[vector<16xi32>, vector<16xi32>], vector<16xf32>,
    %gather3A_2282 = tpu.vector_load_idx %arg8[%get3A_2259] : memref<4096xf32, #tpu.memory_space<vmem>>[vector<16xi32>], vector<16xf32>,
    %gather3A_2283 = tpu.vector_load_idx %arg8[%get3A_2263] : memref<4096xf32, #tpu.memory_space<vmem>>[vector<16xi32>], vector<16xf32>,
    %sub3A_2284 = arith.subf %gather3A_2272, %gather3A_2282 : vector<16xf32>
    %sub3A_2285 = arith.subf %gather3A_2281, %gather3A_2283 : vector<16xf32>
    %mul3A_2286 = arith.mulf %sub3A_2284, %sub3A_2285 : vector<16xf32>
    %swap3A_2287 = arith.constant 2 : i32
    %swap3A_2288 = arith.index_cast %swap3A_2287 : i32 to index
    %swap3A_2289 = arith.constant 32 : index
    %swap3A_2290 = tpu.vector_load %arg16[%swap3A_2288, %swap3A_2289] {strides = array<i32>} : memref<4x128xf32, #tpu.memory_space<vmem>>, vector<16xf32>,
    tpu.vector_store %arg16[%swap3A_2288, %swap3A_2289], %mul3A_2286 {strides = array<i32>} : memref<4x128xf32, #tpu.memory_space<vmem>>, vector<16xf32>,
    %add3A_2291 = arith.constant 48 : i32
    %add3A_2292 = vector.broadcast %add3A_2291 : i32 to vector<16xi32>
    %add3A_2293 = arith.addi %add3A_2292, %iota3A : vector<16xi32>
    %get3A_2294 = arith.constant 2 : i32
    %get3A_2295 = arith.index_cast %get3A_2294 : i32 to index
    %get3A_2296 = arith.constant 48 : index
    %get3A_2297 = tpu.vector_load %arg10[%get3A_2295, %get3A_2296] {strides = array<i32>} : memref<4x128xi32, #tpu.memory_space<vmem>>, vector<16xi32>,
    %get3A_2298 = arith.constant 2 : i32
    %get3A_2299 = arith.index_cast %get3A_2298 : i32 to index
    %get3A_2300 = arith.constant 48 : index
    %get3A_2301 = tpu.vector_load %arg11[%get3A_2299, %get3A_2300] {strides = array<i32>} : memref<4x128xi32, #tpu.memory_space<vmem>>, vector<16xi32>,
    %and3A_2302 = arith.constant 127 : i32
    %and3A_2303 = vector.broadcast %and3A_2302 : i32 to vector<16xi32>
    %and3A_2304 = arith.andi %get3A_2297, %and3A_2303 : vector<16xi32>
    %gather3A_2305 = arith.constant 0 : i32
    %gather3A_2306 = arith.constant 0 : i32
    %gather3A_2307 = arith.constant 0 : i32
    %gather3A_2308 = tpu.memref_slice %arg14[%gather3A_2305, %gather3A_2306, %gather3A_2307] : memref<2x128x128xf32, #tpu.memory_space<vmem>> -> memref<1x128x128xf32, #tpu.memory_space<vmem>>
    %gather3A_2309 = tpu.memref_squeeze %gather3A_2308 : memref<1x128x128xf32, #tpu.memory_space<vmem>> -> memref<128x128xf32, #tpu.memory_space<vmem>>
    %gather3A_2310 = tpu.vector_load_idx %gather3A_2309[%add3A_2293, %and3A_2304] : memref<128x128xf32, #tpu.memory_space<vmem>>[vector<16xi32>, vector<16xi32>], vector<16xf32>,
    %and3A_2311 = arith.constant 127 : i32
    %and3A_2312 = vector.broadcast %and3A_2311 : i32 to vector<16xi32>
    %and3A_2313 = arith.andi %get3A_2301, %and3A_2312 : vector<16xi32>
    %gather3A_2314 = arith.constant 0 : i32
    %gather3A_2315 = arith.constant 0 : i32
    %gather3A_2316 = arith.constant 0 : i32
    %gather3A_2317 = tpu.memref_slice %arg15[%gather3A_2314, %gather3A_2315, %gather3A_2316] : memref<2x128x128xf32, #tpu.memory_space<vmem>> -> memref<1x128x128xf32, #tpu.memory_space<vmem>>
    %gather3A_2318 = tpu.memref_squeeze %gather3A_2317 : memref<1x128x128xf32, #tpu.memory_space<vmem>> -> memref<128x128xf32, #tpu.memory_space<vmem>>
    %gather3A_2319 = tpu.vector_load_idx %gather3A_2318[%add3A_2293, %and3A_2313] : memref<128x128xf32, #tpu.memory_space<vmem>>[vector<16xi32>, vector<16xi32>], vector<16xf32>,
    %gather3A_2320 = tpu.vector_load_idx %arg8[%get3A_2297] : memref<4096xf32, #tpu.memory_space<vmem>>[vector<16xi32>], vector<16xf32>,
    %gather3A_2321 = tpu.vector_load_idx %arg8[%get3A_2301] : memref<4096xf32, #tpu.memory_space<vmem>>[vector<16xi32>], vector<16xf32>,
    %sub3A_2322 = arith.subf %gather3A_2310, %gather3A_2320 : vector<16xf32>
    %sub3A_2323 = arith.subf %gather3A_2319, %gather3A_2321 : vector<16xf32>
    %mul3A_2324 = arith.mulf %sub3A_2322, %sub3A_2323 : vector<16xf32>
    %swap3A_2325 = arith.constant 2 : i32
    %swap3A_2326 = arith.index_cast %swap3A_2325 : i32 to index
    %swap3A_2327 = arith.constant 48 : index
    %swap3A_2328 = tpu.vector_load %arg16[%swap3A_2326, %swap3A_2327] {strides = array<i32>} : memref<4x128xf32, #tpu.memory_space<vmem>>, vector<16xf32>,
    tpu.vector_store %arg16[%swap3A_2326, %swap3A_2327], %mul3A_2324 {strides = array<i32>} : memref<4x128xf32, #tpu.memory_space<vmem>>, vector<16xf32>,
    %add3A_2329 = arith.constant 64 : i32
    %add3A_2330 = vector.broadcast %add3A_2329 : i32 to vector<16xi32>
    %add3A_2331 = arith.addi %add3A_2330, %iota3A : vector<16xi32>
    %get3A_2332 = arith.constant 2 : i32
    %get3A_2333 = arith.index_cast %get3A_2332 : i32 to index
    %get3A_2334 = arith.constant 64 : index
    %get3A_2335 = tpu.vector_load %arg10[%get3A_2333, %get3A_2334] {strides = array<i32>} : memref<4x128xi32, #tpu.memory_space<vmem>>, vector<16xi32>,
    %get3A_2336 = arith.constant 2 : i32
    %get3A_2337 = arith.index_cast %get3A_2336 : i32 to index
    %get3A_2338 = arith.constant 64 : index
    %get3A_2339 = tpu.vector_load %arg11[%get3A_2337, %get3A_2338] {strides = array<i32>} : memref<4x128xi32, #tpu.memory_space<vmem>>, vector<16xi32>,
    %and3A_2340 = arith.constant 127 : i32
    %and3A_2341 = vector.broadcast %and3A_2340 : i32 to vector<16xi32>
    %and3A_2342 = arith.andi %get3A_2335, %and3A_2341 : vector<16xi32>
    %gather3A_2343 = arith.constant 0 : i32
    %gather3A_2344 = arith.constant 0 : i32
    %gather3A_2345 = arith.constant 0 : i32
    %gather3A_2346 = tpu.memref_slice %arg14[%gather3A_2343, %gather3A_2344, %gather3A_2345] : memref<2x128x128xf32, #tpu.memory_space<vmem>> -> memref<1x128x128xf32, #tpu.memory_space<vmem>>
    %gather3A_2347 = tpu.memref_squeeze %gather3A_2346 : memref<1x128x128xf32, #tpu.memory_space<vmem>> -> memref<128x128xf32, #tpu.memory_space<vmem>>
    %gather3A_2348 = tpu.vector_load_idx %gather3A_2347[%add3A_2331, %and3A_2342] : memref<128x128xf32, #tpu.memory_space<vmem>>[vector<16xi32>, vector<16xi32>], vector<16xf32>,
    %and3A_2349 = arith.constant 127 : i32
    %and3A_2350 = vector.broadcast %and3A_2349 : i32 to vector<16xi32>
    %and3A_2351 = arith.andi %get3A_2339, %and3A_2350 : vector<16xi32>
    %gather3A_2352 = arith.constant 0 : i32
    %gather3A_2353 = arith.constant 0 : i32
    %gather3A_2354 = arith.constant 0 : i32
    %gather3A_2355 = tpu.memref_slice %arg15[%gather3A_2352, %gather3A_2353, %gather3A_2354] : memref<2x128x128xf32, #tpu.memory_space<vmem>> -> memref<1x128x128xf32, #tpu.memory_space<vmem>>
    %gather3A_2356 = tpu.memref_squeeze %gather3A_2355 : memref<1x128x128xf32, #tpu.memory_space<vmem>> -> memref<128x128xf32, #tpu.memory_space<vmem>>
    %gather3A_2357 = tpu.vector_load_idx %gather3A_2356[%add3A_2331, %and3A_2351] : memref<128x128xf32, #tpu.memory_space<vmem>>[vector<16xi32>, vector<16xi32>], vector<16xf32>,
    %gather3A_2358 = tpu.vector_load_idx %arg8[%get3A_2335] : memref<4096xf32, #tpu.memory_space<vmem>>[vector<16xi32>], vector<16xf32>,
    %gather3A_2359 = tpu.vector_load_idx %arg8[%get3A_2339] : memref<4096xf32, #tpu.memory_space<vmem>>[vector<16xi32>], vector<16xf32>,
    %sub3A_2360 = arith.subf %gather3A_2348, %gather3A_2358 : vector<16xf32>
    %sub3A_2361 = arith.subf %gather3A_2357, %gather3A_2359 : vector<16xf32>
    %mul3A_2362 = arith.mulf %sub3A_2360, %sub3A_2361 : vector<16xf32>
    %swap3A_2363 = arith.constant 2 : i32
    %swap3A_2364 = arith.index_cast %swap3A_2363 : i32 to index
    %swap3A_2365 = arith.constant 64 : index
    %swap3A_2366 = tpu.vector_load %arg16[%swap3A_2364, %swap3A_2365] {strides = array<i32>} : memref<4x128xf32, #tpu.memory_space<vmem>>, vector<16xf32>,
    tpu.vector_store %arg16[%swap3A_2364, %swap3A_2365], %mul3A_2362 {strides = array<i32>} : memref<4x128xf32, #tpu.memory_space<vmem>>, vector<16xf32>,
    %add3A_2367 = arith.constant 80 : i32
    %add3A_2368 = vector.broadcast %add3A_2367 : i32 to vector<16xi32>
    %add3A_2369 = arith.addi %add3A_2368, %iota3A : vector<16xi32>
    %get3A_2370 = arith.constant 2 : i32
    %get3A_2371 = arith.index_cast %get3A_2370 : i32 to index
    %get3A_2372 = arith.constant 80 : index
    %get3A_2373 = tpu.vector_load %arg10[%get3A_2371, %get3A_2372] {strides = array<i32>} : memref<4x128xi32, #tpu.memory_space<vmem>>, vector<16xi32>,
    %get3A_2374 = arith.constant 2 : i32
    %get3A_2375 = arith.index_cast %get3A_2374 : i32 to index
    %get3A_2376 = arith.constant 80 : index
    %get3A_2377 = tpu.vector_load %arg11[%get3A_2375, %get3A_2376] {strides = array<i32>} : memref<4x128xi32, #tpu.memory_space<vmem>>, vector<16xi32>,
    %and3A_2378 = arith.constant 127 : i32
    %and3A_2379 = vector.broadcast %and3A_2378 : i32 to vector<16xi32>
    %and3A_2380 = arith.andi %get3A_2373, %and3A_2379 : vector<16xi32>
    %gather3A_2381 = arith.constant 0 : i32
    %gather3A_2382 = arith.constant 0 : i32
    %gather3A_2383 = arith.constant 0 : i32
    %gather3A_2384 = tpu.memref_slice %arg14[%gather3A_2381, %gather3A_2382, %gather3A_2383] : memref<2x128x128xf32, #tpu.memory_space<vmem>> -> memref<1x128x128xf32, #tpu.memory_space<vmem>>
    %gather3A_2385 = tpu.memref_squeeze %gather3A_2384 : memref<1x128x128xf32, #tpu.memory_space<vmem>> -> memref<128x128xf32, #tpu.memory_space<vmem>>
    %gather3A_2386 = tpu.vector_load_idx %gather3A_2385[%add3A_2369, %and3A_2380] : memref<128x128xf32, #tpu.memory_space<vmem>>[vector<16xi32>, vector<16xi32>], vector<16xf32>,
    %and3A_2387 = arith.constant 127 : i32
    %and3A_2388 = vector.broadcast %and3A_2387 : i32 to vector<16xi32>
    %and3A_2389 = arith.andi %get3A_2377, %and3A_2388 : vector<16xi32>
    %gather3A_2390 = arith.constant 0 : i32
    %gather3A_2391 = arith.constant 0 : i32
    %gather3A_2392 = arith.constant 0 : i32
    %gather3A_2393 = tpu.memref_slice %arg15[%gather3A_2390, %gather3A_2391, %gather3A_2392] : memref<2x128x128xf32, #tpu.memory_space<vmem>> -> memref<1x128x128xf32, #tpu.memory_space<vmem>>
    %gather3A_2394 = tpu.memref_squeeze %gather3A_2393 : memref<1x128x128xf32, #tpu.memory_space<vmem>> -> memref<128x128xf32, #tpu.memory_space<vmem>>
    %gather3A_2395 = tpu.vector_load_idx %gather3A_2394[%add3A_2369, %and3A_2389] : memref<128x128xf32, #tpu.memory_space<vmem>>[vector<16xi32>, vector<16xi32>], vector<16xf32>,
    %gather3A_2396 = tpu.vector_load_idx %arg8[%get3A_2373] : memref<4096xf32, #tpu.memory_space<vmem>>[vector<16xi32>], vector<16xf32>,
    %gather3A_2397 = tpu.vector_load_idx %arg8[%get3A_2377] : memref<4096xf32, #tpu.memory_space<vmem>>[vector<16xi32>], vector<16xf32>,
    %sub3A_2398 = arith.subf %gather3A_2386, %gather3A_2396 : vector<16xf32>
    %sub3A_2399 = arith.subf %gather3A_2395, %gather3A_2397 : vector<16xf32>
    %mul3A_2400 = arith.mulf %sub3A_2398, %sub3A_2399 : vector<16xf32>
    %swap3A_2401 = arith.constant 2 : i32
    %swap3A_2402 = arith.index_cast %swap3A_2401 : i32 to index
    %swap3A_2403 = arith.constant 80 : index
    %swap3A_2404 = tpu.vector_load %arg16[%swap3A_2402, %swap3A_2403] {strides = array<i32>} : memref<4x128xf32, #tpu.memory_space<vmem>>, vector<16xf32>,
    tpu.vector_store %arg16[%swap3A_2402, %swap3A_2403], %mul3A_2400 {strides = array<i32>} : memref<4x128xf32, #tpu.memory_space<vmem>>, vector<16xf32>,
    %add3A_2405 = arith.constant 96 : i32
    %add3A_2406 = vector.broadcast %add3A_2405 : i32 to vector<16xi32>
    %add3A_2407 = arith.addi %add3A_2406, %iota3A : vector<16xi32>
    %get3A_2408 = arith.constant 2 : i32
    %get3A_2409 = arith.index_cast %get3A_2408 : i32 to index
    %get3A_2410 = arith.constant 96 : index
    %get3A_2411 = tpu.vector_load %arg10[%get3A_2409, %get3A_2410] {strides = array<i32>} : memref<4x128xi32, #tpu.memory_space<vmem>>, vector<16xi32>,
    %get3A_2412 = arith.constant 2 : i32
    %get3A_2413 = arith.index_cast %get3A_2412 : i32 to index
    %get3A_2414 = arith.constant 96 : index
    %get3A_2415 = tpu.vector_load %arg11[%get3A_2413, %get3A_2414] {strides = array<i32>} : memref<4x128xi32, #tpu.memory_space<vmem>>, vector<16xi32>,
    %and3A_2416 = arith.constant 127 : i32
    %and3A_2417 = vector.broadcast %and3A_2416 : i32 to vector<16xi32>
    %and3A_2418 = arith.andi %get3A_2411, %and3A_2417 : vector<16xi32>
    %gather3A_2419 = arith.constant 0 : i32
    %gather3A_2420 = arith.constant 0 : i32
    %gather3A_2421 = arith.constant 0 : i32
    %gather3A_2422 = tpu.memref_slice %arg14[%gather3A_2419, %gather3A_2420, %gather3A_2421] : memref<2x128x128xf32, #tpu.memory_space<vmem>> -> memref<1x128x128xf32, #tpu.memory_space<vmem>>
    %gather3A_2423 = tpu.memref_squeeze %gather3A_2422 : memref<1x128x128xf32, #tpu.memory_space<vmem>> -> memref<128x128xf32, #tpu.memory_space<vmem>>
    %gather3A_2424 = tpu.vector_load_idx %gather3A_2423[%add3A_2407, %and3A_2418] : memref<128x128xf32, #tpu.memory_space<vmem>>[vector<16xi32>, vector<16xi32>], vector<16xf32>,
    %and3A_2425 = arith.constant 127 : i32
    %and3A_2426 = vector.broadcast %and3A_2425 : i32 to vector<16xi32>
    %and3A_2427 = arith.andi %get3A_2415, %and3A_2426 : vector<16xi32>
    %gather3A_2428 = arith.constant 0 : i32
    %gather3A_2429 = arith.constant 0 : i32
    %gather3A_2430 = arith.constant 0 : i32
    %gather3A_2431 = tpu.memref_slice %arg15[%gather3A_2428, %gather3A_2429, %gather3A_2430] : memref<2x128x128xf32, #tpu.memory_space<vmem>> -> memref<1x128x128xf32, #tpu.memory_space<vmem>>
    %gather3A_2432 = tpu.memref_squeeze %gather3A_2431 : memref<1x128x128xf32, #tpu.memory_space<vmem>> -> memref<128x128xf32, #tpu.memory_space<vmem>>
    %gather3A_2433 = tpu.vector_load_idx %gather3A_2432[%add3A_2407, %and3A_2427] : memref<128x128xf32, #tpu.memory_space<vmem>>[vector<16xi32>, vector<16xi32>], vector<16xf32>,
    %gather3A_2434 = tpu.vector_load_idx %arg8[%get3A_2411] : memref<4096xf32, #tpu.memory_space<vmem>>[vector<16xi32>], vector<16xf32>,
    %gather3A_2435 = tpu.vector_load_idx %arg8[%get3A_2415] : memref<4096xf32, #tpu.memory_space<vmem>>[vector<16xi32>], vector<16xf32>,
    %sub3A_2436 = arith.subf %gather3A_2424, %gather3A_2434 : vector<16xf32>
    %sub3A_2437 = arith.subf %gather3A_2433, %gather3A_2435 : vector<16xf32>
    %mul3A_2438 = arith.mulf %sub3A_2436, %sub3A_2437 : vector<16xf32>
    %swap3A_2439 = arith.constant 2 : i32
    %swap3A_2440 = arith.index_cast %swap3A_2439 : i32 to index
    %swap3A_2441 = arith.constant 96 : index
    %swap3A_2442 = tpu.vector_load %arg16[%swap3A_2440, %swap3A_2441] {strides = array<i32>} : memref<4x128xf32, #tpu.memory_space<vmem>>, vector<16xf32>,
    tpu.vector_store %arg16[%swap3A_2440, %swap3A_2441], %mul3A_2438 {strides = array<i32>} : memref<4x128xf32, #tpu.memory_space<vmem>>, vector<16xf32>,
    %add3A_2443 = arith.constant 112 : i32
    %add3A_2444 = vector.broadcast %add3A_2443 : i32 to vector<16xi32>
    %add3A_2445 = arith.addi %add3A_2444, %iota3A : vector<16xi32>
    %get3A_2446 = arith.constant 2 : i32
    %get3A_2447 = arith.index_cast %get3A_2446 : i32 to index
    %get3A_2448 = arith.constant 112 : index
    %get3A_2449 = tpu.vector_load %arg10[%get3A_2447, %get3A_2448] {strides = array<i32>} : memref<4x128xi32, #tpu.memory_space<vmem>>, vector<16xi32>,
    %get3A_2450 = arith.constant 2 : i32
    %get3A_2451 = arith.index_cast %get3A_2450 : i32 to index
    %get3A_2452 = arith.constant 112 : index
    %get3A_2453 = tpu.vector_load %arg11[%get3A_2451, %get3A_2452] {strides = array<i32>} : memref<4x128xi32, #tpu.memory_space<vmem>>, vector<16xi32>,
    %and3A_2454 = arith.constant 127 : i32
    %and3A_2455 = vector.broadcast %and3A_2454 : i32 to vector<16xi32>
    %and3A_2456 = arith.andi %get3A_2449, %and3A_2455 : vector<16xi32>
    %gather3A_2457 = arith.constant 0 : i32
    %gather3A_2458 = arith.constant 0 : i32
    %gather3A_2459 = arith.constant 0 : i32
    %gather3A_2460 = tpu.memref_slice %arg14[%gather3A_2457, %gather3A_2458, %gather3A_2459] : memref<2x128x128xf32, #tpu.memory_space<vmem>> -> memref<1x128x128xf32, #tpu.memory_space<vmem>>
    %gather3A_2461 = tpu.memref_squeeze %gather3A_2460 : memref<1x128x128xf32, #tpu.memory_space<vmem>> -> memref<128x128xf32, #tpu.memory_space<vmem>>
    %gather3A_2462 = tpu.vector_load_idx %gather3A_2461[%add3A_2445, %and3A_2456] : memref<128x128xf32, #tpu.memory_space<vmem>>[vector<16xi32>, vector<16xi32>], vector<16xf32>,
    %and3A_2463 = arith.constant 127 : i32
    %and3A_2464 = vector.broadcast %and3A_2463 : i32 to vector<16xi32>
    %and3A_2465 = arith.andi %get3A_2453, %and3A_2464 : vector<16xi32>
    %gather3A_2466 = arith.constant 0 : i32
    %gather3A_2467 = arith.constant 0 : i32
    %gather3A_2468 = arith.constant 0 : i32
    %gather3A_2469 = tpu.memref_slice %arg15[%gather3A_2466, %gather3A_2467, %gather3A_2468] : memref<2x128x128xf32, #tpu.memory_space<vmem>> -> memref<1x128x128xf32, #tpu.memory_space<vmem>>
    %gather3A_2470 = tpu.memref_squeeze %gather3A_2469 : memref<1x128x128xf32, #tpu.memory_space<vmem>> -> memref<128x128xf32, #tpu.memory_space<vmem>>
    %gather3A_2471 = tpu.vector_load_idx %gather3A_2470[%add3A_2445, %and3A_2465] : memref<128x128xf32, #tpu.memory_space<vmem>>[vector<16xi32>, vector<16xi32>], vector<16xf32>,
    %gather3A_2472 = tpu.vector_load_idx %arg8[%get3A_2449] : memref<4096xf32, #tpu.memory_space<vmem>>[vector<16xi32>], vector<16xf32>,
    %gather3A_2473 = tpu.vector_load_idx %arg8[%get3A_2453] : memref<4096xf32, #tpu.memory_space<vmem>>[vector<16xi32>], vector<16xf32>,
    %sub3A_2474 = arith.subf %gather3A_2462, %gather3A_2472 : vector<16xf32>
    %sub3A_2475 = arith.subf %gather3A_2471, %gather3A_2473 : vector<16xf32>
    %mul3A_2476 = arith.mulf %sub3A_2474, %sub3A_2475 : vector<16xf32>
    %swap3A_2477 = arith.constant 2 : i32
    %swap3A_2478 = arith.index_cast %swap3A_2477 : i32 to index
    %swap3A_2479 = arith.constant 112 : index
    %swap3A_2480 = tpu.vector_load %arg16[%swap3A_2478, %swap3A_2479] {strides = array<i32>} : memref<4x128xf32, #tpu.memory_space<vmem>>, vector<16xf32>,
    tpu.vector_store %arg16[%swap3A_2478, %swap3A_2479], %mul3A_2476 {strides = array<i32>} : memref<4x128xf32, #tpu.memory_space<vmem>>, vector<16xf32>,
    %dma_wait3A_2481 = arith.constant 3 : i32
    %dma_wait3A_2482 = arith.constant 1 : i32
    %dma_wait3A_2483 = arith.constant 0 : i32
    %dma_wait3A_2484 = arith.constant 0 : i32
    %dma_wait3A_2485 = tpu.memref_slice %arg14[%dma_wait3A_2482, %dma_wait3A_2483, %dma_wait3A_2484] : memref<2x128x128xf32, #tpu.memory_space<vmem>> -> memref<1x128x128xf32, #tpu.memory_space<vmem>>
    %dma_wait3A_2486 = tpu.memref_squeeze %dma_wait3A_2485 : memref<1x128x128xf32, #tpu.memory_space<vmem>> -> memref<128x128xf32, #tpu.memory_space<vmem>>
    %dma_wait3A_2487 = arith.constant 0 : i32
    %dma_wait3A_2488 = tpu.memref_slice %arg12[%dma_wait3A_2481, %dma_wait3A_2487] : memref<4x128xi32, #tpu.memory_space<vmem>> -> memref<1x128xi32, #tpu.memory_space<vmem>>
    %dma_wait3A_2489 = tpu.memref_squeeze %dma_wait3A_2488 : memref<1x128xi32, #tpu.memory_space<vmem>> -> memref<128xi32, #tpu.memory_space<vmem>>
    %dma_wait3A_2490 = arith.constant 0 : i32
    %dma_wait3A_2491 = arith.constant 0 : i32
    %dma_wait3A_2492 = tpu.memref_slice %arg2[%dma_wait3A_2490, %dma_wait3A_2491] : memref<131072x128xf32, #tpu.memory_space<hbm>> -> memref<131072x128xf32, #tpu.memory_space<hbm>>
    tpu.wait_indirect_dma semaphore(%arg17 : memref<!tpu.dma_semaphore, #tpu.memory_space<semaphore_mem>>) src(%dma_wait3A_2492 : memref<131072x128xf32, #tpu.memory_space<hbm>>) dst(%dma_wait3A_2486 : memref<128x128xf32, #tpu.memory_space<vmem>>)
    %dma_wait3A_2493 = arith.constant 3 : i32
    %dma_wait3A_2494 = arith.constant 1 : i32
    %dma_wait3A_2495 = arith.constant 0 : i32
    %dma_wait3A_2496 = arith.constant 0 : i32
    %dma_wait3A_2497 = tpu.memref_slice %arg15[%dma_wait3A_2494, %dma_wait3A_2495, %dma_wait3A_2496] : memref<2x128x128xf32, #tpu.memory_space<vmem>> -> memref<1x128x128xf32, #tpu.memory_space<vmem>>
    %dma_wait3A_2498 = tpu.memref_squeeze %dma_wait3A_2497 : memref<1x128x128xf32, #tpu.memory_space<vmem>> -> memref<128x128xf32, #tpu.memory_space<vmem>>
    %dma_wait3A_2499 = arith.constant 0 : i32
    %dma_wait3A_2500 = tpu.memref_slice %arg13[%dma_wait3A_2493, %dma_wait3A_2499] : memref<4x128xi32, #tpu.memory_space<vmem>> -> memref<1x128xi32, #tpu.memory_space<vmem>>
    %dma_wait3A_2501 = tpu.memref_squeeze %dma_wait3A_2500 : memref<1x128xi32, #tpu.memory_space<vmem>> -> memref<128xi32, #tpu.memory_space<vmem>>
    %dma_wait3A_2502 = arith.constant 0 : i32
    %dma_wait3A_2503 = arith.constant 0 : i32
    %dma_wait3A_2504 = tpu.memref_slice %arg2[%dma_wait3A_2502, %dma_wait3A_2503] : memref<131072x128xf32, #tpu.memory_space<hbm>> -> memref<131072x128xf32, #tpu.memory_space<hbm>>
    tpu.wait_indirect_dma semaphore(%arg17 : memref<!tpu.dma_semaphore, #tpu.memory_space<semaphore_mem>>) src(%dma_wait3A_2504 : memref<131072x128xf32, #tpu.memory_space<hbm>>) dst(%dma_wait3A_2498 : memref<128x128xf32, #tpu.memory_space<vmem>>)
    %add3A_2505 = arith.constant 0 : i32
    %add3A_2506 = vector.broadcast %add3A_2505 : i32 to vector<16xi32>
    %add3A_2507 = arith.addi %add3A_2506, %iota3A : vector<16xi32>
    %get3A_2508 = arith.constant 3 : i32
    %get3A_2509 = arith.index_cast %get3A_2508 : i32 to index
    %get3A_2510 = arith.constant 0 : index
    %get3A_2511 = tpu.vector_load %arg10[%get3A_2509, %get3A_2510] {strides = array<i32>} : memref<4x128xi32, #tpu.memory_space<vmem>>, vector<16xi32>,
    %get3A_2512 = arith.constant 3 : i32
    %get3A_2513 = arith.index_cast %get3A_2512 : i32 to index
    %get3A_2514 = arith.constant 0 : index
    %get3A_2515 = tpu.vector_load %arg11[%get3A_2513, %get3A_2514] {strides = array<i32>} : memref<4x128xi32, #tpu.memory_space<vmem>>, vector<16xi32>,
    %and3A_2516 = arith.constant 127 : i32
    %and3A_2517 = vector.broadcast %and3A_2516 : i32 to vector<16xi32>
    %and3A_2518 = arith.andi %get3A_2511, %and3A_2517 : vector<16xi32>
    %gather3A_2519 = arith.constant 1 : i32
    %gather3A_2520 = arith.constant 0 : i32
    %gather3A_2521 = arith.constant 0 : i32
    %gather3A_2522 = tpu.memref_slice %arg14[%gather3A_2519, %gather3A_2520, %gather3A_2521] : memref<2x128x128xf32, #tpu.memory_space<vmem>> -> memref<1x128x128xf32, #tpu.memory_space<vmem>>
    %gather3A_2523 = tpu.memref_squeeze %gather3A_2522 : memref<1x128x128xf32, #tpu.memory_space<vmem>> -> memref<128x128xf32, #tpu.memory_space<vmem>>
    %gather3A_2524 = tpu.vector_load_idx %gather3A_2523[%add3A_2507, %and3A_2518] : memref<128x128xf32, #tpu.memory_space<vmem>>[vector<16xi32>, vector<16xi32>], vector<16xf32>,
    %and3A_2525 = arith.constant 127 : i32
    %and3A_2526 = vector.broadcast %and3A_2525 : i32 to vector<16xi32>
    %and3A_2527 = arith.andi %get3A_2515, %and3A_2526 : vector<16xi32>
    %gather3A_2528 = arith.constant 1 : i32
    %gather3A_2529 = arith.constant 0 : i32
    %gather3A_2530 = arith.constant 0 : i32
    %gather3A_2531 = tpu.memref_slice %arg15[%gather3A_2528, %gather3A_2529, %gather3A_2530] : memref<2x128x128xf32, #tpu.memory_space<vmem>> -> memref<1x128x128xf32, #tpu.memory_space<vmem>>
    %gather3A_2532 = tpu.memref_squeeze %gather3A_2531 : memref<1x128x128xf32, #tpu.memory_space<vmem>> -> memref<128x128xf32, #tpu.memory_space<vmem>>
    %gather3A_2533 = tpu.vector_load_idx %gather3A_2532[%add3A_2507, %and3A_2527] : memref<128x128xf32, #tpu.memory_space<vmem>>[vector<16xi32>, vector<16xi32>], vector<16xf32>,
    %gather3A_2534 = tpu.vector_load_idx %arg8[%get3A_2511] : memref<4096xf32, #tpu.memory_space<vmem>>[vector<16xi32>], vector<16xf32>,
    %gather3A_2535 = tpu.vector_load_idx %arg8[%get3A_2515] : memref<4096xf32, #tpu.memory_space<vmem>>[vector<16xi32>], vector<16xf32>,
    %sub3A_2536 = arith.subf %gather3A_2524, %gather3A_2534 : vector<16xf32>
    %sub3A_2537 = arith.subf %gather3A_2533, %gather3A_2535 : vector<16xf32>
    %mul3A_2538 = arith.mulf %sub3A_2536, %sub3A_2537 : vector<16xf32>
    %swap3A_2539 = arith.constant 3 : i32
    %swap3A_2540 = arith.index_cast %swap3A_2539 : i32 to index
    %swap3A_2541 = arith.constant 0 : index
    %swap3A_2542 = tpu.vector_load %arg16[%swap3A_2540, %swap3A_2541] {strides = array<i32>} : memref<4x128xf32, #tpu.memory_space<vmem>>, vector<16xf32>,
    tpu.vector_store %arg16[%swap3A_2540, %swap3A_2541], %mul3A_2538 {strides = array<i32>} : memref<4x128xf32, #tpu.memory_space<vmem>>, vector<16xf32>,
    %add3A_2543 = arith.constant 16 : i32
    %add3A_2544 = vector.broadcast %add3A_2543 : i32 to vector<16xi32>
    %add3A_2545 = arith.addi %add3A_2544, %iota3A : vector<16xi32>
    %get3A_2546 = arith.constant 3 : i32
    %get3A_2547 = arith.index_cast %get3A_2546 : i32 to index
    %get3A_2548 = arith.constant 16 : index
    %get3A_2549 = tpu.vector_load %arg10[%get3A_2547, %get3A_2548] {strides = array<i32>} : memref<4x128xi32, #tpu.memory_space<vmem>>, vector<16xi32>,
    %get3A_2550 = arith.constant 3 : i32
    %get3A_2551 = arith.index_cast %get3A_2550 : i32 to index
    %get3A_2552 = arith.constant 16 : index
    %get3A_2553 = tpu.vector_load %arg11[%get3A_2551, %get3A_2552] {strides = array<i32>} : memref<4x128xi32, #tpu.memory_space<vmem>>, vector<16xi32>,
    %and3A_2554 = arith.constant 127 : i32
    %and3A_2555 = vector.broadcast %and3A_2554 : i32 to vector<16xi32>
    %and3A_2556 = arith.andi %get3A_2549, %and3A_2555 : vector<16xi32>
    %gather3A_2557 = arith.constant 1 : i32
    %gather3A_2558 = arith.constant 0 : i32
    %gather3A_2559 = arith.constant 0 : i32
    %gather3A_2560 = tpu.memref_slice %arg14[%gather3A_2557, %gather3A_2558, %gather3A_2559] : memref<2x128x128xf32, #tpu.memory_space<vmem>> -> memref<1x128x128xf32, #tpu.memory_space<vmem>>
    %gather3A_2561 = tpu.memref_squeeze %gather3A_2560 : memref<1x128x128xf32, #tpu.memory_space<vmem>> -> memref<128x128xf32, #tpu.memory_space<vmem>>
    %gather3A_2562 = tpu.vector_load_idx %gather3A_2561[%add3A_2545, %and3A_2556] : memref<128x128xf32, #tpu.memory_space<vmem>>[vector<16xi32>, vector<16xi32>], vector<16xf32>,
    %and3A_2563 = arith.constant 127 : i32
    %and3A_2564 = vector.broadcast %and3A_2563 : i32 to vector<16xi32>
    %and3A_2565 = arith.andi %get3A_2553, %and3A_2564 : vector<16xi32>
    %gather3A_2566 = arith.constant 1 : i32
    %gather3A_2567 = arith.constant 0 : i32
    %gather3A_2568 = arith.constant 0 : i32
    %gather3A_2569 = tpu.memref_slice %arg15[%gather3A_2566, %gather3A_2567, %gather3A_2568] : memref<2x128x128xf32, #tpu.memory_space<vmem>> -> memref<1x128x128xf32, #tpu.memory_space<vmem>>
    %gather3A_2570 = tpu.memref_squeeze %gather3A_2569 : memref<1x128x128xf32, #tpu.memory_space<vmem>> -> memref<128x128xf32, #tpu.memory_space<vmem>>
    %gather3A_2571 = tpu.vector_load_idx %gather3A_2570[%add3A_2545, %and3A_2565] : memref<128x128xf32, #tpu.memory_space<vmem>>[vector<16xi32>, vector<16xi32>], vector<16xf32>,
    %gather3A_2572 = tpu.vector_load_idx %arg8[%get3A_2549] : memref<4096xf32, #tpu.memory_space<vmem>>[vector<16xi32>], vector<16xf32>,
    %gather3A_2573 = tpu.vector_load_idx %arg8[%get3A_2553] : memref<4096xf32, #tpu.memory_space<vmem>>[vector<16xi32>], vector<16xf32>,
    %sub3A_2574 = arith.subf %gather3A_2562, %gather3A_2572 : vector<16xf32>
    %sub3A_2575 = arith.subf %gather3A_2571, %gather3A_2573 : vector<16xf32>
    %mul3A_2576 = arith.mulf %sub3A_2574, %sub3A_2575 : vector<16xf32>
    %swap3A_2577 = arith.constant 3 : i32
    %swap3A_2578 = arith.index_cast %swap3A_2577 : i32 to index
    %swap3A_2579 = arith.constant 16 : index
    %swap3A_2580 = tpu.vector_load %arg16[%swap3A_2578, %swap3A_2579] {strides = array<i32>} : memref<4x128xf32, #tpu.memory_space<vmem>>, vector<16xf32>,
    tpu.vector_store %arg16[%swap3A_2578, %swap3A_2579], %mul3A_2576 {strides = array<i32>} : memref<4x128xf32, #tpu.memory_space<vmem>>, vector<16xf32>,
    %add3A_2581 = arith.constant 32 : i32
    %add3A_2582 = vector.broadcast %add3A_2581 : i32 to vector<16xi32>
    %add3A_2583 = arith.addi %add3A_2582, %iota3A : vector<16xi32>
    %get3A_2584 = arith.constant 3 : i32
    %get3A_2585 = arith.index_cast %get3A_2584 : i32 to index
    %get3A_2586 = arith.constant 32 : index
    %get3A_2587 = tpu.vector_load %arg10[%get3A_2585, %get3A_2586] {strides = array<i32>} : memref<4x128xi32, #tpu.memory_space<vmem>>, vector<16xi32>,
    %get3A_2588 = arith.constant 3 : i32
    %get3A_2589 = arith.index_cast %get3A_2588 : i32 to index
    %get3A_2590 = arith.constant 32 : index
    %get3A_2591 = tpu.vector_load %arg11[%get3A_2589, %get3A_2590] {strides = array<i32>} : memref<4x128xi32, #tpu.memory_space<vmem>>, vector<16xi32>,
    %and3A_2592 = arith.constant 127 : i32
    %and3A_2593 = vector.broadcast %and3A_2592 : i32 to vector<16xi32>
    %and3A_2594 = arith.andi %get3A_2587, %and3A_2593 : vector<16xi32>
    %gather3A_2595 = arith.constant 1 : i32
    %gather3A_2596 = arith.constant 0 : i32
    %gather3A_2597 = arith.constant 0 : i32
    %gather3A_2598 = tpu.memref_slice %arg14[%gather3A_2595, %gather3A_2596, %gather3A_2597] : memref<2x128x128xf32, #tpu.memory_space<vmem>> -> memref<1x128x128xf32, #tpu.memory_space<vmem>>
    %gather3A_2599 = tpu.memref_squeeze %gather3A_2598 : memref<1x128x128xf32, #tpu.memory_space<vmem>> -> memref<128x128xf32, #tpu.memory_space<vmem>>
    %gather3A_2600 = tpu.vector_load_idx %gather3A_2599[%add3A_2583, %and3A_2594] : memref<128x128xf32, #tpu.memory_space<vmem>>[vector<16xi32>, vector<16xi32>], vector<16xf32>,
    %and3A_2601 = arith.constant 127 : i32
    %and3A_2602 = vector.broadcast %and3A_2601 : i32 to vector<16xi32>
    %and3A_2603 = arith.andi %get3A_2591, %and3A_2602 : vector<16xi32>
    %gather3A_2604 = arith.constant 1 : i32
    %gather3A_2605 = arith.constant 0 : i32
    %gather3A_2606 = arith.constant 0 : i32
    %gather3A_2607 = tpu.memref_slice %arg15[%gather3A_2604, %gather3A_2605, %gather3A_2606] : memref<2x128x128xf32, #tpu.memory_space<vmem>> -> memref<1x128x128xf32, #tpu.memory_space<vmem>>
    %gather3A_2608 = tpu.memref_squeeze %gather3A_2607 : memref<1x128x128xf32, #tpu.memory_space<vmem>> -> memref<128x128xf32, #tpu.memory_space<vmem>>
    %gather3A_2609 = tpu.vector_load_idx %gather3A_2608[%add3A_2583, %and3A_2603] : memref<128x128xf32, #tpu.memory_space<vmem>>[vector<16xi32>, vector<16xi32>], vector<16xf32>,
    %gather3A_2610 = tpu.vector_load_idx %arg8[%get3A_2587] : memref<4096xf32, #tpu.memory_space<vmem>>[vector<16xi32>], vector<16xf32>,
    %gather3A_2611 = tpu.vector_load_idx %arg8[%get3A_2591] : memref<4096xf32, #tpu.memory_space<vmem>>[vector<16xi32>], vector<16xf32>,
    %sub3A_2612 = arith.subf %gather3A_2600, %gather3A_2610 : vector<16xf32>
    %sub3A_2613 = arith.subf %gather3A_2609, %gather3A_2611 : vector<16xf32>
    %mul3A_2614 = arith.mulf %sub3A_2612, %sub3A_2613 : vector<16xf32>
    %swap3A_2615 = arith.constant 3 : i32
    %swap3A_2616 = arith.index_cast %swap3A_2615 : i32 to index
    %swap3A_2617 = arith.constant 32 : index
    %swap3A_2618 = tpu.vector_load %arg16[%swap3A_2616, %swap3A_2617] {strides = array<i32>} : memref<4x128xf32, #tpu.memory_space<vmem>>, vector<16xf32>,
    tpu.vector_store %arg16[%swap3A_2616, %swap3A_2617], %mul3A_2614 {strides = array<i32>} : memref<4x128xf32, #tpu.memory_space<vmem>>, vector<16xf32>,
    %add3A_2619 = arith.constant 48 : i32
    %add3A_2620 = vector.broadcast %add3A_2619 : i32 to vector<16xi32>
    %add3A_2621 = arith.addi %add3A_2620, %iota3A : vector<16xi32>
    %get3A_2622 = arith.constant 3 : i32
    %get3A_2623 = arith.index_cast %get3A_2622 : i32 to index
    %get3A_2624 = arith.constant 48 : index
    %get3A_2625 = tpu.vector_load %arg10[%get3A_2623, %get3A_2624] {strides = array<i32>} : memref<4x128xi32, #tpu.memory_space<vmem>>, vector<16xi32>,
    %get3A_2626 = arith.constant 3 : i32
    %get3A_2627 = arith.index_cast %get3A_2626 : i32 to index
    %get3A_2628 = arith.constant 48 : index
    %get3A_2629 = tpu.vector_load %arg11[%get3A_2627, %get3A_2628] {strides = array<i32>} : memref<4x128xi32, #tpu.memory_space<vmem>>, vector<16xi32>,
    %and3A_2630 = arith.constant 127 : i32
    %and3A_2631 = vector.broadcast %and3A_2630 : i32 to vector<16xi32>
    %and3A_2632 = arith.andi %get3A_2625, %and3A_2631 : vector<16xi32>
    %gather3A_2633 = arith.constant 1 : i32
    %gather3A_2634 = arith.constant 0 : i32
    %gather3A_2635 = arith.constant 0 : i32
    %gather3A_2636 = tpu.memref_slice %arg14[%gather3A_2633, %gather3A_2634, %gather3A_2635] : memref<2x128x128xf32, #tpu.memory_space<vmem>> -> memref<1x128x128xf32, #tpu.memory_space<vmem>>
    %gather3A_2637 = tpu.memref_squeeze %gather3A_2636 : memref<1x128x128xf32, #tpu.memory_space<vmem>> -> memref<128x128xf32, #tpu.memory_space<vmem>>
    %gather3A_2638 = tpu.vector_load_idx %gather3A_2637[%add3A_2621, %and3A_2632] : memref<128x128xf32, #tpu.memory_space<vmem>>[vector<16xi32>, vector<16xi32>], vector<16xf32>,
    %and3A_2639 = arith.constant 127 : i32
    %and3A_2640 = vector.broadcast %and3A_2639 : i32 to vector<16xi32>
    %and3A_2641 = arith.andi %get3A_2629, %and3A_2640 : vector<16xi32>
    %gather3A_2642 = arith.constant 1 : i32
    %gather3A_2643 = arith.constant 0 : i32
    %gather3A_2644 = arith.constant 0 : i32
    %gather3A_2645 = tpu.memref_slice %arg15[%gather3A_2642, %gather3A_2643, %gather3A_2644] : memref<2x128x128xf32, #tpu.memory_space<vmem>> -> memref<1x128x128xf32, #tpu.memory_space<vmem>>
    %gather3A_2646 = tpu.memref_squeeze %gather3A_2645 : memref<1x128x128xf32, #tpu.memory_space<vmem>> -> memref<128x128xf32, #tpu.memory_space<vmem>>
    %gather3A_2647 = tpu.vector_load_idx %gather3A_2646[%add3A_2621, %and3A_2641] : memref<128x128xf32, #tpu.memory_space<vmem>>[vector<16xi32>, vector<16xi32>], vector<16xf32>,
    %gather3A_2648 = tpu.vector_load_idx %arg8[%get3A_2625] : memref<4096xf32, #tpu.memory_space<vmem>>[vector<16xi32>], vector<16xf32>,
    %gather3A_2649 = tpu.vector_load_idx %arg8[%get3A_2629] : memref<4096xf32, #tpu.memory_space<vmem>>[vector<16xi32>], vector<16xf32>,
    %sub3A_2650 = arith.subf %gather3A_2638, %gather3A_2648 : vector<16xf32>
    %sub3A_2651 = arith.subf %gather3A_2647, %gather3A_2649 : vector<16xf32>
    %mul3A_2652 = arith.mulf %sub3A_2650, %sub3A_2651 : vector<16xf32>
    %swap3A_2653 = arith.constant 3 : i32
    %swap3A_2654 = arith.index_cast %swap3A_2653 : i32 to index
    %swap3A_2655 = arith.constant 48 : index
    %swap3A_2656 = tpu.vector_load %arg16[%swap3A_2654, %swap3A_2655] {strides = array<i32>} : memref<4x128xf32, #tpu.memory_space<vmem>>, vector<16xf32>,
    tpu.vector_store %arg16[%swap3A_2654, %swap3A_2655], %mul3A_2652 {strides = array<i32>} : memref<4x128xf32, #tpu.memory_space<vmem>>, vector<16xf32>,
    %add3A_2657 = arith.constant 64 : i32
    %add3A_2658 = vector.broadcast %add3A_2657 : i32 to vector<16xi32>
    %add3A_2659 = arith.addi %add3A_2658, %iota3A : vector<16xi32>
    %get3A_2660 = arith.constant 3 : i32
    %get3A_2661 = arith.index_cast %get3A_2660 : i32 to index
    %get3A_2662 = arith.constant 64 : index
    %get3A_2663 = tpu.vector_load %arg10[%get3A_2661, %get3A_2662] {strides = array<i32>} : memref<4x128xi32, #tpu.memory_space<vmem>>, vector<16xi32>,
    %get3A_2664 = arith.constant 3 : i32
    %get3A_2665 = arith.index_cast %get3A_2664 : i32 to index
    %get3A_2666 = arith.constant 64 : index
    %get3A_2667 = tpu.vector_load %arg11[%get3A_2665, %get3A_2666] {strides = array<i32>} : memref<4x128xi32, #tpu.memory_space<vmem>>, vector<16xi32>,
    %and3A_2668 = arith.constant 127 : i32
    %and3A_2669 = vector.broadcast %and3A_2668 : i32 to vector<16xi32>
    %and3A_2670 = arith.andi %get3A_2663, %and3A_2669 : vector<16xi32>
    %gather3A_2671 = arith.constant 1 : i32
    %gather3A_2672 = arith.constant 0 : i32
    %gather3A_2673 = arith.constant 0 : i32
    %gather3A_2674 = tpu.memref_slice %arg14[%gather3A_2671, %gather3A_2672, %gather3A_2673] : memref<2x128x128xf32, #tpu.memory_space<vmem>> -> memref<1x128x128xf32, #tpu.memory_space<vmem>>
    %gather3A_2675 = tpu.memref_squeeze %gather3A_2674 : memref<1x128x128xf32, #tpu.memory_space<vmem>> -> memref<128x128xf32, #tpu.memory_space<vmem>>
    %gather3A_2676 = tpu.vector_load_idx %gather3A_2675[%add3A_2659, %and3A_2670] : memref<128x128xf32, #tpu.memory_space<vmem>>[vector<16xi32>, vector<16xi32>], vector<16xf32>,
    %and3A_2677 = arith.constant 127 : i32
    %and3A_2678 = vector.broadcast %and3A_2677 : i32 to vector<16xi32>
    %and3A_2679 = arith.andi %get3A_2667, %and3A_2678 : vector<16xi32>
    %gather3A_2680 = arith.constant 1 : i32
    %gather3A_2681 = arith.constant 0 : i32
    %gather3A_2682 = arith.constant 0 : i32
    %gather3A_2683 = tpu.memref_slice %arg15[%gather3A_2680, %gather3A_2681, %gather3A_2682] : memref<2x128x128xf32, #tpu.memory_space<vmem>> -> memref<1x128x128xf32, #tpu.memory_space<vmem>>
    %gather3A_2684 = tpu.memref_squeeze %gather3A_2683 : memref<1x128x128xf32, #tpu.memory_space<vmem>> -> memref<128x128xf32, #tpu.memory_space<vmem>>
    %gather3A_2685 = tpu.vector_load_idx %gather3A_2684[%add3A_2659, %and3A_2679] : memref<128x128xf32, #tpu.memory_space<vmem>>[vector<16xi32>, vector<16xi32>], vector<16xf32>,
    %gather3A_2686 = tpu.vector_load_idx %arg8[%get3A_2663] : memref<4096xf32, #tpu.memory_space<vmem>>[vector<16xi32>], vector<16xf32>,
    %gather3A_2687 = tpu.vector_load_idx %arg8[%get3A_2667] : memref<4096xf32, #tpu.memory_space<vmem>>[vector<16xi32>], vector<16xf32>,
    %sub3A_2688 = arith.subf %gather3A_2676, %gather3A_2686 : vector<16xf32>
    %sub3A_2689 = arith.subf %gather3A_2685, %gather3A_2687 : vector<16xf32>
    %mul3A_2690 = arith.mulf %sub3A_2688, %sub3A_2689 : vector<16xf32>
    %swap3A_2691 = arith.constant 3 : i32
    %swap3A_2692 = arith.index_cast %swap3A_2691 : i32 to index
    %swap3A_2693 = arith.constant 64 : index
    %swap3A_2694 = tpu.vector_load %arg16[%swap3A_2692, %swap3A_2693] {strides = array<i32>} : memref<4x128xf32, #tpu.memory_space<vmem>>, vector<16xf32>,
    tpu.vector_store %arg16[%swap3A_2692, %swap3A_2693], %mul3A_2690 {strides = array<i32>} : memref<4x128xf32, #tpu.memory_space<vmem>>, vector<16xf32>,
    %add3A_2695 = arith.constant 80 : i32
    %add3A_2696 = vector.broadcast %add3A_2695 : i32 to vector<16xi32>
    %add3A_2697 = arith.addi %add3A_2696, %iota3A : vector<16xi32>
    %get3A_2698 = arith.constant 3 : i32
    %get3A_2699 = arith.index_cast %get3A_2698 : i32 to index
    %get3A_2700 = arith.constant 80 : index
    %get3A_2701 = tpu.vector_load %arg10[%get3A_2699, %get3A_2700] {strides = array<i32>} : memref<4x128xi32, #tpu.memory_space<vmem>>, vector<16xi32>,
    %get3A_2702 = arith.constant 3 : i32
    %get3A_2703 = arith.index_cast %get3A_2702 : i32 to index
    %get3A_2704 = arith.constant 80 : index
    %get3A_2705 = tpu.vector_load %arg11[%get3A_2703, %get3A_2704] {strides = array<i32>} : memref<4x128xi32, #tpu.memory_space<vmem>>, vector<16xi32>,
    %and3A_2706 = arith.constant 127 : i32
    %and3A_2707 = vector.broadcast %and3A_2706 : i32 to vector<16xi32>
    %and3A_2708 = arith.andi %get3A_2701, %and3A_2707 : vector<16xi32>
    %gather3A_2709 = arith.constant 1 : i32
    %gather3A_2710 = arith.constant 0 : i32
    %gather3A_2711 = arith.constant 0 : i32
    %gather3A_2712 = tpu.memref_slice %arg14[%gather3A_2709, %gather3A_2710, %gather3A_2711] : memref<2x128x128xf32, #tpu.memory_space<vmem>> -> memref<1x128x128xf32, #tpu.memory_space<vmem>>
    %gather3A_2713 = tpu.memref_squeeze %gather3A_2712 : memref<1x128x128xf32, #tpu.memory_space<vmem>> -> memref<128x128xf32, #tpu.memory_space<vmem>>
    %gather3A_2714 = tpu.vector_load_idx %gather3A_2713[%add3A_2697, %and3A_2708] : memref<128x128xf32, #tpu.memory_space<vmem>>[vector<16xi32>, vector<16xi32>], vector<16xf32>,
    %and3A_2715 = arith.constant 127 : i32
    %and3A_2716 = vector.broadcast %and3A_2715 : i32 to vector<16xi32>
    %and3A_2717 = arith.andi %get3A_2705, %and3A_2716 : vector<16xi32>
    %gather3A_2718 = arith.constant 1 : i32
    %gather3A_2719 = arith.constant 0 : i32
    %gather3A_2720 = arith.constant 0 : i32
    %gather3A_2721 = tpu.memref_slice %arg15[%gather3A_2718, %gather3A_2719, %gather3A_2720] : memref<2x128x128xf32, #tpu.memory_space<vmem>> -> memref<1x128x128xf32, #tpu.memory_space<vmem>>
    %gather3A_2722 = tpu.memref_squeeze %gather3A_2721 : memref<1x128x128xf32, #tpu.memory_space<vmem>> -> memref<128x128xf32, #tpu.memory_space<vmem>>
    %gather3A_2723 = tpu.vector_load_idx %gather3A_2722[%add3A_2697, %and3A_2717] : memref<128x128xf32, #tpu.memory_space<vmem>>[vector<16xi32>, vector<16xi32>], vector<16xf32>,
    %gather3A_2724 = tpu.vector_load_idx %arg8[%get3A_2701] : memref<4096xf32, #tpu.memory_space<vmem>>[vector<16xi32>], vector<16xf32>,
    %gather3A_2725 = tpu.vector_load_idx %arg8[%get3A_2705] : memref<4096xf32, #tpu.memory_space<vmem>>[vector<16xi32>], vector<16xf32>,
    %sub3A_2726 = arith.subf %gather3A_2714, %gather3A_2724 : vector<16xf32>
    %sub3A_2727 = arith.subf %gather3A_2723, %gather3A_2725 : vector<16xf32>
    %mul3A_2728 = arith.mulf %sub3A_2726, %sub3A_2727 : vector<16xf32>
    %swap3A_2729 = arith.constant 3 : i32
    %swap3A_2730 = arith.index_cast %swap3A_2729 : i32 to index
    %swap3A_2731 = arith.constant 80 : index
    %swap3A_2732 = tpu.vector_load %arg16[%swap3A_2730, %swap3A_2731] {strides = array<i32>} : memref<4x128xf32, #tpu.memory_space<vmem>>, vector<16xf32>,
    tpu.vector_store %arg16[%swap3A_2730, %swap3A_2731], %mul3A_2728 {strides = array<i32>} : memref<4x128xf32, #tpu.memory_space<vmem>>, vector<16xf32>,
    %add3A_2733 = arith.constant 96 : i32
    %add3A_2734 = vector.broadcast %add3A_2733 : i32 to vector<16xi32>
    %add3A_2735 = arith.addi %add3A_2734, %iota3A : vector<16xi32>
    %get3A_2736 = arith.constant 3 : i32
    %get3A_2737 = arith.index_cast %get3A_2736 : i32 to index
    %get3A_2738 = arith.constant 96 : index
    %get3A_2739 = tpu.vector_load %arg10[%get3A_2737, %get3A_2738] {strides = array<i32>} : memref<4x128xi32, #tpu.memory_space<vmem>>, vector<16xi32>,
    %get3A_2740 = arith.constant 3 : i32
    %get3A_2741 = arith.index_cast %get3A_2740 : i32 to index
    %get3A_2742 = arith.constant 96 : index
    %get3A_2743 = tpu.vector_load %arg11[%get3A_2741, %get3A_2742] {strides = array<i32>} : memref<4x128xi32, #tpu.memory_space<vmem>>, vector<16xi32>,
    %and3A_2744 = arith.constant 127 : i32
    %and3A_2745 = vector.broadcast %and3A_2744 : i32 to vector<16xi32>
    %and3A_2746 = arith.andi %get3A_2739, %and3A_2745 : vector<16xi32>
    %gather3A_2747 = arith.constant 1 : i32
    %gather3A_2748 = arith.constant 0 : i32
    %gather3A_2749 = arith.constant 0 : i32
    %gather3A_2750 = tpu.memref_slice %arg14[%gather3A_2747, %gather3A_2748, %gather3A_2749] : memref<2x128x128xf32, #tpu.memory_space<vmem>> -> memref<1x128x128xf32, #tpu.memory_space<vmem>>
    %gather3A_2751 = tpu.memref_squeeze %gather3A_2750 : memref<1x128x128xf32, #tpu.memory_space<vmem>> -> memref<128x128xf32, #tpu.memory_space<vmem>>
    %gather3A_2752 = tpu.vector_load_idx %gather3A_2751[%add3A_2735, %and3A_2746] : memref<128x128xf32, #tpu.memory_space<vmem>>[vector<16xi32>, vector<16xi32>], vector<16xf32>,
    %and3A_2753 = arith.constant 127 : i32
    %and3A_2754 = vector.broadcast %and3A_2753 : i32 to vector<16xi32>
    %and3A_2755 = arith.andi %get3A_2743, %and3A_2754 : vector<16xi32>
    %gather3A_2756 = arith.constant 1 : i32
    %gather3A_2757 = arith.constant 0 : i32
    %gather3A_2758 = arith.constant 0 : i32
    %gather3A_2759 = tpu.memref_slice %arg15[%gather3A_2756, %gather3A_2757, %gather3A_2758] : memref<2x128x128xf32, #tpu.memory_space<vmem>> -> memref<1x128x128xf32, #tpu.memory_space<vmem>>
    %gather3A_2760 = tpu.memref_squeeze %gather3A_2759 : memref<1x128x128xf32, #tpu.memory_space<vmem>> -> memref<128x128xf32, #tpu.memory_space<vmem>>
    %gather3A_2761 = tpu.vector_load_idx %gather3A_2760[%add3A_2735, %and3A_2755] : memref<128x128xf32, #tpu.memory_space<vmem>>[vector<16xi32>, vector<16xi32>], vector<16xf32>,
    %gather3A_2762 = tpu.vector_load_idx %arg8[%get3A_2739] : memref<4096xf32, #tpu.memory_space<vmem>>[vector<16xi32>], vector<16xf32>,
    %gather3A_2763 = tpu.vector_load_idx %arg8[%get3A_2743] : memref<4096xf32, #tpu.memory_space<vmem>>[vector<16xi32>], vector<16xf32>,
    %sub3A_2764 = arith.subf %gather3A_2752, %gather3A_2762 : vector<16xf32>
    %sub3A_2765 = arith.subf %gather3A_2761, %gather3A_2763 : vector<16xf32>
    %mul3A_2766 = arith.mulf %sub3A_2764, %sub3A_2765 : vector<16xf32>
    %swap3A_2767 = arith.constant 3 : i32
    %swap3A_2768 = arith.index_cast %swap3A_2767 : i32 to index
    %swap3A_2769 = arith.constant 96 : index
    %swap3A_2770 = tpu.vector_load %arg16[%swap3A_2768, %swap3A_2769] {strides = array<i32>} : memref<4x128xf32, #tpu.memory_space<vmem>>, vector<16xf32>,
    tpu.vector_store %arg16[%swap3A_2768, %swap3A_2769], %mul3A_2766 {strides = array<i32>} : memref<4x128xf32, #tpu.memory_space<vmem>>, vector<16xf32>,
    %add3A_2771 = arith.constant 112 : i32
    %add3A_2772 = vector.broadcast %add3A_2771 : i32 to vector<16xi32>
    %add3A_2773 = arith.addi %add3A_2772, %iota3A : vector<16xi32>
    %get3A_2774 = arith.constant 3 : i32
    %get3A_2775 = arith.index_cast %get3A_2774 : i32 to index
    %get3A_2776 = arith.constant 112 : index
    %get3A_2777 = tpu.vector_load %arg10[%get3A_2775, %get3A_2776] {strides = array<i32>} : memref<4x128xi32, #tpu.memory_space<vmem>>, vector<16xi32>,
    %get3A_2778 = arith.constant 3 : i32
    %get3A_2779 = arith.index_cast %get3A_2778 : i32 to index
    %get3A_2780 = arith.constant 112 : index
    %get3A_2781 = tpu.vector_load %arg11[%get3A_2779, %get3A_2780] {strides = array<i32>} : memref<4x128xi32, #tpu.memory_space<vmem>>, vector<16xi32>,
    %and3A_2782 = arith.constant 127 : i32
    %and3A_2783 = vector.broadcast %and3A_2782 : i32 to vector<16xi32>
    %and3A_2784 = arith.andi %get3A_2777, %and3A_2783 : vector<16xi32>
    %gather3A_2785 = arith.constant 1 : i32
    %gather3A_2786 = arith.constant 0 : i32
    %gather3A_2787 = arith.constant 0 : i32
    %gather3A_2788 = tpu.memref_slice %arg14[%gather3A_2785, %gather3A_2786, %gather3A_2787] : memref<2x128x128xf32, #tpu.memory_space<vmem>> -> memref<1x128x128xf32, #tpu.memory_space<vmem>>
    %gather3A_2789 = tpu.memref_squeeze %gather3A_2788 : memref<1x128x128xf32, #tpu.memory_space<vmem>> -> memref<128x128xf32, #tpu.memory_space<vmem>>
    %gather3A_2790 = tpu.vector_load_idx %gather3A_2789[%add3A_2773, %and3A_2784] : memref<128x128xf32, #tpu.memory_space<vmem>>[vector<16xi32>, vector<16xi32>], vector<16xf32>,
    %and3A_2791 = arith.constant 127 : i32
    %and3A_2792 = vector.broadcast %and3A_2791 : i32 to vector<16xi32>
    %and3A_2793 = arith.andi %get3A_2781, %and3A_2792 : vector<16xi32>
    %gather3A_2794 = arith.constant 1 : i32
    %gather3A_2795 = arith.constant 0 : i32
    %gather3A_2796 = arith.constant 0 : i32
    %gather3A_2797 = tpu.memref_slice %arg15[%gather3A_2794, %gather3A_2795, %gather3A_2796] : memref<2x128x128xf32, #tpu.memory_space<vmem>> -> memref<1x128x128xf32, #tpu.memory_space<vmem>>
    %gather3A_2798 = tpu.memref_squeeze %gather3A_2797 : memref<1x128x128xf32, #tpu.memory_space<vmem>> -> memref<128x128xf32, #tpu.memory_space<vmem>>
    %gather3A_2799 = tpu.vector_load_idx %gather3A_2798[%add3A_2773, %and3A_2793] : memref<128x128xf32, #tpu.memory_space<vmem>>[vector<16xi32>, vector<16xi32>], vector<16xf32>,
    %gather3A_2800 = tpu.vector_load_idx %arg8[%get3A_2777] : memref<4096xf32, #tpu.memory_space<vmem>>[vector<16xi32>], vector<16xf32>,
    %gather3A_2801 = tpu.vector_load_idx %arg8[%get3A_2781] : memref<4096xf32, #tpu.memory_space<vmem>>[vector<16xi32>], vector<16xf32>,
    %sub3A_2802 = arith.subf %gather3A_2790, %gather3A_2800 : vector<16xf32>
    %sub3A_2803 = arith.subf %gather3A_2799, %gather3A_2801 : vector<16xf32>
    %mul3A_2804 = arith.mulf %sub3A_2802, %sub3A_2803 : vector<16xf32>
    %swap3A_2805 = arith.constant 3 : i32
    %swap3A_2806 = arith.index_cast %swap3A_2805 : i32 to index
    %swap3A_2807 = arith.constant 112 : index
    %swap3A_2808 = tpu.vector_load %arg16[%swap3A_2806, %swap3A_2807] {strides = array<i32>} : memref<4x128xf32, #tpu.memory_space<vmem>>, vector<16xf32>,
    tpu.vector_store %arg16[%swap3A_2806, %swap3A_2807], %mul3A_2804 {strides = array<i32>} : memref<4x128xf32, #tpu.memory_space<vmem>>, vector<16xf32>,
    "tpu.region"() ({
      %run_scoped3A = tpu.sem_alloc : memref<!tpu.dma_semaphore, #tpu.memory_space<semaphore_mem>>
      %dma_start3A_2809 = arith.constant 0 : i32
      %dma_start3A_2810 = arith.constant 0 : i32
      %dma_start3A_2811 = tpu.memref_slice %arg7[%add3A, %dma_start3A_2809, %dma_start3A_2810] : memref<32x4x128xf32, #tpu.memory_space<hbm>> -> memref<1x4x128xf32, #tpu.memory_space<hbm>>
      %dma_start3A_2812 = tpu.memref_squeeze %dma_start3A_2811 : memref<1x4x128xf32, #tpu.memory_space<hbm>> -> memref<4x128xf32, #tpu.memory_space<hbm>>
      %dma_start3A_2813 = arith.constant 0 : i32
      %dma_start3A_2814 = arith.constant 0 : i32
      %dma_start3A_2815 = tpu.memref_slice %arg7[%add3A, %dma_start3A_2813, %dma_start3A_2814] : memref<32x4x128xf32, #tpu.memory_space<hbm>> -> memref<1x4x128xf32, #tpu.memory_space<hbm>>
      %dma_start3A_2816 = tpu.memref_squeeze %dma_start3A_2815 : memref<1x4x128xf32, #tpu.memory_space<hbm>> -> memref<4x128xf32, #tpu.memory_space<hbm>>
      tpu.enqueue_dma source(%arg16 : memref<4x128xf32, #tpu.memory_space<vmem>>) target(%dma_start3A_2816 : memref<4x128xf32, #tpu.memory_space<hbm>>) target_semaphore(%run_scoped3A : memref<!tpu.dma_semaphore, #tpu.memory_space<semaphore_mem>>)
      %dma_wait3A_2817 = arith.constant 0 : i32
      %dma_wait3A_2818 = arith.constant 0 : i32
      %dma_wait3A_2819 = tpu.memref_slice %arg7[%add3A, %dma_wait3A_2817, %dma_wait3A_2818] : memref<32x4x128xf32, #tpu.memory_space<hbm>> -> memref<1x4x128xf32, #tpu.memory_space<hbm>>
      %dma_wait3A_2820 = tpu.memref_squeeze %dma_wait3A_2819 : memref<1x4x128xf32, #tpu.memory_space<hbm>> -> memref<4x128xf32, #tpu.memory_space<hbm>>
      %dma_wait3A_2821 = arith.constant 0 : i32
      %dma_wait3A_2822 = arith.constant 0 : i32
      %dma_wait3A_2823 = tpu.memref_slice %arg7[%add3A, %dma_wait3A_2821, %dma_wait3A_2822] : memref<32x4x128xf32, #tpu.memory_space<hbm>> -> memref<1x4x128xf32, #tpu.memory_space<hbm>>
      %dma_wait3A_2824 = tpu.memref_squeeze %dma_wait3A_2823 : memref<1x4x128xf32, #tpu.memory_space<hbm>> -> memref<4x128xf32, #tpu.memory_space<hbm>>
      tpu.wait_dma2 semaphore(%run_scoped3A : memref<!tpu.dma_semaphore, #tpu.memory_space<semaphore_mem>>) src(%arg16 : memref<4x128xf32, #tpu.memory_space<vmem>>) dst(%dma_wait3A_2824 : memref<4x128xf32, #tpu.memory_space<hbm>>)
      tpu.yield
    }) : () -> ()
    return
  }
}

module attributes {stable_mosaic.version = 14 : i64} {
  func.func @_lse_body(%arg0: i32, %arg1: memref<512x4096xf32, #tpu.memory_space<vmem>>, %arg2: memref<512xf32, #tpu.memory_space<vmem>>) attributes {dimension_semantics = [#tpu.dimension_semantics<arbitrary>], iteration_bounds = array<i64: 8>, scalar_prefetch = 0 : i64, scratch_operands = 0 : i64, tpu.core_type = #tpu.core_type<tc>, window_params = [{transform_indices = @transform_0, window_bounds = array<i64: 512, 4096>}, {transform_indices = @transform_1, window_bounds = array<i64: 512>}]} {
    %get3A = arith.constant 0 : index
    %get3A_0 = arith.constant 0 : index
    %get3A_1 = vector.load %arg1[%get3A, %get3A_0] : memref<512x4096xf32, #tpu.memory_space<vmem>>, vector<512x4096xf32>
    %exp3A = math.exp %get3A_1 : vector<512x4096xf32>
    %reduce_sum3A = arith.constant dense<0.000000e+00> : vector<512xf32>
    %reduce_sum3A_2 = vector.multi_reduction <add>, %exp3A, %reduce_sum3A [1] : vector<512x4096xf32> to vector<512xf32>
    %log3A = math.log %reduce_sum3A_2 : vector<512xf32>
    %swap3A = arith.constant 0 : index
    %swap3A_3 = vector.load %arg2[%swap3A] : memref<512xf32, #tpu.memory_space<vmem>>, vector<512xf32>
    tpu.vector_store %arg2[%swap3A], %log3A {strides = array<i32>} : memref<512xf32, #tpu.memory_space<vmem>>, vector<512xf32>,
    return
  }
  func.func @transform_0(%arg0: i32) -> (i32, i32) {
    %c0_i32 = arith.constant 0 : i32
    %c0_i32_0 = arith.constant 0 : i32
    return %arg0, %c0_i32 : i32, i32
  }
  func.func @transform_1(%arg0: i32) -> i32 {
    %c0_i32 = arith.constant 0 : i32
    return %arg0 : i32
  }
}

</mosaic_0001>

<sc_bundles>
// kernel: kernel.4.cloned.1.call-start
scs
__scs_entry_jumppad:
0x0: {  	(pc) =	sbr.rel $0x88, $3  }
0x1: {  	(tag) =	ssettag $0x0;
	lr =	simm.s32 $0x1  }
0x2: {  	[smem:$0x3F9C] =	sst lr;
	_ =	strace $0xD0000000  }
0x3: {  	_ = 	snop  }
0x4: {  	_ = 	snop  }
0x5: {  	_ = 	snop  }
0x6: {  	_ = 	snop  }
0x7: {  	_ = 	snop  }
__scs_overlays_trampoline_lowered:
0x8: {  	[smem:$0x3FAB] =	sst s0  }
0x9: {  	[smem:$0x3FAC] =	sst s1  }
0xa: {  	[smem:$0x3FAD] =	sst s2  }
0xb: {  	[smem:$0x3FAE] =	sst s3  }
0xc: {  	[smem:$0x3FAF] =	sst s4  }
0xd: {  	[smem:$0x3FB0] =	sst s5  }
0xe: {  	[smem:$0x3FB1] =	sst s6  }
0xf: {  	[smem:$0x3FB2] =	sst s7  }
0x10: {  	[smem:$0x3FB3] =	sst s8  }
0x11: {  	[smem:$0x3FB4] =	sst s9;
	s0 =	simm.s32 @!p0 $0x0  }
0x12: {  	s1 =	sld [smem:$0x3F9A];
	s0 =	simm.s32 @p0 $0x1  }
0x13: {  	[smem:$0x3FB5] =	sst s0;
	s0 =	simm.s32 @!p1 $0x0  }
0x14: {  	s2 =	sld [smem:$0x3F99];
	s0 =	simm.s32 @p1 $0x1  }
0x15: {  	[smem:$0x3FB6] =	sst s0;
	s0 =	simm.s32 @!p2 $0x0  }
0x16: {  	s3 =	sld [smem:$0x3FDB];
	s0 =	simm.s32 @p2 $0x1  }
0x17: {  	s4 =	simm.s32 $0x1BF5;
	[smem:$0x3FB8] =	sst s0  }
0x18: {  	s0 =	sld [smem:$0x3F9B];
	_ =	swait.ge [sflag:s4], $0x0  }
0x19: {  	s7 =	sld [smem:$0x3F9C]  }
0x1a: {  	s8 =	sadd.s32 $0xFFFFE003, lr  }
0x1b: {  	s9 =	sadd.s32 $0xFFFFFEF7, lr;
	s5 =	simm.s32 $0xFFFFFFFF;
	p2 =	slt.u32 s8, $0xFFFFF086  }
0x1c: {  	p1 =	slt.u32 s9, $0xF7A;
	s5 =	simm.s32 @!p2 $0x0  }
0x1d: {  	s5 =	simm.s32 @p1 $0x1;
	p0 =	seq.s32 s7, s2  }
0x1e: {  	s7 =	smul.u32 @!p0 $0xF7A, s2;
	p2 =	seq.s32 @!p0 s5, $0x0  }
0x1f: {  	s9 =	smul.u32 $0xF7A, s1;
	s8 =	simm.s32 @!p0 $0x1BF5;
	p2 =	por !p2, p0  }
0x20: {  	[sflag:s8] =	ssyncset.s32 @!p0 $0xFFFFF086;
	s6 =	sadd.s32 @!p0 s3, s7;
	s7 =	simm.s32 @!p0 $0x108  }
0x21: {  	s3 =	sadd.s32 s3, s9;
	s6 =	sadd.s32 @!p0 $0x88, s6;
	s7 =	simm.s32 @p2 $0x1082  }
0x22: {  	[simem:s7], [sflag:s8] =	dma.local @!p0 [hbm:s6], $0xF7A  }
0x23: {  	s9 =	sor.u32 $0xD0000000, s2;
	s6 =	simm.s32 $0x108;
	_ =	swait.ge @!p0 [sflag:s8], $0x0  }
0x24: {  	s3 =	sadd.s32 $0x88, s3;
	s6 =	simm.s32 @!p1 $0x1082;
	[sflag:s4] =	ssyncset.s32 $0xFFFFF086  }
0x25: {  	[simem:s6], [sflag:s4] =	dma.local [hbm:s3], $0xF7A  }
0x26: {  	[smem:$0x3F9C] =	sst s1;
	(tag) =	ssettag s2;
	_ =	strace s9  }
0x27: {  	s1 =	sld [smem:$0x3FAC]  }
0x28: {  	s2 =	sld [smem:$0x3FAD]  }
0x29: {  	s4 =	sld [smem:$0x3FAF]  }
0x2a: {  	p0 =	seq.s32 s5, $0x0;
	s5 =	sld [smem:$0x3FB0]  }
0x2b: {  	s6 =	sld [smem:$0x3FB1]  }
0x2c: {  	s7 =	sld [smem:$0x3FB2]  }
0x2d: {  	s3 =	simm.s32 $0x108;
	s8 =	sld [smem:$0x3FB3]  }
0x2e: {  	s3 =	simm.s32 @!p0 $0x1082;
	s9 =	sld [smem:$0x3FB4]  }
0x2f: {  	lr =	sadd.s32 s0, s3;
	s0 =	sld [smem:$0x3FAB]  }
0x30: {  	s3 =	sld [smem:$0x3FAE]  }
0x31: {  	[smem:$0x3FB7] =	sst s10  }
0x32: {  	s10 =	sld [smem:$0x3FB5];
	_ =	sdelay $0x3  }
0x33: {  	p0 =	seq.s32 s10, $0x1;
	s10 =	sld [smem:$0x3FB7];
	_ =	sdelay $0x3  }
0x34: {  	[smem:$0x3FB7] =	sst s10  }
0x35: {  	s10 =	sld [smem:$0x3FB6];
	_ =	sdelay $0x3  }
0x36: {  	p1 =	seq.s32 s10, $0x1;
	s10 =	sld [smem:$0x3FB7];
	_ =	sdelay $0x3  }
0x37: {  	[smem:$0x3FB7] =	sst s10  }
0x38: {  	s10 =	sld [smem:$0x3FB8]  }
0x39: {  	_ = 	snop;
	(pc) =	sbr.ind lr, $3  }
0x3a: {  	_ = 	snop  }
0x3b: {  	_ = 	snop  }
0x3c: {  	p2 =	seq.s32 s10, $0x1;
	s10 =	sld [smem:$0x3FB7]  }
0x3d: {  	_ =	shalt  }
0x3e: {  	_ =	shalt  }
0x3f: {  	_ =	shalt  }
0x40: {  	_ =	shalt  }
0x41: {  	_ =	shalt  }
0x42: {  	_ =	shalt  }
0x43: {  	_ =	shalt  }
0x44: {  	_ =	shalt  }
0x45: {  	_ =	shalt  }
0x46: {  	_ =	shalt  }
0x47: {  	_ =	shalt  }
0x48: {  	_ =	shalt  }
0x49: {  	_ =	shalt  }
0x4a: {  	_ =	shalt  }
0x4b: {  	_ =	shalt  }
0x4c: {  	_ =	shalt  }
0x4d: {  	_ =	shalt  }
0x4e: {  	_ =	shalt  }
0x4f: {  	_ =	shalt  }
0x50: {  	_ =	shalt  }
0x51: {  	_ =	shalt  }
0x52: {  	_ =	shalt  }
0x53: {  	_ =	shalt  }
0x54: {  	_ =	shalt  }
0x55: {  	_ =	shalt  }
0x56: {  	_ =	shalt  }
0x57: {  	_ =	shalt  }
0x58: {  	_ =	shalt  }
0x59: {  	_ =	shalt  }
0x5a: {  	_ =	shalt  }
0x5b: {  	_ =	shalt  }
0x5c: {  	_ =	shalt  }
0x5d: {  	_ =	shalt  }
0x5e: {  	_ =	shalt  }
0x5f: {  	_ =	shalt  }
0x60: {  	_ =	shalt  }
0x61: {  	_ =	shalt  }
0x62: {  	_ =	shalt  }
0x63: {  	_ =	shalt  }
0x64: {  	_ =	shalt  }
0x65: {  	_ =	shalt  }
0x66: {  	_ =	shalt  }
0x67: {  	_ =	shalt  }
0x68: {  	_ =	shalt  }
0x69: {  	_ =	shalt  }
0x6a: {  	_ =	shalt  }
0x6b: {  	_ =	shalt  }
0x6c: {  	_ =	shalt  }
0x6d: {  	_ =	shalt  }
0x6e: {  	_ =	shalt  }
0x6f: {  	_ =	shalt  }
0x70: {  	_ =	shalt  }
0x71: {  	_ =	shalt  }
0x72: {  	_ =	shalt  }
0x73: {  	_ =	shalt  }
0x74: {  	_ =	shalt  }
0x75: {  	_ =	shalt  }
0x76: {  	_ =	shalt  }
0x77: {  	_ =	shalt  }
0x78: {  	_ =	shalt  }
0x79: {  	_ =	shalt  }
0x7a: {  	_ =	shalt  }
0x7b: {  	_ =	shalt  }
0x7c: {  	_ =	shalt  }
0x7d: {  	_ =	shalt  }
0x7e: {  	_ =	shalt  }
0x7f: {  	_ =	shalt  }
0x80: {  	_ =	shalt  }
0x81: {  	_ =	shalt  }
0x82: {  	_ =	shalt  }
0x83: {  	_ =	shalt  }
0x84: {  	_ =	shalt  }
0x85: {  	_ =	shalt  }
0x86: {  	_ =	shalt  }
0x87: {  	_ =	shalt  }
.Lfunc_end0:
.L_simem_size_0:
called_computation_lowered:
.L_overlay_start_0:
0x88: {  	s2 =	sld [smem:$0x3FD9]  }
0x89: {  	s3 =	sld [smem:$0x3FFE];
	_ =	sdelay $0x1  }
0x8a: {  	s1 =	srdreg.scid  }
0x8b: {  	s0 =	sand.u32 $0x1, s1  }
0x8c: {  	s17 =	sshll.u32 s0, $0xA;
	s2 =	sadd.s32 s3, s2  }
0x8d: {  	s2 =	sadd.s32 s2, s17  }
0x8e: {  	[smem:$0x3FC3] =	sst s2  }
0x8f: {  	_ = 	snop  }
0x90: {  	s2 =	sld [smem:$0x3FC9]  }
0x91: {  	s18 =	sld [smem:$0x3FC8]  }
0x92: {  	s4 =	sld [smem:$0x3FC7]  }
0x93: {  	s5 =	sld [smem:$0x3FC6]  }
0x94: {  	s6 =	sld [smem:$0x3FD0];
	(tm) =	ssettm $0x1  }
0x95: {  	s7 =	sld [smem:$0x3FFB];
	_ =	sdelay $0x3  }
0x96: {  	_ =	strace s7  }
0x97: {  	s7 =	sld [smem:$0x3FFC];
	_ =	sdelay $0x3  }
0x98: {  	_ =	strace s7  }
0x99: {  	s7 =	sld [smem:$0x3FFD];
	_ =	sdelay $0x3  }
0x9a: {  	_ =	strace s7  }
0x9b: {  	_ =	strace $0x8FFFFFFF  }
0x9c: {  	s19 =	sld [smem:$0x3FDB];
	_ =	sdelay $0x1  }
0x9d: {  	s8 =	simm.s32 $_scs_section_size  }
0x9e: {  	s9 =	simm.s32 $_size__tile_overlayer_lowered;
	s10 =	simm.s32 $_tile_overlayer_lowered  }
0x9f: {  	s22 =	simm.s32 $0x1BFF;
	s21 =	sshll.u32 s10, $0x1;
	s7 =	sadd.s32 s8, s19  }
0xa0: {  	s11 =	simm.s32 $0x0;
	s20 =	sshll.u32 s9, $0x1;
	s9 =	sadd.s32 s21, s7  }
0xa1: {  	[timem:s11], [sflag:s22] =	dma.local [hbm:s9], s20  }
0xa2: {  	_ =	swait.ge [sflag:s22], s20  }
0xa3: {  	s8 =	ssub.s32 $0x0, s20;
	[sflag:s22] =	ssyncset.done $0x0  }
0xa4: {  	[sflag:s22] =	ssyncadd.s32 s8;
	_ =	sdelay $0x1  }
0xa5: {  	s23 =	simm.s32 $0x1B8B  }
0xa6: {  	_ =	swait.ge [sflag:s23], $0x1  }
0xa7: {  	[sflag:s23] =	ssyncset.done $0x0  }
0xa8: {  	s25 =	simm.s32 $0x1B8E;
	s24 =	sld [smem:$0x3FFE];
	[sflag:s23] =	ssyncadd.s32 $0xFFFFFFFF  }
0xa9: {  	s26 =	simm.s32 $execute0_lowered;
	[smem:$0x3FD2] =	sst s25  }
0xaa: {  	s9 =	sshll.u32 s26, $0x1;
	_ =	strace $0x80000046;
	[dreg:$0x1] =	wrdreg $0xFFFFFFFF  }
0xab: {  	s28 =	simm.s32 $_size_execute0_lowered;
	s7 =	sadd.s32 s7, s9;
	[dreg:$0x0] =	wrdreg $0x0  }
0xac: {  	s9 =	sshll.u32 s28, $0x1;
	[dreg:$0x2] =	wrdreg s7  }
0xad: {  	[dreg:$0x3] =	wrdreg s9  }
0xae: {  	[dreg:$0x4] =	wrdreg $0xC0  }
0xaf: {  	_ =	task [dreg:s11], $0x5FFFF  }
0xb0: {  	[dreg:$0x1] =	wrdreg $0xFFFFFFFF  }
0xb1: {  	[dreg:$0x0] =	wrdreg $0x60  }
0xb2: {  	[dreg:$0x2] =	wrdreg s5  }
0xb3: {  	[dreg:$0x3] =	wrdreg s24  }
0xb4: {  	[dreg:$0x4] =	wrdreg s2  }
0xb5: {  	[dreg:$0x5] =	wrdreg s18  }
0xb6: {  	[dreg:$0x6] =	wrdreg s4  }
0xb7: {  	[dreg:$0x7] =	wrdreg s6  }
0xb8: {  	[dreg:$0x8] =	wrdreg $0x9  }
0xb9: {  	_ =	task.clear_ibuf [dreg:s11], $0x9FFFF;
	_ =	strace $0x90000046  }
0xba: {  	s29 =	simm.s32 $0x9;
	_ =	strace $0x80000048  }
0xbb: {  	_ =	swait.ge [sflag:s29], $0x1  }
0xbc: {  	[sflag:s29] =	ssyncadd.s32 $0xFFFFFFFF  }
0xbd: {  	_ =	strace $0x90000048  }
0xbe: {  	_ =	sfence  }
0xbf: {  	s30 =	sld [smem:$0x0];
	_ =	sdelay $0x2  }
0xc0: {  	s31 =	sshll.u32 s1, $0xD;
	s1 =	sshrl.u32 s1, $0x2  }
0xc1: {  	s3 =	sand.u32 $0x4000, s31;
	s1 =	sadd.s32 s1, s30  }
0xc2: {  	s0 =	sor.u32 s3, s0;
	s1 =	sshll.u32 s1, $0x11  }
0xc3: {  	s0 =	sor.u32 s1, s0  }
0xc4: {  	s0 =	sadd.s32 $0x8F2B, s0  }
0xc5: {  	[sflag:s0] =	ssyncadd.remote.s32 $0x1  }
0xc6: {  	_ =	sfence.sel $0xFFFF  }
0xc7: {  	[dreg:$0x0] =	wrdreg $0xFFFFFFFF;
	(pc) =	sbr.abs _section_cstart, $3  }
0xc8: {  	[dreg:$0x1] =	wrdreg $0xFFFFFFFF  }
0xc9: {  	_ =	task.clear_ibuf [dreg:s11], $0x2FFFF;
	_ =	strace $0x9FFFFFFF  }
0xca: {  	(tm) =	ssettm $0x7FFFFFFF  }
0xcb: {  	_ =	shalt  }
tec
execute0_lowered:
.L_overlay_start_1:
0x0: {  	(tag) =	ssettag $0x1  }
0x1: {  	s1 =	rddreg [dreg:$0x0]  }
0x2: {  	s4 =	rddreg [dreg:$0x1]  }
0x3: {  	s5 =	rddreg [dreg:$0x2]  }
0x4: {  	s6 =	rddreg [dreg:$0x3]  }
0x5: {  	s7 =	rddreg [dreg:$0x4]  }
0x6: {  	s8 =	rddreg [dreg:$0x5]  }
0x7: {  	s0 =	rddreg [dreg:$0x6];
	s3 =	simm.s32 $0x0;
	s9 =	srdreg.scid  }
0x8: {  	s2 =	stileid.u32;
	s13 =	simm.s32 $0x1400;
	s14 =	simm.s32 $0x80  }
0x9: {  	s15 =	simm.s32 $0x1600;
	s16 =	simm.s32 $0x1A00;
	s17 =	simm.s32 $0x1800  }
0xa: {  	s18 =	simm.s32 $0x9A00;
	s19 =	simm.s32 $0x1680;
	s20 =	simm.s32 $0x5A00  }
0xb: {  	s21 =	simm.s32 $0x1880;
	s22 =	simm.s32 $0xDA00;
	s23 =	simm.s32 $0x2  }
0xc: {  	s24 =	simm.s32 $0x1;
	s25 =	simm.s32 $0x1700;
	s26 =	simm.s32 $0x1900  }
0xd: {  	s28 =	simm.s32 $0x1780;
	s29 =	simm.s32 $0x1980;
	s30 =	simm.s32 $0x11A00  }
0xe: {  	v0 =	vlaneseq.u32;
	[smem:$0x7FF] =	sst s3;
	s9 =	sand.u32 $0x1, s9;
	s11 =	sshll.u32 s2, $0x7  }
0xf: {  	s4 =	sadd.s32 $0x600, s4;
	v0 =	vmul.u32 $0x80, v0;
	s10 =	ssub.s32 $0x2, s9;
	s9 =	sshll.u32 s9, $0x6  }
0x10: {  	_ =	strace $0x80000047;
	s12 =	sshrl.u32 s10, $0x1;
	s9 =	sor.u32 s9, s11  }
0x11: {  	s11 =	simm.s32 $0x3;
	v1 =	vor.u32 $0x800, v0;
	s10 =	ssub.s32 s10, s12;
	s5 =	sadd.s32 s5, s9  }
0x12: {  	v2 =	vor.u32 $0x1000, v0;
	v3 =	vor.u32 $0x1800, v0;
	v4 =	vor.u32 $0x2000, v0;
	s6 =	sadd.s32 s6, s9;
	s7 =	sadd.s32 s7, s9;
	s8 =	sadd.s32 s8, s9  }
0x13: {  	v5 =	vor.u32 $0x2800, v0;
	v6 =	vor.u32 $0x3000, v0;
	v7 =	vor.u32 $0x3800, v0;
	s12 =	simm.s32 $0x1200;
	s9 =	smax.u32 s10, $0x1;
	s10 =	simm.s32 $0x1000  }
.LBB2_1:
0x14: {  	[tilespmem:s3], [sflag:$0x2] =	stream.linear.gather [hbm4b:s4+s3], $0x1000, $0x38;
	[tilespmem:$0x11C00] =	vst v63  }
0x15: {  	_ = 	snop  }
0x16: {  	[tilespmem:s10], [sflag:$0x3] =	stream.linear.gather [hbm4b:s5+s3], $0x200, $0x38;
	[tilespmem:$0x11C00] =	vst v63  }
0x17: {  	_ =	swait.ge [sflag:s11], $0x200  }
0x18: {  	[sflag:s11] =	ssyncset.done $0x0  }
0x19: {  	[sflag:s11] =	ssyncadd.s32 $0xFFFFFE00  }
0x1a: {  	[tilespmem:s12], [sflag:$0x3] =	stream.linear.gather [hbm4b:s6+s3], $0x200, $0x38;
	[tilespmem:$0x11C00] =	vst v63  }
0x1b: {  	_ =	swait.ge [sflag:s11], $0x200  }
0x1c: {  	[sflag:s11] =	ssyncset.done $0x0  }
0x1d: {  	[sflag:s11] =	ssyncadd.s32 $0xFFFFFE00  }
0x1e: {  	[tilespmem:s13], [sflag:$0x3] =	stream.linear.gather [hbm4b:s7+s3], $0x200, $0x38;
	[tilespmem:$0x11C00] =	vst v63  }
0x1f: {  	_ =	swait.ge [sflag:s11], $0x200  }
0x20: {  	[sflag:s11] =	ssyncset.done $0x0  }
0x21: {  	[sflag:s11] =	ssyncadd.s32 $0xFFFFFE00  }
0x22: {  	v8 =	vld [tilespmem:$0x1000]  }
0x23: {  	v9 =	vld [tilespmem:$0x1200]  }
0x24: {  	v10 =	vld [tilespmem:$0x1400]  }
0x25: {  	v11 =	vld [tilespmem:$0x1010]  }
0x26: {  	v13 =	vld [tilespmem:$0x1210]  }
0x27: {  	v14 =	vld [tilespmem:$0x1410]  }
0x28: {  	v15 =	vld [tilespmem:$0x1020]  }
0x29: {  	v16 =	vld [tilespmem:$0x1420]  }
0x2a: {  	v17 =	vld [tilespmem:$0x1030]  }
0x2b: {  	v18 =	vld [tilespmem:$0x1230]  }
0x2c: {  	v19 =	vld [tilespmem:$0x1430]  }
0x2d: {  	v38 =	vld [tilespmem:$0x1040]  }
0x2e: {  	v21 =	vld [tilespmem:$0x1240]  }
0x2f: {  	v45 =	vld [tilespmem:$0x1050]  }
0x30: {  	v48 =	vld [tilespmem:$0x1250]  }
0x31: {  	v22 =	vld [tilespmem:$0x1450];
	v12 =	vshll.u32 v8, $0x5;
	v8 =	vand.u32 $0x7, v8  }
0x32: {  	v23 =	vld [tilespmem:$0x1060];
	v9 =	vshra.s32 v9, $0x4;
	v10 =	vshra.s32 v10, $0x4;
	v31 =	vshll.u32 v11, $0x5  }
0x33: {  	v25 =	vld [tilespmem:$0x1460];
	v11 =	vand.u32 $0x7, v11;
	v13 =	vshra.s32 v13, $0x4;
	v33 =	vshra.s32 v14, $0x4  }
0x34: {  	v54 =	vld [tilespmem:$0x1070];
	v34 =	vshll.u32 v15, $0x5;
	v36 =	vand.u32 $0x7, v15;
	v37 =	vshra.s32 v16, $0x4  }
0x35: {  	v27 =	vld [tilespmem:$0x1270];
	v20 =	vshll.u32 v17, $0x5;
	v42 =	vand.u32 $0x7, v17;
	v43 =	vshra.s32 v18, $0x4  }
0x36: {  	v44 =	vshra.s32 v19, $0x4;
	v49 =	vshll.u32 v38, $0x5;
	v16 =	vand.u32 $0x7, v38  }
0x37: {  	v21 =	vshra.s32 v21, $0x4;
	v24 =	vshll.u32 v45, $0x5;
	v19 =	vand.u32 $0x7, v45  }
0x38: {  	v41 =	vld [tilespmem:$0x1440];
	v18 =	vshra.s32 v48, $0x4;
	v53 =	vshra.s32 v22, $0x4;
	v26 =	vshll.u32 v23, $0x5  }
0x39: {  	v51 =	vld [tilespmem:$0x1260];
	v23 =	vand.u32 $0x7, v23;
	v25 =	vshra.s32 v25, $0x4;
	v61 =	vshll.u32 v54, $0x5  }
0x3a: {  	v57 =	vld [tilespmem:$0x1470];
	v22 =	vand.u32 $0x7, v54;
	v27 =	vshra.s32 v27, $0x4;
	v12 =	vand.u32 $0xFFFFFF00, v12  }
0x3b: {  	v58 =	vld [tilespmem:$0x1080];
	v9 =	vand.u32 $0xFFFFFFF8, v9;
	v10 =	vand.u32 $0xFFFFFFF8, v10;
	v32 =	vand.u32 $0xFFFFFFF8, v13  }
0x3c: {  	v60 =	vld [tilespmem:$0x1280];
	v13 =	vand.u32 $0xFFFFFFF8, v33;
	v35 =	vand.u32 $0xFFFFFF00, v34;
	v39 =	vand.u32 $0xFFFFFFF8, v37  }
0x3d: {  	v63 =	vld [tilespmem:$0x1290];
	v40 =	vand.u32 $0xFFFFFF00, v20;
	v46 =	vand.u32 $0xFFFFFFF8, v43;
	v47 =	vand.u32 $0xFFFFFFF8, v44  }
0x3e: {  	v30 =	vld [tilespmem:$0x1220];
	v17 =	vand.u32 $0xFFFFFF00, v49;
	v50 =	vand.u32 $0xFFFFFFF8, v21;
	v20 =	vshra.s32 v41, $0x4  }
0x3f: {  	v52 =	vand.u32 $0xFFFFFF00, v24;
	v18 =	vand.u32 $0xFFFFFFF8, v18;
	v55 =	vand.u32 $0xFFFFFFF8, v53  }
0x40: {  	v56 =	vand.u32 $0xFFFFFF00, v26;
	v21 =	vshra.s32 v51, $0x4;
	v59 =	vand.u32 $0xFFFFFFF8, v25  }
0x41: {  	v62 =	vand.u32 $0xFFFFFFF8, v27;
	v24 =	vshra.s32 v57, $0x4;
	v26 =	vand.u32 $0x7, v58  }
0x42: {  	v25 =	vshra.s32 v60, $0x4;
	v27 =	vshra.s32 v63, $0x4;
	v8 =	vor.u32 v8, v12  }
0x43: {  	v12 =	vshra.s32 v30, $0x4;
	v16 =	vor.u32 v16, v17;
	v20 =	vand.u32 $0xFFFFFFF8, v20  }
0x44: {  	v19 =	vor.u32 v19, v52;
	v21 =	vand.u32 $0xFFFFFFF8, v21;
	v24 =	vand.u32 $0xFFFFFFF8, v24  }
0x45: {  	v28 =	vld [tilespmem:$0x1480];
	v30 =	vshll.u32 v58, $0x5;
	v25 =	vand.u32 $0xFFFFFFF8, v25;
	v27 =	vand.u32 $0xFFFFFFF8, v27  }
0x46: {  	v29 =	vld [tilespmem:$0x1090];
	v9 =	vadd.s32 v9, v8;
	v8 =	vadd.s32 v8, v10;
	v10 =	vand.u32 $0xFFFFFF00, v31  }
0x47: {  	v45 =	vld [tilespmem:$0x12C0];
	v12 =	vand.u32 $0xFFFFFFF8, v12;
	v17 =	vadd.s32 v50, v16;
	v16 =	vadd.s32 v16, v20  }
0x48: {  	v48 =	vld [tilespmem:$0x10D0];
	v20 =	vadd.s32 v18, v19;
	v18 =	vadd.s32 v19, v55;
	v19 =	vor.u32 v23, v56  }
0x49: {  	v33 =	vld [tilespmem:$0x12A0];
	v23 =	vand.u32 $0xFFFFFF00, v61;
	v34 =	vand.u32 $0xFFFFFF00, v30;
	v11 =	vor.u32 v11, v10  }
0x4a: {  	v53 =	vld [tilespmem:$0x10E0];
	v21 =	vadd.s32 v21, v19;
	v19 =	vadd.s32 v19, v59;
	v22 =	vor.u32 v22, v23  }
0x4b: {  	v31 =	vld [tilespmem:$0x1490];
	v10 =	vadd.s32 v32, v11;
	v11 =	vadd.s32 v11, v13;
	v13 =	vor.u32 v36, v35  }
0x4c: {  	v55 =	vld [tilespmem:$0x12E0];
	v23 =	vadd.s32 v62, v22;
	v22 =	vadd.s32 v22, v24;
	v24 =	vor.u32 v26, v34  }
0x4d: {  	v61 =	vld [tilespmem:$0x14F0];
	v35 =	vshra.s32 v28, $0x4;
	v32 =	vshll.u32 v29, $0x5;
	v29 =	vand.u32 $0x7, v29  }
0x4e: {  	v59 =	vld [tilespmem:$0x12F0];
	v56 =	vshll.u32 v48, $0x5;
	v14 =	vadd.s32 v12, v13;
	v12 =	vadd.s32 v13, v39  }
0x4f: {  	v36 =	vld [tilespmem:$0x10A0];
	v13 =	vor.u32 v42, v40;
	v37 =	vand.u32 $0xFFFFFFF8, v35;
	v26 =	vadd.s32 v25, v24  }
0x50: {  	v34 =	vld [tilespmem:$0x14B0];
	v38 =	vand.u32 $0xFFFFFF00, v32;
	v33 =	vshra.s32 v33, $0x4;
	v60 =	vshll.u32 v53, $0x5  }
0x51: {  	v39 =	vld [tilespmem:$0x14A0];
	v63 =	vand.u32 $0x7, v53;
	v15 =	vadd.s32 v46, v13;
	v13 =	vadd.s32 v13, v47  }
0x52: {  	v40 =	vld [tilespmem:$0x10B0];
	v24 =	vadd.s32 v24, v37;
	v25 =	vor.u32 v29, v38;
	v44 =	vand.u32 $0xFFFFFFF8, v33  }
0x53: {  	v42 =	vld [tilespmem:$0x12B0];
	v33 =	vshra.s32 v45, $0x4;
	v62 =	vand.u32 $0xFFFFFF00, v60;
	v31 =	vshra.s32 v31, $0x4  }
0x54: {  	v35 =	vld [tilespmem:$0x10C0];
	v27 =	vadd.s32 v27, v25;
	v33 =	vand.u32 $0xFFFFFFF8, v33;
	v41 =	vand.u32 $0xFFFFFFF8, v31  }
0x55: {  	[tilespmem:$0x1610] =	vst v10;
	v37 =	vld [tilespmem:$0x14C0];
	v10 =	vor.u32 v63, v62;
	v25 =	vadd.s32 v25, v41;
	v43 =	vshll.u32 v36, $0x5  }
0x56: {  	v38 =	vld [tilespmem:$0x12D0];
	v28 =	vand.u32 $0x7, v36;
	v47 =	vshra.s32 v34, $0x4;
	v34 =	vand.u32 $0x7, v48  }
0x57: {  	v60 =	vld [tilespmem:$0x1320];
	v48 =	vshra.s32 v59, $0x4;
	v29 =	vand.u32 $0xFFFFFF00, v43;
	v30 =	vshra.s32 v39, $0x4  }
0x58: {  	v36 =	vshll.u32 v40, $0x5;
	v32 =	vand.u32 $0x7, v40;
	v31 =	vshra.s32 v42, $0x4  }
0x59: {  	v49 =	vshll.u32 v35, $0x5;
	v35 =	vand.u32 $0x7, v35;
	v28 =	vor.u32 v28, v29  }
0x5a: {  	v53 =	vld [tilespmem:$0x1310];
	v30 =	vand.u32 $0xFFFFFFF8, v30;
	v46 =	vand.u32 $0xFFFFFF00, v36;
	v31 =	vand.u32 $0xFFFFFFF8, v31  }
0x5b: {  	v50 =	vand.u32 $0xFFFFFF00, v49;
	v52 =	vshra.s32 v37, $0x4;
	v38 =	vshra.s32 v38, $0x4  }
0x5c: {  	v51 =	vld [tilespmem:$0x14D0];
	[tilespmem:$0x1650] =	vst v20;
	v36 =	vshra.s32 v55, $0x4;
	v49 =	vshra.s32 v61, $0x4;
	v20 =	vshra.s32 v60, $0x4  }
0x5d: {  	v62 =	vld [tilespmem:$0x1520];
	v29 =	vadd.s32 v44, v28;
	v28 =	vadd.s32 v28, v30;
	v30 =	vor.u32 v32, v46  }
0x5e: {  	v41 =	vld [tilespmem:$0x10F0];
	v32 =	vand.u32 $0xFFFFFFF8, v47;
	v54 =	vand.u32 $0xFFFFFFF8, v52;
	v58 =	vand.u32 $0xFFFFFFF8, v38  }
0x5f: {  	[tilespmem:$0x1810] =	vst v11;
	v40 =	vld [tilespmem:$0x14E0];
	v11 =	vand.u32 $0xFFFFFFF8, v36;
	v52 =	vand.u32 $0xFFFFFFF8, v49;
	v36 =	vshra.s32 v53, $0x4  }
0x60: {  	v55 =	vld [tilespmem:$0x1510];
	v20 =	vand.u32 $0xFFFFFFF8, v20;
	v39 =	vadd.s32 v31, v30;
	v30 =	vadd.s32 v30, v32  }
0x61: {  	[tilespmem:$0x1600] =	vst v9;
	v44 =	vld [tilespmem:$0x1300];
	v31 =	vor.u32 v35, v50;
	v35 =	vand.u32 $0xFFFFFF00, v56;
	v32 =	vshra.s32 v51, $0x4  }
0x62: {  	[tilespmem:$0x1850] =	vst v18;
	v46 =	vld [tilespmem:$0x1500];
	v11 =	vadd.s32 v11, v10;
	v51 =	vand.u32 $0xFFFFFFF8, v48;
	v18 =	vand.u32 $0xFFFFFFF8, v36  }
0x63: {  	[tilespmem:$0x1800] =	vst v8;
	v49 =	vld [tilespmem:$0x1540];
	v33 =	vadd.s32 v33, v31;
	v31 =	vadd.s32 v31, v54;
	v57 =	vor.u32 v34, v35  }
0x64: {  	[tilespmem:$0x1640] =	vst v17;
	v50 =	vld [tilespmem:$0x1110];
	v32 =	vand.u32 $0xFFFFFFF8, v32;
	v43 =	vshll.u32 v41, $0x5;
	v47 =	vand.u32 $0x7, v41  }
0x65: {  	[tilespmem:$0x1840] =	vst v16;
	v35 =	vld [tilespmem:$0x1570];
	v8 =	vadd.s32 v58, v57;
	v37 =	vshra.s32 v40, $0x4;
	v45 =	vand.u32 $0xFFFFFF00, v43  }
0x66: {  	[tilespmem:$0x1820] =	vst v12;
	v9 =	vadd.s32 v57, v32;
	v40 =	vld [tilespmem:$0x1100];
	v42 =	vand.u32 $0xFFFFFFF8, v37;
	v12 =	vor.u32 v47, v45  }
0x67: {  	[tilespmem:$0x1830] =	vst v13;
	v58 =	vld [tilespmem:$0x1120];
	v17 =	vshra.s32 v55, $0x4;
	v10 =	vadd.s32 v10, v42;
	v13 =	vadd.s32 v51, v12  }
0x68: {  	[tilespmem:$0x1620] =	vst v14;
	v37 =	vld [tilespmem:$0x1130];
	v12 =	vadd.s32 v12, v52;
	v57 =	vshra.s32 v44, $0x4;
	v14 =	vshra.s32 v46, $0x4  }
0x69: {  	[tilespmem:$0x1680] =	vst v26;
	v45 =	vld [tilespmem:$0x1140];
	v17 =	vand.u32 $0xFFFFFFF8, v17;
	v44 =	vshra.s32 v62, $0x4;
	v26 =	vshra.s32 v49, $0x4  }
0x6a: {  	[tilespmem:$0x1660] =	vst v21;
	v47 =	vld [tilespmem:$0x1340];
	v59 =	vand.u32 $0xFFFFFFF8, v57;
	v14 =	vand.u32 $0xFFFFFFF8, v14;
	v61 =	vshll.u32 v50, $0x5  }
0x6b: {  	[tilespmem:$0x1860] =	vst v19;
	v21 =	vand.u32 $0x7, v50;
	v46 =	vand.u32 $0xFFFFFFF8, v44;
	v26 =	vand.u32 $0xFFFFFFF8, v26  }
0x6c: {  	[tilespmem:$0x16C0] =	vst v33;
	v33 =	vld [tilespmem:$0x1370];
	v63 =	vand.u32 $0xFFFFFF00, v61;
	v49 =	vshra.s32 v35, $0x4;
	v54 =	vshll.u32 v40, $0x5  }
0x6d: {  	[tilespmem:$0x1670] =	vst v23;
	v42 =	vld [tilespmem:$0x1530];
	v56 =	vand.u32 $0x7, v40;
	v38 =	vshll.u32 v58, $0x5;
	v43 =	vand.u32 $0x7, v58  }
0x6e: {  	[tilespmem:$0x1630] =	vst v15;
	v50 =	vld [tilespmem:$0x1150];
	v15 =	vand.u32 $0xFFFFFF00, v54;
	v41 =	vand.u32 $0xFFFFFF00, v38;
	v48 =	vshll.u32 v37, $0x5  }
0x6f: {  	[tilespmem:$0x1880] =	vst v24;
	v57 =	vld [tilespmem:$0x1160];
	v19 =	vand.u32 $0x7, v37;
	v53 =	vshll.u32 v45, $0x5;
	v24 =	vshra.s32 v47, $0x4  }
0x70: {  	[tilespmem:$0x1870] =	vst v22;
	v15 =	vor.u32 v56, v15;
	v22 =	vand.u32 $0xFFFFFF00, v48;
	v55 =	vand.u32 $0xFFFFFF00, v53  }
0x71: {  	[tilespmem:$0x1690] =	vst v27;
	v56 =	vand.u32 $0x7, v45;
	v24 =	vand.u32 $0xFFFFFFF8, v24;
	v48 =	vshra.s32 v33, $0x4  }
0x72: {  	[tilespmem:$0x1890] =	vst v25;
	v61 =	vld [tilespmem:$0x1560];
	v16 =	vadd.s32 v59, v15;
	v14 =	vadd.s32 v15, v14;
	v15 =	vor.u32 v21, v63  }
0x73: {  	[tilespmem:$0x16A0] =	vst v29;
	v40 =	vld [tilespmem:$0x1330];
	v19 =	vor.u32 v19, v22;
	v21 =	vshra.s32 v42, $0x4;
	v58 =	vshll.u32 v50, $0x5  }
0x74: {  	[tilespmem:$0x16D0] =	vst v8;
	v52 =	vld [tilespmem:$0x1350];
	v8 =	vand.u32 $0x7, v50;
	v34 =	vshll.u32 v57, $0x5;
	v37 =	vand.u32 $0x7, v57  }
0x75: {  	[tilespmem:$0x16F0] =	vst v13;
	v54 =	vld [tilespmem:$0x1550];
	v13 =	vand.u32 $0xFFFFFFF8, v48;
	v18 =	vadd.s32 v18, v15;
	v15 =	vadd.s32 v15, v17  }
0x76: {  	[tilespmem:$0x16B0] =	vst v39;
	v39 =	vld [tilespmem:$0x1180];
	v17 =	vor.u32 v43, v41;
	v21 =	vand.u32 $0xFFFFFFF8, v21;
	v60 =	vand.u32 $0xFFFFFF00, v58  }
0x77: {  	v45 =	vld [tilespmem:$0x1580];
	v36 =	vand.u32 $0xFFFFFF00, v34;
	v41 =	vshra.s32 v61, $0x4;
	[tilespmem:$0x1900] =	vst v14;
	v14 =	vand.u32 $0xFFFFFFF8, v49  }
0x78: {  	[tilespmem:$0x18A0] =	vst v28;
	v33 =	vld [tilespmem:$0x15B0];
	v20 =	vadd.s32 v20, v17;
	v17 =	vadd.s32 v17, v46;
	v23 =	vshra.s32 v40, $0x4  }
0x79: {  	[tilespmem:$0x18E0] =	vst v10;
	v59 =	vld [tilespmem:$0x1360];
	v8 =	vor.u32 v8, v60;
	v10 =	vor.u32 v37, v36;
	v43 =	vand.u32 $0xFFFFFFF8, v41  }
0x7a: {  	[tilespmem:$0x18B0] =	vst v30;
	v63 =	vld [tilespmem:$0x1170];
	v51 =	vand.u32 $0xFFFFFFF8, v23;
	v23 =	vshra.s32 v52, $0x4;
	v62 =	vshra.s32 v54, $0x4  }
0x7b: {  	[tilespmem:$0x16E0] =	vst v11;
	v42 =	vld [tilespmem:$0x1380];
	v22 =	vadd.s32 v51, v19;
	v19 =	vadd.s32 v19, v21;
	v21 =	vor.u32 v56, v55  }
0x7c: {  	[tilespmem:$0x18C0] =	vst v31;
	v50 =	vld [tilespmem:$0x1190];
	v31 =	vand.u32 $0xFFFFFFF8, v23;
	v32 =	vand.u32 $0xFFFFFFF8, v62;
	v51 =	vshll.u32 v39, $0x5  }
0x7d: {  	v29 =	vld [tilespmem:$0x11B0];
	[tilespmem:$0x18D0] =	vst v9;
	v55 =	vand.u32 $0x7, v39;
	v57 =	vshra.s32 v45, $0x4;
	v49 =	vshra.s32 v33, $0x4  }
0x7e: {  	[tilespmem:$0x18F0] =	vst v12;
	v58 =	vld [tilespmem:$0x11A0];
	v24 =	vadd.s32 v24, v21;
	v21 =	vadd.s32 v21, v26;
	v9 =	vadd.s32 v31, v8  }
0x7f: {  	[tilespmem:$0x1700] =	vst v16;
	v61 =	vld [tilespmem:$0x13A0];
	v8 =	vadd.s32 v8, v32;
	v38 =	vshra.s32 v59, $0x4;
	v44 =	vshll.u32 v63, $0x5  }
0x80: {  	[tilespmem:$0x1710] =	vst v18;
	v47 =	vand.u32 $0x7, v63;
	v53 =	vand.u32 $0xFFFFFF00, v51;
	v56 =	vshra.s32 v42, $0x4  }
0x81: {  	[tilespmem:$0x1910] =	vst v15;
	v60 =	vand.u32 $0xFFFFFFF8, v57;
	v62 =	vshll.u32 v50, $0x5;
	v16 =	vand.u32 $0x7, v50  }
0x82: {  	v52 =	vld [tilespmem:$0x1390];
	[tilespmem:$0x1720] =	vst v20;
	v42 =	vshll.u32 v29, $0x5;
	v40 =	vand.u32 $0xFFFFFFF8, v38;
	v46 =	vand.u32 $0xFFFFFF00, v44  }
0x83: {  	v54 =	vld [tilespmem:$0x1590];
	[tilespmem:$0x1920] =	vst v17;
	v59 =	vand.u32 $0xFFFFFFF8, v56;
	v18 =	vand.u32 $0xFFFFFF00, v62;
	v32 =	vshll.u32 v58, $0x5  }
0x84: {  	[tilespmem:$0x1730] =	vst v22;
	v36 =	vand.u32 $0x7, v58;
	v37 =	vshra.s32 v61, $0x4;
	v45 =	vand.u32 $0xFFFFFF00, v42  }
0x85: {  	[tilespmem:$0x1930] =	vst v19;
	v11 =	vadd.s32 v40, v10;
	v10 =	vadd.s32 v10, v43;
	v12 =	vor.u32 v47, v46  }
0x86: {  	v39 =	vld [tilespmem:$0x11C0];
	[tilespmem:$0x1740] =	vst v24;
	v16 =	vor.u32 v16, v18;
	v35 =	vand.u32 $0xFFFFFF00, v32;
	v40 =	vand.u32 $0xFFFFFFF8, v37  }
0x87: {  	v63 =	vld [tilespmem:$0x15A0];
	[tilespmem:$0x1940] =	vst v21;
	v47 =	vand.u32 $0x7, v29;
	v13 =	vadd.s32 v13, v12;
	v12 =	vadd.s32 v12, v14  }
0x88: {  	v31 =	vld [tilespmem:$0x13B0];
	[tilespmem:$0x1950] =	vst v8;
	v14 =	vor.u32 v55, v53;
	v28 =	vshra.s32 v52, $0x4;
	v15 =	vshra.s32 v54, $0x4  }
0x89: {  	v50 =	vld [tilespmem:$0x11D0];
	v8 =	vor.u32 v36, v35;
	[tilespmem:$0x1760] =	vst v11;
	v11 =	vor.u32 v47, v45;
	v52 =	vand.u32 $0xFFFFFFF8, v49  }
0x8a: {  	[tilespmem:$0x1750] =	vst v9;
	v58 =	vld [tilespmem:$0x11E0];
	v17 =	vadd.s32 v59, v14;
	v14 =	vadd.s32 v14, v60;
	v30 =	vand.u32 $0xFFFFFFF8, v28  }
0x8b: {  	v21 =	vld [tilespmem:$0x15E0];
	[tilespmem:$0x1960] =	vst v10;
	v15 =	vand.u32 $0xFFFFFFF8, v15;
	v44 =	vadd.s32 v40, v8;
	v54 =	vshll.u32 v39, $0x5  }
0x8c: {  	v43 =	vld [tilespmem:$0x13C0];
	[tilespmem:$0x1770] =	vst v13;
	v56 =	vand.u32 $0x7, v39;
	v18 =	vadd.s32 v30, v16;
	v34 =	vadd.s32 v16, v15  }
0x8d: {  	v46 =	vld [tilespmem:$0x15C0];
	[tilespmem:$0x1970] =	vst v12;
	v38 =	vshra.s32 v63, $0x4;
	v48 =	vshra.s32 v31, $0x4;
	v13 =	vand.u32 $0xFFFFFF00, v54  }
0x8e: {  	v32 =	vld [tilespmem:$0x13F0];
	[tilespmem:$0x1780] =	vst v17;
	v63 =	vshll.u32 v50, $0x5;
	v25 =	vand.u32 $0x7, v50;
	v41 =	vand.u32 $0xFFFFFFF8, v38  }
0x8f: {  	v53 =	vld [tilespmem:$0x13D0];
	[tilespmem:$0x1980] =	vst v14;
	v51 =	vand.u32 $0xFFFFFFF8, v48;
	v13 =	vor.u32 v56, v13;
	v24 =	vand.u32 $0xFFFFFF00, v63  }
0x90: {  	v55 =	vld [tilespmem:$0x15D0];
	[tilespmem:$0x17A0] =	vst v44;
	v31 =	vshll.u32 v58, $0x5;
	v36 =	vand.u32 $0x7, v58;
	v38 =	vshra.s32 v21, $0x4  }
0x91: {  	[tilespmem:$0x1790] =	vst v18;
	v8 =	vadd.s32 v8, v41;
	v12 =	vadd.s32 v51, v11;
	v11 =	vadd.s32 v11, v52  }
0x92: {  	v60 =	vld [tilespmem:$0x13E0];
	[tilespmem:$0x1990] =	vst v34;
	v57 =	vshra.s32 v43, $0x4;
	v15 =	vshra.s32 v46, $0x4;
	v34 =	vand.u32 $0xFFFFFF00, v31  }
0x93: {  	v28 =	vld [tilespmem:$0x11F0];
	v40 =	vand.u32 $0xFFFFFFF8, v38;
	v43 =	vshra.s32 v32, $0x4;
	v59 =	vand.u32 $0xFFFFFFF8, v57;
	[tilespmem:$0x19A0] =	vst v8  }
0x94: {  	v62 =	vand.u32 $0xFFFFFFF8, v15;
	v8 =	vor.u32 v25, v24;
	v26 =	vshra.s32 v53, $0x4;
	[tilespmem:$0x17B0] =	vst v12  }
0x95: {  	v35 =	vld [tilespmem:$0x15F0];
	v27 =	vshra.s32 v55, $0x4;
	[tilespmem:$0x19B0] =	vst v11;
	v9 =	vor.u32 v36, v34;
	v61 =	vadd.s32 v59, v13  }
0x96: {  	v44 =	vand.u32 $0xFFFFFFF8, v43;
	v23 =	vadd.s32 v13, v62;
	v29 =	vand.u32 $0xFFFFFFF8, v26;
	[tilespmem:$0x17C0] =	vst v61  }
0x97: {  	v30 =	vand.u32 $0xFFFFFFF8, v27;
	v37 =	vshra.s32 v60, $0x4;
	v33 =	vadd.s32 v29, v8;
	[tilespmem:$0x19C0] =	vst v23  }
0x98: {  	v41 =	vshll.u32 v28, $0x5;
	v8 =	vadd.s32 v8, v30;
	v39 =	vand.u32 $0xFFFFFFF8, v37;
	[tilespmem:$0x17D0] =	vst v33  }
0x99: {  	v42 =	vand.u32 $0x7, v28;
	v10 =	vadd.s32 v39, v9;
	[tilespmem:$0x19D0] =	vst v8;
	v8 =	vand.u32 $0xFFFFFF00, v41  }
0x9a: {  	v45 =	vshra.s32 v35, $0x4;
	v9 =	vadd.s32 v9, v40;
	[tilespmem:$0x17E0] =	vst v10;
	v8 =	vor.u32 v42, v8  }
0x9b: {  	v47 =	vand.u32 $0xFFFFFFF8, v45;
	[tilespmem:$0x19E0] =	vst v9;
	v46 =	vadd.s32 v44, v8  }
0x9c: {  	v8 =	vadd.s32 v8, v47;
	[tilespmem:$0x17F0] =	vst v46  }
0x9d: {  	[tilespmem:$0x19F0] =	vst v8  }
0x9e: {  	[tilespmem:s16], [sflag:$0x1] =	stream.indirect.gather [hbm4b:s1+s14], $0x80, s15, s14, $0xb8;
	[tilespmem:$0x11C00] =	vst v63  }
0x9f: {  	_ = 	snop  }
0xa0: {  	[tilespmem:s18], [sflag:$0x1] =	stream.indirect.gather [hbm4b:s1+s14], $0x80, s17, s14, $0xb8;
	[tilespmem:$0x11C00] =	vst v63  }
0xa1: {  	_ = 	snop  }
0xa2: {  	[tilespmem:s20], [sflag:$0x1] =	stream.indirect.gather [hbm4b:s1+s14], $0x80, s19, s14, $0xb8;
	[tilespmem:$0x11C00] =	vst v63  }
0xa3: {  	_ = 	snop  }
0xa4: {  	[tilespmem:s22], [sflag:$0x1] =	stream.indirect.gather [hbm4b:s1+s14], $0x80, s21, s14, $0xb8;
	[tilespmem:$0x11C00] =	vst v63  }
0xa5: {  	_ =	swait.ge [sflag:s23], $0x1000  }
0xa6: {  	[sflag:s23] =	ssyncset.done $0x0  }
0xa7: {  	[sflag:s23] =	ssyncadd.s32 $0xFFFFF000  }
0xa8: {  	_ =	swait.ge [sflag:s24], $0x4000  }
0xa9: {  	[sflag:s24] =	ssyncset.done $0x0  }
0xaa: {  	[sflag:s24] =	ssyncadd.s32 $0xFFFFC000  }
0xab: {  	_ =	swait.ge [sflag:s24], $0x4000  }
0xac: {  	[sflag:s24] =	ssyncset.done $0x0  }
0xad: {  	[sflag:s24] =	ssyncadd.s32 $0xFFFFC000  }
0xae: {  	v8 =	vld [tilespmem:$0x1200]  }
0xaf: {  	v48 =	vld [tilespmem:$0x1400];
	_ =	sdelay $0x3  }
0xb0: {  	v49 =	vand.u32 $0x7F, v8  }
0xb1: {  	v50 =	vand.u32 $0x7F, v48;
	v10 =	vor.u32 v0, v49  }
0xb2: {  	v51 =	vld [tilespmem:$0x1210];
	v11 =	vor.u32 v0, v50  }
0xb3: {  	v52 =	vld [tilespmem:$0x1410]  }
0xb4: {  	v8 =	vld.idx.msk [tilespmem:v8+s3+$0x0], $0xffff  }
0xb5: {  	v9 =	vld.idx.msk [tilespmem:v48+s3+$0x0], $0xffff  }
0xb6: {  	v10 =	vld.idx.msk [tilespmem:v10+s16+$0x0], $0xffff  }
0xb7: {  	v11 =	vld.idx.msk [tilespmem:v11+s18+$0x0], $0xffff;
	_ =	sdelay $0x3  }
0xb8: {  	v53 =	vand.u32 $0x7F, v51;
	v54 =	vand.u32 $0x7F, v52  }
0xb9: {  	v8 =	vsub.f32 v10, v8;
	v9 =	vsub.f32 v11, v9;
	v10 =	vor.u32 v1, v53  }
0xba: {  	v11 =	vor.u32 v1, v54  }
0xbb: {  	v8 =	vmul.f32 v9, v8  }
0xbc: {  	v58 =	vld [tilespmem:$0x1220]  }
0xbd: {  	v59 =	vld [tilespmem:$0x1420];
	[tilespmem:$0x11A00] =	vst v8  }
0xbe: {  	v8 =	vld.idx.msk [tilespmem:v10+s16+$0x0], $0xffff  }
0xbf: {  	v55 =	vld.idx.msk [tilespmem:v11+s18+$0x0], $0xffff  }
0xc0: {  	v56 =	vld.idx.msk [tilespmem:v51+s3+$0x0], $0xffff  }
0xc1: {  	v57 =	vld.idx.msk [tilespmem:v52+s3+$0x0], $0xffff;
	_ =	sdelay $0x3  }
0xc2: {  	v60 =	vand.u32 $0x7F, v58;
	v61 =	vand.u32 $0x7F, v59  }
0xc3: {  	v10 =	vor.u32 v2, v60;
	v8 =	vsub.f32 v8, v56;
	v9 =	vsub.f32 v55, v57  }
0xc4: {  	v11 =	vor.u32 v2, v61  }
0xc5: {  	v8 =	vmul.f32 v9, v8  }
0xc6: {  	v17 =	vld [tilespmem:$0x1230]  }
0xc7: {  	v18 =	vld [tilespmem:$0x1430];
	[tilespmem:$0x11A10] =	vst v8  }
0xc8: {  	v8 =	vld.idx.msk [tilespmem:v10+s16+$0x0], $0xffff  }
0xc9: {  	v62 =	vld.idx.msk [tilespmem:v11+s18+$0x0], $0xffff  }
0xca: {  	v63 =	vld.idx.msk [tilespmem:v58+s3+$0x0], $0xffff  }
0xcb: {  	v16 =	vld.idx.msk [tilespmem:v59+s3+$0x0], $0xffff;
	_ =	sdelay $0x3  }
0xcc: {  	v19 =	vand.u32 $0x7F, v17;
	v20 =	vand.u32 $0x7F, v18  }
0xcd: {  	v10 =	vor.u32 v3, v19;
	v8 =	vsub.f32 v8, v63;
	v9 =	vsub.f32 v62, v16  }
0xce: {  	v11 =	vor.u32 v3, v20  }
0xcf: {  	v8 =	vmul.f32 v9, v8  }
0xd0: {  	v24 =	vld [tilespmem:$0x1240]  }
0xd1: {  	v25 =	vld [tilespmem:$0x1440];
	[tilespmem:$0x11A20] =	vst v8  }
0xd2: {  	v8 =	vld.idx.msk [tilespmem:v10+s16+$0x0], $0xffff  }
0xd3: {  	v21 =	vld.idx.msk [tilespmem:v11+s18+$0x0], $0xffff  }
0xd4: {  	v22 =	vld.idx.msk [tilespmem:v17+s3+$0x0], $0xffff  }
0xd5: {  	v23 =	vld.idx.msk [tilespmem:v18+s3+$0x0], $0xffff;
	_ =	sdelay $0x3  }
0xd6: {  	v26 =	vand.u32 $0x7F, v24;
	v27 =	vand.u32 $0x7F, v25  }
0xd7: {  	v10 =	vor.u32 v4, v26;
	v8 =	vsub.f32 v8, v22;
	v9 =	vsub.f32 v21, v23  }
0xd8: {  	v11 =	vor.u32 v4, v27  }
0xd9: {  	v8 =	vmul.f32 v9, v8  }
0xda: {  	v31 =	vld [tilespmem:$0x1250]  }
0xdb: {  	v32 =	vld [tilespmem:$0x1450];
	[tilespmem:$0x11A30] =	vst v8  }
0xdc: {  	v8 =	vld.idx.msk [tilespmem:v10+s16+$0x0], $0xffff  }
0xdd: {  	v28 =	vld.idx.msk [tilespmem:v11+s18+$0x0], $0xffff  }
0xde: {  	v29 =	vld.idx.msk [tilespmem:v24+s3+$0x0], $0xffff  }
0xdf: {  	v30 =	vld.idx.msk [tilespmem:v25+s3+$0x0], $0xffff;
	_ =	sdelay $0x3  }
0xe0: {  	v33 =	vand.u32 $0x7F, v31;
	v34 =	vand.u32 $0x7F, v32  }
0xe1: {  	v10 =	vor.u32 v5, v33;
	v8 =	vsub.f32 v8, v29;
	v9 =	vsub.f32 v28, v30  }
0xe2: {  	v11 =	vor.u32 v5, v34  }
0xe3: {  	v8 =	vmul.f32 v9, v8  }
0xe4: {  	v38 =	vld [tilespmem:$0x1260]  }
0xe5: {  	v39 =	vld [tilespmem:$0x1460];
	[tilespmem:$0x11A40] =	vst v8  }
0xe6: {  	v8 =	vld.idx.msk [tilespmem:v10+s16+$0x0], $0xffff  }
0xe7: {  	v35 =	vld.idx.msk [tilespmem:v11+s18+$0x0], $0xffff  }
0xe8: {  	v36 =	vld.idx.msk [tilespmem:v31+s3+$0x0], $0xffff  }
0xe9: {  	v37 =	vld.idx.msk [tilespmem:v32+s3+$0x0], $0xffff;
	_ =	sdelay $0x3  }
0xea: {  	v40 =	vand.u32 $0x7F, v38;
	v41 =	vand.u32 $0x7F, v39  }
0xeb: {  	v10 =	vor.u32 v6, v40;
	v8 =	vsub.f32 v8, v36;
	v9 =	vsub.f32 v35, v37  }
0xec: {  	v11 =	vor.u32 v6, v41  }
0xed: {  	v8 =	vmul.f32 v9, v8  }
0xee: {  	v45 =	vld [tilespmem:$0x1270]  }
0xef: {  	v46 =	vld [tilespmem:$0x1470];
	[tilespmem:$0x11A50] =	vst v8  }
0xf0: {  	v8 =	vld.idx.msk [tilespmem:v10+s16+$0x0], $0xffff  }
0xf1: {  	v42 =	vld.idx.msk [tilespmem:v11+s18+$0x0], $0xffff  }
0xf2: {  	v43 =	vld.idx.msk [tilespmem:v38+s3+$0x0], $0xffff  }
0xf3: {  	v44 =	vld.idx.msk [tilespmem:v39+s3+$0x0], $0xffff;
	_ =	sdelay $0x3  }
0xf4: {  	v47 =	vand.u32 $0x7F, v45;
	v48 =	vand.u32 $0x7F, v46  }
0xf5: {  	v10 =	vor.u32 v7, v47;
	v8 =	vsub.f32 v8, v43;
	v9 =	vsub.f32 v42, v44  }
0xf6: {  	v11 =	vor.u32 v7, v48  }
0xf7: {  	v8 =	vmul.f32 v9, v8;
	_ =	sdelay $0x1  }
0xf8: {  	[tilespmem:$0x11A60] =	vst v8  }
0xf9: {  	v8 =	vld.idx.msk [tilespmem:v10+s16+$0x0], $0xffff  }
0xfa: {  	v49 =	vld.idx.msk [tilespmem:v11+s18+$0x0], $0xffff  }
0xfb: {  	v50 =	vld.idx.msk [tilespmem:v45+s3+$0x0], $0xffff  }
0xfc: {  	v51 =	vld.idx.msk [tilespmem:v46+s3+$0x0], $0xffff;
	_ =	sdelay $0x4  }
0xfd: {  	v8 =	vsub.f32 v8, v50;
	v9 =	vsub.f32 v49, v51;
	_ =	sdelay $0x1  }
0xfe: {  	v8 =	vmul.f32 v9, v8;
	_ =	sdelay $0x1  }
0xff: {  	[tilespmem:$0x11A70] =	vst v8  }
0x100: {  	[tilespmem:s16], [sflag:$0x1] =	stream.indirect.gather [hbm4b:s1+s14], $0x80, s25, s14, $0xb8;
	[tilespmem:$0x11C00] =	vst v63  }
0x101: {  	_ = 	snop  }
0x102: {  	[tilespmem:s18], [sflag:$0x1] =	stream.indirect.gather [hbm4b:s1+s14], $0x80, s26, s14, $0xb8;
	[tilespmem:$0x11C00] =	vst v63  }
0x103: {  	_ =	swait.ge [sflag:s24], $0x4000  }
0x104: {  	[sflag:s24] =	ssyncset.done $0x0  }
0x105: {  	[sflag:s24] =	ssyncadd.s32 $0xFFFFC000  }
0x106: {  	_ =	swait.ge [sflag:s24], $0x4000  }
0x107: {  	[sflag:s24] =	ssyncset.done $0x0  }
0x108: {  	[sflag:s24] =	ssyncadd.s32 $0xFFFFC000  }
0x109: {  	v8 =	vld [tilespmem:$0x1280]  }
0x10a: {  	v52 =	vld [tilespmem:$0x1480];
	_ =	sdelay $0x3  }
0x10b: {  	v53 =	vand.u32 $0x7F, v8  }
0x10c: {  	v54 =	vand.u32 $0x7F, v52;
	v10 =	vor.u32 v0, v53  }
0x10d: {  	v55 =	vld [tilespmem:$0x1290];
	v11 =	vor.u32 v0, v54  }
0x10e: {  	v56 =	vld [tilespmem:$0x1490]  }
0x10f: {  	v8 =	vld.idx.msk [tilespmem:v8+s3+$0x0], $0xffff  }
0x110: {  	v9 =	vld.idx.msk [tilespmem:v52+s3+$0x0], $0xffff  }
0x111: {  	v10 =	vld.idx.msk [tilespmem:v10+s20+$0x0], $0xffff  }
0x112: {  	v11 =	vld.idx.msk [tilespmem:v11+s22+$0x0], $0xffff;
	_ =	sdelay $0x3  }
0x113: {  	v57 =	vand.u32 $0x7F, v55;
	v58 =	vand.u32 $0x7F, v56  }
0x114: {  	v8 =	vsub.f32 v10, v8;
	v9 =	vsub.f32 v11, v9;
	v10 =	vor.u32 v1, v57  }
0x115: {  	v11 =	vor.u32 v1, v58  }
0x116: {  	v8 =	vmul.f32 v9, v8  }
0x117: {  	v62 =	vld [tilespmem:$0x12A0]  }
0x118: {  	v63 =	vld [tilespmem:$0x14A0];
	[tilespmem:$0x11A80] =	vst v8  }
0x119: {  	v8 =	vld.idx.msk [tilespmem:v10+s20+$0x0], $0xffff  }
0x11a: {  	v59 =	vld.idx.msk [tilespmem:v11+s22+$0x0], $0xffff  }
0x11b: {  	v60 =	vld.idx.msk [tilespmem:v55+s3+$0x0], $0xffff  }
0x11c: {  	v61 =	vld.idx.msk [tilespmem:v56+s3+$0x0], $0xffff;
	_ =	sdelay $0x3  }
0x11d: {  	v16 =	vand.u32 $0x7F, v62;
	v17 =	vand.u32 $0x7F, v63  }
0x11e: {  	v10 =	vor.u32 v2, v16;
	v8 =	vsub.f32 v8, v60;
	v9 =	vsub.f32 v59, v61  }
0x11f: {  	v11 =	vor.u32 v2, v17  }
0x120: {  	v8 =	vmul.f32 v9, v8  }
0x121: {  	v21 =	vld [tilespmem:$0x12B0]  }
0x122: {  	v22 =	vld [tilespmem:$0x14B0];
	[tilespmem:$0x11A90] =	vst v8  }
0x123: {  	v8 =	vld.idx.msk [tilespmem:v10+s20+$0x0], $0xffff  }
0x124: {  	v18 =	vld.idx.msk [tilespmem:v11+s22+$0x0], $0xffff  }
0x125: {  	v19 =	vld.idx.msk [tilespmem:v62+s3+$0x0], $0xffff  }
0x126: {  	v20 =	vld.idx.msk [tilespmem:v63+s3+$0x0], $0xffff;
	_ =	sdelay $0x3  }
0x127: {  	v23 =	vand.u32 $0x7F, v21;
	v24 =	vand.u32 $0x7F, v22  }
0x128: {  	v10 =	vor.u32 v3, v23;
	v8 =	vsub.f32 v8, v19;
	v9 =	vsub.f32 v18, v20  }
0x129: {  	v11 =	vor.u32 v3, v24  }
0x12a: {  	v8 =	vmul.f32 v9, v8  }
0x12b: {  	v28 =	vld [tilespmem:$0x12C0]  }
0x12c: {  	v29 =	vld [tilespmem:$0x14C0];
	[tilespmem:$0x11AA0] =	vst v8  }
0x12d: {  	v8 =	vld.idx.msk [tilespmem:v10+s20+$0x0], $0xffff  }
0x12e: {  	v25 =	vld.idx.msk [tilespmem:v11+s22+$0x0], $0xffff  }
0x12f: {  	v26 =	vld.idx.msk [tilespmem:v21+s3+$0x0], $0xffff  }
0x130: {  	v27 =	vld.idx.msk [tilespmem:v22+s3+$0x0], $0xffff;
	_ =	sdelay $0x3  }
0x131: {  	v30 =	vand.u32 $0x7F, v28;
	v31 =	vand.u32 $0x7F, v29  }
0x132: {  	v10 =	vor.u32 v4, v30;
	v8 =	vsub.f32 v8, v26;
	v9 =	vsub.f32 v25, v27  }
0x133: {  	v11 =	vor.u32 v4, v31  }
0x134: {  	v8 =	vmul.f32 v9, v8  }
0x135: {  	v35 =	vld [tilespmem:$0x12D0]  }
0x136: {  	v36 =	vld [tilespmem:$0x14D0];
	[tilespmem:$0x11AB0] =	vst v8  }
0x137: {  	v8 =	vld.idx.msk [tilespmem:v10+s20+$0x0], $0xffff  }
0x138: {  	v32 =	vld.idx.msk [tilespmem:v11+s22+$0x0], $0xffff  }
0x139: {  	v33 =	vld.idx.msk [tilespmem:v28+s3+$0x0], $0xffff  }
0x13a: {  	v34 =	vld.idx.msk [tilespmem:v29+s3+$0x0], $0xffff;
	_ =	sdelay $0x3  }
0x13b: {  	v37 =	vand.u32 $0x7F, v35;
	v38 =	vand.u32 $0x7F, v36  }
0x13c: {  	v10 =	vor.u32 v5, v37;
	v8 =	vsub.f32 v8, v33;
	v9 =	vsub.f32 v32, v34  }
0x13d: {  	v11 =	vor.u32 v5, v38  }
0x13e: {  	v8 =	vmul.f32 v9, v8  }
0x13f: {  	v42 =	vld [tilespmem:$0x12E0]  }
0x140: {  	v43 =	vld [tilespmem:$0x14E0];
	[tilespmem:$0x11AC0] =	vst v8  }
0x141: {  	v8 =	vld.idx.msk [tilespmem:v10+s20+$0x0], $0xffff  }
0x142: {  	v39 =	vld.idx.msk [tilespmem:v11+s22+$0x0], $0xffff  }
0x143: {  	v40 =	vld.idx.msk [tilespmem:v35+s3+$0x0], $0xffff  }
0x144: {  	v41 =	vld.idx.msk [tilespmem:v36+s3+$0x0], $0xffff;
	_ =	sdelay $0x3  }
0x145: {  	v44 =	vand.u32 $0x7F, v42;
	v45 =	vand.u32 $0x7F, v43  }
0x146: {  	v10 =	vor.u32 v6, v44;
	v8 =	vsub.f32 v8, v40;
	v9 =	vsub.f32 v39, v41  }
0x147: {  	v11 =	vor.u32 v6, v45  }
0x148: {  	v8 =	vmul.f32 v9, v8  }
0x149: {  	v49 =	vld [tilespmem:$0x12F0]  }
0x14a: {  	v50 =	vld [tilespmem:$0x14F0];
	[tilespmem:$0x11AD0] =	vst v8  }
0x14b: {  	v8 =	vld.idx.msk [tilespmem:v10+s20+$0x0], $0xffff  }
0x14c: {  	v46 =	vld.idx.msk [tilespmem:v11+s22+$0x0], $0xffff  }
0x14d: {  	v47 =	vld.idx.msk [tilespmem:v42+s3+$0x0], $0xffff  }
0x14e: {  	v48 =	vld.idx.msk [tilespmem:v43+s3+$0x0], $0xffff;
	_ =	sdelay $0x3  }
0x14f: {  	v51 =	vand.u32 $0x7F, v49;
	v52 =	vand.u32 $0x7F, v50  }
0x150: {  	v10 =	vor.u32 v7, v51;
	v8 =	vsub.f32 v8, v47;
	v9 =	vsub.f32 v46, v48  }
0x151: {  	v11 =	vor.u32 v7, v52  }
0x152: {  	v8 =	vmul.f32 v9, v8;
	_ =	sdelay $0x1  }
0x153: {  	[tilespmem:$0x11AE0] =	vst v8  }
0x154: {  	v8 =	vld.idx.msk [tilespmem:v10+s20+$0x0], $0xffff  }
0x155: {  	v53 =	vld.idx.msk [tilespmem:v11+s22+$0x0], $0xffff  }
0x156: {  	v54 =	vld.idx.msk [tilespmem:v49+s3+$0x0], $0xffff  }
0x157: {  	v55 =	vld.idx.msk [tilespmem:v50+s3+$0x0], $0xffff;
	_ =	sdelay $0x4  }
0x158: {  	v8 =	vsub.f32 v8, v54;
	v9 =	vsub.f32 v53, v55;
	_ =	sdelay $0x1  }
0x159: {  	v8 =	vmul.f32 v9, v8;
	_ =	sdelay $0x1  }
0x15a: {  	[tilespmem:$0x11AF0] =	vst v8  }
0x15b: {  	[tilespmem:s20], [sflag:$0x1] =	stream.indirect.gather [hbm4b:s1+s14], $0x80, s28, s14, $0xb8;
	[tilespmem:$0x11C00] =	vst v63  }
0x15c: {  	_ = 	snop  }
0x15d: {  	[tilespmem:s22], [sflag:$0x1] =	stream.indirect.gather [hbm4b:s1+s14], $0x80, s29, s14, $0xb8;
	[tilespmem:$0x11C00] =	vst v63  }
0x15e: {  	_ =	swait.ge [sflag:s24], $0x4000  }
0x15f: {  	[sflag:s24] =	ssyncset.done $0x0  }
0x160: {  	[sflag:s24] =	ssyncadd.s32 $0xFFFFC000  }
0x161: {  	_ =	swait.ge [sflag:s24], $0x4000  }
0x162: {  	[sflag:s24] =	ssyncset.done $0x0  }
0x163: {  	[sflag:s24] =	ssyncadd.s32 $0xFFFFC000  }
0x164: {  	v8 =	vld [tilespmem:$0x1300]  }
0x165: {  	v56 =	vld [tilespmem:$0x1500];
	_ =	sdelay $0x3  }
0x166: {  	v57 =	vand.u32 $0x7F, v8  }
0x167: {  	v58 =	vand.u32 $0x7F, v56;
	v10 =	vor.u32 v0, v57  }
0x168: {  	v59 =	vld [tilespmem:$0x1310];
	v11 =	vor.u32 v0, v58  }
0x169: {  	v60 =	vld [tilespmem:$0x1510]  }
0x16a: {  	v8 =	vld.idx.msk [tilespmem:v8+s3+$0x0], $0xffff  }
0x16b: {  	v9 =	vld.idx.msk [tilespmem:v56+s3+$0x0], $0xffff  }
0x16c: {  	v10 =	vld.idx.msk [tilespmem:v10+s16+$0x0], $0xffff  }
0x16d: {  	v11 =	vld.idx.msk [tilespmem:v11+s18+$0x0], $0xffff;
	_ =	sdelay $0x3  }
0x16e: {  	v61 =	vand.u32 $0x7F, v59;
	v62 =	vand.u32 $0x7F, v60  }
0x16f: {  	v8 =	vsub.f32 v10, v8;
	v9 =	vsub.f32 v11, v9;
	v10 =	vor.u32 v1, v61  }
0x170: {  	v11 =	vor.u32 v1, v62  }
0x171: {  	v8 =	vmul.f32 v9, v8  }
0x172: {  	v18 =	vld [tilespmem:$0x1320]  }
0x173: {  	v19 =	vld [tilespmem:$0x1520];
	[tilespmem:$0x11B00] =	vst v8  }
0x174: {  	v8 =	vld.idx.msk [tilespmem:v10+s16+$0x0], $0xffff  }
0x175: {  	v63 =	vld.idx.msk [tilespmem:v11+s18+$0x0], $0xffff  }
0x176: {  	v16 =	vld.idx.msk [tilespmem:v59+s3+$0x0], $0xffff  }
0x177: {  	v17 =	vld.idx.msk [tilespmem:v60+s3+$0x0], $0xffff;
	_ =	sdelay $0x3  }
0x178: {  	v20 =	vand.u32 $0x7F, v18;
	v21 =	vand.u32 $0x7F, v19  }
0x179: {  	v10 =	vor.u32 v2, v20;
	v8 =	vsub.f32 v8, v16;
	v9 =	vsub.f32 v63, v17  }
0x17a: {  	v11 =	vor.u32 v2, v21  }
0x17b: {  	v8 =	vmul.f32 v9, v8  }
0x17c: {  	v25 =	vld [tilespmem:$0x1330]  }
0x17d: {  	v26 =	vld [tilespmem:$0x1530];
	[tilespmem:$0x11B10] =	vst v8  }
0x17e: {  	v8 =	vld.idx.msk [tilespmem:v10+s16+$0x0], $0xffff  }
0x17f: {  	v22 =	vld.idx.msk [tilespmem:v11+s18+$0x0], $0xffff  }
0x180: {  	v23 =	vld.idx.msk [tilespmem:v18+s3+$0x0], $0xffff  }
0x181: {  	v24 =	vld.idx.msk [tilespmem:v19+s3+$0x0], $0xffff;
	_ =	sdelay $0x3  }
0x182: {  	v27 =	vand.u32 $0x7F, v25;
	v28 =	vand.u32 $0x7F, v26  }
0x183: {  	v10 =	vor.u32 v3, v27;
	v8 =	vsub.f32 v8, v23;
	v9 =	vsub.f32 v22, v24  }
0x184: {  	v11 =	vor.u32 v3, v28  }
0x185: {  	v8 =	vmul.f32 v9, v8  }
0x186: {  	v32 =	vld [tilespmem:$0x1340]  }
0x187: {  	v33 =	vld [tilespmem:$0x1540];
	[tilespmem:$0x11B20] =	vst v8  }
0x188: {  	v8 =	vld.idx.msk [tilespmem:v10+s16+$0x0], $0xffff  }
0x189: {  	v29 =	vld.idx.msk [tilespmem:v11+s18+$0x0], $0xffff  }
0x18a: {  	v30 =	vld.idx.msk [tilespmem:v25+s3+$0x0], $0xffff  }
0x18b: {  	v31 =	vld.idx.msk [tilespmem:v26+s3+$0x0], $0xffff;
	_ =	sdelay $0x3  }
0x18c: {  	v34 =	vand.u32 $0x7F, v32;
	v35 =	vand.u32 $0x7F, v33  }
0x18d: {  	v10 =	vor.u32 v4, v34;
	v8 =	vsub.f32 v8, v30;
	v9 =	vsub.f32 v29, v31  }
0x18e: {  	v11 =	vor.u32 v4, v35  }
0x18f: {  	v8 =	vmul.f32 v9, v8  }
0x190: {  	v39 =	vld [tilespmem:$0x1350]  }
0x191: {  	v40 =	vld [tilespmem:$0x1550];
	[tilespmem:$0x11B30] =	vst v8  }
0x192: {  	v8 =	vld.idx.msk [tilespmem:v10+s16+$0x0], $0xffff  }
0x193: {  	v36 =	vld.idx.msk [tilespmem:v11+s18+$0x0], $0xffff  }
0x194: {  	v37 =	vld.idx.msk [tilespmem:v32+s3+$0x0], $0xffff  }
0x195: {  	v38 =	vld.idx.msk [tilespmem:v33+s3+$0x0], $0xffff;
	_ =	sdelay $0x3  }
0x196: {  	v41 =	vand.u32 $0x7F, v39;
	v42 =	vand.u32 $0x7F, v40  }
0x197: {  	v10 =	vor.u32 v5, v41;
	v8 =	vsub.f32 v8, v37;
	v9 =	vsub.f32 v36, v38  }
0x198: {  	v11 =	vor.u32 v5, v42  }
0x199: {  	v8 =	vmul.f32 v9, v8  }
0x19a: {  	v46 =	vld [tilespmem:$0x1360]  }
0x19b: {  	v47 =	vld [tilespmem:$0x1560];
	[tilespmem:$0x11B40] =	vst v8  }
0x19c: {  	v8 =	vld.idx.msk [tilespmem:v10+s16+$0x0], $0xffff  }
0x19d: {  	v43 =	vld.idx.msk [tilespmem:v11+s18+$0x0], $0xffff  }
0x19e: {  	v44 =	vld.idx.msk [tilespmem:v39+s3+$0x0], $0xffff  }
0x19f: {  	v45 =	vld.idx.msk [tilespmem:v40+s3+$0x0], $0xffff;
	_ =	sdelay $0x3  }
0x1a0: {  	v48 =	vand.u32 $0x7F, v46;
	v49 =	vand.u32 $0x7F, v47  }
0x1a1: {  	v10 =	vor.u32 v6, v48;
	v8 =	vsub.f32 v8, v44;
	v9 =	vsub.f32 v43, v45  }
0x1a2: {  	v11 =	vor.u32 v6, v49  }
0x1a3: {  	v8 =	vmul.f32 v9, v8  }
0x1a4: {  	v53 =	vld [tilespmem:$0x1370]  }
0x1a5: {  	v54 =	vld [tilespmem:$0x1570];
	[tilespmem:$0x11B50] =	vst v8  }
0x1a6: {  	v8 =	vld.idx.msk [tilespmem:v10+s16+$0x0], $0xffff  }
0x1a7: {  	v50 =	vld.idx.msk [tilespmem:v11+s18+$0x0], $0xffff  }
0x1a8: {  	v51 =	vld.idx.msk [tilespmem:v46+s3+$0x0], $0xffff  }
0x1a9: {  	v52 =	vld.idx.msk [tilespmem:v47+s3+$0x0], $0xffff;
	_ =	sdelay $0x3  }
0x1aa: {  	v55 =	vand.u32 $0x7F, v53;
	v56 =	vand.u32 $0x7F, v54  }
0x1ab: {  	v10 =	vor.u32 v7, v55;
	v8 =	vsub.f32 v8, v51;
	v9 =	vsub.f32 v50, v52  }
0x1ac: {  	v11 =	vor.u32 v7, v56  }
0x1ad: {  	v8 =	vmul.f32 v9, v8;
	_ =	sdelay $0x1  }
0x1ae: {  	[tilespmem:$0x11B60] =	vst v8  }
0x1af: {  	v8 =	vld.idx.msk [tilespmem:v10+s16+$0x0], $0xffff  }
0x1b0: {  	v57 =	vld.idx.msk [tilespmem:v11+s18+$0x0], $0xffff  }
0x1b1: {  	v58 =	vld.idx.msk [tilespmem:v53+s3+$0x0], $0xffff  }
0x1b2: {  	v59 =	vld.idx.msk [tilespmem:v54+s3+$0x0], $0xffff;
	_ =	sdelay $0x4  }
0x1b3: {  	v8 =	vsub.f32 v8, v58;
	v9 =	vsub.f32 v57, v59;
	_ =	sdelay $0x1  }
0x1b4: {  	v8 =	vmul.f32 v9, v8;
	_ =	sdelay $0x1  }
0x1b5: {  	[tilespmem:$0x11B70] =	vst v8  }
0x1b6: {  	_ =	swait.ge [sflag:s24], $0x4000  }
0x1b7: {  	[sflag:s24] =	ssyncset.done $0x0  }
0x1b8: {  	[sflag:s24] =	ssyncadd.s32 $0xFFFFC000  }
0x1b9: {  	_ =	swait.ge [sflag:s24], $0x4000  }
0x1ba: {  	[sflag:s24] =	ssyncset.done $0x0  }
0x1bb: {  	[sflag:s24] =	ssyncadd.s32 $0xFFFFC000  }
0x1bc: {  	v8 =	vld [tilespmem:$0x1380]  }
0x1bd: {  	v60 =	vld [tilespmem:$0x1580];
	_ =	sdelay $0x3  }
0x1be: {  	v61 =	vand.u32 $0x7F, v8  }
0x1bf: {  	v62 =	vand.u32 $0x7F, v60;
	v10 =	vor.u32 v0, v61  }
0x1c0: {  	v63 =	vld [tilespmem:$0x1390];
	v11 =	vor.u32 v0, v62  }
0x1c1: {  	v16 =	vld [tilespmem:$0x1590]  }
0x1c2: {  	v8 =	vld.idx.msk [tilespmem:v8+s3+$0x0], $0xffff  }
0x1c3: {  	v9 =	vld.idx.msk [tilespmem:v60+s3+$0x0], $0xffff  }
0x1c4: {  	v10 =	vld.idx.msk [tilespmem:v10+s20+$0x0], $0xffff  }
0x1c5: {  	v11 =	vld.idx.msk [tilespmem:v11+s22+$0x0], $0xffff;
	_ =	sdelay $0x3  }
0x1c6: {  	v17 =	vand.u32 $0x7F, v63;
	v18 =	vand.u32 $0x7F, v16  }
0x1c7: {  	v8 =	vsub.f32 v10, v8;
	v9 =	vsub.f32 v11, v9;
	v10 =	vor.u32 v1, v17  }
0x1c8: {  	v11 =	vor.u32 v1, v18  }
0x1c9: {  	v8 =	vmul.f32 v9, v8  }
0x1ca: {  	v22 =	vld [tilespmem:$0x13A0]  }
0x1cb: {  	v23 =	vld [tilespmem:$0x15A0];
	[tilespmem:$0x11B80] =	vst v8  }
0x1cc: {  	v8 =	vld.idx.msk [tilespmem:v10+s20+$0x0], $0xffff  }
0x1cd: {  	v19 =	vld.idx.msk [tilespmem:v11+s22+$0x0], $0xffff  }
0x1ce: {  	v20 =	vld.idx.msk [tilespmem:v63+s3+$0x0], $0xffff  }
0x1cf: {  	v21 =	vld.idx.msk [tilespmem:v16+s3+$0x0], $0xffff;
	_ =	sdelay $0x3  }
0x1d0: {  	v24 =	vand.u32 $0x7F, v22;
	v25 =	vand.u32 $0x7F, v23  }
0x1d1: {  	v10 =	vor.u32 v2, v24;
	v8 =	vsub.f32 v8, v20;
	v9 =	vsub.f32 v19, v21  }
0x1d2: {  	v11 =	vor.u32 v2, v25  }
0x1d3: {  	v8 =	vmul.f32 v9, v8  }
0x1d4: {  	v29 =	vld [tilespmem:$0x13B0]  }
0x1d5: {  	v30 =	vld [tilespmem:$0x15B0];
	[tilespmem:$0x11B90] =	vst v8  }
0x1d6: {  	v8 =	vld.idx.msk [tilespmem:v10+s20+$0x0], $0xffff  }
0x1d7: {  	v26 =	vld.idx.msk [tilespmem:v11+s22+$0x0], $0xffff  }
0x1d8: {  	v27 =	vld.idx.msk [tilespmem:v22+s3+$0x0], $0xffff  }
0x1d9: {  	v28 =	vld.idx.msk [tilespmem:v23+s3+$0x0], $0xffff;
	_ =	sdelay $0x3  }
0x1da: {  	v31 =	vand.u32 $0x7F, v29;
	v32 =	vand.u32 $0x7F, v30  }
0x1db: {  	v10 =	vor.u32 v3, v31;
	v8 =	vsub.f32 v8, v27;
	v9 =	vsub.f32 v26, v28  }
0x1dc: {  	v11 =	vor.u32 v3, v32  }
0x1dd: {  	v8 =	vmul.f32 v9, v8  }
0x1de: {  	v36 =	vld [tilespmem:$0x13C0]  }
0x1df: {  	v37 =	vld [tilespmem:$0x15C0];
	[tilespmem:$0x11BA0] =	vst v8  }
0x1e0: {  	v8 =	vld.idx.msk [tilespmem:v10+s20+$0x0], $0xffff  }
0x1e1: {  	v33 =	vld.idx.msk [tilespmem:v11+s22+$0x0], $0xffff  }
0x1e2: {  	v34 =	vld.idx.msk [tilespmem:v29+s3+$0x0], $0xffff  }
0x1e3: {  	v35 =	vld.idx.msk [tilespmem:v30+s3+$0x0], $0xffff;
	_ =	sdelay $0x3  }
0x1e4: {  	v38 =	vand.u32 $0x7F, v36;
	v39 =	vand.u32 $0x7F, v37  }
0x1e5: {  	v10 =	vor.u32 v4, v38;
	v8 =	vsub.f32 v8, v34;
	v9 =	vsub.f32 v33, v35  }
0x1e6: {  	v11 =	vor.u32 v4, v39  }
0x1e7: {  	v8 =	vmul.f32 v9, v8  }
0x1e8: {  	v43 =	vld [tilespmem:$0x13D0]  }
0x1e9: {  	v44 =	vld [tilespmem:$0x15D0];
	[tilespmem:$0x11BB0] =	vst v8  }
0x1ea: {  	v8 =	vld.idx.msk [tilespmem:v10+s20+$0x0], $0xffff  }
0x1eb: {  	v40 =	vld.idx.msk [tilespmem:v11+s22+$0x0], $0xffff  }
0x1ec: {  	v41 =	vld.idx.msk [tilespmem:v36+s3+$0x0], $0xffff  }
0x1ed: {  	v42 =	vld.idx.msk [tilespmem:v37+s3+$0x0], $0xffff;
	_ =	sdelay $0x3  }
0x1ee: {  	v45 =	vand.u32 $0x7F, v43;
	v46 =	vand.u32 $0x7F, v44  }
0x1ef: {  	v10 =	vor.u32 v5, v45;
	v8 =	vsub.f32 v8, v41;
	v9 =	vsub.f32 v40, v42  }
0x1f0: {  	v11 =	vor.u32 v5, v46  }
0x1f1: {  	v8 =	vmul.f32 v9, v8  }
0x1f2: {  	v50 =	vld [tilespmem:$0x13E0]  }
0x1f3: {  	v51 =	vld [tilespmem:$0x15E0];
	[tilespmem:$0x11BC0] =	vst v8  }
0x1f4: {  	v8 =	vld.idx.msk [tilespmem:v10+s20+$0x0], $0xffff  }
0x1f5: {  	v47 =	vld.idx.msk [tilespmem:v11+s22+$0x0], $0xffff  }
0x1f6: {  	v48 =	vld.idx.msk [tilespmem:v43+s3+$0x0], $0xffff  }
0x1f7: {  	v49 =	vld.idx.msk [tilespmem:v44+s3+$0x0], $0xffff;
	_ =	sdelay $0x3  }
0x1f8: {  	v52 =	vand.u32 $0x7F, v50;
	v53 =	vand.u32 $0x7F, v51  }
0x1f9: {  	v10 =	vor.u32 v6, v52;
	v8 =	vsub.f32 v8, v48;
	v9 =	vsub.f32 v47, v49  }
0x1fa: {  	v11 =	vor.u32 v6, v53  }
0x1fb: {  	v8 =	vmul.f32 v9, v8  }
0x1fc: {  	v57 =	vld [tilespmem:$0x13F0]  }
0x1fd: {  	v58 =	vld [tilespmem:$0x15F0];
	[tilespmem:$0x11BD0] =	vst v8  }
0x1fe: {  	v8 =	vld.idx.msk [tilespmem:v10+s20+$0x0], $0xffff  }
0x1ff: {  	v54 =	vld.idx.msk [tilespmem:v11+s22+$0x0], $0xffff  }
0x200: {  	v55 =	vld.idx.msk [tilespmem:v50+s3+$0x0], $0xffff  }
0x201: {  	v56 =	vld.idx.msk [tilespmem:v51+s3+$0x0], $0xffff;
	_ =	sdelay $0x3  }
0x202: {  	v59 =	vand.u32 $0x7F, v57;
	v60 =	vand.u32 $0x7F, v58  }
0x203: {  	v10 =	vor.u32 v7, v59;
	v8 =	vsub.f32 v8, v55;
	v9 =	vsub.f32 v54, v56  }
0x204: {  	v11 =	vor.u32 v7, v60  }
0x205: {  	v8 =	vmul.f32 v9, v8;
	_ =	sdelay $0x1  }
0x206: {  	[tilespmem:$0x11BE0] =	vst v8  }
0x207: {  	v8 =	vld.idx.msk [tilespmem:v10+s20+$0x0], $0xffff  }
0x208: {  	v61 =	vld.idx.msk [tilespmem:v11+s22+$0x0], $0xffff  }
0x209: {  	v62 =	vld.idx.msk [tilespmem:v57+s3+$0x0], $0xffff  }
0x20a: {  	v63 =	vld.idx.msk [tilespmem:v58+s3+$0x0], $0xffff;
	_ =	sdelay $0x4  }
0x20b: {  	v8 =	vsub.f32 v8, v62;
	v9 =	vsub.f32 v61, v63;
	_ =	sdelay $0x1  }
0x20c: {  	v8 =	vmul.f32 v9, v8  }
0x20d: {  	p0 =	sne.s32 s9, $0x1  }
.Ltmp0:
0x20e: {  	[tilespmem:$0x11BF0] =	vst v8;
	(pc) =	sbr.rel @p0 .LBB2_1-.Ltmp0, $4  }
0x20f: {  	[hbm4b:s8+s3] =	stream.linear.scatter [tilespmem:s30], [sflag:$0x3], $0x200, $0x38;
	[tilespmem:$0x11C00] =	vst v63  }
0x210: {  	_ =	swait.ge [sflag:s11], $0x200  }
0x211: {  	[sflag:s11] =	ssyncset.done $0x0  }
0x212: {  	s9 =	sadd.s32 $0xFFFFFFFF, s9;
	[sflag:s11] =	ssyncadd.s32 $0xFFFFFE00  }
0x213: {  	_ =	sfence.sel $0x180000  }
0x214: {  	[bflag:$0x0] =	sbarrier.arrive $0xFFFF  }
0x215: {  	p0 =	sne.s32 s2, $0x0;
	_ =	strace $0x90000047  }
0x216: {  	s0 =	sadd.s32 @!p0 $0x100000, s0;
	[bflag:$0x2] =	sbarrier.arrive $0xFFFF  }
0x217: {  	[sflag:s0] =	ssyncadd.tile.s32 @!p0 $0x1;
	_ =	shalt  }
.Lfunc_end2:
_tile_overlayer_lowered:
.L_overlay_start_2:
0x218: {  	(tag) =	ssettag $0x2  }
0x219: {  	s0 =	rddreg [dreg:$0x0];
	s2 =	stileid.u32  }
0x21a: {  	s1 =	rddreg [dreg:$0x1];
	p0 =	sne.s32 s2, $0x0  }
0x21b: {  	s3 =	rddreg [dreg:$0x2];
	[bflag:$0x3] =	sbarrier.arrive $0xFFFF;
	s2 =	simm.s32 @!p0 $0x1C03  }
0x21c: {  	[timem:s3], [sflag:s2] =	dma.local @!p0 [hbm:s0], s1  }
0x21d: {  	s0 =	simm.s32 @!p0 $0x3  }
0x21e: {  	_ =	swait.ge @!p0 [sflag:s0], s1  }
0x21f: {  	s1 =	ssub.s32 @!p0 $0x0, s1;
	[sflag:s0] =	ssyncset.done @!p0 $0x0  }
0x220: {  	[sflag:s0] =	ssyncadd.s32 @!p0 s1  }
0x221: {  	[bflag:$0x3] =	sbarrier.arrive $0xFFFF  }
0x222: {  	_ =	shalt  }

</sc_bundles>
